<compile_context>
chip_gen: v7x
topology: tpu7x:2x2x1
jax: 0.10.2.dev20260603
libtpu: 0.0.44.dev20260713+nightly
codegen_flags: <defaults>
</compile_context>

<pallas_src>
import functools

import jax
import jax.numpy as jnp
from jax import lax
from jax.experimental import pallas as pl
from jax.experimental.pallas import tpu as pltpu
from jax.experimental.pallas import tpu_sc as plsc

D = 64
NC, NS = 2, 16
NW = NC * NS
CHN = 20096
CH = 128


def _sc_mesh():
    return plsc.VectorSubcoreMesh(core_axis_name="c", subcore_axis_name="s",
                                  num_cores=NC, num_subcores=NS)


def _sc_gather_sweep(ut, mt, ut_tail, mt_tail, uid, mid, batch):
    n_users = ut.shape[1]
    n_movies = mt.shape[1]
    ut_tn = ut_tail.shape[1]
    mt_tn = mt_tail.shape[1]
    f32 = jnp.float32
    nvec = batch // 16

    @functools.partial(
        pl.kernel,
        out_type=(
            jax.ShapeDtypeStruct((D, batch), f32),
            jax.ShapeDtypeStruct((D, batch), f32),
        ),
        mesh=_sc_mesh(),
        compiler_params=pltpu.CompilerParams(needs_layout_passes=False),
        scratch_types=[
            pltpu.VMEM((batch,), jnp.int32),
            pltpu.VMEM((2, batch), f32),
            pltpu.VMEM((2, CHN), f32),
            pltpu.VMEM((2, CHN), f32),
            pltpu.VMEM((2, ut_tn), f32),
            pltpu.VMEM((2, mt_tn), f32),
            pltpu.SemaphoreType.DMA,
            pltpu.SemaphoreType.DMA,
        ],
    )
    def body(ut_hbm, mt_hbm, utt_hbm, mtt_hbm, uid_hbm, mid_hbm,
             uo_hbm, mo_hbm, ids_v, out_v, buf_a, buf_b, utail_v, mtail_v,
             sem_a, sem_b):
        wid = lax.axis_index("s") * NC + lax.axis_index("c")
        f0 = wid * 2

        def scan_chunk(ref, cbase, csize):
            usize = jnp.uint32(csize)

            @plsc.parallel_loop(0, nvec, unroll=8)
            def _(i):
                idv = ids_v[pl.ds(i * 16, 16)]
                local = idv - cbase
                m = plsc.bitcast(local, jnp.uint32) < usize
                pos = lax.iota(jnp.int32, 16) + i * 16
                zero = jnp.zeros((16,), jnp.int32)
                one = jnp.ones((16,), jnp.int32)
                g0 = plsc.load_gather(ref, [zero, local], mask=m)
                g1 = plsc.load_gather(ref, [one, local], mask=m)
                plsc.store_scatter(out_v, [zero, pos], g0, mask=m)
                plsc.store_scatter(out_v, [one, pos], g1, mask=m)

        def sweep_table(tab_hbm, tail_hbm, tail_v, tail_n,
                        ids_hbm, o_hbm, n_rows):
            pltpu.sync_copy(ids_hbm, ids_v)
            aligned = n_rows - tail_n
            n_full = aligned // CHN
            rem = aligned - n_full * CHN
            rows = pl.ds(f0, 2)

            def start(cidx, buf, sem):
                pltpu.async_copy(
                    tab_hbm.at[rows, pl.ds(cidx * CHN, CHN)], buf, sem)

            def wait(buf, sem):
                pltpu.make_async_copy(
                    tab_hbm.at[rows, pl.ds(0, CHN)], buf, sem).wait()

            npairs = (n_full - 1) // 2
            leftover = n_full - 2 * npairs
            start(0, buf_a, sem_a)

            def pair_it(k, carry):
                c0 = 2 * k
                start(c0 + 1, buf_b, sem_b)
                wait(buf_a, sem_a)
                scan_chunk(buf_a, c0 * CHN, CHN)
                start(c0 + 2, buf_a, sem_a)
                wait(buf_b, sem_b)
                scan_chunk(buf_b, (c0 + 1) * CHN, CHN)
                return carry

            lax.fori_loop(0, npairs, pair_it, 0)
            c0 = 2 * npairs
            rem_started = False
            if leftover == 2:
                start(c0 + 1, buf_b, sem_b)
                wait(buf_a, sem_a)
                scan_chunk(buf_a, c0 * CHN, CHN)
                if rem:
                    pltpu.async_copy(
                        tab_hbm.at[rows, pl.ds(n_full * CHN, rem)],
                        buf_a.at[:, pl.ds(0, rem)], sem_a)
                    rem_started = True
                wait(buf_b, sem_b)
                scan_chunk(buf_b, (c0 + 1) * CHN, CHN)
            else:
                if rem:
                    pltpu.async_copy(
                        tab_hbm.at[rows, pl.ds(n_full * CHN, rem)],
                        buf_b.at[:, pl.ds(0, rem)], sem_b)
                wait(buf_a, sem_a)
                scan_chunk(buf_a, c0 * CHN, CHN)
            if rem:
                rbuf, rsem = (buf_a, sem_a) if rem_started else (buf_b, sem_b)
                pltpu.make_async_copy(
                    tab_hbm.at[rows, pl.ds(0, rem)],
                    rbuf.at[:, pl.ds(0, rem)], rsem).wait()
                scan_chunk(rbuf, n_full * CHN, rem)
            if tail_n:
                pltpu.sync_copy(tail_hbm.at[pl.ds(f0, 2)], tail_v)
                scan_chunk(tail_v, aligned, tail_n)
            pltpu.sync_copy(out_v, o_hbm.at[pl.ds(f0, 2)])

        sweep_table(ut_hbm, utt_hbm, utail_v, ut_tn, uid_hbm, uo_hbm, n_users)
        sweep_table(mt_hbm, mtt_hbm, mtail_v, mt_tn, mid_hbm, mo_hbm, n_movies)

    return body(ut, mt, ut_tail, mt_tail, uid, mid)


def _sc_gather_bias(ub1d, mb1d, uid, mid, batch):
    bpw = batch // NW
    nch = bpw // CH
    f32 = jnp.float32

    @functools.partial(
        pl.kernel,
        out_type=(
            jax.ShapeDtypeStruct((batch,), f32),
            jax.ShapeDtypeStruct((batch,), f32),
        ),
        mesh=_sc_mesh(),
        compiler_params=pltpu.CompilerParams(use_tc_tiling_on_sc=False),
        scratch_types=[
            pltpu.VMEM((nch, CH), jnp.int32),
            pltpu.VMEM((nch, CH), jnp.int32),
            pltpu.VMEM((bpw,), f32),
            pltpu.VMEM((bpw,), f32),
            pltpu.SemaphoreType.DMA,
        ],
    )
    def body(ub_hbm, mb_hbm, uid_hbm, mid_hbm, ubo_hbm, mbo_hbm,
             uidx, midx, ubv, mbv, sem):
        wid = lax.axis_index("s") * NC + lax.axis_index("c")
        base = wid * bpw
        for j in range(nch):
            pltpu.sync_copy(uid_hbm.at[pl.ds(base + j * CH, CH)], uidx.at[j])
            pltpu.sync_copy(mid_hbm.at[pl.ds(base + j * CH, CH)], midx.at[j])
        copies = []
        for j in range(nch):
            sl = pl.ds(j * CH, CH)
            copies.append(pltpu.async_copy(ub_hbm.at[uidx.at[j]], ubv.at[sl], sem))
            copies.append(pltpu.async_copy(mb_hbm.at[midx.at[j]], mbv.at[sl], sem))
        for c in copies:
            c.wait()
        out_sl = pl.ds(base, bpw)
        pltpu.sync_copy(ubv, ubo_hbm.at[out_sl])
        pltpu.sync_copy(mbv, mbo_hbm.at[out_sl])

    return body(ub1d, mb1d, uid, mid)


def _ln_t(x, w, b, eps=1e-5):
    mean = jnp.mean(x, axis=0, keepdims=True)
    xc = x - mean
    var = jnp.mean(xc * xc, axis=0, keepdims=True)
    return xc / jnp.sqrt(var + eps) * w + b


def _tc_body(ut_ref, mt_ref, ub_ref, mb_ref, aid_ref,
             af_ref, unw, unb, mnw, mnb, anw, anb, gb_ref, out_ref):
    blk = ut_ref.shape[1]
    u = _ln_t(jnp.maximum(ut_ref[...], 0.0), unw[...], unb[...])
    m = _ln_t(jnp.maximum(mt_ref[...], 0.0), mnw[...], mnb[...])
    af_t = jnp.transpose(af_ref[...])
    a_tab_t = _ln_t(jnp.maximum(af_t, 0.0), anw[...], anb[...])
    n_age = af_ref.shape[0]
    aid = aid_ref[...].reshape(1, blk)
    onehot = (aid == lax.broadcasted_iota(jnp.int32, (n_age, blk), 0)
              ).astype(jnp.float32)
    ages = jnp.dot(a_tab_t, onehot, preferred_element_type=jnp.float32)
    dot = jnp.sum(u * m * ages, axis=0, keepdims=True)
    preds = dot * 0.125 + ub_ref[...].reshape(1, blk) \
        + mb_ref[...].reshape(1, blk) + gb_ref[...]
    out_ref[...] = jnp.clip(preds, -0.1, 1.1).reshape(1, 1, blk)


def _tc_compute(u_t, m_t, ub3, mb3, aid3, age_factors,
                unw, unb, mnw, mnb, anw, anb, gb, batch, grid):
    blk = batch // grid
    n_age = age_factors.shape[0]
    row_spec = pl.BlockSpec((D, blk), lambda i: (0, i))
    vec_spec = pl.BlockSpec((1, 1, blk), lambda i: (i, 0, 0))
    par_spec = pl.BlockSpec((D, 1), lambda i: (0, 0))
    return pl.pallas_call(
        _tc_body,
        grid=(grid,),
        in_specs=[
            row_spec, row_spec, vec_spec, vec_spec, vec_spec,
            pl.BlockSpec((n_age, D), lambda i: (0, 0)),
            par_spec, par_spec, par_spec, par_spec, par_spec, par_spec,
            pl.BlockSpec((1, 1), lambda i: (0, 0)),
        ],
        out_specs=vec_spec,
        out_shape=jax.ShapeDtypeStruct((grid, 1, blk), jnp.float32),
    )(u_t, m_t, ub3, mb3, aid3, age_factors,
      unw, unb, mnw, mnb, anw, anb, gb)


def kernel(user_ids, movie_ids, age_bucket_ids,
           user_factors, movie_factors, age_factors,
           user_norm_w, user_norm_b, movie_norm_w, movie_norm_b,
           age_norm_w, age_norm_b, user_bias, movie_bias, global_bias):
    batch = user_ids.shape[0]
    grid = 8
    blk = batch // grid
    uid = user_ids.astype(jnp.int32)
    mid = movie_ids.astype(jnp.int32)
    nu = user_factors.shape[0]
    nm = movie_factors.shape[0]
    ua = (nu // 128) * 128
    ma = (nm // 128) * 128
    u_t, m_t = _sc_gather_sweep(
        user_factors.T, movie_factors.T,
        user_factors[ua:, :].T, movie_factors[ma:, :].T,
        uid, mid, batch)
    ub, mb = _sc_gather_bias(user_bias.reshape(-1), movie_bias.reshape(-1),
                             uid, mid, batch)
    preds = _tc_compute(
        u_t, m_t, ub.reshape(grid, 1, blk), mb.reshape(grid, 1, blk),
        age_bucket_ids.astype(jnp.int32).reshape(grid, 1, blk), age_factors,
        user_norm_w.reshape(D, 1), user_norm_b.reshape(D, 1),
        movie_norm_w.reshape(D, 1), movie_norm_b.reshape(D, 1),
        age_norm_w.reshape(D, 1), age_norm_b.reshape(D, 1),
        global_bias.reshape(1, 1), batch, grid)
    return preds.reshape(batch)

# --- scband reference (transcript-rebuilt; emitter-appended) ---
"""Pipeline reference for scband-matrix-fact-26319559590778 (READ-ONLY COPY).

The authoritative reference and input builder live on the scoring server;
editing this copy changes nothing except your own understanding.
"""

import jax, jax.numpy as jnp
import numpy as np

N_USERS = 1000000
N_MOVIES = 100000
N_AGE = 32
D = 64
B = 16384


def _layernorm(x, w, b, eps=1e-5):
    mean = jnp.mean(x, axis=-1, keepdims=True)
    var = jnp.var(x, axis=-1, keepdims=True)
    return (x - mean) / jnp.sqrt(var + eps) * w + b


def setup_inputs(seed: int = 0) -> dict:
    key = jax.random.key(seed)
    ks = jax.random.split(key, 9)
    return {
        'user_ids': jax.random.randint(ks[0], (B,), 0, N_USERS),
        'movie_ids': jax.random.randint(ks[1], (B,), 0, N_MOVIES),
        'age_bucket_ids': jax.random.randint(ks[2], (B,), 0, N_AGE),
        'user_factors': jax.random.normal(ks[3], (N_USERS, D), dtype=jnp.float32) * 0.05,
        'movie_factors': jax.random.normal(ks[4], (N_MOVIES, D), dtype=jnp.float32) * 0.05,
        'age_factors': jax.random.normal(ks[5], (N_AGE, D), dtype=jnp.float32) * 0.05,
        'user_norm_w': jnp.ones((D,), dtype=jnp.float32),
        'user_norm_b': jnp.zeros((D,), dtype=jnp.float32),
        'movie_norm_w': jnp.ones((D,), dtype=jnp.float32),
        'movie_norm_b': jnp.zeros((D,), dtype=jnp.float32),
        'age_norm_w': jnp.ones((D,), dtype=jnp.float32),
        'age_norm_b': jnp.zeros((D,), dtype=jnp.float32),
        'user_bias': jax.random.normal(ks[6], (N_USERS, 1), dtype=jnp.float32) * 0.01,
        'movie_bias': jax.random.normal(ks[7], (N_MOVIES, 1), dtype=jnp.float32) * 0.01,
        'global_bias': jnp.zeros((1,), dtype=jnp.float32),
    }


def reference(user_ids, movie_ids, age_bucket_ids,
              user_factors, movie_factors, age_factors,
              user_norm_w, user_norm_b,
              movie_norm_w, movie_norm_b,
              age_norm_w, age_norm_b,
              user_bias, movie_bias, global_bias):
    users = jnp.take(user_factors, user_ids, axis=0)
    movies = jnp.take(movie_factors, movie_ids, axis=0)
    ages = jnp.take(age_factors, age_bucket_ids, axis=0)
    users = jax.nn.relu(users)
    movies = jax.nn.relu(movies)
    ages = jax.nn.relu(ages)
    # users gets relu applied twice in the original, then LayerNorm; dropout is identity at eval
    users = _layernorm(jax.nn.relu(users), user_norm_w, user_norm_b)
    movies = _layernorm(movies, movie_norm_w, movie_norm_b)
    ages = _layernorm(ages, age_norm_w, age_norm_b)
    ub = jnp.take(user_bias, user_ids, axis=0).squeeze(-1)
    mb = jnp.take(movie_bias, movie_ids, axis=0).squeeze(-1)
    movie_with_ages = movies * ages
    combined = users * movie_with_ages
    dot = jnp.sum(combined, axis=1)
    preds = dot / jnp.sqrt(jnp.asarray(D, dtype=jnp.float32))
    preds = preds + ub + mb + global_bias[0]
    preds = jnp.clip(preds, -0.1, 1.1)
    return preds

if __name__ == "__main__":
    import jax
    _d = setup_inputs()
    print(jax.jit(kernel)(*tuple(_d.values())))

</pallas_src>

<mosaic_0001>
#map = affine_map<(d0, d1) -> (0)>
module attributes {stable_mosaic.version = 14 : i64} {
  func.func @body(%arg0: i32, %arg1: i32, %arg2: memref<1000000xf32, #tpu.memory_space<hbm>>, %arg3: memref<100000xf32, #tpu.memory_space<hbm>>, %arg4: memref<16384xi32, #tpu.memory_space<hbm>>, %arg5: memref<16384xi32, #tpu.memory_space<hbm>>, %arg6: memref<16384xf32, #tpu.memory_space<hbm>>, %arg7: memref<16384xf32, #tpu.memory_space<hbm>>, %arg8: memref<4x128xi32, #tpu.memory_space<vmem>>, %arg9: memref<4x128xi32, #tpu.memory_space<vmem>>, %arg10: memref<512xf32, #tpu.memory_space<vmem>>, %arg11: memref<512xf32, #tpu.memory_space<vmem>>, %arg12: memref<!tpu.dma_semaphore, #tpu.memory_space<semaphore_mem>>) attributes {dimension_semantics = [#tpu.dimension_semantics<core_parallel>, #tpu.dimension_semantics<subcore_parallel>], iteration_bounds = array<i64: 2, 16>, scalar_prefetch = 0 : i64, scratch_operands = 5 : i64, tpu.core_type = #tpu.core_type<sc_vector_subcore>, window_params = [{transform_indices = #map}, {transform_indices = #map}, {transform_indices = #map}, {transform_indices = #map}, {transform_indices = #map}, {transform_indices = #map}]} {
    %mul3A = arith.constant 2 : i32
    %mul3A_0 = arith.muli %arg1, %mul3A : i32
    %add3A = arith.addi %mul3A_0, %arg0 : i32
    %mul3A_1 = arith.constant 512 : i32
    %mul3A_2 = arith.muli %add3A, %mul3A_1 : i32
    %add3A_3 = arith.constant 0 : i32
    %add3A_4 = arith.addi %mul3A_2, %add3A_3 : i32
    %run_scoped3A = arith.constant 0 : i32
    "tpu.region"() ({
      %run_scoped3A_152 = tpu.sem_alloc : memref<!tpu.dma_semaphore, #tpu.memory_space<semaphore_mem>>
      %dma_start3A_153 = arith.constant 0 : i32
      %dma_start3A_154 = tpu.memref_slice %arg8[%run_scoped3A, %dma_start3A_153] : memref<4x128xi32, #tpu.memory_space<vmem>> -> memref<1x128xi32, #tpu.memory_space<vmem>>
      %dma_start3A_155 = tpu.memref_squeeze %dma_start3A_154 : memref<1x128xi32, #tpu.memory_space<vmem>> -> memref<128xi32, #tpu.memory_space<vmem>>
      %dma_start3A_156 = tpu.memref_slice %arg4[%add3A_4] : memref<16384xi32, #tpu.memory_space<hbm>> -> memref<128xi32, #tpu.memory_space<hbm>>
      %dma_start3A_157 = arith.constant 0 : i32
      %dma_start3A_158 = tpu.memref_slice %arg8[%run_scoped3A, %dma_start3A_157] : memref<4x128xi32, #tpu.memory_space<vmem>> -> memref<1x128xi32, #tpu.memory_space<vmem>>
      %dma_start3A_159 = tpu.memref_squeeze %dma_start3A_158 : memref<1x128xi32, #tpu.memory_space<vmem>> -> memref<128xi32, #tpu.memory_space<vmem>>
      %dma_start3A_160 = tpu.memref_slice %arg4[%add3A_4] : memref<16384xi32, #tpu.memory_space<hbm>> -> memref<128xi32, #tpu.memory_space<hbm>>
      tpu.enqueue_dma source(%dma_start3A_160 : memref<128xi32, #tpu.memory_space<hbm>>) target(%dma_start3A_159 : memref<128xi32, #tpu.memory_space<vmem>>) target_semaphore(%run_scoped3A_152 : memref<!tpu.dma_semaphore, #tpu.memory_space<semaphore_mem>>)
      %dma_wait3A_161 = arith.constant 0 : i32
      %dma_wait3A_162 = tpu.memref_slice %arg8[%run_scoped3A, %dma_wait3A_161] : memref<4x128xi32, #tpu.memory_space<vmem>> -> memref<1x128xi32, #tpu.memory_space<vmem>>
      %dma_wait3A_163 = tpu.memref_squeeze %dma_wait3A_162 : memref<1x128xi32, #tpu.memory_space<vmem>> -> memref<128xi32, #tpu.memory_space<vmem>>
      %dma_wait3A_164 = tpu.memref_slice %arg4[%add3A_4] : memref<16384xi32, #tpu.memory_space<hbm>> -> memref<128xi32, #tpu.memory_space<hbm>>
      %dma_wait3A_165 = arith.constant 0 : i32
      %dma_wait3A_166 = tpu.memref_slice %arg8[%run_scoped3A, %dma_wait3A_165] : memref<4x128xi32, #tpu.memory_space<vmem>> -> memref<1x128xi32, #tpu.memory_space<vmem>>
      %dma_wait3A_167 = tpu.memref_squeeze %dma_wait3A_166 : memref<1x128xi32, #tpu.memory_space<vmem>> -> memref<128xi32, #tpu.memory_space<vmem>>
      %dma_wait3A_168 = tpu.memref_slice %arg4[%add3A_4] : memref<16384xi32, #tpu.memory_space<hbm>> -> memref<128xi32, #tpu.memory_space<hbm>>
      tpu.wait_dma2 semaphore(%run_scoped3A_152 : memref<!tpu.dma_semaphore, #tpu.memory_space<semaphore_mem>>) src(%dma_wait3A_168 : memref<128xi32, #tpu.memory_space<hbm>>) dst(%dma_wait3A_167 : memref<128xi32, #tpu.memory_space<vmem>>)
      tpu.yield
    }) : () -> ()
    %add3A_5 = arith.constant 0 : i32
    %add3A_6 = arith.addi %mul3A_2, %add3A_5 : i32
    %run_scoped3A_7 = arith.constant 0 : i32
    "tpu.region"() ({
      %run_scoped3A_152 = tpu.sem_alloc : memref<!tpu.dma_semaphore, #tpu.memory_space<semaphore_mem>>
      %dma_start3A_153 = arith.constant 0 : i32
      %dma_start3A_154 = tpu.memref_slice %arg9[%run_scoped3A_7, %dma_start3A_153] : memref<4x128xi32, #tpu.memory_space<vmem>> -> memref<1x128xi32, #tpu.memory_space<vmem>>
      %dma_start3A_155 = tpu.memref_squeeze %dma_start3A_154 : memref<1x128xi32, #tpu.memory_space<vmem>> -> memref<128xi32, #tpu.memory_space<vmem>>
      %dma_start3A_156 = tpu.memref_slice %arg5[%add3A_6] : memref<16384xi32, #tpu.memory_space<hbm>> -> memref<128xi32, #tpu.memory_space<hbm>>
      %dma_start3A_157 = arith.constant 0 : i32
      %dma_start3A_158 = tpu.memref_slice %arg9[%run_scoped3A_7, %dma_start3A_157] : memref<4x128xi32, #tpu.memory_space<vmem>> -> memref<1x128xi32, #tpu.memory_space<vmem>>
      %dma_start3A_159 = tpu.memref_squeeze %dma_start3A_158 : memref<1x128xi32, #tpu.memory_space<vmem>> -> memref<128xi32, #tpu.memory_space<vmem>>
      %dma_start3A_160 = tpu.memref_slice %arg5[%add3A_6] : memref<16384xi32, #tpu.memory_space<hbm>> -> memref<128xi32, #tpu.memory_space<hbm>>
      tpu.enqueue_dma source(%dma_start3A_160 : memref<128xi32, #tpu.memory_space<hbm>>) target(%dma_start3A_159 : memref<128xi32, #tpu.memory_space<vmem>>) target_semaphore(%run_scoped3A_152 : memref<!tpu.dma_semaphore, #tpu.memory_space<semaphore_mem>>)
      %dma_wait3A_161 = arith.constant 0 : i32
      %dma_wait3A_162 = tpu.memref_slice %arg9[%run_scoped3A_7, %dma_wait3A_161] : memref<4x128xi32, #tpu.memory_space<vmem>> -> memref<1x128xi32, #tpu.memory_space<vmem>>
      %dma_wait3A_163 = tpu.memref_squeeze %dma_wait3A_162 : memref<1x128xi32, #tpu.memory_space<vmem>> -> memref<128xi32, #tpu.memory_space<vmem>>
      %dma_wait3A_164 = tpu.memref_slice %arg5[%add3A_6] : memref<16384xi32, #tpu.memory_space<hbm>> -> memref<128xi32, #tpu.memory_space<hbm>>
      %dma_wait3A_165 = arith.constant 0 : i32
      %dma_wait3A_166 = tpu.memref_slice %arg9[%run_scoped3A_7, %dma_wait3A_165] : memref<4x128xi32, #tpu.memory_space<vmem>> -> memref<1x128xi32, #tpu.memory_space<vmem>>
      %dma_wait3A_167 = tpu.memref_squeeze %dma_wait3A_166 : memref<1x128xi32, #tpu.memory_space<vmem>> -> memref<128xi32, #tpu.memory_space<vmem>>
      %dma_wait3A_168 = tpu.memref_slice %arg5[%add3A_6] : memref<16384xi32, #tpu.memory_space<hbm>> -> memref<128xi32, #tpu.memory_space<hbm>>
      tpu.wait_dma2 semaphore(%run_scoped3A_152 : memref<!tpu.dma_semaphore, #tpu.memory_space<semaphore_mem>>) src(%dma_wait3A_168 : memref<128xi32, #tpu.memory_space<hbm>>) dst(%dma_wait3A_167 : memref<128xi32, #tpu.memory_space<vmem>>)
      tpu.yield
    }) : () -> ()
    %add3A_8 = arith.constant 128 : i32
    %add3A_9 = arith.addi %mul3A_2, %add3A_8 : i32
    %run_scoped3A_10 = arith.constant 1 : i32
    "tpu.region"() ({
      %run_scoped3A_152 = tpu.sem_alloc : memref<!tpu.dma_semaphore, #tpu.memory_space<semaphore_mem>>
      %dma_start3A_153 = arith.constant 0 : i32
      %dma_start3A_154 = tpu.memref_slice %arg8[%run_scoped3A_10, %dma_start3A_153] : memref<4x128xi32, #tpu.memory_space<vmem>> -> memref<1x128xi32, #tpu.memory_space<vmem>>
      %dma_start3A_155 = tpu.memref_squeeze %dma_start3A_154 : memref<1x128xi32, #tpu.memory_space<vmem>> -> memref<128xi32, #tpu.memory_space<vmem>>
      %dma_start3A_156 = tpu.memref_slice %arg4[%add3A_9] : memref<16384xi32, #tpu.memory_space<hbm>> -> memref<128xi32, #tpu.memory_space<hbm>>
      %dma_start3A_157 = arith.constant 0 : i32
      %dma_start3A_158 = tpu.memref_slice %arg8[%run_scoped3A_10, %dma_start3A_157] : memref<4x128xi32, #tpu.memory_space<vmem>> -> memref<1x128xi32, #tpu.memory_space<vmem>>
      %dma_start3A_159 = tpu.memref_squeeze %dma_start3A_158 : memref<1x128xi32, #tpu.memory_space<vmem>> -> memref<128xi32, #tpu.memory_space<vmem>>
      %dma_start3A_160 = tpu.memref_slice %arg4[%add3A_9] : memref<16384xi32, #tpu.memory_space<hbm>> -> memref<128xi32, #tpu.memory_space<hbm>>
      tpu.enqueue_dma source(%dma_start3A_160 : memref<128xi32, #tpu.memory_space<hbm>>) target(%dma_start3A_159 : memref<128xi32, #tpu.memory_space<vmem>>) target_semaphore(%run_scoped3A_152 : memref<!tpu.dma_semaphore, #tpu.memory_space<semaphore_mem>>)
      %dma_wait3A_161 = arith.constant 0 : i32
      %dma_wait3A_162 = tpu.memref_slice %arg8[%run_scoped3A_10, %dma_wait3A_161] : memref<4x128xi32, #tpu.memory_space<vmem>> -> memref<1x128xi32, #tpu.memory_space<vmem>>
      %dma_wait3A_163 = tpu.memref_squeeze %dma_wait3A_162 : memref<1x128xi32, #tpu.memory_space<vmem>> -> memref<128xi32, #tpu.memory_space<vmem>>
      %dma_wait3A_164 = tpu.memref_slice %arg4[%add3A_9] : memref<16384xi32, #tpu.memory_space<hbm>> -> memref<128xi32, #tpu.memory_space<hbm>>
      %dma_wait3A_165 = arith.constant 0 : i32
      %dma_wait3A_166 = tpu.memref_slice %arg8[%run_scoped3A_10, %dma_wait3A_165] : memref<4x128xi32, #tpu.memory_space<vmem>> -> memref<1x128xi32, #tpu.memory_space<vmem>>
      %dma_wait3A_167 = tpu.memref_squeeze %dma_wait3A_166 : memref<1x128xi32, #tpu.memory_space<vmem>> -> memref<128xi32, #tpu.memory_space<vmem>>
      %dma_wait3A_168 = tpu.memref_slice %arg4[%add3A_9] : memref<16384xi32, #tpu.memory_space<hbm>> -> memref<128xi32, #tpu.memory_space<hbm>>
      tpu.wait_dma2 semaphore(%run_scoped3A_152 : memref<!tpu.dma_semaphore, #tpu.memory_space<semaphore_mem>>) src(%dma_wait3A_168 : memref<128xi32, #tpu.memory_space<hbm>>) dst(%dma_wait3A_167 : memref<128xi32, #tpu.memory_space<vmem>>)
      tpu.yield
    }) : () -> ()
    %add3A_11 = arith.constant 128 : i32
    %add3A_12 = arith.addi %mul3A_2, %add3A_11 : i32
    %run_scoped3A_13 = arith.constant 1 : i32
    "tpu.region"() ({
      %run_scoped3A_152 = tpu.sem_alloc : memref<!tpu.dma_semaphore, #tpu.memory_space<semaphore_mem>>
      %dma_start3A_153 = arith.constant 0 : i32
      %dma_start3A_154 = tpu.memref_slice %arg9[%run_scoped3A_13, %dma_start3A_153] : memref<4x128xi32, #tpu.memory_space<vmem>> -> memref<1x128xi32, #tpu.memory_space<vmem>>
      %dma_start3A_155 = tpu.memref_squeeze %dma_start3A_154 : memref<1x128xi32, #tpu.memory_space<vmem>> -> memref<128xi32, #tpu.memory_space<vmem>>
      %dma_start3A_156 = tpu.memref_slice %arg5[%add3A_12] : memref<16384xi32, #tpu.memory_space<hbm>> -> memref<128xi32, #tpu.memory_space<hbm>>
      %dma_start3A_157 = arith.constant 0 : i32
      %dma_start3A_158 = tpu.memref_slice %arg9[%run_scoped3A_13, %dma_start3A_157] : memref<4x128xi32, #tpu.memory_space<vmem>> -> memref<1x128xi32, #tpu.memory_space<vmem>>
      %dma_start3A_159 = tpu.memref_squeeze %dma_start3A_158 : memref<1x128xi32, #tpu.memory_space<vmem>> -> memref<128xi32, #tpu.memory_space<vmem>>
      %dma_start3A_160 = tpu.memref_slice %arg5[%add3A_12] : memref<16384xi32, #tpu.memory_space<hbm>> -> memref<128xi32, #tpu.memory_space<hbm>>
      tpu.enqueue_dma source(%dma_start3A_160 : memref<128xi32, #tpu.memory_space<hbm>>) target(%dma_start3A_159 : memref<128xi32, #tpu.memory_space<vmem>>) target_semaphore(%run_scoped3A_152 : memref<!tpu.dma_semaphore, #tpu.memory_space<semaphore_mem>>)
      %dma_wait3A_161 = arith.constant 0 : i32
      %dma_wait3A_162 = tpu.memref_slice %arg9[%run_scoped3A_13, %dma_wait3A_161] : memref<4x128xi32, #tpu.memory_space<vmem>> -> memref<1x128xi32, #tpu.memory_space<vmem>>
      %dma_wait3A_163 = tpu.memref_squeeze %dma_wait3A_162 : memref<1x128xi32, #tpu.memory_space<vmem>> -> memref<128xi32, #tpu.memory_space<vmem>>
      %dma_wait3A_164 = tpu.memref_slice %arg5[%add3A_12] : memref<16384xi32, #tpu.memory_space<hbm>> -> memref<128xi32, #tpu.memory_space<hbm>>
      %dma_wait3A_165 = arith.constant 0 : i32
      %dma_wait3A_166 = tpu.memref_slice %arg9[%run_scoped3A_13, %dma_wait3A_165] : memref<4x128xi32, #tpu.memory_space<vmem>> -> memref<1x128xi32, #tpu.memory_space<vmem>>
      %dma_wait3A_167 = tpu.memref_squeeze %dma_wait3A_166 : memref<1x128xi32, #tpu.memory_space<vmem>> -> memref<128xi32, #tpu.memory_space<vmem>>
      %dma_wait3A_168 = tpu.memref_slice %arg5[%add3A_12] : memref<16384xi32, #tpu.memory_space<hbm>> -> memref<128xi32, #tpu.memory_space<hbm>>
      tpu.wait_dma2 semaphore(%run_scoped3A_152 : memref<!tpu.dma_semaphore, #tpu.memory_space<semaphore_mem>>) src(%dma_wait3A_168 : memref<128xi32, #tpu.memory_space<hbm>>) dst(%dma_wait3A_167 : memref<128xi32, #tpu.memory_space<vmem>>)
      tpu.yield
    }) : () -> ()
    %add3A_14 = arith.constant 256 : i32
    %add3A_15 = arith.addi %mul3A_2, %add3A_14 : i32
    %run_scoped3A_16 = arith.constant 2 : i32
    "tpu.region"() ({
      %run_scoped3A_152 = tpu.sem_alloc : memref<!tpu.dma_semaphore, #tpu.memory_space<semaphore_mem>>
      %dma_start3A_153 = arith.constant 0 : i32
      %dma_start3A_154 = tpu.memref_slice %arg8[%run_scoped3A_16, %dma_start3A_153] : memref<4x128xi32, #tpu.memory_space<vmem>> -> memref<1x128xi32, #tpu.memory_space<vmem>>
      %dma_start3A_155 = tpu.memref_squeeze %dma_start3A_154 : memref<1x128xi32, #tpu.memory_space<vmem>> -> memref<128xi32, #tpu.memory_space<vmem>>
      %dma_start3A_156 = tpu.memref_slice %arg4[%add3A_15] : memref<16384xi32, #tpu.memory_space<hbm>> -> memref<128xi32, #tpu.memory_space<hbm>>
      %dma_start3A_157 = arith.constant 0 : i32
      %dma_start3A_158 = tpu.memref_slice %arg8[%run_scoped3A_16, %dma_start3A_157] : memref<4x128xi32, #tpu.memory_space<vmem>> -> memref<1x128xi32, #tpu.memory_space<vmem>>
      %dma_start3A_159 = tpu.memref_squeeze %dma_start3A_158 : memref<1x128xi32, #tpu.memory_space<vmem>> -> memref<128xi32, #tpu.memory_space<vmem>>
      %dma_start3A_160 = tpu.memref_slice %arg4[%add3A_15] : memref<16384xi32, #tpu.memory_space<hbm>> -> memref<128xi32, #tpu.memory_space<hbm>>
      tpu.enqueue_dma source(%dma_start3A_160 : memref<128xi32, #tpu.memory_space<hbm>>) target(%dma_start3A_159 : memref<128xi32, #tpu.memory_space<vmem>>) target_semaphore(%run_scoped3A_152 : memref<!tpu.dma_semaphore, #tpu.memory_space<semaphore_mem>>)
      %dma_wait3A_161 = arith.constant 0 : i32
      %dma_wait3A_162 = tpu.memref_slice %arg8[%run_scoped3A_16, %dma_wait3A_161] : memref<4x128xi32, #tpu.memory_space<vmem>> -> memref<1x128xi32, #tpu.memory_space<vmem>>
      %dma_wait3A_163 = tpu.memref_squeeze %dma_wait3A_162 : memref<1x128xi32, #tpu.memory_space<vmem>> -> memref<128xi32, #tpu.memory_space<vmem>>
      %dma_wait3A_164 = tpu.memref_slice %arg4[%add3A_15] : memref<16384xi32, #tpu.memory_space<hbm>> -> memref<128xi32, #tpu.memory_space<hbm>>
      %dma_wait3A_165 = arith.constant 0 : i32
      %dma_wait3A_166 = tpu.memref_slice %arg8[%run_scoped3A_16, %dma_wait3A_165] : memref<4x128xi32, #tpu.memory_space<vmem>> -> memref<1x128xi32, #tpu.memory_space<vmem>>
      %dma_wait3A_167 = tpu.memref_squeeze %dma_wait3A_166 : memref<1x128xi32, #tpu.memory_space<vmem>> -> memref<128xi32, #tpu.memory_space<vmem>>
      %dma_wait3A_168 = tpu.memref_slice %arg4[%add3A_15] : memref<16384xi32, #tpu.memory_space<hbm>> -> memref<128xi32, #tpu.memory_space<hbm>>
      tpu.wait_dma2 semaphore(%run_scoped3A_152 : memref<!tpu.dma_semaphore, #tpu.memory_space<semaphore_mem>>) src(%dma_wait3A_168 : memref<128xi32, #tpu.memory_space<hbm>>) dst(%dma_wait3A_167 : memref<128xi32, #tpu.memory_space<vmem>>)
      tpu.yield
    }) : () -> ()
    %add3A_17 = arith.constant 256 : i32
    %add3A_18 = arith.addi %mul3A_2, %add3A_17 : i32
    %run_scoped3A_19 = arith.constant 2 : i32
    "tpu.region"() ({
      %run_scoped3A_152 = tpu.sem_alloc : memref<!tpu.dma_semaphore, #tpu.memory_space<semaphore_mem>>
      %dma_start3A_153 = arith.constant 0 : i32
      %dma_start3A_154 = tpu.memref_slice %arg9[%run_scoped3A_19, %dma_start3A_153] : memref<4x128xi32, #tpu.memory_space<vmem>> -> memref<1x128xi32, #tpu.memory_space<vmem>>
      %dma_start3A_155 = tpu.memref_squeeze %dma_start3A_154 : memref<1x128xi32, #tpu.memory_space<vmem>> -> memref<128xi32, #tpu.memory_space<vmem>>
      %dma_start3A_156 = tpu.memref_slice %arg5[%add3A_18] : memref<16384xi32, #tpu.memory_space<hbm>> -> memref<128xi32, #tpu.memory_space<hbm>>
      %dma_start3A_157 = arith.constant 0 : i32
      %dma_start3A_158 = tpu.memref_slice %arg9[%run_scoped3A_19, %dma_start3A_157] : memref<4x128xi32, #tpu.memory_space<vmem>> -> memref<1x128xi32, #tpu.memory_space<vmem>>
      %dma_start3A_159 = tpu.memref_squeeze %dma_start3A_158 : memref<1x128xi32, #tpu.memory_space<vmem>> -> memref<128xi32, #tpu.memory_space<vmem>>
      %dma_start3A_160 = tpu.memref_slice %arg5[%add3A_18] : memref<16384xi32, #tpu.memory_space<hbm>> -> memref<128xi32, #tpu.memory_space<hbm>>
      tpu.enqueue_dma source(%dma_start3A_160 : memref<128xi32, #tpu.memory_space<hbm>>) target(%dma_start3A_159 : memref<128xi32, #tpu.memory_space<vmem>>) target_semaphore(%run_scoped3A_152 : memref<!tpu.dma_semaphore, #tpu.memory_space<semaphore_mem>>)
      %dma_wait3A_161 = arith.constant 0 : i32
      %dma_wait3A_162 = tpu.memref_slice %arg9[%run_scoped3A_19, %dma_wait3A_161] : memref<4x128xi32, #tpu.memory_space<vmem>> -> memref<1x128xi32, #tpu.memory_space<vmem>>
      %dma_wait3A_163 = tpu.memref_squeeze %dma_wait3A_162 : memref<1x128xi32, #tpu.memory_space<vmem>> -> memref<128xi32, #tpu.memory_space<vmem>>
      %dma_wait3A_164 = tpu.memref_slice %arg5[%add3A_18] : memref<16384xi32, #tpu.memory_space<hbm>> -> memref<128xi32, #tpu.memory_space<hbm>>
      %dma_wait3A_165 = arith.constant 0 : i32
      %dma_wait3A_166 = tpu.memref_slice %arg9[%run_scoped3A_19, %dma_wait3A_165] : memref<4x128xi32, #tpu.memory_space<vmem>> -> memref<1x128xi32, #tpu.memory_space<vmem>>
      %dma_wait3A_167 = tpu.memref_squeeze %dma_wait3A_166 : memref<1x128xi32, #tpu.memory_space<vmem>> -> memref<128xi32, #tpu.memory_space<vmem>>
      %dma_wait3A_168 = tpu.memref_slice %arg5[%add3A_18] : memref<16384xi32, #tpu.memory_space<hbm>> -> memref<128xi32, #tpu.memory_space<hbm>>
      tpu.wait_dma2 semaphore(%run_scoped3A_152 : memref<!tpu.dma_semaphore, #tpu.memory_space<semaphore_mem>>) src(%dma_wait3A_168 : memref<128xi32, #tpu.memory_space<hbm>>) dst(%dma_wait3A_167 : memref<128xi32, #tpu.memory_space<vmem>>)
      tpu.yield
    }) : () -> ()
    %add3A_20 = arith.constant 384 : i32
    %add3A_21 = arith.addi %mul3A_2, %add3A_20 : i32
    %run_scoped3A_22 = arith.constant 3 : i32
    "tpu.region"() ({
      %run_scoped3A_152 = tpu.sem_alloc : memref<!tpu.dma_semaphore, #tpu.memory_space<semaphore_mem>>
      %dma_start3A_153 = arith.constant 0 : i32
      %dma_start3A_154 = tpu.memref_slice %arg8[%run_scoped3A_22, %dma_start3A_153] : memref<4x128xi32, #tpu.memory_space<vmem>> -> memref<1x128xi32, #tpu.memory_space<vmem>>
      %dma_start3A_155 = tpu.memref_squeeze %dma_start3A_154 : memref<1x128xi32, #tpu.memory_space<vmem>> -> memref<128xi32, #tpu.memory_space<vmem>>
      %dma_start3A_156 = tpu.memref_slice %arg4[%add3A_21] : memref<16384xi32, #tpu.memory_space<hbm>> -> memref<128xi32, #tpu.memory_space<hbm>>
      %dma_start3A_157 = arith.constant 0 : i32
      %dma_start3A_158 = tpu.memref_slice %arg8[%run_scoped3A_22, %dma_start3A_157] : memref<4x128xi32, #tpu.memory_space<vmem>> -> memref<1x128xi32, #tpu.memory_space<vmem>>
      %dma_start3A_159 = tpu.memref_squeeze %dma_start3A_158 : memref<1x128xi32, #tpu.memory_space<vmem>> -> memref<128xi32, #tpu.memory_space<vmem>>
      %dma_start3A_160 = tpu.memref_slice %arg4[%add3A_21] : memref<16384xi32, #tpu.memory_space<hbm>> -> memref<128xi32, #tpu.memory_space<hbm>>
      tpu.enqueue_dma source(%dma_start3A_160 : memref<128xi32, #tpu.memory_space<hbm>>) target(%dma_start3A_159 : memref<128xi32, #tpu.memory_space<vmem>>) target_semaphore(%run_scoped3A_152 : memref<!tpu.dma_semaphore, #tpu.memory_space<semaphore_mem>>)
      %dma_wait3A_161 = arith.constant 0 : i32
      %dma_wait3A_162 = tpu.memref_slice %arg8[%run_scoped3A_22, %dma_wait3A_161] : memref<4x128xi32, #tpu.memory_space<vmem>> -> memref<1x128xi32, #tpu.memory_space<vmem>>
      %dma_wait3A_163 = tpu.memref_squeeze %dma_wait3A_162 : memref<1x128xi32, #tpu.memory_space<vmem>> -> memref<128xi32, #tpu.memory_space<vmem>>
      %dma_wait3A_164 = tpu.memref_slice %arg4[%add3A_21] : memref<16384xi32, #tpu.memory_space<hbm>> -> memref<128xi32, #tpu.memory_space<hbm>>
      %dma_wait3A_165 = arith.constant 0 : i32
      %dma_wait3A_166 = tpu.memref_slice %arg8[%run_scoped3A_22, %dma_wait3A_165] : memref<4x128xi32, #tpu.memory_space<vmem>> -> memref<1x128xi32, #tpu.memory_space<vmem>>
      %dma_wait3A_167 = tpu.memref_squeeze %dma_wait3A_166 : memref<1x128xi32, #tpu.memory_space<vmem>> -> memref<128xi32, #tpu.memory_space<vmem>>
      %dma_wait3A_168 = tpu.memref_slice %arg4[%add3A_21] : memref<16384xi32, #tpu.memory_space<hbm>> -> memref<128xi32, #tpu.memory_space<hbm>>
      tpu.wait_dma2 semaphore(%run_scoped3A_152 : memref<!tpu.dma_semaphore, #tpu.memory_space<semaphore_mem>>) src(%dma_wait3A_168 : memref<128xi32, #tpu.memory_space<hbm>>) dst(%dma_wait3A_167 : memref<128xi32, #tpu.memory_space<vmem>>)
      tpu.yield
    }) : () -> ()
    %add3A_23 = arith.constant 384 : i32
    %add3A_24 = arith.addi %mul3A_2, %add3A_23 : i32
    %run_scoped3A_25 = arith.constant 3 : i32
    "tpu.region"() ({
      %run_scoped3A_152 = tpu.sem_alloc : memref<!tpu.dma_semaphore, #tpu.memory_space<semaphore_mem>>
      %dma_start3A_153 = arith.constant 0 : i32
      %dma_start3A_154 = tpu.memref_slice %arg9[%run_scoped3A_25, %dma_start3A_153] : memref<4x128xi32, #tpu.memory_space<vmem>> -> memref<1x128xi32, #tpu.memory_space<vmem>>
      %dma_start3A_155 = tpu.memref_squeeze %dma_start3A_154 : memref<1x128xi32, #tpu.memory_space<vmem>> -> memref<128xi32, #tpu.memory_space<vmem>>
      %dma_start3A_156 = tpu.memref_slice %arg5[%add3A_24] : memref<16384xi32, #tpu.memory_space<hbm>> -> memref<128xi32, #tpu.memory_space<hbm>>
      %dma_start3A_157 = arith.constant 0 : i32
      %dma_start3A_158 = tpu.memref_slice %arg9[%run_scoped3A_25, %dma_start3A_157] : memref<4x128xi32, #tpu.memory_space<vmem>> -> memref<1x128xi32, #tpu.memory_space<vmem>>
      %dma_start3A_159 = tpu.memref_squeeze %dma_start3A_158 : memref<1x128xi32, #tpu.memory_space<vmem>> -> memref<128xi32, #tpu.memory_space<vmem>>
      %dma_start3A_160 = tpu.memref_slice %arg5[%add3A_24] : memref<16384xi32, #tpu.memory_space<hbm>> -> memref<128xi32, #tpu.memory_space<hbm>>
      tpu.enqueue_dma source(%dma_start3A_160 : memref<128xi32, #tpu.memory_space<hbm>>) target(%dma_start3A_159 : memref<128xi32, #tpu.memory_space<vmem>>) target_semaphore(%run_scoped3A_152 : memref<!tpu.dma_semaphore, #tpu.memory_space<semaphore_mem>>)
      %dma_wait3A_161 = arith.constant 0 : i32
      %dma_wait3A_162 = tpu.memref_slice %arg9[%run_scoped3A_25, %dma_wait3A_161] : memref<4x128xi32, #tpu.memory_space<vmem>> -> memref<1x128xi32, #tpu.memory_space<vmem>>
      %dma_wait3A_163 = tpu.memref_squeeze %dma_wait3A_162 : memref<1x128xi32, #tpu.memory_space<vmem>> -> memref<128xi32, #tpu.memory_space<vmem>>
      %dma_wait3A_164 = tpu.memref_slice %arg5[%add3A_24] : memref<16384xi32, #tpu.memory_space<hbm>> -> memref<128xi32, #tpu.memory_space<hbm>>
      %dma_wait3A_165 = arith.constant 0 : i32
      %dma_wait3A_166 = tpu.memref_slice %arg9[%run_scoped3A_25, %dma_wait3A_165] : memref<4x128xi32, #tpu.memory_space<vmem>> -> memref<1x128xi32, #tpu.memory_space<vmem>>
      %dma_wait3A_167 = tpu.memref_squeeze %dma_wait3A_166 : memref<1x128xi32, #tpu.memory_space<vmem>> -> memref<128xi32, #tpu.memory_space<vmem>>
      %dma_wait3A_168 = tpu.memref_slice %arg5[%add3A_24] : memref<16384xi32, #tpu.memory_space<hbm>> -> memref<128xi32, #tpu.memory_space<hbm>>
      tpu.wait_dma2 semaphore(%run_scoped3A_152 : memref<!tpu.dma_semaphore, #tpu.memory_space<semaphore_mem>>) src(%dma_wait3A_168 : memref<128xi32, #tpu.memory_space<hbm>>) dst(%dma_wait3A_167 : memref<128xi32, #tpu.memory_space<vmem>>)
      tpu.yield
    }) : () -> ()
    %dma_start3A = arith.constant 0 : i32
    %dma_start3A_26 = arith.constant 0 : i32
    %dma_start3A_27 = tpu.memref_slice %arg10[%dma_start3A_26] : memref<512xf32, #tpu.memory_space<vmem>> -> memref<128xf32, #tpu.memory_space<vmem>>
    %dma_start3A_28 = arith.constant 0 : i32
    %dma_start3A_29 = tpu.memref_slice %arg8[%dma_start3A, %dma_start3A_28] : memref<4x128xi32, #tpu.memory_space<vmem>> -> memref<1x128xi32, #tpu.memory_space<vmem>>
    %dma_start3A_30 = tpu.memref_squeeze %dma_start3A_29 : memref<1x128xi32, #tpu.memory_space<vmem>> -> memref<128xi32, #tpu.memory_space<vmem>>
    %dma_start3A_31 = arith.constant 0 : i32
    %dma_start3A_32 = tpu.memref_slice %arg2[%dma_start3A_31] : memref<1000000xf32, #tpu.memory_space<hbm>> -> memref<1000000xf32, #tpu.memory_space<hbm>>
    tpu.enqueue_indirect_dma source(%dma_start3A_32 : memref<1000000xf32, #tpu.memory_space<hbm>>) target(%dma_start3A_27 : memref<128xf32, #tpu.memory_space<vmem>>) offsets(%dma_start3A_30 : memref<128xi32, #tpu.memory_space<vmem>>) semaphore(%arg12 : memref<!tpu.dma_semaphore, #tpu.memory_space<semaphore_mem>>)
    %dma_start3A_33 = arith.constant 0 : i32
    %dma_start3A_34 = arith.constant 0 : i32
    %dma_start3A_35 = tpu.memref_slice %arg11[%dma_start3A_34] : memref<512xf32, #tpu.memory_space<vmem>> -> memref<128xf32, #tpu.memory_space<vmem>>
    %dma_start3A_36 = arith.constant 0 : i32
    %dma_start3A_37 = tpu.memref_slice %arg9[%dma_start3A_33, %dma_start3A_36] : memref<4x128xi32, #tpu.memory_space<vmem>> -> memref<1x128xi32, #tpu.memory_space<vmem>>
    %dma_start3A_38 = tpu.memref_squeeze %dma_start3A_37 : memref<1x128xi32, #tpu.memory_space<vmem>> -> memref<128xi32, #tpu.memory_space<vmem>>
    %dma_start3A_39 = arith.constant 0 : i32
    %dma_start3A_40 = tpu.memref_slice %arg3[%dma_start3A_39] : memref<100000xf32, #tpu.memory_space<hbm>> -> memref<100000xf32, #tpu.memory_space<hbm>>
    tpu.enqueue_indirect_dma source(%dma_start3A_40 : memref<100000xf32, #tpu.memory_space<hbm>>) target(%dma_start3A_35 : memref<128xf32, #tpu.memory_space<vmem>>) offsets(%dma_start3A_38 : memref<128xi32, #tpu.memory_space<vmem>>) semaphore(%arg12 : memref<!tpu.dma_semaphore, #tpu.memory_space<semaphore_mem>>)
    %dma_start3A_41 = arith.constant 1 : i32
    %dma_start3A_42 = arith.constant 128 : i32
    %dma_start3A_43 = tpu.memref_slice %arg10[%dma_start3A_42] : memref<512xf32, #tpu.memory_space<vmem>> -> memref<128xf32, #tpu.memory_space<vmem>>
    %dma_start3A_44 = arith.constant 0 : i32
    %dma_start3A_45 = tpu.memref_slice %arg8[%dma_start3A_41, %dma_start3A_44] : memref<4x128xi32, #tpu.memory_space<vmem>> -> memref<1x128xi32, #tpu.memory_space<vmem>>
    %dma_start3A_46 = tpu.memref_squeeze %dma_start3A_45 : memref<1x128xi32, #tpu.memory_space<vmem>> -> memref<128xi32, #tpu.memory_space<vmem>>
    %dma_start3A_47 = arith.constant 0 : i32
    %dma_start3A_48 = tpu.memref_slice %arg2[%dma_start3A_47] : memref<1000000xf32, #tpu.memory_space<hbm>> -> memref<1000000xf32, #tpu.memory_space<hbm>>
    tpu.enqueue_indirect_dma source(%dma_start3A_48 : memref<1000000xf32, #tpu.memory_space<hbm>>) target(%dma_start3A_43 : memref<128xf32, #tpu.memory_space<vmem>>) offsets(%dma_start3A_46 : memref<128xi32, #tpu.memory_space<vmem>>) semaphore(%arg12 : memref<!tpu.dma_semaphore, #tpu.memory_space<semaphore_mem>>)
    %dma_start3A_49 = arith.constant 1 : i32
    %dma_start3A_50 = arith.constant 128 : i32
    %dma_start3A_51 = tpu.memref_slice %arg11[%dma_start3A_50] : memref<512xf32, #tpu.memory_space<vmem>> -> memref<128xf32, #tpu.memory_space<vmem>>
    %dma_start3A_52 = arith.constant 0 : i32
    %dma_start3A_53 = tpu.memref_slice %arg9[%dma_start3A_49, %dma_start3A_52] : memref<4x128xi32, #tpu.memory_space<vmem>> -> memref<1x128xi32, #tpu.memory_space<vmem>>
    %dma_start3A_54 = tpu.memref_squeeze %dma_start3A_53 : memref<1x128xi32, #tpu.memory_space<vmem>> -> memref<128xi32, #tpu.memory_space<vmem>>
    %dma_start3A_55 = arith.constant 0 : i32
    %dma_start3A_56 = tpu.memref_slice %arg3[%dma_start3A_55] : memref<100000xf32, #tpu.memory_space<hbm>> -> memref<100000xf32, #tpu.memory_space<hbm>>
    tpu.enqueue_indirect_dma source(%dma_start3A_56 : memref<100000xf32, #tpu.memory_space<hbm>>) target(%dma_start3A_51 : memref<128xf32, #tpu.memory_space<vmem>>) offsets(%dma_start3A_54 : memref<128xi32, #tpu.memory_space<vmem>>) semaphore(%arg12 : memref<!tpu.dma_semaphore, #tpu.memory_space<semaphore_mem>>)
    %dma_start3A_57 = arith.constant 2 : i32
    %dma_start3A_58 = arith.constant 256 : i32
    %dma_start3A_59 = tpu.memref_slice %arg10[%dma_start3A_58] : memref<512xf32, #tpu.memory_space<vmem>> -> memref<128xf32, #tpu.memory_space<vmem>>
    %dma_start3A_60 = arith.constant 0 : i32
    %dma_start3A_61 = tpu.memref_slice %arg8[%dma_start3A_57, %dma_start3A_60] : memref<4x128xi32, #tpu.memory_space<vmem>> -> memref<1x128xi32, #tpu.memory_space<vmem>>
    %dma_start3A_62 = tpu.memref_squeeze %dma_start3A_61 : memref<1x128xi32, #tpu.memory_space<vmem>> -> memref<128xi32, #tpu.memory_space<vmem>>
    %dma_start3A_63 = arith.constant 0 : i32
    %dma_start3A_64 = tpu.memref_slice %arg2[%dma_start3A_63] : memref<1000000xf32, #tpu.memory_space<hbm>> -> memref<1000000xf32, #tpu.memory_space<hbm>>
    tpu.enqueue_indirect_dma source(%dma_start3A_64 : memref<1000000xf32, #tpu.memory_space<hbm>>) target(%dma_start3A_59 : memref<128xf32, #tpu.memory_space<vmem>>) offsets(%dma_start3A_62 : memref<128xi32, #tpu.memory_space<vmem>>) semaphore(%arg12 : memref<!tpu.dma_semaphore, #tpu.memory_space<semaphore_mem>>)
    %dma_start3A_65 = arith.constant 2 : i32
    %dma_start3A_66 = arith.constant 256 : i32
    %dma_start3A_67 = tpu.memref_slice %arg11[%dma_start3A_66] : memref<512xf32, #tpu.memory_space<vmem>> -> memref<128xf32, #tpu.memory_space<vmem>>
    %dma_start3A_68 = arith.constant 0 : i32
    %dma_start3A_69 = tpu.memref_slice %arg9[%dma_start3A_65, %dma_start3A_68] : memref<4x128xi32, #tpu.memory_space<vmem>> -> memref<1x128xi32, #tpu.memory_space<vmem>>
    %dma_start3A_70 = tpu.memref_squeeze %dma_start3A_69 : memref<1x128xi32, #tpu.memory_space<vmem>> -> memref<128xi32, #tpu.memory_space<vmem>>
    %dma_start3A_71 = arith.constant 0 : i32
    %dma_start3A_72 = tpu.memref_slice %arg3[%dma_start3A_71] : memref<100000xf32, #tpu.memory_space<hbm>> -> memref<100000xf32, #tpu.memory_space<hbm>>
    tpu.enqueue_indirect_dma source(%dma_start3A_72 : memref<100000xf32, #tpu.memory_space<hbm>>) target(%dma_start3A_67 : memref<128xf32, #tpu.memory_space<vmem>>) offsets(%dma_start3A_70 : memref<128xi32, #tpu.memory_space<vmem>>) semaphore(%arg12 : memref<!tpu.dma_semaphore, #tpu.memory_space<semaphore_mem>>)
    %dma_start3A_73 = arith.constant 3 : i32
    %dma_start3A_74 = arith.constant 384 : i32
    %dma_start3A_75 = tpu.memref_slice %arg10[%dma_start3A_74] : memref<512xf32, #tpu.memory_space<vmem>> -> memref<128xf32, #tpu.memory_space<vmem>>
    %dma_start3A_76 = arith.constant 0 : i32
    %dma_start3A_77 = tpu.memref_slice %arg8[%dma_start3A_73, %dma_start3A_76] : memref<4x128xi32, #tpu.memory_space<vmem>> -> memref<1x128xi32, #tpu.memory_space<vmem>>
    %dma_start3A_78 = tpu.memref_squeeze %dma_start3A_77 : memref<1x128xi32, #tpu.memory_space<vmem>> -> memref<128xi32, #tpu.memory_space<vmem>>
    %dma_start3A_79 = arith.constant 0 : i32
    %dma_start3A_80 = tpu.memref_slice %arg2[%dma_start3A_79] : memref<1000000xf32, #tpu.memory_space<hbm>> -> memref<1000000xf32, #tpu.memory_space<hbm>>
    tpu.enqueue_indirect_dma source(%dma_start3A_80 : memref<1000000xf32, #tpu.memory_space<hbm>>) target(%dma_start3A_75 : memref<128xf32, #tpu.memory_space<vmem>>) offsets(%dma_start3A_78 : memref<128xi32, #tpu.memory_space<vmem>>) semaphore(%arg12 : memref<!tpu.dma_semaphore, #tpu.memory_space<semaphore_mem>>)
    %dma_start3A_81 = arith.constant 3 : i32
    %dma_start3A_82 = arith.constant 384 : i32
    %dma_start3A_83 = tpu.memref_slice %arg11[%dma_start3A_82] : memref<512xf32, #tpu.memory_space<vmem>> -> memref<128xf32, #tpu.memory_space<vmem>>
    %dma_start3A_84 = arith.constant 0 : i32
    %dma_start3A_85 = tpu.memref_slice %arg9[%dma_start3A_81, %dma_start3A_84] : memref<4x128xi32, #tpu.memory_space<vmem>> -> memref<1x128xi32, #tpu.memory_space<vmem>>
    %dma_start3A_86 = tpu.memref_squeeze %dma_start3A_85 : memref<1x128xi32, #tpu.memory_space<vmem>> -> memref<128xi32, #tpu.memory_space<vmem>>
    %dma_start3A_87 = arith.constant 0 : i32
    %dma_start3A_88 = tpu.memref_slice %arg3[%dma_start3A_87] : memref<100000xf32, #tpu.memory_space<hbm>> -> memref<100000xf32, #tpu.memory_space<hbm>>
    tpu.enqueue_indirect_dma source(%dma_start3A_88 : memref<100000xf32, #tpu.memory_space<hbm>>) target(%dma_start3A_83 : memref<128xf32, #tpu.memory_space<vmem>>) offsets(%dma_start3A_86 : memref<128xi32, #tpu.memory_space<vmem>>) semaphore(%arg12 : memref<!tpu.dma_semaphore, #tpu.memory_space<semaphore_mem>>)
    %dma_wait3A = arith.constant 0 : i32
    %dma_wait3A_89 = arith.constant 0 : i32
    %dma_wait3A_90 = tpu.memref_slice %arg10[%dma_wait3A_89] : memref<512xf32, #tpu.memory_space<vmem>> -> memref<128xf32, #tpu.memory_space<vmem>>
    %dma_wait3A_91 = arith.constant 0 : i32
    %dma_wait3A_92 = tpu.memref_slice %arg8[%dma_wait3A, %dma_wait3A_91] : memref<4x128xi32, #tpu.memory_space<vmem>> -> memref<1x128xi32, #tpu.memory_space<vmem>>
    %dma_wait3A_93 = tpu.memref_squeeze %dma_wait3A_92 : memref<1x128xi32, #tpu.memory_space<vmem>> -> memref<128xi32, #tpu.memory_space<vmem>>
    %dma_wait3A_94 = arith.constant 0 : i32
    %dma_wait3A_95 = tpu.memref_slice %arg2[%dma_wait3A_94] : memref<1000000xf32, #tpu.memory_space<hbm>> -> memref<1000000xf32, #tpu.memory_space<hbm>>
    tpu.wait_indirect_dma semaphore(%arg12 : memref<!tpu.dma_semaphore, #tpu.memory_space<semaphore_mem>>) src(%dma_wait3A_95 : memref<1000000xf32, #tpu.memory_space<hbm>>) dst(%dma_wait3A_90 : memref<128xf32, #tpu.memory_space<vmem>>)
    %dma_wait3A_96 = arith.constant 0 : i32
    %dma_wait3A_97 = arith.constant 0 : i32
    %dma_wait3A_98 = tpu.memref_slice %arg11[%dma_wait3A_97] : memref<512xf32, #tpu.memory_space<vmem>> -> memref<128xf32, #tpu.memory_space<vmem>>
    %dma_wait3A_99 = arith.constant 0 : i32
    %dma_wait3A_100 = tpu.memref_slice %arg9[%dma_wait3A_96, %dma_wait3A_99] : memref<4x128xi32, #tpu.memory_space<vmem>> -> memref<1x128xi32, #tpu.memory_space<vmem>>
    %dma_wait3A_101 = tpu.memref_squeeze %dma_wait3A_100 : memref<1x128xi32, #tpu.memory_space<vmem>> -> memref<128xi32, #tpu.memory_space<vmem>>
    %dma_wait3A_102 = arith.constant 0 : i32
    %dma_wait3A_103 = tpu.memref_slice %arg3[%dma_wait3A_102] : memref<100000xf32, #tpu.memory_space<hbm>> -> memref<100000xf32, #tpu.memory_space<hbm>>
    tpu.wait_indirect_dma semaphore(%arg12 : memref<!tpu.dma_semaphore, #tpu.memory_space<semaphore_mem>>) src(%dma_wait3A_103 : memref<100000xf32, #tpu.memory_space<hbm>>) dst(%dma_wait3A_98 : memref<128xf32, #tpu.memory_space<vmem>>)
    %dma_wait3A_104 = arith.constant 1 : i32
    %dma_wait3A_105 = arith.constant 128 : i32
    %dma_wait3A_106 = tpu.memref_slice %arg10[%dma_wait3A_105] : memref<512xf32, #tpu.memory_space<vmem>> -> memref<128xf32, #tpu.memory_space<vmem>>
    %dma_wait3A_107 = arith.constant 0 : i32
    %dma_wait3A_108 = tpu.memref_slice %arg8[%dma_wait3A_104, %dma_wait3A_107] : memref<4x128xi32, #tpu.memory_space<vmem>> -> memref<1x128xi32, #tpu.memory_space<vmem>>
    %dma_wait3A_109 = tpu.memref_squeeze %dma_wait3A_108 : memref<1x128xi32, #tpu.memory_space<vmem>> -> memref<128xi32, #tpu.memory_space<vmem>>
    %dma_wait3A_110 = arith.constant 0 : i32
    %dma_wait3A_111 = tpu.memref_slice %arg2[%dma_wait3A_110] : memref<1000000xf32, #tpu.memory_space<hbm>> -> memref<1000000xf32, #tpu.memory_space<hbm>>
    tpu.wait_indirect_dma semaphore(%arg12 : memref<!tpu.dma_semaphore, #tpu.memory_space<semaphore_mem>>) src(%dma_wait3A_111 : memref<1000000xf32, #tpu.memory_space<hbm>>) dst(%dma_wait3A_106 : memref<128xf32, #tpu.memory_space<vmem>>)
    %dma_wait3A_112 = arith.constant 1 : i32
    %dma_wait3A_113 = arith.constant 128 : i32
    %dma_wait3A_114 = tpu.memref_slice %arg11[%dma_wait3A_113] : memref<512xf32, #tpu.memory_space<vmem>> -> memref<128xf32, #tpu.memory_space<vmem>>
    %dma_wait3A_115 = arith.constant 0 : i32
    %dma_wait3A_116 = tpu.memref_slice %arg9[%dma_wait3A_112, %dma_wait3A_115] : memref<4x128xi32, #tpu.memory_space<vmem>> -> memref<1x128xi32, #tpu.memory_space<vmem>>
    %dma_wait3A_117 = tpu.memref_squeeze %dma_wait3A_116 : memref<1x128xi32, #tpu.memory_space<vmem>> -> memref<128xi32, #tpu.memory_space<vmem>>
    %dma_wait3A_118 = arith.constant 0 : i32
    %dma_wait3A_119 = tpu.memref_slice %arg3[%dma_wait3A_118] : memref<100000xf32, #tpu.memory_space<hbm>> -> memref<100000xf32, #tpu.memory_space<hbm>>
    tpu.wait_indirect_dma semaphore(%arg12 : memref<!tpu.dma_semaphore, #tpu.memory_space<semaphore_mem>>) src(%dma_wait3A_119 : memref<100000xf32, #tpu.memory_space<hbm>>) dst(%dma_wait3A_114 : memref<128xf32, #tpu.memory_space<vmem>>)
    %dma_wait3A_120 = arith.constant 2 : i32
    %dma_wait3A_121 = arith.constant 256 : i32
    %dma_wait3A_122 = tpu.memref_slice %arg10[%dma_wait3A_121] : memref<512xf32, #tpu.memory_space<vmem>> -> memref<128xf32, #tpu.memory_space<vmem>>
    %dma_wait3A_123 = arith.constant 0 : i32
    %dma_wait3A_124 = tpu.memref_slice %arg8[%dma_wait3A_120, %dma_wait3A_123] : memref<4x128xi32, #tpu.memory_space<vmem>> -> memref<1x128xi32, #tpu.memory_space<vmem>>
    %dma_wait3A_125 = tpu.memref_squeeze %dma_wait3A_124 : memref<1x128xi32, #tpu.memory_space<vmem>> -> memref<128xi32, #tpu.memory_space<vmem>>
    %dma_wait3A_126 = arith.constant 0 : i32
    %dma_wait3A_127 = tpu.memref_slice %arg2[%dma_wait3A_126] : memref<1000000xf32, #tpu.memory_space<hbm>> -> memref<1000000xf32, #tpu.memory_space<hbm>>
    tpu.wait_indirect_dma semaphore(%arg12 : memref<!tpu.dma_semaphore, #tpu.memory_space<semaphore_mem>>) src(%dma_wait3A_127 : memref<1000000xf32, #tpu.memory_space<hbm>>) dst(%dma_wait3A_122 : memref<128xf32, #tpu.memory_space<vmem>>)
    %dma_wait3A_128 = arith.constant 2 : i32
    %dma_wait3A_129 = arith.constant 256 : i32
    %dma_wait3A_130 = tpu.memref_slice %arg11[%dma_wait3A_129] : memref<512xf32, #tpu.memory_space<vmem>> -> memref<128xf32, #tpu.memory_space<vmem>>
    %dma_wait3A_131 = arith.constant 0 : i32
    %dma_wait3A_132 = tpu.memref_slice %arg9[%dma_wait3A_128, %dma_wait3A_131] : memref<4x128xi32, #tpu.memory_space<vmem>> -> memref<1x128xi32, #tpu.memory_space<vmem>>
    %dma_wait3A_133 = tpu.memref_squeeze %dma_wait3A_132 : memref<1x128xi32, #tpu.memory_space<vmem>> -> memref<128xi32, #tpu.memory_space<vmem>>
    %dma_wait3A_134 = arith.constant 0 : i32
    %dma_wait3A_135 = tpu.memref_slice %arg3[%dma_wait3A_134] : memref<100000xf32, #tpu.memory_space<hbm>> -> memref<100000xf32, #tpu.memory_space<hbm>>
    tpu.wait_indirect_dma semaphore(%arg12 : memref<!tpu.dma_semaphore, #tpu.memory_space<semaphore_mem>>) src(%dma_wait3A_135 : memref<100000xf32, #tpu.memory_space<hbm>>) dst(%dma_wait3A_130 : memref<128xf32, #tpu.memory_space<vmem>>)
    %dma_wait3A_136 = arith.constant 3 : i32
    %dma_wait3A_137 = arith.constant 384 : i32
    %dma_wait3A_138 = tpu.memref_slice %arg10[%dma_wait3A_137] : memref<512xf32, #tpu.memory_space<vmem>> -> memref<128xf32, #tpu.memory_space<vmem>>
    %dma_wait3A_139 = arith.constant 0 : i32
    %dma_wait3A_140 = tpu.memref_slice %arg8[%dma_wait3A_136, %dma_wait3A_139] : memref<4x128xi32, #tpu.memory_space<vmem>> -> memref<1x128xi32, #tpu.memory_space<vmem>>
    %dma_wait3A_141 = tpu.memref_squeeze %dma_wait3A_140 : memref<1x128xi32, #tpu.memory_space<vmem>> -> memref<128xi32, #tpu.memory_space<vmem>>
    %dma_wait3A_142 = arith.constant 0 : i32
    %dma_wait3A_143 = tpu.memref_slice %arg2[%dma_wait3A_142] : memref<1000000xf32, #tpu.memory_space<hbm>> -> memref<1000000xf32, #tpu.memory_space<hbm>>
    tpu.wait_indirect_dma semaphore(%arg12 : memref<!tpu.dma_semaphore, #tpu.memory_space<semaphore_mem>>) src(%dma_wait3A_143 : memref<1000000xf32, #tpu.memory_space<hbm>>) dst(%dma_wait3A_138 : memref<128xf32, #tpu.memory_space<vmem>>)
    %dma_wait3A_144 = arith.constant 3 : i32
    %dma_wait3A_145 = arith.constant 384 : i32
    %dma_wait3A_146 = tpu.memref_slice %arg11[%dma_wait3A_145] : memref<512xf32, #tpu.memory_space<vmem>> -> memref<128xf32, #tpu.memory_space<vmem>>
    %dma_wait3A_147 = arith.constant 0 : i32
    %dma_wait3A_148 = tpu.memref_slice %arg9[%dma_wait3A_144, %dma_wait3A_147] : memref<4x128xi32, #tpu.memory_space<vmem>> -> memref<1x128xi32, #tpu.memory_space<vmem>>
    %dma_wait3A_149 = tpu.memref_squeeze %dma_wait3A_148 : memref<1x128xi32, #tpu.memory_space<vmem>> -> memref<128xi32, #tpu.memory_space<vmem>>
    %dma_wait3A_150 = arith.constant 0 : i32
    %dma_wait3A_151 = tpu.memref_slice %arg3[%dma_wait3A_150] : memref<100000xf32, #tpu.memory_space<hbm>> -> memref<100000xf32, #tpu.memory_space<hbm>>
    tpu.wait_indirect_dma semaphore(%arg12 : memref<!tpu.dma_semaphore, #tpu.memory_space<semaphore_mem>>) src(%dma_wait3A_151 : memref<100000xf32, #tpu.memory_space<hbm>>) dst(%dma_wait3A_146 : memref<128xf32, #tpu.memory_space<vmem>>)
    "tpu.region"() ({
      %run_scoped3A_152 = tpu.sem_alloc : memref<!tpu.dma_semaphore, #tpu.memory_space<semaphore_mem>>
      %dma_start3A_153 = tpu.memref_slice %arg6[%mul3A_2] : memref<16384xf32, #tpu.memory_space<hbm>> -> memref<512xf32, #tpu.memory_space<hbm>>
      %dma_start3A_154 = tpu.memref_slice %arg6[%mul3A_2] : memref<16384xf32, #tpu.memory_space<hbm>> -> memref<512xf32, #tpu.memory_space<hbm>>
      tpu.enqueue_dma source(%arg10 : memref<512xf32, #tpu.memory_space<vmem>>) target(%dma_start3A_154 : memref<512xf32, #tpu.memory_space<hbm>>) target_semaphore(%run_scoped3A_152 : memref<!tpu.dma_semaphore, #tpu.memory_space<semaphore_mem>>)
      %dma_wait3A_155 = tpu.memref_slice %arg6[%mul3A_2] : memref<16384xf32, #tpu.memory_space<hbm>> -> memref<512xf32, #tpu.memory_space<hbm>>
      %dma_wait3A_156 = tpu.memref_slice %arg6[%mul3A_2] : memref<16384xf32, #tpu.memory_space<hbm>> -> memref<512xf32, #tpu.memory_space<hbm>>
      tpu.wait_dma2 semaphore(%run_scoped3A_152 : memref<!tpu.dma_semaphore, #tpu.memory_space<semaphore_mem>>) src(%arg10 : memref<512xf32, #tpu.memory_space<vmem>>) dst(%dma_wait3A_156 : memref<512xf32, #tpu.memory_space<hbm>>)
      tpu.yield
    }) : () -> ()
    "tpu.region"() ({
      %run_scoped3A_152 = tpu.sem_alloc : memref<!tpu.dma_semaphore, #tpu.memory_space<semaphore_mem>>
      %dma_start3A_153 = tpu.memref_slice %arg7[%mul3A_2] : memref<16384xf32, #tpu.memory_space<hbm>> -> memref<512xf32, #tpu.memory_space<hbm>>
      %dma_start3A_154 = tpu.memref_slice %arg7[%mul3A_2] : memref<16384xf32, #tpu.memory_space<hbm>> -> memref<512xf32, #tpu.memory_space<hbm>>
      tpu.enqueue_dma source(%arg11 : memref<512xf32, #tpu.memory_space<vmem>>) target(%dma_start3A_154 : memref<512xf32, #tpu.memory_space<hbm>>) target_semaphore(%run_scoped3A_152 : memref<!tpu.dma_semaphore, #tpu.memory_space<semaphore_mem>>)
      %dma_wait3A_155 = tpu.memref_slice %arg7[%mul3A_2] : memref<16384xf32, #tpu.memory_space<hbm>> -> memref<512xf32, #tpu.memory_space<hbm>>
      %dma_wait3A_156 = tpu.memref_slice %arg7[%mul3A_2] : memref<16384xf32, #tpu.memory_space<hbm>> -> memref<512xf32, #tpu.memory_space<hbm>>
      tpu.wait_dma2 semaphore(%run_scoped3A_152 : memref<!tpu.dma_semaphore, #tpu.memory_space<semaphore_mem>>) src(%arg11 : memref<512xf32, #tpu.memory_space<vmem>>) dst(%dma_wait3A_156 : memref<512xf32, #tpu.memory_space<hbm>>)
      tpu.yield
    }) : () -> ()
    return
  }
}

#map = affine_map<(d0, d1) -> (0, 0)>
#map1 = affine_map<(d0, d1) -> (0)>
module attributes {stable_mosaic.version = 14 : i64} {
  func.func @body(%arg0: i32, %arg1: i32, %arg2: memref<64x1000000xf32, #tpu.memory_space<hbm>>, %arg3: memref<64x100000xf32, #tpu.memory_space<hbm>>, %arg4: memref<64x64xf32, #tpu.memory_space<hbm>>, %arg5: memref<64x32xf32, #tpu.memory_space<hbm>>, %arg6: memref<16384xi32, #tpu.memory_space<hbm>>, %arg7: memref<16384xi32, #tpu.memory_space<hbm>>, %arg8: memref<64x16384xf32, #tpu.memory_space<hbm>>, %arg9: memref<64x16384xf32, #tpu.memory_space<hbm>>, %arg10: memref<16384xi32, #tpu.memory_space<vmem>>, %arg11: memref<2x16384xf32, #tpu.memory_space<vmem>>, %arg12: memref<2x20096xf32, #tpu.memory_space<vmem>>, %arg13: memref<2x20096xf32, #tpu.memory_space<vmem>>, %arg14: memref<2x64xf32, #tpu.memory_space<vmem>>, %arg15: memref<2x32xf32, #tpu.memory_space<vmem>>, %arg16: memref<!tpu.dma_semaphore, #tpu.memory_space<semaphore_mem>>, %arg17: memref<!tpu.dma_semaphore, #tpu.memory_space<semaphore_mem>>) attributes {dimension_semantics = [#tpu.dimension_semantics<core_parallel>, #tpu.dimension_semantics<subcore_parallel>], iteration_bounds = array<i64: 2, 16>, scalar_prefetch = 0 : i64, scratch_operands = 8 : i64, tpu.core_type = #tpu.core_type<sc_vector_subcore>, window_params = [{transform_indices = #map}, {transform_indices = #map}, {transform_indices = #map}, {transform_indices = #map}, {transform_indices = #map1}, {transform_indices = #map1}, {transform_indices = #map}, {transform_indices = #map}]} {
    %mul3A = arith.constant 2 : i32
    %mul3A_0 = arith.muli %arg1, %mul3A : i32
    %add3A = arith.addi %mul3A_0, %arg0 : i32
    %mul3A_1 = arith.constant 2 : i32
    %mul3A_2 = arith.muli %add3A, %mul3A_1 : i32
    "tpu.region"() ({
      %run_scoped3A = tpu.sem_alloc : memref<!tpu.dma_semaphore, #tpu.memory_space<semaphore_mem>>
      tpu.enqueue_dma source(%arg6 : memref<16384xi32, #tpu.memory_space<hbm>>) target(%arg10 : memref<16384xi32, #tpu.memory_space<vmem>>) target_semaphore(%run_scoped3A : memref<!tpu.dma_semaphore, #tpu.memory_space<semaphore_mem>>)
      tpu.wait_dma2 semaphore(%run_scoped3A : memref<!tpu.dma_semaphore, #tpu.memory_space<semaphore_mem>>) src(%arg6 : memref<16384xi32, #tpu.memory_space<hbm>>) dst(%arg10 : memref<16384xi32, #tpu.memory_space<vmem>>)
      tpu.yield
    }) : () -> ()
    %dma_start3A = arith.constant 0 : i32
    %dma_start3A_3 = tpu.memref_slice %arg2[%mul3A_2, %dma_start3A] : memref<64x1000000xf32, #tpu.memory_space<hbm>> -> memref<2x20096xf32, #tpu.memory_space<hbm>>
    %dma_start3A_4 = arith.constant 0 : i32
    %dma_start3A_5 = tpu.memref_slice %arg2[%mul3A_2, %dma_start3A_4] : memref<64x1000000xf32, #tpu.memory_space<hbm>> -> memref<2x20096xf32, #tpu.memory_space<hbm>>
    tpu.enqueue_dma source(%dma_start3A_5 : memref<2x20096xf32, #tpu.memory_space<hbm>>) target(%arg12 : memref<2x20096xf32, #tpu.memory_space<vmem>>) target_semaphore(%arg16 : memref<!tpu.dma_semaphore, #tpu.memory_space<semaphore_mem>>)
    %scan3A = arith.constant 0 : i32
    %scan3A_6 = arith.constant 0 : i32
    %scan3A_7 = arith.constant 24 : i32
    %scan3A_8 = arith.addi %scan3A_6, %scan3A_7 : i32
    %scan3A_9 = arith.constant 1 : i32
    scf.for %scan3A_136 = %scan3A_6 to %scan3A_8 step %scan3A_9  : i32 {
      %mul3A_137 = arith.constant 2 : i32
      %mul3A_138 = arith.muli %mul3A_137, %scan3A_136 : i32
      %add3A_139 = arith.constant 1 : i32
      %add3A_140 = arith.addi %mul3A_138, %add3A_139 : i32
      %mul3A_141 = arith.constant 20096 : i32
      %mul3A_142 = arith.muli %add3A_140, %mul3A_141 : i32
      %dma_start3A_143 = tpu.memref_slice %arg2[%mul3A_2, %mul3A_142] : memref<64x1000000xf32, #tpu.memory_space<hbm>> -> memref<2x20096xf32, #tpu.memory_space<hbm>>
      %dma_start3A_144 = tpu.memref_slice %arg2[%mul3A_2, %mul3A_142] : memref<64x1000000xf32, #tpu.memory_space<hbm>> -> memref<2x20096xf32, #tpu.memory_space<hbm>>
      tpu.enqueue_dma source(%dma_start3A_144 : memref<2x20096xf32, #tpu.memory_space<hbm>>) target(%arg13 : memref<2x20096xf32, #tpu.memory_space<vmem>>) target_semaphore(%arg17 : memref<!tpu.dma_semaphore, #tpu.memory_space<semaphore_mem>>)
      %dma_wait3A_145 = arith.constant 0 : i32
      %dma_wait3A_146 = tpu.memref_slice %arg2[%mul3A_2, %dma_wait3A_145] : memref<64x1000000xf32, #tpu.memory_space<hbm>> -> memref<2x20096xf32, #tpu.memory_space<hbm>>
      %dma_wait3A_147 = arith.constant 0 : i32
      %dma_wait3A_148 = tpu.memref_slice %arg2[%mul3A_2, %dma_wait3A_147] : memref<64x1000000xf32, #tpu.memory_space<hbm>> -> memref<2x20096xf32, #tpu.memory_space<hbm>>
      tpu.wait_dma2 semaphore(%arg16 : memref<!tpu.dma_semaphore, #tpu.memory_space<semaphore_mem>>) src(%dma_wait3A_148 : memref<2x20096xf32, #tpu.memory_space<hbm>>) dst(%arg12 : memref<2x20096xf32, #tpu.memory_space<vmem>>)
      %mul3A_149 = arith.constant 20096 : i32
      %mul3A_150 = arith.muli %mul3A_138, %mul3A_149 : i32
      %parallel_loop3A_151 = arith.constant 0 : i32
      %parallel_loop3A_152 = arith.constant 1024 : i32
      %parallel_loop3A_153 = arith.constant 1 : i32
      %parallel_loop3A_154 = arith.constant 20096 : i32
      scf.for %parallel_loop3A_173 = %parallel_loop3A_151 to %parallel_loop3A_152 step %parallel_loop3A_153  : i32 {
        %parallel_loop3A_174 = arith.constant 16 : i32
        %parallel_loop3A_175 = arith.muli %parallel_loop3A_173, %parallel_loop3A_174 : i32
        %parallel_loop3A_176 = arith.index_cast %parallel_loop3A_175 : i32 to index
        %parallel_loop3A_177 = tpu.vector_load %arg10[%parallel_loop3A_176] {strides = array<i32>} : memref<16384xi32, #tpu.memory_space<vmem>>, vector<16xi32>,
        %parallel_loop3A_178 = vector.broadcast %mul3A_150 : i32 to vector<16xi32>
        %parallel_loop3A_179 = arith.subi %parallel_loop3A_177, %parallel_loop3A_178 : vector<16xi32>
        %parallel_loop3A_180 = vector.bitcast %parallel_loop3A_179 : vector<16xi32> to vector<16xi32>
        %parallel_loop3A_181 = vector.broadcast %parallel_loop3A_154 : i32 to vector<16xi32>
        %parallel_loop3A_182 = arith.cmpi ult, %parallel_loop3A_180, %parallel_loop3A_181 : vector<16xi32>
        %parallel_loop3A_183 = tpu.iota {dimensions = array<i32: 0>} : vector<16xi32>
        %parallel_loop3A_184 = arith.constant 16 : i32
        %parallel_loop3A_185 = arith.muli %parallel_loop3A_173, %parallel_loop3A_184 : i32
        %parallel_loop3A_186 = vector.broadcast %parallel_loop3A_185 : i32 to vector<16xi32>
        %parallel_loop3A_187 = arith.addi %parallel_loop3A_183, %parallel_loop3A_186 : vector<16xi32>
        %parallel_loop3A_188 = arith.constant 0 : i32
        %parallel_loop3A_189 = vector.broadcast %parallel_loop3A_188 : i32 to vector<16xi32>
        %parallel_loop3A_190 = arith.constant 1 : i32
        %parallel_loop3A_191 = vector.broadcast %parallel_loop3A_190 : i32 to vector<16xi32>
        %parallel_loop3A_192 = tpu.vector_load_idx %arg12[%parallel_loop3A_189, %parallel_loop3A_179] masked %parallel_loop3A_182 : memref<2x20096xf32, #tpu.memory_space<vmem>>[vector<16xi32>, vector<16xi32>], vector<16xf32>, vector<16xi1>
        %parallel_loop3A_193 = tpu.vector_load_idx %arg12[%parallel_loop3A_191, %parallel_loop3A_179] masked %parallel_loop3A_182 : memref<2x20096xf32, #tpu.memory_space<vmem>>[vector<16xi32>, vector<16xi32>], vector<16xf32>, vector<16xi1>
        tpu.vector_store_idx %arg11[%parallel_loop3A_189, %parallel_loop3A_187], %parallel_loop3A_192 masked %parallel_loop3A_182 : memref<2x16384xf32, #tpu.memory_space<vmem>>[vector<16xi32>, vector<16xi32>], vector<16xf32>, vector<16xi1>
        tpu.vector_store_idx %arg11[%parallel_loop3A_191, %parallel_loop3A_187], %parallel_loop3A_193 masked %parallel_loop3A_182 : memref<2x16384xf32, #tpu.memory_space<vmem>>[vector<16xi32>, vector<16xi32>], vector<16xf32>, vector<16xi1>
      } {sc.loop_unroll_factor = 8 : i64, sc.parallel_access}
      %add3A_155 = arith.constant 2 : i32
      %add3A_156 = arith.addi %mul3A_138, %add3A_155 : i32
      %mul3A_157 = arith.constant 20096 : i32
      %mul3A_158 = arith.muli %add3A_156, %mul3A_157 : i32
      %dma_start3A_159 = tpu.memref_slice %arg2[%mul3A_2, %mul3A_158] : memref<64x1000000xf32, #tpu.memory_space<hbm>> -> memref<2x20096xf32, #tpu.memory_space<hbm>>
      %dma_start3A_160 = tpu.memref_slice %arg2[%mul3A_2, %mul3A_158] : memref<64x1000000xf32, #tpu.memory_space<hbm>> -> memref<2x20096xf32, #tpu.memory_space<hbm>>
      tpu.enqueue_dma source(%dma_start3A_160 : memref<2x20096xf32, #tpu.memory_space<hbm>>) target(%arg12 : memref<2x20096xf32, #tpu.memory_space<vmem>>) target_semaphore(%arg16 : memref<!tpu.dma_semaphore, #tpu.memory_space<semaphore_mem>>)
      %dma_wait3A_161 = arith.constant 0 : i32
      %dma_wait3A_162 = tpu.memref_slice %arg2[%mul3A_2, %dma_wait3A_161] : memref<64x1000000xf32, #tpu.memory_space<hbm>> -> memref<2x20096xf32, #tpu.memory_space<hbm>>
      %dma_wait3A_163 = arith.constant 0 : i32
      %dma_wait3A_164 = tpu.memref_slice %arg2[%mul3A_2, %dma_wait3A_163] : memref<64x1000000xf32, #tpu.memory_space<hbm>> -> memref<2x20096xf32, #tpu.memory_space<hbm>>
      tpu.wait_dma2 semaphore(%arg17 : memref<!tpu.dma_semaphore, #tpu.memory_space<semaphore_mem>>) src(%dma_wait3A_164 : memref<2x20096xf32, #tpu.memory_space<hbm>>) dst(%arg13 : memref<2x20096xf32, #tpu.memory_space<vmem>>)
      %add3A_165 = arith.constant 1 : i32
      %add3A_166 = arith.addi %mul3A_138, %add3A_165 : i32
      %mul3A_167 = arith.constant 20096 : i32
      %mul3A_168 = arith.muli %add3A_166, %mul3A_167 : i32
      %parallel_loop3A_169 = arith.constant 0 : i32
      %parallel_loop3A_170 = arith.constant 1024 : i32
      %parallel_loop3A_171 = arith.constant 1 : i32
      %parallel_loop3A_172 = arith.constant 20096 : i32
      scf.for %parallel_loop3A_173 = %parallel_loop3A_169 to %parallel_loop3A_170 step %parallel_loop3A_171  : i32 {
        %parallel_loop3A_174 = arith.constant 16 : i32
        %parallel_loop3A_175 = arith.muli %parallel_loop3A_173, %parallel_loop3A_174 : i32
        %parallel_loop3A_176 = arith.index_cast %parallel_loop3A_175 : i32 to index
        %parallel_loop3A_177 = tpu.vector_load %arg10[%parallel_loop3A_176] {strides = array<i32>} : memref<16384xi32, #tpu.memory_space<vmem>>, vector<16xi32>,
        %parallel_loop3A_178 = vector.broadcast %mul3A_168 : i32 to vector<16xi32>
        %parallel_loop3A_179 = arith.subi %parallel_loop3A_177, %parallel_loop3A_178 : vector<16xi32>
        %parallel_loop3A_180 = vector.bitcast %parallel_loop3A_179 : vector<16xi32> to vector<16xi32>
        %parallel_loop3A_181 = vector.broadcast %parallel_loop3A_172 : i32 to vector<16xi32>
        %parallel_loop3A_182 = arith.cmpi ult, %parallel_loop3A_180, %parallel_loop3A_181 : vector<16xi32>
        %parallel_loop3A_183 = tpu.iota {dimensions = array<i32: 0>} : vector<16xi32>
        %parallel_loop3A_184 = arith.constant 16 : i32
        %parallel_loop3A_185 = arith.muli %parallel_loop3A_173, %parallel_loop3A_184 : i32
        %parallel_loop3A_186 = vector.broadcast %parallel_loop3A_185 : i32 to vector<16xi32>
        %parallel_loop3A_187 = arith.addi %parallel_loop3A_183, %parallel_loop3A_186 : vector<16xi32>
        %parallel_loop3A_188 = arith.constant 0 : i32
        %parallel_loop3A_189 = vector.broadcast %parallel_loop3A_188 : i32 to vector<16xi32>
        %parallel_loop3A_190 = arith.constant 1 : i32
        %parallel_loop3A_191 = vector.broadcast %parallel_loop3A_190 : i32 to vector<16xi32>
        %parallel_loop3A_192 = tpu.vector_load_idx %arg13[%parallel_loop3A_189, %parallel_loop3A_179] masked %parallel_loop3A_182 : memref<2x20096xf32, #tpu.memory_space<vmem>>[vector<16xi32>, vector<16xi32>], vector<16xf32>, vector<16xi1>
        %parallel_loop3A_193 = tpu.vector_load_idx %arg13[%parallel_loop3A_191, %parallel_loop3A_179] masked %parallel_loop3A_182 : memref<2x20096xf32, #tpu.memory_space<vmem>>[vector<16xi32>, vector<16xi32>], vector<16xf32>, vector<16xi1>
        tpu.vector_store_idx %arg11[%parallel_loop3A_189, %parallel_loop3A_187], %parallel_loop3A_192 masked %parallel_loop3A_182 : memref<2x16384xf32, #tpu.memory_space<vmem>>[vector<16xi32>, vector<16xi32>], vector<16xf32>, vector<16xi1>
        tpu.vector_store_idx %arg11[%parallel_loop3A_191, %parallel_loop3A_187], %parallel_loop3A_193 masked %parallel_loop3A_182 : memref<2x16384xf32, #tpu.memory_space<vmem>>[vector<16xi32>, vector<16xi32>], vector<16xf32>, vector<16xi1>
      } {sc.loop_unroll_factor = 8 : i64, sc.parallel_access}
    }
    %scan3A_10 = arith.constant 24 : i32
    %dma_start3A_11 = arith.constant 0 : i32
    %dma_start3A_12 = arith.constant 0 : i32
    %dma_start3A_13 = tpu.memref_slice %arg13[%dma_start3A_11, %dma_start3A_12] : memref<2x20096xf32, #tpu.memory_space<vmem>> -> memref<2x15232xf32, #tpu.memory_space<vmem>>
    %dma_start3A_14 = arith.constant 984704 : i32
    %dma_start3A_15 = tpu.memref_slice %arg2[%mul3A_2, %dma_start3A_14] : memref<64x1000000xf32, #tpu.memory_space<hbm>> -> memref<2x15232xf32, #tpu.memory_space<hbm>>
    %dma_start3A_16 = arith.constant 0 : i32
    %dma_start3A_17 = arith.constant 0 : i32
    %dma_start3A_18 = tpu.memref_slice %arg13[%dma_start3A_16, %dma_start3A_17] : memref<2x20096xf32, #tpu.memory_space<vmem>> -> memref<2x15232xf32, #tpu.memory_space<vmem>>
    %dma_start3A_19 = arith.constant 984704 : i32
    %dma_start3A_20 = tpu.memref_slice %arg2[%mul3A_2, %dma_start3A_19] : memref<64x1000000xf32, #tpu.memory_space<hbm>> -> memref<2x15232xf32, #tpu.memory_space<hbm>>
    tpu.enqueue_dma source(%dma_start3A_20 : memref<2x15232xf32, #tpu.memory_space<hbm>>) target(%dma_start3A_18 : memref<2x15232xf32, #tpu.memory_space<vmem>>) target_semaphore(%arg17 : memref<!tpu.dma_semaphore, #tpu.memory_space<semaphore_mem>>)
    %dma_wait3A = arith.constant 0 : i32
    %dma_wait3A_21 = tpu.memref_slice %arg2[%mul3A_2, %dma_wait3A] : memref<64x1000000xf32, #tpu.memory_space<hbm>> -> memref<2x20096xf32, #tpu.memory_space<hbm>>
    %dma_wait3A_22 = arith.constant 0 : i32
    %dma_wait3A_23 = tpu.memref_slice %arg2[%mul3A_2, %dma_wait3A_22] : memref<64x1000000xf32, #tpu.memory_space<hbm>> -> memref<2x20096xf32, #tpu.memory_space<hbm>>
    tpu.wait_dma2 semaphore(%arg16 : memref<!tpu.dma_semaphore, #tpu.memory_space<semaphore_mem>>) src(%dma_wait3A_23 : memref<2x20096xf32, #tpu.memory_space<hbm>>) dst(%arg12 : memref<2x20096xf32, #tpu.memory_space<vmem>>)
    %parallel_loop3A = arith.constant 0 : i32
    %parallel_loop3A_24 = arith.constant 1024 : i32
    %parallel_loop3A_25 = arith.constant 1 : i32
    %parallel_loop3A_26 = arith.constant 20096 : i32
    scf.for %parallel_loop3A_136 = %parallel_loop3A to %parallel_loop3A_24 step %parallel_loop3A_25  : i32 {
      %parallel_loop3A_137 = arith.constant 16 : i32
      %parallel_loop3A_138 = arith.muli %parallel_loop3A_136, %parallel_loop3A_137 : i32
      %parallel_loop3A_139 = arith.index_cast %parallel_loop3A_138 : i32 to index
      %parallel_loop3A_140 = tpu.vector_load %arg10[%parallel_loop3A_139] {strides = array<i32>} : memref<16384xi32, #tpu.memory_space<vmem>>, vector<16xi32>,
      %parallel_loop3A_141 = arith.constant 964608 : i32
      %parallel_loop3A_142 = vector.broadcast %parallel_loop3A_141 : i32 to vector<16xi32>
      %parallel_loop3A_143 = arith.subi %parallel_loop3A_140, %parallel_loop3A_142 : vector<16xi32>
      %parallel_loop3A_144 = vector.bitcast %parallel_loop3A_143 : vector<16xi32> to vector<16xi32>
      %parallel_loop3A_145 = vector.broadcast %parallel_loop3A_26 : i32 to vector<16xi32>
      %parallel_loop3A_146 = arith.cmpi ult, %parallel_loop3A_144, %parallel_loop3A_145 : vector<16xi32>
      %parallel_loop3A_147 = tpu.iota {dimensions = array<i32: 0>} : vector<16xi32>
      %parallel_loop3A_148 = arith.constant 16 : i32
      %parallel_loop3A_149 = arith.muli %parallel_loop3A_136, %parallel_loop3A_148 : i32
      %parallel_loop3A_150 = vector.broadcast %parallel_loop3A_149 : i32 to vector<16xi32>
      %parallel_loop3A_151 = arith.addi %parallel_loop3A_147, %parallel_loop3A_150 : vector<16xi32>
      %parallel_loop3A_152 = arith.constant 0 : i32
      %parallel_loop3A_153 = vector.broadcast %parallel_loop3A_152 : i32 to vector<16xi32>
      %parallel_loop3A_154 = arith.constant 1 : i32
      %parallel_loop3A_155 = vector.broadcast %parallel_loop3A_154 : i32 to vector<16xi32>
      %parallel_loop3A_156 = tpu.vector_load_idx %arg12[%parallel_loop3A_153, %parallel_loop3A_143] masked %parallel_loop3A_146 : memref<2x20096xf32, #tpu.memory_space<vmem>>[vector<16xi32>, vector<16xi32>], vector<16xf32>, vector<16xi1>
      %parallel_loop3A_157 = tpu.vector_load_idx %arg12[%parallel_loop3A_155, %parallel_loop3A_143] masked %parallel_loop3A_146 : memref<2x20096xf32, #tpu.memory_space<vmem>>[vector<16xi32>, vector<16xi32>], vector<16xf32>, vector<16xi1>
      tpu.vector_store_idx %arg11[%parallel_loop3A_153, %parallel_loop3A_151], %parallel_loop3A_156 masked %parallel_loop3A_146 : memref<2x16384xf32, #tpu.memory_space<vmem>>[vector<16xi32>, vector<16xi32>], vector<16xf32>, vector<16xi1>
      tpu.vector_store_idx %arg11[%parallel_loop3A_155, %parallel_loop3A_151], %parallel_loop3A_157 masked %parallel_loop3A_146 : memref<2x16384xf32, #tpu.memory_space<vmem>>[vector<16xi32>, vector<16xi32>], vector<16xf32>, vector<16xi1>
    } {sc.loop_unroll_factor = 8 : i64, sc.parallel_access}
    %dma_wait3A_27 = arith.constant 0 : i32
    %dma_wait3A_28 = arith.constant 0 : i32
    %dma_wait3A_29 = tpu.memref_slice %arg13[%dma_wait3A_27, %dma_wait3A_28] : memref<2x20096xf32, #tpu.memory_space<vmem>> -> memref<2x15232xf32, #tpu.memory_space<vmem>>
    %dma_wait3A_30 = arith.constant 0 : i32
    %dma_wait3A_31 = tpu.memref_slice %arg2[%mul3A_2, %dma_wait3A_30] : memref<64x1000000xf32, #tpu.memory_space<hbm>> -> memref<2x15232xf32, #tpu.memory_space<hbm>>
    %dma_wait3A_32 = arith.constant 0 : i32
    %dma_wait3A_33 = arith.constant 0 : i32
    %dma_wait3A_34 = tpu.memref_slice %arg13[%dma_wait3A_32, %dma_wait3A_33] : memref<2x20096xf32, #tpu.memory_space<vmem>> -> memref<2x15232xf32, #tpu.memory_space<vmem>>
    %dma_wait3A_35 = arith.constant 0 : i32
    %dma_wait3A_36 = tpu.memref_slice %arg2[%mul3A_2, %dma_wait3A_35] : memref<64x1000000xf32, #tpu.memory_space<hbm>> -> memref<2x15232xf32, #tpu.memory_space<hbm>>
    tpu.wait_dma2 semaphore(%arg17 : memref<!tpu.dma_semaphore, #tpu.memory_space<semaphore_mem>>) src(%dma_wait3A_36 : memref<2x15232xf32, #tpu.memory_space<hbm>>) dst(%dma_wait3A_34 : memref<2x15232xf32, #tpu.memory_space<vmem>>)
    %parallel_loop3A_37 = arith.constant 0 : i32
    %parallel_loop3A_38 = arith.constant 1024 : i32
    %parallel_loop3A_39 = arith.constant 1 : i32
    %parallel_loop3A_40 = arith.constant 15232 : i32
    scf.for %parallel_loop3A_136 = %parallel_loop3A_37 to %parallel_loop3A_38 step %parallel_loop3A_39  : i32 {
      %parallel_loop3A_137 = arith.constant 16 : i32
      %parallel_loop3A_138 = arith.muli %parallel_loop3A_136, %parallel_loop3A_137 : i32
      %parallel_loop3A_139 = arith.index_cast %parallel_loop3A_138 : i32 to index
      %parallel_loop3A_140 = tpu.vector_load %arg10[%parallel_loop3A_139] {strides = array<i32>} : memref<16384xi32, #tpu.memory_space<vmem>>, vector<16xi32>,
      %parallel_loop3A_141 = arith.constant 984704 : i32
      %parallel_loop3A_142 = vector.broadcast %parallel_loop3A_141 : i32 to vector<16xi32>
      %parallel_loop3A_143 = arith.subi %parallel_loop3A_140, %parallel_loop3A_142 : vector<16xi32>
      %parallel_loop3A_144 = vector.bitcast %parallel_loop3A_143 : vector<16xi32> to vector<16xi32>
      %parallel_loop3A_145 = vector.broadcast %parallel_loop3A_40 : i32 to vector<16xi32>
      %parallel_loop3A_146 = arith.cmpi ult, %parallel_loop3A_144, %parallel_loop3A_145 : vector<16xi32>
      %parallel_loop3A_147 = tpu.iota {dimensions = array<i32: 0>} : vector<16xi32>
      %parallel_loop3A_148 = arith.constant 16 : i32
      %parallel_loop3A_149 = arith.muli %parallel_loop3A_136, %parallel_loop3A_148 : i32
      %parallel_loop3A_150 = vector.broadcast %parallel_loop3A_149 : i32 to vector<16xi32>
      %parallel_loop3A_151 = arith.addi %parallel_loop3A_147, %parallel_loop3A_150 : vector<16xi32>
      %parallel_loop3A_152 = arith.constant 0 : i32
      %parallel_loop3A_153 = vector.broadcast %parallel_loop3A_152 : i32 to vector<16xi32>
      %parallel_loop3A_154 = arith.constant 1 : i32
      %parallel_loop3A_155 = vector.broadcast %parallel_loop3A_154 : i32 to vector<16xi32>
      %parallel_loop3A_156 = tpu.vector_load_idx %arg13[%parallel_loop3A_153, %parallel_loop3A_143] masked %parallel_loop3A_146 : memref<2x20096xf32, #tpu.memory_space<vmem>>[vector<16xi32>, vector<16xi32>], vector<16xf32>, vector<16xi1>
      %parallel_loop3A_157 = tpu.vector_load_idx %arg13[%parallel_loop3A_155, %parallel_loop3A_143] masked %parallel_loop3A_146 : memref<2x20096xf32, #tpu.memory_space<vmem>>[vector<16xi32>, vector<16xi32>], vector<16xf32>, vector<16xi1>
      tpu.vector_store_idx %arg11[%parallel_loop3A_153, %parallel_loop3A_151], %parallel_loop3A_156 masked %parallel_loop3A_146 : memref<2x16384xf32, #tpu.memory_space<vmem>>[vector<16xi32>, vector<16xi32>], vector<16xf32>, vector<16xi1>
      tpu.vector_store_idx %arg11[%parallel_loop3A_155, %parallel_loop3A_151], %parallel_loop3A_157 masked %parallel_loop3A_146 : memref<2x16384xf32, #tpu.memory_space<vmem>>[vector<16xi32>, vector<16xi32>], vector<16xf32>, vector<16xi1>
    } {sc.loop_unroll_factor = 8 : i64, sc.parallel_access}
    "tpu.region"() ({
      %run_scoped3A = tpu.sem_alloc : memref<!tpu.dma_semaphore, #tpu.memory_space<semaphore_mem>>
      %dma_start3A_136 = arith.constant 0 : i32
      %dma_start3A_137 = tpu.memref_slice %arg4[%mul3A_2, %dma_start3A_136] : memref<64x64xf32, #tpu.memory_space<hbm>> -> memref<2x64xf32, #tpu.memory_space<hbm>>
      %dma_start3A_138 = arith.constant 0 : i32
      %dma_start3A_139 = tpu.memref_slice %arg4[%mul3A_2, %dma_start3A_138] : memref<64x64xf32, #tpu.memory_space<hbm>> -> memref<2x64xf32, #tpu.memory_space<hbm>>
      tpu.enqueue_dma source(%dma_start3A_139 : memref<2x64xf32, #tpu.memory_space<hbm>>) target(%arg14 : memref<2x64xf32, #tpu.memory_space<vmem>>) target_semaphore(%run_scoped3A : memref<!tpu.dma_semaphore, #tpu.memory_space<semaphore_mem>>)
      %dma_wait3A_140 = arith.constant 0 : i32
      %dma_wait3A_141 = tpu.memref_slice %arg4[%mul3A_2, %dma_wait3A_140] : memref<64x64xf32, #tpu.memory_space<hbm>> -> memref<2x64xf32, #tpu.memory_space<hbm>>
      %dma_wait3A_142 = arith.constant 0 : i32
      %dma_wait3A_143 = tpu.memref_slice %arg4[%mul3A_2, %dma_wait3A_142] : memref<64x64xf32, #tpu.memory_space<hbm>> -> memref<2x64xf32, #tpu.memory_space<hbm>>
      tpu.wait_dma2 semaphore(%run_scoped3A : memref<!tpu.dma_semaphore, #tpu.memory_space<semaphore_mem>>) src(%dma_wait3A_143 : memref<2x64xf32, #tpu.memory_space<hbm>>) dst(%arg14 : memref<2x64xf32, #tpu.memory_space<vmem>>)
      tpu.yield
    }) : () -> ()
    %parallel_loop3A_41 = arith.constant 0 : i32
    %parallel_loop3A_42 = arith.constant 1024 : i32
    %parallel_loop3A_43 = arith.constant 1 : i32
    %parallel_loop3A_44 = arith.constant 64 : i32
    scf.for %parallel_loop3A_136 = %parallel_loop3A_41 to %parallel_loop3A_42 step %parallel_loop3A_43  : i32 {
      %parallel_loop3A_137 = arith.constant 16 : i32
      %parallel_loop3A_138 = arith.muli %parallel_loop3A_136, %parallel_loop3A_137 : i32
      %parallel_loop3A_139 = arith.index_cast %parallel_loop3A_138 : i32 to index
      %parallel_loop3A_140 = tpu.vector_load %arg10[%parallel_loop3A_139] {strides = array<i32>} : memref<16384xi32, #tpu.memory_space<vmem>>, vector<16xi32>,
      %parallel_loop3A_141 = arith.constant 999936 : i32
      %parallel_loop3A_142 = vector.broadcast %parallel_loop3A_141 : i32 to vector<16xi32>
      %parallel_loop3A_143 = arith.subi %parallel_loop3A_140, %parallel_loop3A_142 : vector<16xi32>
      %parallel_loop3A_144 = vector.bitcast %parallel_loop3A_143 : vector<16xi32> to vector<16xi32>
      %parallel_loop3A_145 = vector.broadcast %parallel_loop3A_44 : i32 to vector<16xi32>
      %parallel_loop3A_146 = arith.cmpi ult, %parallel_loop3A_144, %parallel_loop3A_145 : vector<16xi32>
      %parallel_loop3A_147 = tpu.iota {dimensions = array<i32: 0>} : vector<16xi32>
      %parallel_loop3A_148 = arith.constant 16 : i32
      %parallel_loop3A_149 = arith.muli %parallel_loop3A_136, %parallel_loop3A_148 : i32
      %parallel_loop3A_150 = vector.broadcast %parallel_loop3A_149 : i32 to vector<16xi32>
      %parallel_loop3A_151 = arith.addi %parallel_loop3A_147, %parallel_loop3A_150 : vector<16xi32>
      %parallel_loop3A_152 = arith.constant 0 : i32
      %parallel_loop3A_153 = vector.broadcast %parallel_loop3A_152 : i32 to vector<16xi32>
      %parallel_loop3A_154 = arith.constant 1 : i32
      %parallel_loop3A_155 = vector.broadcast %parallel_loop3A_154 : i32 to vector<16xi32>
      %parallel_loop3A_156 = tpu.vector_load_idx %arg14[%parallel_loop3A_153, %parallel_loop3A_143] masked %parallel_loop3A_146 : memref<2x64xf32, #tpu.memory_space<vmem>>[vector<16xi32>, vector<16xi32>], vector<16xf32>, vector<16xi1>
      %parallel_loop3A_157 = tpu.vector_load_idx %arg14[%parallel_loop3A_155, %parallel_loop3A_143] masked %parallel_loop3A_146 : memref<2x64xf32, #tpu.memory_space<vmem>>[vector<16xi32>, vector<16xi32>], vector<16xf32>, vector<16xi1>
      tpu.vector_store_idx %arg11[%parallel_loop3A_153, %parallel_loop3A_151], %parallel_loop3A_156 masked %parallel_loop3A_146 : memref<2x16384xf32, #tpu.memory_space<vmem>>[vector<16xi32>, vector<16xi32>], vector<16xf32>, vector<16xi1>
      tpu.vector_store_idx %arg11[%parallel_loop3A_155, %parallel_loop3A_151], %parallel_loop3A_157 masked %parallel_loop3A_146 : memref<2x16384xf32, #tpu.memory_space<vmem>>[vector<16xi32>, vector<16xi32>], vector<16xf32>, vector<16xi1>
    } {sc.loop_unroll_factor = 8 : i64, sc.parallel_access}
    "tpu.region"() ({
      %run_scoped3A = tpu.sem_alloc : memref<!tpu.dma_semaphore, #tpu.memory_space<semaphore_mem>>
      %dma_start3A_136 = arith.constant 0 : i32
      %dma_start3A_137 = tpu.memref_slice %arg8[%mul3A_2, %dma_start3A_136] : memref<64x16384xf32, #tpu.memory_space<hbm>> -> memref<2x16384xf32, #tpu.memory_space<hbm>>
      %dma_start3A_138 = arith.constant 0 : i32
      %dma_start3A_139 = tpu.memref_slice %arg8[%mul3A_2, %dma_start3A_138] : memref<64x16384xf32, #tpu.memory_space<hbm>> -> memref<2x16384xf32, #tpu.memory_space<hbm>>
      tpu.enqueue_dma source(%arg11 : memref<2x16384xf32, #tpu.memory_space<vmem>>) target(%dma_start3A_139 : memref<2x16384xf32, #tpu.memory_space<hbm>>) target_semaphore(%run_scoped3A : memref<!tpu.dma_semaphore, #tpu.memory_space<semaphore_mem>>)
      %dma_wait3A_140 = arith.constant 0 : i32
      %dma_wait3A_141 = tpu.memref_slice %arg8[%mul3A_2, %dma_wait3A_140] : memref<64x16384xf32, #tpu.memory_space<hbm>> -> memref<2x16384xf32, #tpu.memory_space<hbm>>
      %dma_wait3A_142 = arith.constant 0 : i32
      %dma_wait3A_143 = tpu.memref_slice %arg8[%mul3A_2, %dma_wait3A_142] : memref<64x16384xf32, #tpu.memory_space<hbm>> -> memref<2x16384xf32, #tpu.memory_space<hbm>>
      tpu.wait_dma2 semaphore(%run_scoped3A : memref<!tpu.dma_semaphore, #tpu.memory_space<semaphore_mem>>) src(%arg11 : memref<2x16384xf32, #tpu.memory_space<vmem>>) dst(%dma_wait3A_143 : memref<2x16384xf32, #tpu.memory_space<hbm>>)
      tpu.yield
    }) : () -> ()
    "tpu.region"() ({
      %run_scoped3A = tpu.sem_alloc : memref<!tpu.dma_semaphore, #tpu.memory_space<semaphore_mem>>
      tpu.enqueue_dma source(%arg7 : memref<16384xi32, #tpu.memory_space<hbm>>) target(%arg10 : memref<16384xi32, #tpu.memory_space<vmem>>) target_semaphore(%run_scoped3A : memref<!tpu.dma_semaphore, #tpu.memory_space<semaphore_mem>>)
      tpu.wait_dma2 semaphore(%run_scoped3A : memref<!tpu.dma_semaphore, #tpu.memory_space<semaphore_mem>>) src(%arg7 : memref<16384xi32, #tpu.memory_space<hbm>>) dst(%arg10 : memref<16384xi32, #tpu.memory_space<vmem>>)
      tpu.yield
    }) : () -> ()
    %dma_start3A_45 = arith.constant 0 : i32
    %dma_start3A_46 = tpu.memref_slice %arg3[%mul3A_2, %dma_start3A_45] : memref<64x100000xf32, #tpu.memory_space<hbm>> -> memref<2x20096xf32, #tpu.memory_space<hbm>>
    %dma_start3A_47 = arith.constant 0 : i32
    %dma_start3A_48 = tpu.memref_slice %arg3[%mul3A_2, %dma_start3A_47] : memref<64x100000xf32, #tpu.memory_space<hbm>> -> memref<2x20096xf32, #tpu.memory_space<hbm>>
    tpu.enqueue_dma source(%dma_start3A_48 : memref<2x20096xf32, #tpu.memory_space<hbm>>) target(%arg12 : memref<2x20096xf32, #tpu.memory_space<vmem>>) target_semaphore(%arg16 : memref<!tpu.dma_semaphore, #tpu.memory_space<semaphore_mem>>)
    %scan3A_49 = arith.constant 0 : i32
    %scan3A_50 = arith.constant 0 : i32
    %mul3A_51 = arith.constant 2 : i32
    %mul3A_52 = arith.muli %mul3A_51, %scan3A_50 : i32
    %add3A_53 = arith.constant 1 : i32
    %add3A_54 = arith.addi %mul3A_52, %add3A_53 : i32
    %mul3A_55 = arith.constant 20096 : i32
    %mul3A_56 = arith.muli %add3A_54, %mul3A_55 : i32
    %dma_start3A_57 = tpu.memref_slice %arg3[%mul3A_2, %mul3A_56] : memref<64x100000xf32, #tpu.memory_space<hbm>> -> memref<2x20096xf32, #tpu.memory_space<hbm>>
    %dma_start3A_58 = tpu.memref_slice %arg3[%mul3A_2, %mul3A_56] : memref<64x100000xf32, #tpu.memory_space<hbm>> -> memref<2x20096xf32, #tpu.memory_space<hbm>>
    tpu.enqueue_dma source(%dma_start3A_58 : memref<2x20096xf32, #tpu.memory_space<hbm>>) target(%arg13 : memref<2x20096xf32, #tpu.memory_space<vmem>>) target_semaphore(%arg17 : memref<!tpu.dma_semaphore, #tpu.memory_space<semaphore_mem>>)
    %dma_wait3A_59 = arith.constant 0 : i32
    %dma_wait3A_60 = tpu.memref_slice %arg3[%mul3A_2, %dma_wait3A_59] : memref<64x100000xf32, #tpu.memory_space<hbm>> -> memref<2x20096xf32, #tpu.memory_space<hbm>>
    %dma_wait3A_61 = arith.constant 0 : i32
    %dma_wait3A_62 = tpu.memref_slice %arg3[%mul3A_2, %dma_wait3A_61] : memref<64x100000xf32, #tpu.memory_space<hbm>> -> memref<2x20096xf32, #tpu.memory_space<hbm>>
    tpu.wait_dma2 semaphore(%arg16 : memref<!tpu.dma_semaphore, #tpu.memory_space<semaphore_mem>>) src(%dma_wait3A_62 : memref<2x20096xf32, #tpu.memory_space<hbm>>) dst(%arg12 : memref<2x20096xf32, #tpu.memory_space<vmem>>)
    %mul3A_63 = arith.constant 20096 : i32
    %mul3A_64 = arith.muli %mul3A_52, %mul3A_63 : i32
    %parallel_loop3A_65 = arith.constant 0 : i32
    %parallel_loop3A_66 = arith.constant 1024 : i32
    %parallel_loop3A_67 = arith.constant 1 : i32
    %parallel_loop3A_68 = arith.constant 20096 : i32
    scf.for %parallel_loop3A_136 = %parallel_loop3A_65 to %parallel_loop3A_66 step %parallel_loop3A_67  : i32 {
      %parallel_loop3A_137 = arith.constant 16 : i32
      %parallel_loop3A_138 = arith.muli %parallel_loop3A_136, %parallel_loop3A_137 : i32
      %parallel_loop3A_139 = arith.index_cast %parallel_loop3A_138 : i32 to index
      %parallel_loop3A_140 = tpu.vector_load %arg10[%parallel_loop3A_139] {strides = array<i32>} : memref<16384xi32, #tpu.memory_space<vmem>>, vector<16xi32>,
      %parallel_loop3A_141 = vector.broadcast %mul3A_64 : i32 to vector<16xi32>
      %parallel_loop3A_142 = arith.subi %parallel_loop3A_140, %parallel_loop3A_141 : vector<16xi32>
      %parallel_loop3A_143 = vector.bitcast %parallel_loop3A_142 : vector<16xi32> to vector<16xi32>
      %parallel_loop3A_144 = vector.broadcast %parallel_loop3A_68 : i32 to vector<16xi32>
      %parallel_loop3A_145 = arith.cmpi ult, %parallel_loop3A_143, %parallel_loop3A_144 : vector<16xi32>
      %parallel_loop3A_146 = tpu.iota {dimensions = array<i32: 0>} : vector<16xi32>
      %parallel_loop3A_147 = arith.constant 16 : i32
      %parallel_loop3A_148 = arith.muli %parallel_loop3A_136, %parallel_loop3A_147 : i32
      %parallel_loop3A_149 = vector.broadcast %parallel_loop3A_148 : i32 to vector<16xi32>
      %parallel_loop3A_150 = arith.addi %parallel_loop3A_146, %parallel_loop3A_149 : vector<16xi32>
      %parallel_loop3A_151 = arith.constant 0 : i32
      %parallel_loop3A_152 = vector.broadcast %parallel_loop3A_151 : i32 to vector<16xi32>
      %parallel_loop3A_153 = arith.constant 1 : i32
      %parallel_loop3A_154 = vector.broadcast %parallel_loop3A_153 : i32 to vector<16xi32>
      %parallel_loop3A_155 = tpu.vector_load_idx %arg12[%parallel_loop3A_152, %parallel_loop3A_142] masked %parallel_loop3A_145 : memref<2x20096xf32, #tpu.memory_space<vmem>>[vector<16xi32>, vector<16xi32>], vector<16xf32>, vector<16xi1>
      %parallel_loop3A_156 = tpu.vector_load_idx %arg12[%parallel_loop3A_154, %parallel_loop3A_142] masked %parallel_loop3A_145 : memref<2x20096xf32, #tpu.memory_space<vmem>>[vector<16xi32>, vector<16xi32>], vector<16xf32>, vector<16xi1>
      tpu.vector_store_idx %arg11[%parallel_loop3A_152, %parallel_loop3A_150], %parallel_loop3A_155 masked %parallel_loop3A_145 : memref<2x16384xf32, #tpu.memory_space<vmem>>[vector<16xi32>, vector<16xi32>], vector<16xf32>, vector<16xi1>
      tpu.vector_store_idx %arg11[%parallel_loop3A_154, %parallel_loop3A_150], %parallel_loop3A_156 masked %parallel_loop3A_145 : memref<2x16384xf32, #tpu.memory_space<vmem>>[vector<16xi32>, vector<16xi32>], vector<16xf32>, vector<16xi1>
    } {sc.loop_unroll_factor = 8 : i64, sc.parallel_access}
    %add3A_69 = arith.constant 2 : i32
    %add3A_70 = arith.addi %mul3A_52, %add3A_69 : i32
    %mul3A_71 = arith.constant 20096 : i32
    %mul3A_72 = arith.muli %add3A_70, %mul3A_71 : i32
    %dma_start3A_73 = tpu.memref_slice %arg3[%mul3A_2, %mul3A_72] : memref<64x100000xf32, #tpu.memory_space<hbm>> -> memref<2x20096xf32, #tpu.memory_space<hbm>>
    %dma_start3A_74 = tpu.memref_slice %arg3[%mul3A_2, %mul3A_72] : memref<64x100000xf32, #tpu.memory_space<hbm>> -> memref<2x20096xf32, #tpu.memory_space<hbm>>
    tpu.enqueue_dma source(%dma_start3A_74 : memref<2x20096xf32, #tpu.memory_space<hbm>>) target(%arg12 : memref<2x20096xf32, #tpu.memory_space<vmem>>) target_semaphore(%arg16 : memref<!tpu.dma_semaphore, #tpu.memory_space<semaphore_mem>>)
    %dma_wait3A_75 = arith.constant 0 : i32
    %dma_wait3A_76 = tpu.memref_slice %arg3[%mul3A_2, %dma_wait3A_75] : memref<64x100000xf32, #tpu.memory_space<hbm>> -> memref<2x20096xf32, #tpu.memory_space<hbm>>
    %dma_wait3A_77 = arith.constant 0 : i32
    %dma_wait3A_78 = tpu.memref_slice %arg3[%mul3A_2, %dma_wait3A_77] : memref<64x100000xf32, #tpu.memory_space<hbm>> -> memref<2x20096xf32, #tpu.memory_space<hbm>>
    tpu.wait_dma2 semaphore(%arg17 : memref<!tpu.dma_semaphore, #tpu.memory_space<semaphore_mem>>) src(%dma_wait3A_78 : memref<2x20096xf32, #tpu.memory_space<hbm>>) dst(%arg13 : memref<2x20096xf32, #tpu.memory_space<vmem>>)
    %add3A_79 = arith.constant 1 : i32
    %add3A_80 = arith.addi %mul3A_52, %add3A_79 : i32
    %mul3A_81 = arith.constant 20096 : i32
    %mul3A_82 = arith.muli %add3A_80, %mul3A_81 : i32
    %parallel_loop3A_83 = arith.constant 0 : i32
    %parallel_loop3A_84 = arith.constant 1024 : i32
    %parallel_loop3A_85 = arith.constant 1 : i32
    %parallel_loop3A_86 = arith.constant 20096 : i32
    scf.for %parallel_loop3A_136 = %parallel_loop3A_83 to %parallel_loop3A_84 step %parallel_loop3A_85  : i32 {
      %parallel_loop3A_137 = arith.constant 16 : i32
      %parallel_loop3A_138 = arith.muli %parallel_loop3A_136, %parallel_loop3A_137 : i32
      %parallel_loop3A_139 = arith.index_cast %parallel_loop3A_138 : i32 to index
      %parallel_loop3A_140 = tpu.vector_load %arg10[%parallel_loop3A_139] {strides = array<i32>} : memref<16384xi32, #tpu.memory_space<vmem>>, vector<16xi32>,
      %parallel_loop3A_141 = vector.broadcast %mul3A_82 : i32 to vector<16xi32>
      %parallel_loop3A_142 = arith.subi %parallel_loop3A_140, %parallel_loop3A_141 : vector<16xi32>
      %parallel_loop3A_143 = vector.bitcast %parallel_loop3A_142 : vector<16xi32> to vector<16xi32>
      %parallel_loop3A_144 = vector.broadcast %parallel_loop3A_86 : i32 to vector<16xi32>
      %parallel_loop3A_145 = arith.cmpi ult, %parallel_loop3A_143, %parallel_loop3A_144 : vector<16xi32>
      %parallel_loop3A_146 = tpu.iota {dimensions = array<i32: 0>} : vector<16xi32>
      %parallel_loop3A_147 = arith.constant 16 : i32
      %parallel_loop3A_148 = arith.muli %parallel_loop3A_136, %parallel_loop3A_147 : i32
      %parallel_loop3A_149 = vector.broadcast %parallel_loop3A_148 : i32 to vector<16xi32>
      %parallel_loop3A_150 = arith.addi %parallel_loop3A_146, %parallel_loop3A_149 : vector<16xi32>
      %parallel_loop3A_151 = arith.constant 0 : i32
      %parallel_loop3A_152 = vector.broadcast %parallel_loop3A_151 : i32 to vector<16xi32>
      %parallel_loop3A_153 = arith.constant 1 : i32
      %parallel_loop3A_154 = vector.broadcast %parallel_loop3A_153 : i32 to vector<16xi32>
      %parallel_loop3A_155 = tpu.vector_load_idx %arg13[%parallel_loop3A_152, %parallel_loop3A_142] masked %parallel_loop3A_145 : memref<2x20096xf32, #tpu.memory_space<vmem>>[vector<16xi32>, vector<16xi32>], vector<16xf32>, vector<16xi1>
      %parallel_loop3A_156 = tpu.vector_load_idx %arg13[%parallel_loop3A_154, %parallel_loop3A_142] masked %parallel_loop3A_145 : memref<2x20096xf32, #tpu.memory_space<vmem>>[vector<16xi32>, vector<16xi32>], vector<16xf32>, vector<16xi1>
      tpu.vector_store_idx %arg11[%parallel_loop3A_152, %parallel_loop3A_150], %parallel_loop3A_155 masked %parallel_loop3A_145 : memref<2x16384xf32, #tpu.memory_space<vmem>>[vector<16xi32>, vector<16xi32>], vector<16xf32>, vector<16xi1>
      tpu.vector_store_idx %arg11[%parallel_loop3A_154, %parallel_loop3A_150], %parallel_loop3A_156 masked %parallel_loop3A_145 : memref<2x16384xf32, #tpu.memory_space<vmem>>[vector<16xi32>, vector<16xi32>], vector<16xf32>, vector<16xi1>
    } {sc.loop_unroll_factor = 8 : i64, sc.parallel_access}
    %scan3A_87 = arith.constant 1 : i32
    %dma_start3A_88 = arith.constant 60288 : i32
    %dma_start3A_89 = tpu.memref_slice %arg3[%mul3A_2, %dma_start3A_88] : memref<64x100000xf32, #tpu.memory_space<hbm>> -> memref<2x20096xf32, #tpu.memory_space<hbm>>
    %dma_start3A_90 = arith.constant 60288 : i32
    %dma_start3A_91 = tpu.memref_slice %arg3[%mul3A_2, %dma_start3A_90] : memref<64x100000xf32, #tpu.memory_space<hbm>> -> memref<2x20096xf32, #tpu.memory_space<hbm>>
    tpu.enqueue_dma source(%dma_start3A_91 : memref<2x20096xf32, #tpu.memory_space<hbm>>) target(%arg13 : memref<2x20096xf32, #tpu.memory_space<vmem>>) target_semaphore(%arg17 : memref<!tpu.dma_semaphore, #tpu.memory_space<semaphore_mem>>)
    %dma_wait3A_92 = arith.constant 0 : i32
    %dma_wait3A_93 = tpu.memref_slice %arg3[%mul3A_2, %dma_wait3A_92] : memref<64x100000xf32, #tpu.memory_space<hbm>> -> memref<2x20096xf32, #tpu.memory_space<hbm>>
    %dma_wait3A_94 = arith.constant 0 : i32
    %dma_wait3A_95 = tpu.memref_slice %arg3[%mul3A_2, %dma_wait3A_94] : memref<64x100000xf32, #tpu.memory_space<hbm>> -> memref<2x20096xf32, #tpu.memory_space<hbm>>
    tpu.wait_dma2 semaphore(%arg16 : memref<!tpu.dma_semaphore, #tpu.memory_space<semaphore_mem>>) src(%dma_wait3A_95 : memref<2x20096xf32, #tpu.memory_space<hbm>>) dst(%arg12 : memref<2x20096xf32, #tpu.memory_space<vmem>>)
    %parallel_loop3A_96 = arith.constant 0 : i32
    %parallel_loop3A_97 = arith.constant 1024 : i32
    %parallel_loop3A_98 = arith.constant 1 : i32
    %parallel_loop3A_99 = arith.constant 20096 : i32
    scf.for %parallel_loop3A_136 = %parallel_loop3A_96 to %parallel_loop3A_97 step %parallel_loop3A_98  : i32 {
      %parallel_loop3A_137 = arith.constant 16 : i32
      %parallel_loop3A_138 = arith.muli %parallel_loop3A_136, %parallel_loop3A_137 : i32
      %parallel_loop3A_139 = arith.index_cast %parallel_loop3A_138 : i32 to index
      %parallel_loop3A_140 = tpu.vector_load %arg10[%parallel_loop3A_139] {strides = array<i32>} : memref<16384xi32, #tpu.memory_space<vmem>>, vector<16xi32>,
      %parallel_loop3A_141 = arith.constant 40192 : i32
      %parallel_loop3A_142 = vector.broadcast %parallel_loop3A_141 : i32 to vector<16xi32>
      %parallel_loop3A_143 = arith.subi %parallel_loop3A_140, %parallel_loop3A_142 : vector<16xi32>
      %parallel_loop3A_144 = vector.bitcast %parallel_loop3A_143 : vector<16xi32> to vector<16xi32>
      %parallel_loop3A_145 = vector.broadcast %parallel_loop3A_99 : i32 to vector<16xi32>
      %parallel_loop3A_146 = arith.cmpi ult, %parallel_loop3A_144, %parallel_loop3A_145 : vector<16xi32>
      %parallel_loop3A_147 = tpu.iota {dimensions = array<i32: 0>} : vector<16xi32>
      %parallel_loop3A_148 = arith.constant 16 : i32
      %parallel_loop3A_149 = arith.muli %parallel_loop3A_136, %parallel_loop3A_148 : i32
      %parallel_loop3A_150 = vector.broadcast %parallel_loop3A_149 : i32 to vector<16xi32>
      %parallel_loop3A_151 = arith.addi %parallel_loop3A_147, %parallel_loop3A_150 : vector<16xi32>
      %parallel_loop3A_152 = arith.constant 0 : i32
      %parallel_loop3A_153 = vector.broadcast %parallel_loop3A_152 : i32 to vector<16xi32>
      %parallel_loop3A_154 = arith.constant 1 : i32
      %parallel_loop3A_155 = vector.broadcast %parallel_loop3A_154 : i32 to vector<16xi32>
      %parallel_loop3A_156 = tpu.vector_load_idx %arg12[%parallel_loop3A_153, %parallel_loop3A_143] masked %parallel_loop3A_146 : memref<2x20096xf32, #tpu.memory_space<vmem>>[vector<16xi32>, vector<16xi32>], vector<16xf32>, vector<16xi1>
      %parallel_loop3A_157 = tpu.vector_load_idx %arg12[%parallel_loop3A_155, %parallel_loop3A_143] masked %parallel_loop3A_146 : memref<2x20096xf32, #tpu.memory_space<vmem>>[vector<16xi32>, vector<16xi32>], vector<16xf32>, vector<16xi1>
      tpu.vector_store_idx %arg11[%parallel_loop3A_153, %parallel_loop3A_151], %parallel_loop3A_156 masked %parallel_loop3A_146 : memref<2x16384xf32, #tpu.memory_space<vmem>>[vector<16xi32>, vector<16xi32>], vector<16xf32>, vector<16xi1>
      tpu.vector_store_idx %arg11[%parallel_loop3A_155, %parallel_loop3A_151], %parallel_loop3A_157 masked %parallel_loop3A_146 : memref<2x16384xf32, #tpu.memory_space<vmem>>[vector<16xi32>, vector<16xi32>], vector<16xf32>, vector<16xi1>
    } {sc.loop_unroll_factor = 8 : i64, sc.parallel_access}
    %dma_start3A_100 = arith.constant 0 : i32
    %dma_start3A_101 = arith.constant 0 : i32
    %dma_start3A_102 = tpu.memref_slice %arg12[%dma_start3A_100, %dma_start3A_101] : memref<2x20096xf32, #tpu.memory_space<vmem>> -> memref<2x19584xf32, #tpu.memory_space<vmem>>
    %dma_start3A_103 = arith.constant 80384 : i32
    %dma_start3A_104 = tpu.memref_slice %arg3[%mul3A_2, %dma_start3A_103] : memref<64x100000xf32, #tpu.memory_space<hbm>> -> memref<2x19584xf32, #tpu.memory_space<hbm>>
    %dma_start3A_105 = arith.constant 0 : i32
    %dma_start3A_106 = arith.constant 0 : i32
    %dma_start3A_107 = tpu.memref_slice %arg12[%dma_start3A_105, %dma_start3A_106] : memref<2x20096xf32, #tpu.memory_space<vmem>> -> memref<2x19584xf32, #tpu.memory_space<vmem>>
    %dma_start3A_108 = arith.constant 80384 : i32
    %dma_start3A_109 = tpu.memref_slice %arg3[%mul3A_2, %dma_start3A_108] : memref<64x100000xf32, #tpu.memory_space<hbm>> -> memref<2x19584xf32, #tpu.memory_space<hbm>>
    tpu.enqueue_dma source(%dma_start3A_109 : memref<2x19584xf32, #tpu.memory_space<hbm>>) target(%dma_start3A_107 : memref<2x19584xf32, #tpu.memory_space<vmem>>) target_semaphore(%arg16 : memref<!tpu.dma_semaphore, #tpu.memory_space<semaphore_mem>>)
    %dma_wait3A_110 = arith.constant 0 : i32
    %dma_wait3A_111 = tpu.memref_slice %arg3[%mul3A_2, %dma_wait3A_110] : memref<64x100000xf32, #tpu.memory_space<hbm>> -> memref<2x20096xf32, #tpu.memory_space<hbm>>
    %dma_wait3A_112 = arith.constant 0 : i32
    %dma_wait3A_113 = tpu.memref_slice %arg3[%mul3A_2, %dma_wait3A_112] : memref<64x100000xf32, #tpu.memory_space<hbm>> -> memref<2x20096xf32, #tpu.memory_space<hbm>>
    tpu.wait_dma2 semaphore(%arg17 : memref<!tpu.dma_semaphore, #tpu.memory_space<semaphore_mem>>) src(%dma_wait3A_113 : memref<2x20096xf32, #tpu.memory_space<hbm>>) dst(%arg13 : memref<2x20096xf32, #tpu.memory_space<vmem>>)
    %parallel_loop3A_114 = arith.constant 0 : i32
    %parallel_loop3A_115 = arith.constant 1024 : i32
    %parallel_loop3A_116 = arith.constant 1 : i32
    %parallel_loop3A_117 = arith.constant 20096 : i32
    scf.for %parallel_loop3A_136 = %parallel_loop3A_114 to %parallel_loop3A_115 step %parallel_loop3A_116  : i32 {
      %parallel_loop3A_137 = arith.constant 16 : i32
      %parallel_loop3A_138 = arith.muli %parallel_loop3A_136, %parallel_loop3A_137 : i32
      %parallel_loop3A_139 = arith.index_cast %parallel_loop3A_138 : i32 to index
      %parallel_loop3A_140 = tpu.vector_load %arg10[%parallel_loop3A_139] {strides = array<i32>} : memref<16384xi32, #tpu.memory_space<vmem>>, vector<16xi32>,
      %parallel_loop3A_141 = arith.constant 60288 : i32
      %parallel_loop3A_142 = vector.broadcast %parallel_loop3A_141 : i32 to vector<16xi32>
      %parallel_loop3A_143 = arith.subi %parallel_loop3A_140, %parallel_loop3A_142 : vector<16xi32>
      %parallel_loop3A_144 = vector.bitcast %parallel_loop3A_143 : vector<16xi32> to vector<16xi32>
      %parallel_loop3A_145 = vector.broadcast %parallel_loop3A_117 : i32 to vector<16xi32>
      %parallel_loop3A_146 = arith.cmpi ult, %parallel_loop3A_144, %parallel_loop3A_145 : vector<16xi32>
      %parallel_loop3A_147 = tpu.iota {dimensions = array<i32: 0>} : vector<16xi32>
      %parallel_loop3A_148 = arith.constant 16 : i32
      %parallel_loop3A_149 = arith.muli %parallel_loop3A_136, %parallel_loop3A_148 : i32
      %parallel_loop3A_150 = vector.broadcast %parallel_loop3A_149 : i32 to vector<16xi32>
      %parallel_loop3A_151 = arith.addi %parallel_loop3A_147, %parallel_loop3A_150 : vector<16xi32>
      %parallel_loop3A_152 = arith.constant 0 : i32
      %parallel_loop3A_153 = vector.broadcast %parallel_loop3A_152 : i32 to vector<16xi32>
      %parallel_loop3A_154 = arith.constant 1 : i32
      %parallel_loop3A_155 = vector.broadcast %parallel_loop3A_154 : i32 to vector<16xi32>
      %parallel_loop3A_156 = tpu.vector_load_idx %arg13[%parallel_loop3A_153, %parallel_loop3A_143] masked %parallel_loop3A_146 : memref<2x20096xf32, #tpu.memory_space<vmem>>[vector<16xi32>, vector<16xi32>], vector<16xf32>, vector<16xi1>
      %parallel_loop3A_157 = tpu.vector_load_idx %arg13[%parallel_loop3A_155, %parallel_loop3A_143] masked %parallel_loop3A_146 : memref<2x20096xf32, #tpu.memory_space<vmem>>[vector<16xi32>, vector<16xi32>], vector<16xf32>, vector<16xi1>
      tpu.vector_store_idx %arg11[%parallel_loop3A_153, %parallel_loop3A_151], %parallel_loop3A_156 masked %parallel_loop3A_146 : memref<2x16384xf32, #tpu.memory_space<vmem>>[vector<16xi32>, vector<16xi32>], vector<16xf32>, vector<16xi1>
      tpu.vector_store_idx %arg11[%parallel_loop3A_155, %parallel_loop3A_151], %parallel_loop3A_157 masked %parallel_loop3A_146 : memref<2x16384xf32, #tpu.memory_space<vmem>>[vector<16xi32>, vector<16xi32>], vector<16xf32>, vector<16xi1>
    } {sc.loop_unroll_factor = 8 : i64, sc.parallel_access}
    %dma_wait3A_118 = arith.constant 0 : i32
    %dma_wait3A_119 = arith.constant 0 : i32
    %dma_wait3A_120 = tpu.memref_slice %arg12[%dma_wait3A_118, %dma_wait3A_119] : memref<2x20096xf32, #tpu.memory_space<vmem>> -> memref<2x19584xf32, #tpu.memory_space<vmem>>
    %dma_wait3A_121 = arith.constant 0 : i32
    %dma_wait3A_122 = tpu.memref_slice %arg3[%mul3A_2, %dma_wait3A_121] : memref<64x100000xf32, #tpu.memory_space<hbm>> -> memref<2x19584xf32, #tpu.memory_space<hbm>>
    %dma_wait3A_123 = arith.constant 0 : i32
    %dma_wait3A_124 = arith.constant 0 : i32
    %dma_wait3A_125 = tpu.memref_slice %arg12[%dma_wait3A_123, %dma_wait3A_124] : memref<2x20096xf32, #tpu.memory_space<vmem>> -> memref<2x19584xf32, #tpu.memory_space<vmem>>
    %dma_wait3A_126 = arith.constant 0 : i32
    %dma_wait3A_127 = tpu.memref_slice %arg3[%mul3A_2, %dma_wait3A_126] : memref<64x100000xf32, #tpu.memory_space<hbm>> -> memref<2x19584xf32, #tpu.memory_space<hbm>>
    tpu.wait_dma2 semaphore(%arg16 : memref<!tpu.dma_semaphore, #tpu.memory_space<semaphore_mem>>) src(%dma_wait3A_127 : memref<2x19584xf32, #tpu.memory_space<hbm>>) dst(%dma_wait3A_125 : memref<2x19584xf32, #tpu.memory_space<vmem>>)
    %parallel_loop3A_128 = arith.constant 0 : i32
    %parallel_loop3A_129 = arith.constant 1024 : i32
    %parallel_loop3A_130 = arith.constant 1 : i32
    %parallel_loop3A_131 = arith.constant 19584 : i32
    scf.for %parallel_loop3A_136 = %parallel_loop3A_128 to %parallel_loop3A_129 step %parallel_loop3A_130  : i32 {
      %parallel_loop3A_137 = arith.constant 16 : i32
      %parallel_loop3A_138 = arith.muli %parallel_loop3A_136, %parallel_loop3A_137 : i32
      %parallel_loop3A_139 = arith.index_cast %parallel_loop3A_138 : i32 to index
      %parallel_loop3A_140 = tpu.vector_load %arg10[%parallel_loop3A_139] {strides = array<i32>} : memref<16384xi32, #tpu.memory_space<vmem>>, vector<16xi32>,
      %parallel_loop3A_141 = arith.constant 80384 : i32
      %parallel_loop3A_142 = vector.broadcast %parallel_loop3A_141 : i32 to vector<16xi32>
      %parallel_loop3A_143 = arith.subi %parallel_loop3A_140, %parallel_loop3A_142 : vector<16xi32>
      %parallel_loop3A_144 = vector.bitcast %parallel_loop3A_143 : vector<16xi32> to vector<16xi32>
      %parallel_loop3A_145 = vector.broadcast %parallel_loop3A_131 : i32 to vector<16xi32>
      %parallel_loop3A_146 = arith.cmpi ult, %parallel_loop3A_144, %parallel_loop3A_145 : vector<16xi32>
      %parallel_loop3A_147 = tpu.iota {dimensions = array<i32: 0>} : vector<16xi32>
      %parallel_loop3A_148 = arith.constant 16 : i32
      %parallel_loop3A_149 = arith.muli %parallel_loop3A_136, %parallel_loop3A_148 : i32
      %parallel_loop3A_150 = vector.broadcast %parallel_loop3A_149 : i32 to vector<16xi32>
      %parallel_loop3A_151 = arith.addi %parallel_loop3A_147, %parallel_loop3A_150 : vector<16xi32>
      %parallel_loop3A_152 = arith.constant 0 : i32
      %parallel_loop3A_153 = vector.broadcast %parallel_loop3A_152 : i32 to vector<16xi32>
      %parallel_loop3A_154 = arith.constant 1 : i32
      %parallel_loop3A_155 = vector.broadcast %parallel_loop3A_154 : i32 to vector<16xi32>
      %parallel_loop3A_156 = tpu.vector_load_idx %arg12[%parallel_loop3A_153, %parallel_loop3A_143] masked %parallel_loop3A_146 : memref<2x20096xf32, #tpu.memory_space<vmem>>[vector<16xi32>, vector<16xi32>], vector<16xf32>, vector<16xi1>
      %parallel_loop3A_157 = tpu.vector_load_idx %arg12[%parallel_loop3A_155, %parallel_loop3A_143] masked %parallel_loop3A_146 : memref<2x20096xf32, #tpu.memory_space<vmem>>[vector<16xi32>, vector<16xi32>], vector<16xf32>, vector<16xi1>
      tpu.vector_store_idx %arg11[%parallel_loop3A_153, %parallel_loop3A_151], %parallel_loop3A_156 masked %parallel_loop3A_146 : memref<2x16384xf32, #tpu.memory_space<vmem>>[vector<16xi32>, vector<16xi32>], vector<16xf32>, vector<16xi1>
      tpu.vector_store_idx %arg11[%parallel_loop3A_155, %parallel_loop3A_151], %parallel_loop3A_157 masked %parallel_loop3A_146 : memref<2x16384xf32, #tpu.memory_space<vmem>>[vector<16xi32>, vector<16xi32>], vector<16xf32>, vector<16xi1>
    } {sc.loop_unroll_factor = 8 : i64, sc.parallel_access}
    "tpu.region"() ({
      %run_scoped3A = tpu.sem_alloc : memref<!tpu.dma_semaphore, #tpu.memory_space<semaphore_mem>>
      %dma_start3A_136 = arith.constant 0 : i32
      %dma_start3A_137 = tpu.memref_slice %arg5[%mul3A_2, %dma_start3A_136] : memref<64x32xf32, #tpu.memory_space<hbm>> -> memref<2x32xf32, #tpu.memory_space<hbm>>
      %dma_start3A_138 = arith.constant 0 : i32
      %dma_start3A_139 = tpu.memref_slice %arg5[%mul3A_2, %dma_start3A_138] : memref<64x32xf32, #tpu.memory_space<hbm>> -> memref<2x32xf32, #tpu.memory_space<hbm>>
      tpu.enqueue_dma source(%dma_start3A_139 : memref<2x32xf32, #tpu.memory_space<hbm>>) target(%arg15 : memref<2x32xf32, #tpu.memory_space<vmem>>) target_semaphore(%run_scoped3A : memref<!tpu.dma_semaphore, #tpu.memory_space<semaphore_mem>>)
      %dma_wait3A_140 = arith.constant 0 : i32
      %dma_wait3A_141 = tpu.memref_slice %arg5[%mul3A_2, %dma_wait3A_140] : memref<64x32xf32, #tpu.memory_space<hbm>> -> memref<2x32xf32, #tpu.memory_space<hbm>>
      %dma_wait3A_142 = arith.constant 0 : i32
      %dma_wait3A_143 = tpu.memref_slice %arg5[%mul3A_2, %dma_wait3A_142] : memref<64x32xf32, #tpu.memory_space<hbm>> -> memref<2x32xf32, #tpu.memory_space<hbm>>
      tpu.wait_dma2 semaphore(%run_scoped3A : memref<!tpu.dma_semaphore, #tpu.memory_space<semaphore_mem>>) src(%dma_wait3A_143 : memref<2x32xf32, #tpu.memory_space<hbm>>) dst(%arg15 : memref<2x32xf32, #tpu.memory_space<vmem>>)
      tpu.yield
    }) : () -> ()
    %parallel_loop3A_132 = arith.constant 0 : i32
    %parallel_loop3A_133 = arith.constant 1024 : i32
    %parallel_loop3A_134 = arith.constant 1 : i32
    %parallel_loop3A_135 = arith.constant 32 : i32
    scf.for %parallel_loop3A_136 = %parallel_loop3A_132 to %parallel_loop3A_133 step %parallel_loop3A_134  : i32 {
      %parallel_loop3A_137 = arith.constant 16 : i32
      %parallel_loop3A_138 = arith.muli %parallel_loop3A_136, %parallel_loop3A_137 : i32
      %parallel_loop3A_139 = arith.index_cast %parallel_loop3A_138 : i32 to index
      %parallel_loop3A_140 = tpu.vector_load %arg10[%parallel_loop3A_139] {strides = array<i32>} : memref<16384xi32, #tpu.memory_space<vmem>>, vector<16xi32>,
      %parallel_loop3A_141 = arith.constant 99968 : i32
      %parallel_loop3A_142 = vector.broadcast %parallel_loop3A_141 : i32 to vector<16xi32>
      %parallel_loop3A_143 = arith.subi %parallel_loop3A_140, %parallel_loop3A_142 : vector<16xi32>
      %parallel_loop3A_144 = vector.bitcast %parallel_loop3A_143 : vector<16xi32> to vector<16xi32>
      %parallel_loop3A_145 = vector.broadcast %parallel_loop3A_135 : i32 to vector<16xi32>
      %parallel_loop3A_146 = arith.cmpi ult, %parallel_loop3A_144, %parallel_loop3A_145 : vector<16xi32>
      %parallel_loop3A_147 = tpu.iota {dimensions = array<i32: 0>} : vector<16xi32>
      %parallel_loop3A_148 = arith.constant 16 : i32
      %parallel_loop3A_149 = arith.muli %parallel_loop3A_136, %parallel_loop3A_148 : i32
      %parallel_loop3A_150 = vector.broadcast %parallel_loop3A_149 : i32 to vector<16xi32>
      %parallel_loop3A_151 = arith.addi %parallel_loop3A_147, %parallel_loop3A_150 : vector<16xi32>
      %parallel_loop3A_152 = arith.constant 0 : i32
      %parallel_loop3A_153 = vector.broadcast %parallel_loop3A_152 : i32 to vector<16xi32>
      %parallel_loop3A_154 = arith.constant 1 : i32
      %parallel_loop3A_155 = vector.broadcast %parallel_loop3A_154 : i32 to vector<16xi32>
      %parallel_loop3A_156 = tpu.vector_load_idx %arg15[%parallel_loop3A_153, %parallel_loop3A_143] masked %parallel_loop3A_146 : memref<2x32xf32, #tpu.memory_space<vmem>>[vector<16xi32>, vector<16xi32>], vector<16xf32>, vector<16xi1>
      %parallel_loop3A_157 = tpu.vector_load_idx %arg15[%parallel_loop3A_155, %parallel_loop3A_143] masked %parallel_loop3A_146 : memref<2x32xf32, #tpu.memory_space<vmem>>[vector<16xi32>, vector<16xi32>], vector<16xf32>, vector<16xi1>
      tpu.vector_store_idx %arg11[%parallel_loop3A_153, %parallel_loop3A_151], %parallel_loop3A_156 masked %parallel_loop3A_146 : memref<2x16384xf32, #tpu.memory_space<vmem>>[vector<16xi32>, vector<16xi32>], vector<16xf32>, vector<16xi1>
      tpu.vector_store_idx %arg11[%parallel_loop3A_155, %parallel_loop3A_151], %parallel_loop3A_157 masked %parallel_loop3A_146 : memref<2x16384xf32, #tpu.memory_space<vmem>>[vector<16xi32>, vector<16xi32>], vector<16xf32>, vector<16xi1>
    } {sc.loop_unroll_factor = 8 : i64, sc.parallel_access}
    "tpu.region"() ({
      %run_scoped3A = tpu.sem_alloc : memref<!tpu.dma_semaphore, #tpu.memory_space<semaphore_mem>>
      %dma_start3A_136 = arith.constant 0 : i32
      %dma_start3A_137 = tpu.memref_slice %arg9[%mul3A_2, %dma_start3A_136] : memref<64x16384xf32, #tpu.memory_space<hbm>> -> memref<2x16384xf32, #tpu.memory_space<hbm>>
      %dma_start3A_138 = arith.constant 0 : i32
      %dma_start3A_139 = tpu.memref_slice %arg9[%mul3A_2, %dma_start3A_138] : memref<64x16384xf32, #tpu.memory_space<hbm>> -> memref<2x16384xf32, #tpu.memory_space<hbm>>
      tpu.enqueue_dma source(%arg11 : memref<2x16384xf32, #tpu.memory_space<vmem>>) target(%dma_start3A_139 : memref<2x16384xf32, #tpu.memory_space<hbm>>) target_semaphore(%run_scoped3A : memref<!tpu.dma_semaphore, #tpu.memory_space<semaphore_mem>>)
      %dma_wait3A_140 = arith.constant 0 : i32
      %dma_wait3A_141 = tpu.memref_slice %arg9[%mul3A_2, %dma_wait3A_140] : memref<64x16384xf32, #tpu.memory_space<hbm>> -> memref<2x16384xf32, #tpu.memory_space<hbm>>
      %dma_wait3A_142 = arith.constant 0 : i32
      %dma_wait3A_143 = tpu.memref_slice %arg9[%mul3A_2, %dma_wait3A_142] : memref<64x16384xf32, #tpu.memory_space<hbm>> -> memref<2x16384xf32, #tpu.memory_space<hbm>>
      tpu.wait_dma2 semaphore(%run_scoped3A : memref<!tpu.dma_semaphore, #tpu.memory_space<semaphore_mem>>) src(%arg11 : memref<2x16384xf32, #tpu.memory_space<vmem>>) dst(%dma_wait3A_143 : memref<2x16384xf32, #tpu.memory_space<hbm>>)
      tpu.yield
    }) : () -> ()
    return
  }
}

module attributes {stable_mosaic.version = 14 : i64} {
  func.func @_tc_body(%arg0: i32, %arg1: memref<64x2048xf32, #tpu.memory_space<vmem>>, %arg2: memref<64x2048xf32, #tpu.memory_space<vmem>>, %arg3: memref<1x1x2048xf32, #tpu.memory_space<vmem>>, %arg4: memref<1x1x2048xf32, #tpu.memory_space<vmem>>, %arg5: memref<1x1x2048xi32, #tpu.memory_space<vmem>>, %arg6: memref<32x64xf32, #tpu.memory_space<vmem>>, %arg7: memref<64x1xf32, #tpu.memory_space<vmem>>, %arg8: memref<64x1xf32, #tpu.memory_space<vmem>>, %arg9: memref<64x1xf32, #tpu.memory_space<vmem>>, %arg10: memref<64x1xf32, #tpu.memory_space<vmem>>, %arg11: memref<64x1xf32, #tpu.memory_space<vmem>>, %arg12: memref<64x1xf32, #tpu.memory_space<vmem>>, %arg13: memref<1x1xf32, #tpu.memory_space<vmem>>, %arg14: memref<1x1x2048xf32, #tpu.memory_space<vmem>>) attributes {dimension_semantics = [#tpu.dimension_semantics<arbitrary>], iteration_bounds = array<i64: 8>, scalar_prefetch = 0 : i64, scratch_operands = 0 : i64, tpu.core_type = #tpu.core_type<tc>, window_params = [{transform_indices = @transform_0, window_bounds = array<i64: 64, 2048>}, {transform_indices = @transform_1, window_bounds = array<i64: 64, 2048>}, {transform_indices = @transform_2, window_bounds = array<i64: 1, 1, 2048>}, {transform_indices = @transform_3, window_bounds = array<i64: 1, 1, 2048>}, {transform_indices = @transform_4, window_bounds = array<i64: 1, 1, 2048>}, {pipeline_mode = #tpu.pipeline_mode<synchronous>, transform_indices = @transform_5, window_bounds = array<i64: 32, 64>}, {pipeline_mode = #tpu.pipeline_mode<synchronous>, transform_indices = @transform_6, window_bounds = array<i64: 64, 1>}, {pipeline_mode = #tpu.pipeline_mode<synchronous>, transform_indices = @transform_7, window_bounds = array<i64: 64, 1>}, {pipeline_mode = #tpu.pipeline_mode<synchronous>, transform_indices = @transform_8, window_bounds = array<i64: 64, 1>}, {pipeline_mode = #tpu.pipeline_mode<synchronous>, transform_indices = @transform_9, window_bounds = array<i64: 64, 1>}, {pipeline_mode = #tpu.pipeline_mode<synchronous>, transform_indices = @transform_10, window_bounds = array<i64: 64, 1>}, {pipeline_mode = #tpu.pipeline_mode<synchronous>, transform_indices = @transform_11, window_bounds = array<i64: 64, 1>}, {pipeline_mode = #tpu.pipeline_mode<synchronous>, transform_indices = @transform_12, window_bounds = array<i64: 1, 1>}, {transform_indices = @transform_13, window_bounds = array<i64: 1, 1, 2048>}]} {
    %get3A = arith.constant 0 : index
    %get3A_0 = arith.constant 0 : index
    %get3A_1 = vector.load %arg1[%get3A, %get3A_0] : memref<64x2048xf32, #tpu.memory_space<vmem>>, vector<64x2048xf32>
    %max3A = arith.constant 0.000000e+00 : f32
    %max3A_2 = vector.broadcast %max3A : f32 to vector<64x2048xf32>
    %max3A_3 = arith.maximumf %get3A_1, %max3A_2 : vector<64x2048xf32>
    %get3A_4 = arith.constant 0 : index
    %get3A_5 = arith.constant 0 : index
    %get3A_6 = vector.load %arg7[%get3A_4, %get3A_5] : memref<64x1xf32, #tpu.memory_space<vmem>>, vector<64x1xf32>
    %get3A_7 = arith.constant 0 : index
    %get3A_8 = arith.constant 0 : index
    %get3A_9 = vector.load %arg8[%get3A_7, %get3A_8] : memref<64x1xf32, #tpu.memory_space<vmem>>, vector<64x1xf32>
    %reduce_sum3A = arith.constant dense<0.000000e+00> : vector<2048xf32>
    %reduce_sum3A_10 = vector.multi_reduction <add>, %max3A_3, %reduce_sum3A [0] : vector<64x2048xf32> to vector<2048xf32>
    %broadcast_in_dim3A = vector.shape_cast %reduce_sum3A_10 : vector<2048xf32> to vector<1x2048xf32>
    %div3A = arith.constant 6.400000e+01 : f32
    %div3A_11 = vector.broadcast %div3A : f32 to vector<1x2048xf32>
    %div3A_12 = arith.divf %broadcast_in_dim3A, %div3A_11 : vector<1x2048xf32>
    %sub3A = vector.broadcast %div3A_12 : vector<1x2048xf32> to vector<64x2048xf32>
    %sub3A_13 = arith.subf %max3A_3, %sub3A : vector<64x2048xf32>
    %mul3A = arith.mulf %sub3A_13, %sub3A_13 : vector<64x2048xf32>
    %reduce_sum3A_14 = arith.constant dense<0.000000e+00> : vector<2048xf32>
    %reduce_sum3A_15 = vector.multi_reduction <add>, %mul3A, %reduce_sum3A_14 [0] : vector<64x2048xf32> to vector<2048xf32>
    %broadcast_in_dim3A_16 = vector.shape_cast %reduce_sum3A_15 : vector<2048xf32> to vector<1x2048xf32>
    %div3A_17 = arith.constant 6.400000e+01 : f32
    %div3A_18 = vector.broadcast %div3A_17 : f32 to vector<1x2048xf32>
    %div3A_19 = arith.divf %broadcast_in_dim3A_16, %div3A_18 : vector<1x2048xf32>
    %add3A = arith.constant 9.99999974E-6 : f32
    %add3A_20 = vector.broadcast %add3A : f32 to vector<1x2048xf32>
    %add3A_21 = arith.addf %div3A_19, %add3A_20 : vector<1x2048xf32>
    %sqrt3A = math.sqrt %add3A_21 : vector<1x2048xf32>
    %div3A_22 = vector.broadcast %sqrt3A : vector<1x2048xf32> to vector<64x2048xf32>
    %div3A_23 = arith.divf %sub3A_13, %div3A_22 : vector<64x2048xf32>
    %mul3A_24 = vector.broadcast %get3A_6 : vector<64x1xf32> to vector<64x2048xf32>
    %mul3A_25 = arith.mulf %div3A_23, %mul3A_24 : vector<64x2048xf32>
    %add3A_26 = vector.broadcast %get3A_9 : vector<64x1xf32> to vector<64x2048xf32>
    %add3A_27 = arith.addf %mul3A_25, %add3A_26 : vector<64x2048xf32>
    %get3A_28 = arith.constant 0 : index
    %get3A_29 = arith.constant 0 : index
    %get3A_30 = vector.load %arg2[%get3A_28, %get3A_29] : memref<64x2048xf32, #tpu.memory_space<vmem>>, vector<64x2048xf32>
    %max3A_31 = arith.constant 0.000000e+00 : f32
    %max3A_32 = vector.broadcast %max3A_31 : f32 to vector<64x2048xf32>
    %max3A_33 = arith.maximumf %get3A_30, %max3A_32 : vector<64x2048xf32>
    %get3A_34 = arith.constant 0 : index
    %get3A_35 = arith.constant 0 : index
    %get3A_36 = vector.load %arg9[%get3A_34, %get3A_35] : memref<64x1xf32, #tpu.memory_space<vmem>>, vector<64x1xf32>
    %get3A_37 = arith.constant 0 : index
    %get3A_38 = arith.constant 0 : index
    %get3A_39 = vector.load %arg10[%get3A_37, %get3A_38] : memref<64x1xf32, #tpu.memory_space<vmem>>, vector<64x1xf32>
    %reduce_sum3A_40 = arith.constant dense<0.000000e+00> : vector<2048xf32>
    %reduce_sum3A_41 = vector.multi_reduction <add>, %max3A_33, %reduce_sum3A_40 [0] : vector<64x2048xf32> to vector<2048xf32>
    %broadcast_in_dim3A_42 = vector.shape_cast %reduce_sum3A_41 : vector<2048xf32> to vector<1x2048xf32>
    %div3A_43 = arith.constant 6.400000e+01 : f32
    %div3A_44 = vector.broadcast %div3A_43 : f32 to vector<1x2048xf32>
    %div3A_45 = arith.divf %broadcast_in_dim3A_42, %div3A_44 : vector<1x2048xf32>
    %sub3A_46 = vector.broadcast %div3A_45 : vector<1x2048xf32> to vector<64x2048xf32>
    %sub3A_47 = arith.subf %max3A_33, %sub3A_46 : vector<64x2048xf32>
    %mul3A_48 = arith.mulf %sub3A_47, %sub3A_47 : vector<64x2048xf32>
    %reduce_sum3A_49 = arith.constant dense<0.000000e+00> : vector<2048xf32>
    %reduce_sum3A_50 = vector.multi_reduction <add>, %mul3A_48, %reduce_sum3A_49 [0] : vector<64x2048xf32> to vector<2048xf32>
    %broadcast_in_dim3A_51 = vector.shape_cast %reduce_sum3A_50 : vector<2048xf32> to vector<1x2048xf32>
    %div3A_52 = arith.constant 6.400000e+01 : f32
    %div3A_53 = vector.broadcast %div3A_52 : f32 to vector<1x2048xf32>
    %div3A_54 = arith.divf %broadcast_in_dim3A_51, %div3A_53 : vector<1x2048xf32>
    %add3A_55 = arith.constant 9.99999974E-6 : f32
    %add3A_56 = vector.broadcast %add3A_55 : f32 to vector<1x2048xf32>
    %add3A_57 = arith.addf %div3A_54, %add3A_56 : vector<1x2048xf32>
    %sqrt3A_58 = math.sqrt %add3A_57 : vector<1x2048xf32>
    %div3A_59 = vector.broadcast %sqrt3A_58 : vector<1x2048xf32> to vector<64x2048xf32>
    %div3A_60 = arith.divf %sub3A_47, %div3A_59 : vector<64x2048xf32>
    %mul3A_61 = vector.broadcast %get3A_36 : vector<64x1xf32> to vector<64x2048xf32>
    %mul3A_62 = arith.mulf %div3A_60, %mul3A_61 : vector<64x2048xf32>
    %add3A_63 = vector.broadcast %get3A_39 : vector<64x1xf32> to vector<64x2048xf32>
    %add3A_64 = arith.addf %mul3A_62, %add3A_63 : vector<64x2048xf32>
    %get3A_65 = arith.constant 0 : index
    %get3A_66 = arith.constant 0 : index
    %get3A_67 = vector.load %arg6[%get3A_65, %get3A_66] : memref<32x64xf32, #tpu.memory_space<vmem>>, vector<32x64xf32>
    %transpose3A = tpu.transpose %get3A_67, [1, 0] : vector<32x64xf32> -> vector<64x32xf32>
    %max3A_68 = arith.constant 0.000000e+00 : f32
    %max3A_69 = vector.broadcast %max3A_68 : f32 to vector<64x32xf32>
    %max3A_70 = arith.maximumf %transpose3A, %max3A_69 : vector<64x32xf32>
    %get3A_71 = arith.constant 0 : index
    %get3A_72 = arith.constant 0 : index
    %get3A_73 = vector.load %arg11[%get3A_71, %get3A_72] : memref<64x1xf32, #tpu.memory_space<vmem>>, vector<64x1xf32>
    %get3A_74 = arith.constant 0 : index
    %get3A_75 = arith.constant 0 : index
    %get3A_76 = vector.load %arg12[%get3A_74, %get3A_75] : memref<64x1xf32, #tpu.memory_space<vmem>>, vector<64x1xf32>
    %reduce_sum3A_77 = arith.constant dense<0.000000e+00> : vector<32xf32>
    %reduce_sum3A_78 = vector.multi_reduction <add>, %max3A_70, %reduce_sum3A_77 [0] : vector<64x32xf32> to vector<32xf32>
    %broadcast_in_dim3A_79 = vector.shape_cast %reduce_sum3A_78 : vector<32xf32> to vector<1x32xf32>
    %div3A_80 = arith.constant 6.400000e+01 : f32
    %div3A_81 = vector.broadcast %div3A_80 : f32 to vector<1x32xf32>
    %div3A_82 = arith.divf %broadcast_in_dim3A_79, %div3A_81 : vector<1x32xf32>
    %sub3A_83 = vector.broadcast %div3A_82 : vector<1x32xf32> to vector<64x32xf32>
    %sub3A_84 = arith.subf %max3A_70, %sub3A_83 : vector<64x32xf32>
    %mul3A_85 = arith.mulf %sub3A_84, %sub3A_84 : vector<64x32xf32>
    %reduce_sum3A_86 = arith.constant dense<0.000000e+00> : vector<32xf32>
    %reduce_sum3A_87 = vector.multi_reduction <add>, %mul3A_85, %reduce_sum3A_86 [0] : vector<64x32xf32> to vector<32xf32>
    %broadcast_in_dim3A_88 = vector.shape_cast %reduce_sum3A_87 : vector<32xf32> to vector<1x32xf32>
    %div3A_89 = arith.constant 6.400000e+01 : f32
    %div3A_90 = vector.broadcast %div3A_89 : f32 to vector<1x32xf32>
    %div3A_91 = arith.divf %broadcast_in_dim3A_88, %div3A_90 : vector<1x32xf32>
    %add3A_92 = arith.constant 9.99999974E-6 : f32
    %add3A_93 = vector.broadcast %add3A_92 : f32 to vector<1x32xf32>
    %add3A_94 = arith.addf %div3A_91, %add3A_93 : vector<1x32xf32>
    %sqrt3A_95 = math.sqrt %add3A_94 : vector<1x32xf32>
    %div3A_96 = vector.broadcast %sqrt3A_95 : vector<1x32xf32> to vector<64x32xf32>
    %div3A_97 = arith.divf %sub3A_84, %div3A_96 : vector<64x32xf32>
    %mul3A_98 = vector.broadcast %get3A_73 : vector<64x1xf32> to vector<64x32xf32>
    %mul3A_99 = arith.mulf %div3A_97, %mul3A_98 : vector<64x32xf32>
    %add3A_100 = vector.broadcast %get3A_76 : vector<64x1xf32> to vector<64x32xf32>
    %add3A_101 = arith.addf %mul3A_99, %add3A_100 : vector<64x32xf32>
    %get3A_102 = arith.constant 0 : index
    %get3A_103 = arith.constant 0 : index
    %get3A_104 = arith.constant 0 : index
    %get3A_105 = vector.load %arg5[%get3A_102, %get3A_103, %get3A_104] : memref<1x1x2048xi32, #tpu.memory_space<vmem>>, vector<1x1x2048xi32>
    %reshape3A = vector.shape_cast %get3A_105 : vector<1x1x2048xi32> to vector<1x2048xi32>
    %iota3A = tpu.iota {dimensions = array<i32: 0>} : vector<32x2048xi32>
    %eq3A = vector.broadcast %reshape3A : vector<1x2048xi32> to vector<32x2048xi32>
    %eq3A_106 = arith.cmpi eq, %eq3A, %iota3A : vector<32x2048xi32>
    %convert_element_type3A = arith.extui %eq3A_106 : vector<32x2048xi1> to vector<32x2048xi32>
    %convert_element_type3A_107 = arith.sitofp %convert_element_type3A : vector<32x2048xi32> to vector<32x2048xf32>
    %dot_general3A = arith.constant dense<0.000000e+00> : vector<64x2048xf32>
    %dot_general3A_108 = tpu.matmul %add3A_101, %convert_element_type3A_107, %dot_general3A {dimension_numbers = #tpu.dot_dimension_numbers<[1], [0], [0], [1], [0, 0, 1, 1], [], []>, transpose_lhs_hint = false} : vector<64x32xf32>, vector<32x2048xf32>, vector<64x2048xf32> -> vector<64x2048xf32>
    %mul3A_109 = arith.mulf %add3A_27, %add3A_64 : vector<64x2048xf32>
    %mul3A_110 = arith.mulf %mul3A_109, %dot_general3A_108 : vector<64x2048xf32>
    %reduce_sum3A_111 = arith.constant dense<0.000000e+00> : vector<2048xf32>
    %reduce_sum3A_112 = vector.multi_reduction <add>, %mul3A_110, %reduce_sum3A_111 [0] : vector<64x2048xf32> to vector<2048xf32>
    %broadcast_in_dim3A_113 = vector.shape_cast %reduce_sum3A_112 : vector<2048xf32> to vector<1x2048xf32>
    %mul3A_114 = arith.constant 1.250000e-01 : f32
    %mul3A_115 = vector.broadcast %mul3A_114 : f32 to vector<1x2048xf32>
    %mul3A_116 = arith.mulf %broadcast_in_dim3A_113, %mul3A_115 : vector<1x2048xf32>
    %get3A_117 = arith.constant 0 : index
    %get3A_118 = arith.constant 0 : index
    %get3A_119 = arith.constant 0 : index
    %get3A_120 = vector.load %arg3[%get3A_117, %get3A_118, %get3A_119] : memref<1x1x2048xf32, #tpu.memory_space<vmem>>, vector<1x1x2048xf32>
    %reshape3A_121 = vector.shape_cast %get3A_120 : vector<1x1x2048xf32> to vector<1x2048xf32>
    %add3A_122 = arith.addf %mul3A_116, %reshape3A_121 : vector<1x2048xf32>
    %get3A_123 = arith.constant 0 : index
    %get3A_124 = arith.constant 0 : index
    %get3A_125 = arith.constant 0 : index
    %get3A_126 = vector.load %arg4[%get3A_123, %get3A_124, %get3A_125] : memref<1x1x2048xf32, #tpu.memory_space<vmem>>, vector<1x1x2048xf32>
    %reshape3A_127 = vector.shape_cast %get3A_126 : vector<1x1x2048xf32> to vector<1x2048xf32>
    %add3A_128 = arith.addf %add3A_122, %reshape3A_127 : vector<1x2048xf32>
    %get3A_129 = arith.constant 0 : index
    %get3A_130 = arith.constant 0 : index
    %get3A_131 = vector.load %arg13[%get3A_129, %get3A_130] : memref<1x1xf32, #tpu.memory_space<vmem>>, vector<1x1xf32>
    %add3A_132 = vector.broadcast %get3A_131 : vector<1x1xf32> to vector<1x2048xf32>
    %add3A_133 = arith.addf %add3A_128, %add3A_132 : vector<1x2048xf32>
    %jit3A = arith.constant -1.000000e-01 : f32
    %jit3A_134 = arith.constant 1.100000e+00 : f32
    %max3A_135 = vector.broadcast %jit3A : f32 to vector<1x2048xf32>
    %max3A_136 = arith.maximumf %max3A_135, %add3A_133 : vector<1x2048xf32>
    %min3A = vector.broadcast %jit3A_134 : f32 to vector<1x2048xf32>
    %min3A_137 = arith.minimumf %min3A, %max3A_136 : vector<1x2048xf32>
    %reshape3A_138 = vector.shape_cast %min3A_137 : vector<1x2048xf32> to vector<1x1x2048xf32>
    %swap3A = arith.constant 0 : index
    %swap3A_139 = arith.constant 0 : index
    %swap3A_140 = arith.constant 0 : index
    %swap3A_141 = vector.load %arg14[%swap3A, %swap3A_139, %swap3A_140] : memref<1x1x2048xf32, #tpu.memory_space<vmem>>, vector<1x1x2048xf32>
    tpu.vector_store %arg14[%swap3A, %swap3A_139, %swap3A_140], %reshape3A_138 {strides = array<i32>} : memref<1x1x2048xf32, #tpu.memory_space<vmem>>, vector<1x1x2048xf32>,
    return
  }
  func.func @transform_0(%arg0: i32) -> (i32, i32) {
    %c0_i32 = arith.constant 0 : i32
    %c0_i32_0 = arith.constant 0 : i32
    return %c0_i32, %arg0 : i32, i32
  }
  func.func @transform_1(%arg0: i32) -> (i32, i32) {
    %c0_i32 = arith.constant 0 : i32
    %c0_i32_0 = arith.constant 0 : i32
    return %c0_i32, %arg0 : i32, i32
  }
  func.func @transform_2(%arg0: i32) -> (i32, i32, i32) {
    %c0_i32 = arith.constant 0 : i32
    %c0_i32_0 = arith.constant 0 : i32
    %c0_i32_1 = arith.constant 0 : i32
    return %arg0, %c0_i32, %c0_i32_0 : i32, i32, i32
  }
  func.func @transform_3(%arg0: i32) -> (i32, i32, i32) {
    %c0_i32 = arith.constant 0 : i32
    %c0_i32_0 = arith.constant 0 : i32
    %c0_i32_1 = arith.constant 0 : i32
    return %arg0, %c0_i32, %c0_i32_0 : i32, i32, i32
  }
  func.func @transform_4(%arg0: i32) -> (i32, i32, i32) {
    %c0_i32 = arith.constant 0 : i32
    %c0_i32_0 = arith.constant 0 : i32
    %c0_i32_1 = arith.constant 0 : i32
    return %arg0, %c0_i32, %c0_i32_0 : i32, i32, i32
  }
  func.func @transform_5(%arg0: i32) -> (i32, i32) {
    %c0_i32 = arith.constant 0 : i32
    %c0_i32_0 = arith.constant 0 : i32
    %c0_i32_1 = arith.constant 0 : i32
    return %c0_i32, %c0_i32_0 : i32, i32
  }
  func.func @transform_6(%arg0: i32) -> (i32, i32) {
    %c0_i32 = arith.constant 0 : i32
    %c0_i32_0 = arith.constant 0 : i32
    %c0_i32_1 = arith.constant 0 : i32
    return %c0_i32, %c0_i32_0 : i32, i32
  }
  func.func @transform_7(%arg0: i32) -> (i32, i32) {
    %c0_i32 = arith.constant 0 : i32
    %c0_i32_0 = arith.constant 0 : i32
    %c0_i32_1 = arith.constant 0 : i32
    return %c0_i32, %c0_i32_0 : i32, i32
  }
  func.func @transform_8(%arg0: i32) -> (i32, i32) {
    %c0_i32 = arith.constant 0 : i32
    %c0_i32_0 = arith.constant 0 : i32
    %c0_i32_1 = arith.constant 0 : i32
    return %c0_i32, %c0_i32_0 : i32, i32
  }
  func.func @transform_9(%arg0: i32) -> (i32, i32) {
    %c0_i32 = arith.constant 0 : i32
    %c0_i32_0 = arith.constant 0 : i32
    %c0_i32_1 = arith.constant 0 : i32
    return %c0_i32, %c0_i32_0 : i32, i32
  }
  func.func @transform_10(%arg0: i32) -> (i32, i32) {
    %c0_i32 = arith.constant 0 : i32
    %c0_i32_0 = arith.constant 0 : i32
    %c0_i32_1 = arith.constant 0 : i32
    return %c0_i32, %c0_i32_0 : i32, i32
  }
  func.func @transform_11(%arg0: i32) -> (i32, i32) {
    %c0_i32 = arith.constant 0 : i32
    %c0_i32_0 = arith.constant 0 : i32
    %c0_i32_1 = arith.constant 0 : i32
    return %c0_i32, %c0_i32_0 : i32, i32
  }
  func.func @transform_12(%arg0: i32) -> (i32, i32) {
    %c0_i32 = arith.constant 0 : i32
    %c0_i32_0 = arith.constant 0 : i32
    %c0_i32_1 = arith.constant 0 : i32
    return %c0_i32, %c0_i32_0 : i32, i32
  }
  func.func @transform_13(%arg0: i32) -> (i32, i32, i32) {
    %c0_i32 = arith.constant 0 : i32
    %c0_i32_0 = arith.constant 0 : i32
    %c0_i32_1 = arith.constant 0 : i32
    return %arg0, %c0_i32, %c0_i32_0 : i32, i32, i32
  }
}

</mosaic_0001>

<sc_bundles>
// kernel: kernel.5.cloned.1.call-start
scs
__scs_entry_jumppad:
0x0: {  	(pc) =	sbr.rel $0x88, $3  }
0x1: {  	(tag) =	ssettag $0x0;
	lr =	simm.s32 $0x1  }
0x2: {  	[smem:$0x3F92] =	sst lr;
	_ =	strace $0xD0000000  }
0x3: {  	_ = 	snop  }
0x4: {  	_ = 	snop  }
0x5: {  	_ = 	snop  }
0x6: {  	_ = 	snop  }
0x7: {  	_ = 	snop  }
__scs_overlays_trampoline_lowered:
0x8: {  	[smem:$0x3FA1] =	sst s0  }
0x9: {  	[smem:$0x3FA2] =	sst s1  }
0xa: {  	[smem:$0x3FA3] =	sst s2  }
0xb: {  	[smem:$0x3FA4] =	sst s3  }
0xc: {  	[smem:$0x3FA5] =	sst s4  }
0xd: {  	[smem:$0x3FA6] =	sst s5  }
0xe: {  	[smem:$0x3FA7] =	sst s6  }
0xf: {  	[smem:$0x3FA8] =	sst s7  }
0x10: {  	[smem:$0x3FA9] =	sst s8  }
0x11: {  	[smem:$0x3FAA] =	sst s9;
	s0 =	simm.s32 @!p0 $0x0  }
0x12: {  	s1 =	sld [smem:$0x3F90];
	s0 =	simm.s32 @p0 $0x1  }
0x13: {  	[smem:$0x3FAB] =	sst s0;
	s0 =	simm.s32 @!p1 $0x0  }
0x14: {  	s2 =	sld [smem:$0x3F8F];
	s0 =	simm.s32 @p1 $0x1  }
0x15: {  	[smem:$0x3FAC] =	sst s0;
	s0 =	simm.s32 @!p2 $0x0  }
0x16: {  	s3 =	sld [smem:$0x3FDB];
	s0 =	simm.s32 @p2 $0x1  }
0x17: {  	s4 =	simm.s32 $0x1BF5;
	[smem:$0x3FAE] =	sst s0  }
0x18: {  	s0 =	sld [smem:$0x3F91];
	_ =	swait.ge [sflag:s4], $0x0  }
0x19: {  	s7 =	sld [smem:$0x3F92]  }
0x1a: {  	s8 =	sadd.s32 $0xFFFFE003, lr  }
0x1b: {  	s9 =	sadd.s32 $0xFFFFFEF7, lr;
	s5 =	simm.s32 $0xFFFFFFFF;
	p2 =	slt.u32 s8, $0xFFFFF086  }
0x1c: {  	p1 =	slt.u32 s9, $0xF7A;
	s5 =	simm.s32 @!p2 $0x0  }
0x1d: {  	s5 =	simm.s32 @p1 $0x1;
	p0 =	seq.s32 s7, s2  }
0x1e: {  	s7 =	smul.u32 @!p0 $0xF7A, s2;
	p2 =	seq.s32 @!p0 s5, $0x0  }
0x1f: {  	s9 =	smul.u32 $0xF7A, s1;
	s8 =	simm.s32 @!p0 $0x1BF5;
	p2 =	por !p2, p0  }
0x20: {  	[sflag:s8] =	ssyncset.s32 @!p0 $0xFFFFF086;
	s6 =	sadd.s32 @!p0 s3, s7;
	s7 =	simm.s32 @!p0 $0x108  }
0x21: {  	s3 =	sadd.s32 s3, s9;
	s6 =	sadd.s32 @!p0 $0x88, s6;
	s7 =	simm.s32 @p2 $0x1082  }
0x22: {  	[simem:s7], [sflag:s8] =	dma.local @!p0 [hbm:s6], $0xF7A  }
0x23: {  	s9 =	sor.u32 $0xD0000000, s2;
	s6 =	simm.s32 $0x108;
	_ =	swait.ge @!p0 [sflag:s8], $0x0  }
0x24: {  	s3 =	sadd.s32 $0x88, s3;
	s6 =	simm.s32 @!p1 $0x1082;
	[sflag:s4] =	ssyncset.s32 $0xFFFFF086  }
0x25: {  	[simem:s6], [sflag:s4] =	dma.local [hbm:s3], $0xF7A  }
0x26: {  	[smem:$0x3F92] =	sst s1;
	(tag) =	ssettag s2;
	_ =	strace s9  }
0x27: {  	s1 =	sld [smem:$0x3FA2]  }
0x28: {  	s2 =	sld [smem:$0x3FA3]  }
0x29: {  	s4 =	sld [smem:$0x3FA5]  }
0x2a: {  	p0 =	seq.s32 s5, $0x0;
	s5 =	sld [smem:$0x3FA6]  }
0x2b: {  	s6 =	sld [smem:$0x3FA7]  }
0x2c: {  	s7 =	sld [smem:$0x3FA8]  }
0x2d: {  	s3 =	simm.s32 $0x108;
	s8 =	sld [smem:$0x3FA9]  }
0x2e: {  	s3 =	simm.s32 @!p0 $0x1082;
	s9 =	sld [smem:$0x3FAA]  }
0x2f: {  	lr =	sadd.s32 s0, s3;
	s0 =	sld [smem:$0x3FA1]  }
0x30: {  	s3 =	sld [smem:$0x3FA4]  }
0x31: {  	[smem:$0x3FAD] =	sst s10  }
0x32: {  	s10 =	sld [smem:$0x3FAB];
	_ =	sdelay $0x3  }
0x33: {  	p0 =	seq.s32 s10, $0x1;
	s10 =	sld [smem:$0x3FAD];
	_ =	sdelay $0x3  }
0x34: {  	[smem:$0x3FAD] =	sst s10  }
0x35: {  	s10 =	sld [smem:$0x3FAC];
	_ =	sdelay $0x3  }
0x36: {  	p1 =	seq.s32 s10, $0x1;
	s10 =	sld [smem:$0x3FAD];
	_ =	sdelay $0x3  }
0x37: {  	[smem:$0x3FAD] =	sst s10  }
0x38: {  	s10 =	sld [smem:$0x3FAE]  }
0x39: {  	_ = 	snop;
	(pc) =	sbr.ind lr, $3  }
0x3a: {  	_ = 	snop  }
0x3b: {  	_ = 	snop  }
0x3c: {  	p2 =	seq.s32 s10, $0x1;
	s10 =	sld [smem:$0x3FAD]  }
0x3d: {  	_ =	shalt  }
0x3e: {  	_ =	shalt  }
0x3f: {  	_ =	shalt  }
0x40: {  	_ =	shalt  }
0x41: {  	_ =	shalt  }
0x42: {  	_ =	shalt  }
0x43: {  	_ =	shalt  }
0x44: {  	_ =	shalt  }
0x45: {  	_ =	shalt  }
0x46: {  	_ =	shalt  }
0x47: {  	_ =	shalt  }
0x48: {  	_ =	shalt  }
0x49: {  	_ =	shalt  }
0x4a: {  	_ =	shalt  }
0x4b: {  	_ =	shalt  }
0x4c: {  	_ =	shalt  }
0x4d: {  	_ =	shalt  }
0x4e: {  	_ =	shalt  }
0x4f: {  	_ =	shalt  }
0x50: {  	_ =	shalt  }
0x51: {  	_ =	shalt  }
0x52: {  	_ =	shalt  }
0x53: {  	_ =	shalt  }
0x54: {  	_ =	shalt  }
0x55: {  	_ =	shalt  }
0x56: {  	_ =	shalt  }
0x57: {  	_ =	shalt  }
0x58: {  	_ =	shalt  }
0x59: {  	_ =	shalt  }
0x5a: {  	_ =	shalt  }
0x5b: {  	_ =	shalt  }
0x5c: {  	_ =	shalt  }
0x5d: {  	_ =	shalt  }
0x5e: {  	_ =	shalt  }
0x5f: {  	_ =	shalt  }
0x60: {  	_ =	shalt  }
0x61: {  	_ =	shalt  }
0x62: {  	_ =	shalt  }
0x63: {  	_ =	shalt  }
0x64: {  	_ =	shalt  }
0x65: {  	_ =	shalt  }
0x66: {  	_ =	shalt  }
0x67: {  	_ =	shalt  }
0x68: {  	_ =	shalt  }
0x69: {  	_ =	shalt  }
0x6a: {  	_ =	shalt  }
0x6b: {  	_ =	shalt  }
0x6c: {  	_ =	shalt  }
0x6d: {  	_ =	shalt  }
0x6e: {  	_ =	shalt  }
0x6f: {  	_ =	shalt  }
0x70: {  	_ =	shalt  }
0x71: {  	_ =	shalt  }
0x72: {  	_ =	shalt  }
0x73: {  	_ =	shalt  }
0x74: {  	_ =	shalt  }
0x75: {  	_ =	shalt  }
0x76: {  	_ =	shalt  }
0x77: {  	_ =	shalt  }
0x78: {  	_ =	shalt  }
0x79: {  	_ =	shalt  }
0x7a: {  	_ =	shalt  }
0x7b: {  	_ =	shalt  }
0x7c: {  	_ =	shalt  }
0x7d: {  	_ =	shalt  }
0x7e: {  	_ =	shalt  }
0x7f: {  	_ =	shalt  }
0x80: {  	_ =	shalt  }
0x81: {  	_ =	shalt  }
0x82: {  	_ =	shalt  }
0x83: {  	_ =	shalt  }
0x84: {  	_ =	shalt  }
0x85: {  	_ =	shalt  }
0x86: {  	_ =	shalt  }
0x87: {  	_ =	shalt  }
.Lfunc_end0:
.L_simem_size_0:
called_computation_lowered:
.L_overlay_start_0:
0x88: {  	s2 =	sld [smem:$0x3FD9]  }
0x89: {  	s3 =	sld [smem:$0x3FFE];
	_ =	sdelay $0x1  }
0x8a: {  	s1 =	srdreg.scid  }
0x8b: {  	s0 =	sand.u32 $0x1, s1  }
0x8c: {  	s17 =	sshll.u32 s0, $0xA;
	s2 =	sadd.s32 s3, s2  }
0x8d: {  	s2 =	sadd.s32 s2, s17  }
0x8e: {  	[smem:$0x3FB9] =	sst s2  }
0x8f: {  	_ = 	snop  }
0x90: {  	s18 =	sld [smem:$0x3FC9]  }
0x91: {  	s4 =	sld [smem:$0x3FC8]  }
0x92: {  	s5 =	sld [smem:$0x3FC6]  }
0x93: {  	s6 =	sld [smem:$0x3FC5];
	(tm) =	ssettm $0x1  }
0x94: {  	s19 =	sld [smem:$0x3FFB];
	_ =	sdelay $0x3  }
0x95: {  	_ =	strace s19  }
0x96: {  	s2 =	sld [smem:$0x3FFC];
	_ =	sdelay $0x3  }
0x97: {  	_ =	strace s2  }
0x98: {  	s2 =	sld [smem:$0x3FFD];
	_ =	sdelay $0x3  }
0x99: {  	_ =	strace s2  }
0x9a: {  	_ =	strace $0x8FFFFFFF  }
0x9b: {  	s20 =	sld [smem:$0x3FDB];
	_ =	sdelay $0x1  }
0x9c: {  	s7 =	simm.s32 $_scs_section_size  }
0x9d: {  	s8 =	simm.s32 $_size__tile_overlayer_lowered;
	s9 =	simm.s32 $_tile_overlayer_lowered  }
0x9e: {  	s10 =	simm.s32 $0x1BFF;
	s21 =	sshll.u32 s9, $0x1;
	s7 =	sadd.s32 s7, s20  }
0x9f: {  	s22 =	simm.s32 $0x0;
	s8 =	sshll.u32 s8, $0x1;
	s9 =	sadd.s32 s21, s7  }
0xa0: {  	[timem:s22], [sflag:s10] =	dma.local [hbm:s9], s8  }
0xa1: {  	_ =	swait.ge [sflag:s10], s8  }
0xa2: {  	s8 =	ssub.s32 $0x0, s8;
	[sflag:s10] =	ssyncset.done $0x0  }
0xa3: {  	[sflag:s10] =	ssyncadd.s32 s8;
	_ =	sdelay $0x1  }
0xa4: {  	s23 =	simm.s32 $0x1B8B  }
0xa5: {  	_ =	swait.ge [sflag:s23], $0x1  }
0xa6: {  	[sflag:s23] =	ssyncset.done $0x0  }
0xa7: {  	[sflag:s23] =	ssyncadd.s32 $0xFFFFFFFF  }
0xa8: {  	s8 =	sld [smem:$0x0]  }
0xa9: {  	s9 =	sand.u32 $0xFFFFFFFE, s1  }
0xaa: {  	p0 =	sne.s32 s1, s9  }
0xab: {  	s9 =	sshll.u32 @p0 s9, $0xE  }
0xac: {  	s9 =	sadd.s32 @p0 $0x11B8D, s9;
	s10 =	sshll.u32 @p0 s8, $0x11  }
0xad: {  	s9 =	sor.u32 @p0 s10, s9  }
0xae: {  	[sflag:s9] =	ssyncadd.remote.s32 @p0 $0x1;
	_ =	sdelay $0x1  }
0xaf: {  	s9 =	simm.s32 @p0 $0x1B8D  }
0xb0: {  	_ =	swait.eq @p0 [sflag:s9], $0x1  }
0xb1: {  	[sflag:s9] =	ssyncadd.s32 @p0 $0xFFFFFFFF  }
0xb2: {  	s10 =	sshll.u32 @!p0 s1, $0xE  }
0xb3: {  	s10 =	sor.u32 @!p0 $0x4000, s10;
	s9 =	simm.s32 @!p0 $0x1B8D  }
0xb4: {  	s8 =	sshll.u32 @!p0 s8, $0x11;
	s10 =	sadd.s32 @!p0 $0x11B8D, s10;
	_ =	swait.eq @!p0 [sflag:s9], $0x1  }
0xb5: {  	s8 =	sor.u32 @!p0 s8, s10;
	[sflag:s9] =	ssyncadd.s32 @!p0 $0xFFFFFFFF  }
0xb6: {  	s25 =	simm.s32 $0x1B8E;
	s24 =	sld [smem:$0x3FFE];
	[sflag:s8] =	ssyncadd.remote.s32 @!p0 $0x1  }
0xb7: {  	s26 =	simm.s32 $execute0_lowered;
	[smem:$0x3FD2] =	sst s25  }
0xb8: {  	s9 =	sshll.u32 s26, $0x1;
	_ =	strace $0x80000049;
	[dreg:$0x1] =	wrdreg $0xFFFFFFFF  }
0xb9: {  	s28 =	simm.s32 $_size_execute0_lowered;
	s7 =	sadd.s32 s7, s9;
	[dreg:$0x0] =	wrdreg $0x0  }
0xba: {  	s9 =	sshll.u32 s28, $0x1;
	[dreg:$0x2] =	wrdreg s7  }
0xbb: {  	[dreg:$0x3] =	wrdreg s9  }
0xbc: {  	[dreg:$0x4] =	wrdreg $0xC0  }
0xbd: {  	_ =	task [dreg:s22], $0x5FFFF  }
0xbe: {  	[dreg:$0x1] =	wrdreg $0xFFFFFFFF  }
0xbf: {  	[dreg:$0x0] =	wrdreg $0x60  }
0xc0: {  	[dreg:$0x2] =	wrdreg s5  }
0xc1: {  	[dreg:$0x3] =	wrdreg s6  }
0xc2: {  	[dreg:$0x4] =	wrdreg s24  }
0xc3: {  	[dreg:$0x5] =	wrdreg s18  }
0xc4: {  	[dreg:$0x6] =	wrdreg s4  }
0xc5: {  	[dreg:$0x7] =	wrdreg $0x9  }
0xc6: {  	_ =	task.clear_ibuf [dreg:s22], $0x8FFFF;
	_ =	strace $0x90000049  }
0xc7: {  	s29 =	simm.s32 $0x9;
	_ =	strace $0x8000004B  }
0xc8: {  	_ =	swait.ge [sflag:s29], $0x1  }
0xc9: {  	[sflag:s29] =	ssyncadd.s32 $0xFFFFFFFF  }
0xca: {  	_ =	strace $0x9000004B  }
0xcb: {  	_ =	sfence  }
0xcc: {  	s30 =	sld [smem:$0x0];
	_ =	sdelay $0x2  }
0xcd: {  	s31 =	sshll.u32 s1, $0xD;
	s1 =	sshrl.u32 s1, $0x2  }
0xce: {  	s4 =	sand.u32 $0x4000, s31;
	s1 =	sadd.s32 s1, s30  }
0xcf: {  	s0 =	sor.u32 s4, s0;
	s1 =	sshll.u32 s1, $0x11  }
0xd0: {  	s0 =	sor.u32 s1, s0  }
0xd1: {  	s0 =	sadd.s32 $0x8F2B, s0  }
0xd2: {  	[sflag:s0] =	ssyncadd.remote.s32 $0x1  }
0xd3: {  	_ =	sfence.sel $0xFFFF  }
0xd4: {  	[dreg:$0x0] =	wrdreg $0xFFFFFFFF;
	(pc) =	sbr.abs _section_cstart, $3  }
0xd5: {  	[dreg:$0x1] =	wrdreg $0xFFFFFFFF  }
0xd6: {  	_ =	task.clear_ibuf [dreg:s22], $0x2FFFF;
	_ =	strace $0x9FFFFFFF  }
0xd7: {  	(tm) =	ssettm $0x7FFFFFFF  }
tec
execute0_lowered:
.L_overlay_start_1:
0x0: {  	(tag) =	ssettag $0x1  }
0x1: {  	s1 =	rddreg [dreg:$0x0]  }
0x2: {  	s0 =	rddreg [dreg:$0x1]  }
0x3: {  	s2 =	rddreg [dreg:$0x2]  }
0x4: {  	s3 =	srdreg.scid;
	s7 =	stileid.u32  }
0x5: {  	s5 =	simm.s32 $0x0;
	s19 =	simm.s32 $0x3;
	s20 =	simm.s32 $0x100  }
0x6: {  	s21 =	simm.s32 $0x400;
	s22 =	simm.s32 $0xC000;
	s28 =	simm.s32 $0x1FA00  }
0x7: {  	s29 =	simm.s32 $0x1FB00;
	s30 =	simm.s32 $0x0;
	s3 =	sand.u32 $0x1, s3  }
0x8: {  	s4 =	sshll.u32 s7, $0x9;
	s7 =	sshrl.u32 s7, $0x1;
	[smem:$0x7FF] =	sst s5  }
0x9: {  	s6 =	sshll.u32 s3, $0x8;
	s4 =	sand.u32 $0x200, s4;
	_ =	strace $0x8000004A  }
0xa: {  	s23 =	sshll.u32 s7, $0xA;
	s8 =	sshll.u32 s7, $0x11;
	s9 =	smul.u32 $0x7A1400, s7  }
0xb: {  	s3 =	ssub.s32 $0x2, s3;
	s11 =	smul.u32 $0xC3800, s7;
	s4 =	sor.u32 s6, s4  }
0xc: {  	s25 =	sshrl.u32 s3, $0x1;
	s6 =	sor.u32 s23, s4;
	s8 =	sor.u32 s8, s4  }
0xd: {  	s26 =	sor.u32 s9, s4;
	s3 =	ssub.s32 s3, s25;
	s4 =	sor.u32 s11, s4  }
0xe: {  	s23 =	simm.s32 $0x15D00;
	s25 =	simm.s32 $0x4000;
	s6 =	sshrl.u32 s6, $0x3  }
0xf: {  	s24 =	sshrl.u32 s8, $0x3;
	s9 =	sshrl.u32 s26, $0x3;
	s10 =	sadd.s32 $0x783400, s26  }
0x10: {  	s7 =	sadd.s32 $0x4E800, s26;
	s11 =	sshrl.u32 s4, $0x3;
	s12 =	sadd.s32 $0x27400, s4  }
0x11: {  	s13 =	sadd.s32 $0x4E800, s4;
	s14 =	sadd.s32 $0x75C00, s4;
	s4 =	sadd.s32 $0x9D000, s4  }
0x12: {  	s18 =	smax.u32 s3, $0x1;
	s26 =	simm.s32 $0x2;
	s16 =	sadd.s32 s6, s2  }
0x13: {  	v0 =	vlaneseq.u32;
	s2 =	sadd.s32 s24, s2;
	s6 =	sadd.s32 s1, s9;
	s31 =	sshrl.u32 s10, $0x3  }
0x14: {  	v1 =	vor.u32 $0x80, v0;
	v2 =	vor.u32 $0x10, v0;
	v3 =	vor.u32 $0x90, v0;
	s11 =	sadd.s32 s0, s11;
	s12 =	sshrl.u32 s12, $0x3;
	s13 =	sshrl.u32 s13, $0x3  }
0x15: {  	v4 =	vor.u32 $0x20, v0;
	v5 =	vor.u32 $0xA0, v0;
	v6 =	vor.u32 $0x30, v0;
	s14 =	sshrl.u32 s14, $0x3;
	s4 =	sshrl.u32 s4, $0x3;
	s24 =	simm.s32 $0x1  }
0x16: {  	v7 =	vor.u32 $0xB0, v0;
	v8 =	vor.u32 $0x40, v0;
	v9 =	vor.u32 $0xC0, v0;
	s8 =	sadd.s32 s1, s31;
	s9 =	sadd.s32 $0x24600, s16;
	s10 =	sadd.s32 $0x24A00, s2  }
0x17: {  	v10 =	vor.u32 $0x50, v0;
	v11 =	vor.u32 $0xD0, v0;
	v12 =	vor.u32 $0x60, v0;
	s12 =	sadd.s32 s0, s12;
	s13 =	sadd.s32 s0, s13;
	s14 =	sadd.s32 s0, s14  }
0x18: {  	v13 =	vor.u32 $0xE0, v0;
	v14 =	vor.u32 $0x70, v0;
	v15 =	vor.u32 $0xF0, v0;
	s15 =	sadd.s32 s0, s4;
	s16 =	sadd.s32 $0x24200, s16;
	s17 =	sadd.s32 $0x44A00, s2  }
.LBB2_1:
0x19: {  	s0 =	rddreg [dreg:$0x3]  }
0x1a: {  	[tilespmem:s5], [sflag:$0x3] =	stream.linear.gather [hbm4b:s0+s5], $0x4000, $0x38;
	[tilespmem:$0x1FC00] =	vst v63  }
0x1b: {  	_ =	swait.ge [sflag:s19], $0x4000  }
0x1c: {  	[sflag:s19] =	ssyncset.done $0x0  }
0x1d: {  	s31 =	simm.s32 $0x0;
	[sflag:s19] =	ssyncadd.s32 $0xFFFFC000  }
0x1e: {  	[tilespmem:s22], [sflag:$0x1] =	stream.strided.gather [hbm4b:s6+s20], $0x9D00, s21, s20, $0x38;
	[tilespmem:$0x1FC00] =	vst v63  }
.LBB2_2:
0x1f: {  	s2 =	smul.u32 $0x9D00, s31;
	_ =	sdelay $0x1  }
0x20: {  	s0 =	sadd.s32 $0x4E80, s2  }
0x21: {  	s3 =	sadd.s32 s6, s0  }
0x22: {  	[tilespmem:s23], [sflag:$0x2] =	stream.strided.gather [hbm4b:s3+s20], $0x9D00, s21, s20, $0x38;
	[tilespmem:$0x1FC00] =	vst v63  }
0x23: {  	_ =	swait.ge [sflag:s24], $0x9D00  }
0x24: {  	[sflag:s24] =	ssyncset.done $0x0  }
0x25: {  	s4 =	simm.s32 $0x40;
	[sflag:s24] =	ssyncadd.s32 $0xFFFF6300  }
0x26: {  	v17 =	vld [tilespmem:s4+$0x30]  }
0x27: {  	v18 =	vld [tilespmem:s4+$0xFFFFFFD0]  }
0x28: {  	v19 =	vld [tilespmem:s4+$0xFFFFFFF0]  }
0x29: {  	v28 =	vld [tilespmem:s4+$0x0]  }
0x2a: {  	v29 =	vld [tilespmem:s4+$0x10]  }
0x2b: {  	v21 =	vld [tilespmem:s4+$0xFFFFFFE0]  }
0x2c: {  	v16 =	vmov s2  }
0x2d: {  	v22 =	vsub.s32 v18, v16;
	v26 =	vsub.s32 v17, v16  }
0x2e: {  	v17 =	vand.u32 $0x7F, v17;
	v18 =	vand.u32 $0x7F, v18;
	v31 =	vand.u32 $0x7F, v19  }
0x2f: {  	v20 =	vld [tilespmem:s4+$0xFFFFFFC0];
	v38 =	vand.u32 $0x7F, v28;
	v19 =	vsub.s32 v19, v16;
	v43 =	vand.u32 $0x7F, v29  }
0x30: {  	v27 =	vand.u32 $0x7F, v21;
	v32 =	vsub.s32 v29, v16;
	v28 =	vsub.s32 v28, v16  }
0x31: {  	vm0 =	vlt.u32 v22, $0x4E80;
	v22 =	vshll.u32 v22, $0x1;
	v23 =	vshll.u32 v26, $0x1  }
0x32: {  	vm3 =	vlt.u32 v26, $0x4E80;
	vm1 =	vlt.u32 v19, $0x4E80;
	v19 =	vshll.u32 v19, $0x1  }
0x33: {  	s2 =	simm.s32 $0x0;
	vm2 =	vlt.u32 v28, $0x4E80;
	v24 =	vand.u32 $0xFFFFFF00, v22;
	v25 =	vand.u32 $0xFFFFFF00, v23  }
0x34: {  	v22 =	vand.u32 $0x7F, v20;
	v30 =	vor.u32 v18, v24;
	v18 =	vmov s2  }
0x35: {  	v24 =	vsub.s32 v20, v16;
	v20 =	vor.u32 v17, v25;
	v17 =	vshrl.u32 v18, $0x7  }
0x36: {  	v23 =	vsub.s32 v21, v16;
	v21 =	vor.u32 $0x80, v20;
	v17 =	vshll.u32 v17, $0x8  }
0x37: {  	v35 =	vor.u32 $0x80, v30;
	v18 =	vbroadcast v17, $0x0;
	v17 =	vand.u32 $0xFFFFFF00, v19  }
0x38: {  	v34 =	vld [tilespmem:s4+$0x20];
	v25 =	vshll.u32 v24, $0x1;
	v19 =	vshll.u32 v32, $0x1;
	v29 =	vor.u32 v31, v17  }
0x39: {  	v44 =	vand.u32 $0xFFFFFF00, v19;
	v26 =	vld.idx.msk [tilespmem:v30+s22+$0x0], vm0;
	v19 =	vor.u32 v10, v18;
	v45 =	vor.u32 $0x80, v29  }
0x3a: {  	v17 =	vor.u32 v13, v18;
	v37 =	vld.idx.msk [tilespmem:v20+s22+$0x0], vm3;
	v33 =	vor.u32 v2, v18;
	v20 =	vshll.u32 v28, $0x1  }
0x3b: {  	v28 =	vor.u32 v8, v18;
	v41 =	vor.u32 v14, v18;
	v30 =	vor.u32 v9, v18;
	v36 =	vld.idx.msk [tilespmem:v21+s22+$0x0], vm3  }
0x3c: {  	v40 =	vor.u32 v15, v18;
	v42 =	vand.u32 $0xFFFFFF00, v20;
	v21 =	vor.u32 v12, v18;
	v31 =	vld.idx.msk [tilespmem:v35+s22+$0x0], vm0  }
0x3d: {  	v20 =	vor.u32 v4, v18;
	v35 =	vor.u32 v43, v44;
	v42 =	vor.u32 v38, v42;
	v39 =	vld.idx.msk [tilespmem:v29+s22+$0x0], vm1  }
0x3e: {  	s3 =	simm.s32 $0x0;
	s4 =	simm.s32 $0xC0;
	v43 =	vor.u32 v6, v18;
	v44 =	vor.u32 $0x80, v42;
	v38 =	vld.idx.msk [tilespmem:v45+s22+$0x0], vm1;
	v45 =	vsub.s32 v34, v16  }
.LBB2_3:
0x3f: {  	v46 =	vld [tilespmem:s4+$0x30];
	s3 =	sadd.s32 $0x8, s3;
	v47 =	vshll.u32 v23, $0x1;
	v29 =	vor.u32 v5, v18;
	v48 =	vor.u32 $0x80, v35;
	s2 =	sadd.s32 $0x80, s2  }
0x40: {  	vm4 =	vlt.u32 v24, $0x4E80;
	v49 =	vld [tilespmem:s4+$0xFFFFFFF0];
	p0 =	slt.u32 s3, $0x3F8;
	v24 =	vand.u32 $0xFFFFFF00, v47;
	v47 =	vor.u32 v7, v18;
	[tilespmem:v41+s25+$0x0] =	vst.idx.msk vm3, v37  }
0x41: {  	vm5 =	vlt.u32 v23, $0x4E80;
	v41 =	vor.u32 v3, v18;
	v37 =	vld [tilespmem:s4+$0xFFFFFFD0];
	v27 =	vor.u32 v27, v24;
	[tilespmem:v40+s25+$0x0] =	vst.idx.msk vm3, v36  }
0x42: {  	v23 =	vand.u32 $0xFFFFFF00, v25;
	vm7 =	vlt.u32 v32, $0x4E80;
	v36 =	vor.u32 $0x80, v27;
	v24 =	vld.idx.msk [tilespmem:v42+s22+$0x0], vm2  }
0x43: {  	v23 =	vor.u32 v22, v23;
	[tilespmem:v43+s25+$0x0] =	vst.idx.msk vm1, v39;
	v22 =	vld.idx.msk [tilespmem:v44+s22+$0x0], vm2  }
0x44: {  	v32 =	vor.u32 $0x80, v23;
	v25 =	vld [tilespmem:s4+$0xFFFFFFC0];
	[tilespmem:v33+s25+$0x0] =	vst.idx.msk vm0, v26;
	v26 =	vand.u32 $0x7F, v34;
	v33 =	vshll.u32 v45, $0x1  }
0x45: {  	vm6 =	vlt.u32 v45, $0x4E80;
	v34 =	vld [tilespmem:s4+$0x10];
	[tilespmem:v47+s25+$0x0] =	vst.idx.msk vm1, v38;
	v38 =	vor.u32 v11, v18;
	v33 =	vand.u32 $0xFFFFFF00, v33  }
0x46: {  	v42 =	vor.u32 v1, v18;
	v39 =	vsub.s32 v37, v16;
	v40 =	vld [tilespmem:s4+$0xFFFFFFE0];
	v26 =	vor.u32 v26, v33  }
0x47: {  	v43 =	vsub.s32 v46, v16;
	v44 =	vand.u32 $0x7F, v46;
	v33 =	vld [tilespmem:s4+$0x0];
	[tilespmem:v41+s25+$0x0] =	vst.idx.msk vm0, v31;
	v31 =	vor.u32 $0x80, v26  }
0x48: {  	vm0 =	vlt.u32 v39, $0x4E80;
	v39 =	vshll.u32 v39, $0x1;
	v41 =	vshll.u32 v43, $0x1;
	[tilespmem:v28+s25+$0x0] =	vst.idx.msk vm2, v24;
	v28 =	vld.idx.msk [tilespmem:v48+s22+$0x0], vm7  }
0x49: {  	v24 =	vand.u32 $0x7F, v37;
	v37 =	vand.u32 $0xFFFFFF00, v39;
	v39 =	vand.u32 $0xFFFFFF00, v41;
	[tilespmem:v30+s25+$0x0] =	vst.idx.msk vm2, v22;
	v30 =	vld.idx.msk [tilespmem:v35+s22+$0x0], vm7  }
0x4a: {  	v22 =	vand.u32 $0x7F, v25;
	v35 =	vor.u32 v24, v37;
	v37 =	vand.u32 $0x7F, v49;
	v45 =	vld.idx.msk [tilespmem:v32+s22+$0x0], vm4  }
0x4b: {  	v47 =	vor.u32 v0, v18;
	v32 =	vmov s2;
	v46 =	vor.u32 $0x80, v35;
	v41 =	vld.idx.msk [tilespmem:v23+s22+$0x0], vm4  }
0x4c: {  	v24 =	vsub.s32 v25, v16;
	v48 =	vand.u32 $0x7F, v33;
	v50 =	vld.idx.msk [tilespmem:v26+s22+$0x0], vm6  }
0x4d: {  	v39 =	vor.u32 v44, v39;
	v23 =	vsub.s32 v40, v16;
	v26 =	vsub.s32 v49, v16;
	v31 =	vld.idx.msk [tilespmem:v31+s22+$0x0], vm6  }
0x4e: {  	vm3 =	vlt.u32 v43, $0x4E80;
	v25 =	vshll.u32 v24, $0x1;
	v43 =	vld.idx.msk [tilespmem:v27+s22+$0x0], vm5  }
0x4f: {  	v44 =	vand.u32 $0x7F, v34;
	v18 =	vshrl.u32 v32, $0x7;
	vm1 =	vlt.u32 v26, $0x4E80;
	v49 =	vld.idx.msk [tilespmem:v36+s22+$0x0], vm5;
	[tilespmem:v19+s25+$0x0] =	vst.idx.msk vm7, v30  }
0x50: {  	v18 =	vshll.u32 v18, $0x8;
	v27 =	vand.u32 $0x7F, v40;
	v30 =	vor.u32 $0x80, v39;
	[tilespmem:v38+s25+$0x0] =	vst.idx.msk vm7, v28  }
0x51: {  	v32 =	vsub.s32 v34, v16;
	v18 =	vbroadcast v18, $0x0;
	v19 =	vshll.u32 v26, $0x1;
	[tilespmem:v47+s25+$0x0] =	vst.idx.msk vm4, v41  }
0x52: {  	v19 =	vand.u32 $0xFFFFFF00, v19;
	v28 =	vsub.s32 v33, v16;
	v33 =	vshll.u32 v32, $0x1;
	v26 =	vld.idx.msk [tilespmem:v35+s22+$0x0], vm0;
	[tilespmem:v21+s25+$0x0] =	vst.idx.msk vm6, v50  }
0x53: {  	v38 =	vand.u32 $0xFFFFFF00, v33;
	v35 =	vor.u32 v37, v19;
	v19 =	vor.u32 v10, v18;
	v34 =	vld [tilespmem:s4+$0x20];
	[tilespmem:v17+s25+$0x0] =	vst.idx.msk vm6, v31  }
0x54: {  	vm2 =	vlt.u32 v28, $0x4E80;
	v47 =	vor.u32 $0x80, v35;
	v17 =	vor.u32 v13, v18;
	v37 =	vld.idx.msk [tilespmem:v39+s22+$0x0], vm3;
	[tilespmem:v20+s25+$0x0] =	vst.idx.msk vm5, v43  }
.Ltmp0:
0x55: {  	v33 =	vor.u32 v2, v18;
	v20 =	vshll.u32 v28, $0x1;
	v28 =	vor.u32 v8, v18;
	v36 =	vld.idx.msk [tilespmem:v30+s22+$0x0], vm3;
	(pc) =	sbr.rel @p0 .LBB2_3-.Ltmp0, $4  }
0x56: {  	v41 =	vor.u32 v14, v18;
	v21 =	vor.u32 v12, v18;
	v43 =	vand.u32 $0xFFFFFF00, v20;
	[tilespmem:v42+s25+$0x0] =	vst.idx.msk vm4, v45  }
0x57: {  	v40 =	vor.u32 v15, v18;
	v30 =	vor.u32 v9, v18;
	v31 =	vld.idx.msk [tilespmem:v46+s22+$0x0], vm0;
	[tilespmem:v29+s25+$0x0] =	vst.idx.msk vm5, v49  }
0x58: {  	v20 =	vor.u32 v4, v18;
	v42 =	vor.u32 v48, v43;
	v39 =	vld.idx.msk [tilespmem:v35+s22+$0x0], vm1;
	v35 =	vor.u32 v44, v38  }
0x59: {  	s4 =	sadd.s32 $0x80, s4;
	v43 =	vor.u32 v6, v18;
	v44 =	vor.u32 $0x80, v42;
	v45 =	vsub.s32 v34, v16;
	v38 =	vld.idx.msk [tilespmem:v47+s22+$0x0], vm1  }
0x5a: {  	_ =	sdelay $0x2  }
0x5b: {  	v16 =	vor.u32 $0x80, v35;
	vm5 =	vlt.u32 v32, $0x4E80  }
0x5c: {  	vm4 =	vlt.u32 v24, $0x4E80;
	v24 =	vor.u32 v7, v18;
	v25 =	vand.u32 $0xFFFFFF00, v25  }
0x5d: {  	v29 =	vor.u32 v3, v18;
	[tilespmem:v41+s25+$0x0] =	vst.idx.msk vm3, v37;
	v22 =	vor.u32 v22, v25;
	v25 =	vshll.u32 v45, $0x1  }
0x5e: {  	v51 =	vand.u32 $0x7F, v34;
	vm6 =	vlt.u32 v45, $0x4E80;
	[tilespmem:v33+s25+$0x0] =	vst.idx.msk vm0, v26;
	v25 =	vand.u32 $0xFFFFFF00, v25  }
0x5f: {  	v52 =	vshll.u32 v23, $0x1;
	v53 =	vld.idx.msk [tilespmem:v42+s22+$0x0], vm2;
	[tilespmem:v40+s25+$0x0] =	vst.idx.msk vm3, v36;
	v25 =	vor.u32 v51, v25  }
0x60: {  	v54 =	vand.u32 $0xFFFFFF00, v52;
	vm3 =	vlt.u32 v23, $0x4E80;
	v23 =	vld.idx.msk [tilespmem:v44+s22+$0x0], vm2;
	[tilespmem:v43+s25+$0x0] =	vst.idx.msk vm1, v39;
	v55 =	vor.u32 $0x80, v25  }
0x61: {  	[tilespmem:v24+s25+$0x0] =	vst.idx.msk vm1, v38;
	v24 =	vor.u32 v27, v54;
	v27 =	vld.idx.msk [tilespmem:v35+s22+$0x0], vm5  }
0x62: {  	v56 =	vor.u32 $0x80, v22;
	[tilespmem:v29+s25+$0x0] =	vst.idx.msk vm0, v31;
	v29 =	vor.u32 v0, v18;
	v22 =	vld.idx.msk [tilespmem:v22+s22+$0x0], vm4  }
0x63: {  	v26 =	vor.u32 v11, v18;
	v16 =	vld.idx.msk [tilespmem:v16+s22+$0x0], vm5;
	v57 =	vor.u32 $0x80, v24  }
0x64: {  	[tilespmem:v28+s25+$0x0] =	vst.idx.msk vm2, v53;
	v25 =	vld.idx.msk [tilespmem:v25+s22+$0x0], vm6  }
0x65: {  	[tilespmem:v30+s25+$0x0] =	vst.idx.msk vm2, v23;
	v23 =	vld.idx.msk [tilespmem:v55+s22+$0x0], vm6  }
0x66: {  	v24 =	vld.idx.msk [tilespmem:v24+s22+$0x0], vm3;
	[tilespmem:v19+s25+$0x0] =	vst.idx.msk vm5, v27  }
0x67: {  	v19 =	vor.u32 v1, v18;
	v27 =	vld.idx.msk [tilespmem:v56+s22+$0x0], vm4;
	[tilespmem:v29+s25+$0x0] =	vst.idx.msk vm4, v22  }
0x68: {  	[tilespmem:v26+s25+$0x0] =	vst.idx.msk vm5, v16;
	v16 =	vor.u32 v5, v18;
	v18 =	vld.idx.msk [tilespmem:v57+s22+$0x0], vm3  }
0x69: {  	s2 =	smul.u32 $0x4E800, s31;
	[tilespmem:v21+s25+$0x0] =	vst.idx.msk vm6, v25  }
0x6a: {  	[tilespmem:v17+s25+$0x0] =	vst.idx.msk vm6, v23  }
0x6b: {  	s2 =	sadd.s32 s2, s7;
	[tilespmem:v20+s25+$0x0] =	vst.idx.msk vm3, v24  }
0x6c: {  	s2 =	sshrl.u32 s2, $0x3;
	[tilespmem:v19+s25+$0x0] =	vst.idx.msk vm4, v27  }
0x6d: {  	s2 =	sadd.s32 s1, s2;
	[tilespmem:v16+s25+$0x0] =	vst.idx.msk vm3, v18  }
0x6e: {  	[tilespmem:s22], [sflag:$0x1] =	stream.strided.gather [hbm4b:s2+s20], $0x9D00, s21, s20, $0x38;
	[tilespmem:$0x1FC00] =	vst v63  }
0x6f: {  	_ =	swait.ge [sflag:s26], $0x9D00  }
0x70: {  	[sflag:s26] =	ssyncset.done $0x0  }
0x71: {  	s4 =	simm.s32 $0x40;
	[sflag:s26] =	ssyncadd.s32 $0xFFFF6300  }
0x72: {  	v17 =	vld [tilespmem:s4+$0x30]  }
0x73: {  	v18 =	vld [tilespmem:s4+$0xFFFFFFD0]  }
0x74: {  	v19 =	vld [tilespmem:s4+$0xFFFFFFF0]  }
0x75: {  	v28 =	vld [tilespmem:s4+$0x0]  }
0x76: {  	v29 =	vld [tilespmem:s4+$0x10]  }
0x77: {  	v21 =	vld [tilespmem:s4+$0xFFFFFFE0]  }
0x78: {  	v16 =	vmov s0;
	v34 =	vld [tilespmem:s4+$0x20]  }
0x79: {  	v22 =	vsub.s32 v18, v16;
	v26 =	vsub.s32 v17, v16  }
0x7a: {  	v17 =	vand.u32 $0x7F, v17;
	v18 =	vand.u32 $0x7F, v18;
	v31 =	vand.u32 $0x7F, v19  }
0x7b: {  	v20 =	vld [tilespmem:s4+$0xFFFFFFC0];
	v59 =	vand.u32 $0x7F, v28;
	v19 =	vsub.s32 v19, v16;
	v60 =	vand.u32 $0x7F, v29  }
0x7c: {  	v27 =	vand.u32 $0x7F, v21;
	v32 =	vsub.s32 v29, v16;
	v28 =	vsub.s32 v28, v16  }
0x7d: {  	v45 =	vsub.s32 v34, v16;
	vm0 =	vlt.u32 v22, $0x4E80;
	v22 =	vshll.u32 v22, $0x1  }
0x7e: {  	v23 =	vshll.u32 v26, $0x1;
	vm3 =	vlt.u32 v26, $0x4E80;
	vm1 =	vlt.u32 v19, $0x4E80  }
0x7f: {  	s0 =	simm.s32 $0x0;
	v19 =	vshll.u32 v19, $0x1;
	v24 =	vand.u32 $0xFFFFFF00, v22;
	v25 =	vand.u32 $0xFFFFFF00, v23  }
0x80: {  	v22 =	vand.u32 $0x7F, v20;
	v30 =	vor.u32 v18, v24;
	v18 =	vmov s0  }
0x81: {  	v24 =	vsub.s32 v20, v16;
	v20 =	vor.u32 v17, v25;
	v17 =	vshrl.u32 v18, $0x7  }
0x82: {  	v23 =	vsub.s32 v21, v16;
	v21 =	vor.u32 $0x80, v20;
	v17 =	vshll.u32 v17, $0x8  }
0x83: {  	v58 =	vor.u32 $0x80, v30;
	v18 =	vbroadcast v17, $0x0;
	v17 =	vand.u32 $0xFFFFFF00, v19  }
0x84: {  	vm2 =	vlt.u32 v28, $0x4E80;
	v19 =	vshll.u32 v32, $0x1;
	v29 =	vor.u32 v31, v17  }
0x85: {  	v25 =	vshll.u32 v24, $0x1;
	v61 =	vand.u32 $0xFFFFFF00, v19;
	v26 =	vld.idx.msk [tilespmem:v30+s23+$0x0], vm0;
	v62 =	vor.u32 $0x80, v29  }
0x86: {  	v19 =	vor.u32 v10, v18;
	v17 =	vor.u32 v13, v18;
	v37 =	vld.idx.msk [tilespmem:v20+s23+$0x0], vm3;
	v33 =	vor.u32 v2, v18  }
0x87: {  	v20 =	vshll.u32 v28, $0x1;
	v28 =	vor.u32 v8, v18;
	v41 =	vor.u32 v14, v18;
	v36 =	vld.idx.msk [tilespmem:v21+s23+$0x0], vm3  }
0x88: {  	v30 =	vor.u32 v9, v18;
	v40 =	vor.u32 v15, v18;
	v63 =	vand.u32 $0xFFFFFF00, v20;
	v31 =	vld.idx.msk [tilespmem:v58+s23+$0x0], vm0  }
0x89: {  	v35 =	vor.u32 v60, v61;
	v43 =	vor.u32 v6, v18;
	v42 =	vor.u32 v59, v63;
	v39 =	vld.idx.msk [tilespmem:v29+s23+$0x0], vm1  }
0x8a: {  	s3 =	simm.s32 $0xC0;
	s2 =	simm.s32 $0x0;
	v20 =	vor.u32 v12, v18;
	v21 =	vor.u32 v4, v18;
	v44 =	vor.u32 $0x80, v42;
	v38 =	vld.idx.msk [tilespmem:v62+s23+$0x0], vm1  }
.LBB2_5:
0x8b: {  	v46 =	vld [tilespmem:s3+$0x30];
	s2 =	sadd.s32 $0x8, s2;
	v47 =	vshll.u32 v23, $0x1;
	v29 =	vor.u32 v5, v18;
	v48 =	vor.u32 $0x80, v35;
	s0 =	sadd.s32 $0x80, s0  }
0x8c: {  	vm4 =	vlt.u32 v24, $0x4E80;
	v49 =	vld [tilespmem:s3+$0xFFFFFFF0];
	p0 =	slt.u32 s2, $0x3F8;
	v24 =	vand.u32 $0xFFFFFF00, v47;
	v47 =	vor.u32 v7, v18;
	[tilespmem:v41+s25+$0x0] =	vst.idx.msk vm3, v37  }
0x8d: {  	vm5 =	vlt.u32 v23, $0x4E80;
	v41 =	vor.u32 v3, v18;
	v37 =	vld [tilespmem:s3+$0xFFFFFFD0];
	v27 =	vor.u32 v27, v24;
	[tilespmem:v40+s25+$0x0] =	vst.idx.msk vm3, v36  }
0x8e: {  	v23 =	vand.u32 $0xFFFFFF00, v25;
	vm7 =	vlt.u32 v32, $0x4E80;
	v36 =	vor.u32 $0x80, v27;
	v24 =	vld.idx.msk [tilespmem:v42+s23+$0x0], vm2  }
0x8f: {  	v23 =	vor.u32 v22, v23;
	[tilespmem:v43+s25+$0x0] =	vst.idx.msk vm1, v39;
	v22 =	vld.idx.msk [tilespmem:v44+s23+$0x0], vm2  }
0x90: {  	v32 =	vor.u32 $0x80, v23;
	v25 =	vld [tilespmem:s3+$0xFFFFFFC0];
	[tilespmem:v33+s25+$0x0] =	vst.idx.msk vm0, v26;
	v26 =	vand.u32 $0x7F, v34;
	v33 =	vshll.u32 v45, $0x1  }
0x91: {  	vm6 =	vlt.u32 v45, $0x4E80;
	v34 =	vld [tilespmem:s3+$0x10];
	[tilespmem:v47+s25+$0x0] =	vst.idx.msk vm1, v38;
	v38 =	vor.u32 v11, v18;
	v33 =	vand.u32 $0xFFFFFF00, v33  }
0x92: {  	v42 =	vor.u32 v1, v18;
	v39 =	vsub.s32 v37, v16;
	v40 =	vld [tilespmem:s3+$0xFFFFFFE0];
	v26 =	vor.u32 v26, v33  }
0x93: {  	v43 =	vsub.s32 v46, v16;
	v44 =	vand.u32 $0x7F, v46;
	v33 =	vld [tilespmem:s3+$0x0];
	[tilespmem:v41+s25+$0x0] =	vst.idx.msk vm0, v31;
	v31 =	vor.u32 $0x80, v26  }
0x94: {  	vm0 =	vlt.u32 v39, $0x4E80;
	v39 =	vshll.u32 v39, $0x1;
	v41 =	vshll.u32 v43, $0x1;
	[tilespmem:v28+s25+$0x0] =	vst.idx.msk vm2, v24;
	v28 =	vld.idx.msk [tilespmem:v48+s23+$0x0], vm7  }
0x95: {  	v24 =	vand.u32 $0x7F, v37;
	v37 =	vand.u32 $0xFFFFFF00, v39;
	v39 =	vand.u32 $0xFFFFFF00, v41;
	[tilespmem:v30+s25+$0x0] =	vst.idx.msk vm2, v22;
	v30 =	vld.idx.msk [tilespmem:v35+s23+$0x0], vm7  }
0x96: {  	v22 =	vand.u32 $0x7F, v25;
	v35 =	vor.u32 v24, v37;
	v37 =	vand.u32 $0x7F, v49;
	v45 =	vld.idx.msk [tilespmem:v32+s23+$0x0], vm4  }
0x97: {  	v47 =	vor.u32 v0, v18;
	v32 =	vmov s0;
	v46 =	vor.u32 $0x80, v35;
	v41 =	vld.idx.msk [tilespmem:v23+s23+$0x0], vm4  }
0x98: {  	v24 =	vsub.s32 v25, v16;
	v48 =	vand.u32 $0x7F, v33;
	v50 =	vld.idx.msk [tilespmem:v26+s23+$0x0], vm6  }
0x99: {  	v39 =	vor.u32 v44, v39;
	v23 =	vsub.s32 v40, v16;
	v26 =	vsub.s32 v49, v16;
	v31 =	vld.idx.msk [tilespmem:v31+s23+$0x0], vm6  }
0x9a: {  	vm3 =	vlt.u32 v43, $0x4E80;
	v25 =	vshll.u32 v24, $0x1;
	v43 =	vld.idx.msk [tilespmem:v27+s23+$0x0], vm5  }
0x9b: {  	v44 =	vand.u32 $0x7F, v34;
	v18 =	vshrl.u32 v32, $0x7;
	vm1 =	vlt.u32 v26, $0x4E80;
	v49 =	vld.idx.msk [tilespmem:v36+s23+$0x0], vm5;
	[tilespmem:v19+s25+$0x0] =	vst.idx.msk vm7, v30  }
0x9c: {  	v18 =	vshll.u32 v18, $0x8;
	v27 =	vand.u32 $0x7F, v40;
	v30 =	vor.u32 $0x80, v39;
	[tilespmem:v38+s25+$0x0] =	vst.idx.msk vm7, v28  }
0x9d: {  	v32 =	vsub.s32 v34, v16;
	v18 =	vbroadcast v18, $0x0;
	v19 =	vshll.u32 v26, $0x1;
	[tilespmem:v47+s25+$0x0] =	vst.idx.msk vm4, v41  }
0x9e: {  	v19 =	vand.u32 $0xFFFFFF00, v19;
	v28 =	vsub.s32 v33, v16;
	v33 =	vshll.u32 v32, $0x1;
	v26 =	vld.idx.msk [tilespmem:v35+s23+$0x0], vm0;
	[tilespmem:v20+s25+$0x0] =	vst.idx.msk vm6, v50  }
0x9f: {  	v38 =	vand.u32 $0xFFFFFF00, v33;
	v35 =	vor.u32 v37, v19;
	v19 =	vor.u32 v10, v18;
	v34 =	vld [tilespmem:s3+$0x20];
	[tilespmem:v17+s25+$0x0] =	vst.idx.msk vm6, v31  }
0xa0: {  	vm2 =	vlt.u32 v28, $0x4E80;
	v47 =	vor.u32 $0x80, v35;
	v17 =	vor.u32 v13, v18;
	v37 =	vld.idx.msk [tilespmem:v39+s23+$0x0], vm3;
	[tilespmem:v21+s25+$0x0] =	vst.idx.msk vm5, v43  }
.Ltmp1:
0xa1: {  	v33 =	vor.u32 v2, v18;
	v20 =	vshll.u32 v28, $0x1;
	v28 =	vor.u32 v8, v18;
	v36 =	vld.idx.msk [tilespmem:v30+s23+$0x0], vm3;
	(pc) =	sbr.rel @p0 .LBB2_5-.Ltmp1, $4  }
0xa2: {  	v41 =	vor.u32 v14, v18;
	v43 =	vand.u32 $0xFFFFFF00, v20;
	v20 =	vor.u32 v12, v18;
	[tilespmem:v42+s25+$0x0] =	vst.idx.msk vm4, v45  }
0xa3: {  	v40 =	vor.u32 v15, v18;
	v30 =	vor.u32 v9, v18;
	v31 =	vld.idx.msk [tilespmem:v46+s23+$0x0], vm0;
	[tilespmem:v29+s25+$0x0] =	vst.idx.msk vm5, v49  }
0xa4: {  	v21 =	vor.u32 v4, v18;
	v42 =	vor.u32 v48, v43;
	v39 =	vld.idx.msk [tilespmem:v35+s23+$0x0], vm1;
	v35 =	vor.u32 v44, v38  }
0xa5: {  	s3 =	sadd.s32 $0x80, s3;
	v43 =	vor.u32 v6, v18;
	v44 =	vor.u32 $0x80, v42;
	v45 =	vsub.s32 v34, v16;
	v38 =	vld.idx.msk [tilespmem:v47+s23+$0x0], vm1  }
0xa6: {  	_ =	sdelay $0x1  }
0xa7: {  	v16 =	vor.u32 $0x80, v35;
	vm5 =	vlt.u32 v32, $0x4E80;
	vm4 =	vlt.u32 v24, $0x4E80  }
0xa8: {  	v46 =	vor.u32 v7, v18;
	v25 =	vand.u32 $0xFFFFFF00, v25;
	v29 =	vor.u32 v3, v18  }
0xa9: {  	v47 =	vshll.u32 v45, $0x1;
	v48 =	vand.u32 $0x7F, v34;
	v22 =	vor.u32 v22, v25  }
0xaa: {  	[tilespmem:v41+s25+$0x0] =	vst.idx.msk vm3, v37;
	vm6 =	vlt.u32 v45, $0x4E80;
	v49 =	vshll.u32 v23, $0x1;
	v25 =	vand.u32 $0xFFFFFF00, v47  }
0xab: {  	v50 =	vld.idx.msk [tilespmem:v42+s23+$0x0], vm2;
	vm15 =	vlt.u32 v23, $0x4E80;
	[tilespmem:v33+s25+$0x0] =	vst.idx.msk vm0, v26;
	v51 =	vand.u32 $0xFFFFFF00, v49;
	v25 =	vor.u32 v48, v25  }
0xac: {  	v52 =	vld.idx.msk [tilespmem:v44+s23+$0x0], vm2;
	[tilespmem:v40+s25+$0x0] =	vst.idx.msk vm3, v36;
	v54 =	vor.u32 v27, v51  }
0xad: {  	v56 =	vor.u32 $0x80, v22;
	[tilespmem:v43+s25+$0x0] =	vst.idx.msk vm1, v39;
	v55 =	vld.idx.msk [tilespmem:v35+s23+$0x0], vm5  }
0xae: {  	v59 =	vor.u32 v0, v18;
	v53 =	vor.u32 $0x80, v25;
	[tilespmem:v46+s25+$0x0] =	vst.idx.msk vm1, v38;
	v22 =	vld.idx.msk [tilespmem:v22+s23+$0x0], vm4  }
0xaf: {  	v57 =	vor.u32 v11, v18;
	v58 =	vor.u32 $0x80, v54;
	[tilespmem:v29+s25+$0x0] =	vst.idx.msk vm0, v31;
	v16 =	vld.idx.msk [tilespmem:v16+s23+$0x0], vm5  }
0xb0: {  	[tilespmem:v28+s25+$0x0] =	vst.idx.msk vm2, v50;
	v25 =	vld.idx.msk [tilespmem:v25+s23+$0x0], vm6  }
0xb1: {  	[tilespmem:v30+s25+$0x0] =	vst.idx.msk vm2, v52;
	v24 =	vld.idx.msk [tilespmem:v54+s23+$0x0], vm15  }
0xb2: {  	v61 =	vor.u32 v1, v18;
	v62 =	vld.idx.msk [tilespmem:v56+s23+$0x0], vm4;
	[tilespmem:v19+s25+$0x0] =	vst.idx.msk vm5, v55  }
0xb3: {  	s31 =	sadd.s32 $0x1, s31;
	v60 =	vld.idx.msk [tilespmem:v53+s23+$0x0], vm6;
	[tilespmem:v59+s25+$0x0] =	vst.idx.msk vm4, v22  }
0xb4: {  	p0 =	sne.s32 s31, $0x18;
	v63 =	vld.idx.msk [tilespmem:v58+s23+$0x0], vm15;
	[tilespmem:v57+s25+$0x0] =	vst.idx.msk vm5, v16;
	v16 =	vor.u32 v5, v18  }
.Ltmp2:
0xb5: {  	[tilespmem:v20+s25+$0x0] =	vst.idx.msk vm6, v25;
	(pc) =	sbr.rel @p0 .LBB2_2-.Ltmp2, $4  }
0xb6: {  	[tilespmem:v21+s25+$0x0] =	vst.idx.msk vm15, v24  }
0xb7: {  	[tilespmem:v61+s25+$0x0] =	vst.idx.msk vm4, v62  }
0xb8: {  	[tilespmem:v17+s25+$0x0] =	vst.idx.msk vm6, v60  }
0xb9: {  	[tilespmem:v16+s25+$0x0] =	vst.idx.msk vm15, v63  }
0xba: {  	[tilespmem:s23], [sflag:$0x2] =	stream.strided.gather [hbm4b:s8+s20], $0x7700, s21, s20, $0x38;
	[tilespmem:$0x1FC00] =	vst v63  }
0xbb: {  	_ =	swait.ge [sflag:s24], $0x9D00  }
0xbc: {  	[sflag:s24] =	ssyncset.done $0x0  }
0xbd: {  	s2 =	simm.s32 $0x40;
	[sflag:s24] =	ssyncadd.s32 $0xFFFF6300  }
0xbe: {  	v16 =	vld [tilespmem:s2+$0xFFFFFFE0]  }
0xbf: {  	v17 =	vld [tilespmem:s2+$0xFFFFFFD0]  }
0xc0: {  	v18 =	vld [tilespmem:s2+$0xFFFFFFC0]  }
0xc1: {  	s0 =	simm.s32 $0x0;
	v19 =	vld [tilespmem:s2+$0x10]  }
0xc2: {  	v20 =	vmov s0  }
0xc3: {  	v20 =	vshrl.u32 v20, $0x7;
	v30 =	vld [tilespmem:s2+$0xFFFFFFF0]  }
0xc4: {  	v20 =	vshll.u32 v20, $0x8  }
0xc5: {  	v21 =	vadd.s32 $0xFFF14800, v16;
	v16 =	vand.u32 $0x7F, v16;
	v22 =	vadd.s32 $0xFFF14800, v17  }
0xc6: {  	v17 =	vand.u32 $0x7F, v17;
	v24 =	vadd.s32 $0xFFF14800, v18;
	v26 =	vand.u32 $0x7F, v19  }
0xc7: {  	v18 =	vand.u32 $0x7F, v18;
	vm1 =	vlt.u32 v22, $0x4E80;
	v22 =	vshll.u32 v22, $0x1  }
0xc8: {  	v19 =	vadd.s32 $0xFFF14800, v19;
	v31 =	vadd.s32 $0xFFF14800, v30;
	v22 =	vand.u32 $0xFFFFFF00, v22  }
0xc9: {  	v23 =	vshll.u32 v21, $0x1;
	vm0 =	vlt.u32 v21, $0x4E80;
	v25 =	vor.u32 v17, v22  }
0xca: {  	v21 =	vld [tilespmem:s2+$0x20];
	v22 =	vand.u32 $0xFFFFFF00, v23;
	v17 =	vbroadcast v20, $0x0;
	v20 =	vor.u32 $0x80, v25  }
0xcb: {  	v29 =	vshll.u32 v24, $0x1;
	v23 =	vld [tilespmem:s2+$0x30];
	v27 =	vor.u32 v16, v22;
	v22 =	vshll.u32 v19, $0x1  }
0xcc: {  	vm2 =	vlt.u32 v19, $0x4E80;
	v28 =	vor.u32 $0x80, v27;
	v19 =	vand.u32 $0xFFFFFF00, v22  }
0xcd: {  	vm5 =	vlt.u32 v24, $0x4E80;
	vm6 =	vlt.u32 v31, $0x4E80;
	v22 =	vld [tilespmem:s2+$0x0];
	v24 =	vor.u32 v26, v19  }
0xce: {  	v29 =	vand.u32 $0xFFFFFF00, v29;
	v33 =	vor.u32 v2, v17;
	v34 =	vor.u32 $0x80, v24;
	v32 =	vld.idx.msk [tilespmem:v25+s22+$0x0], vm1  }
0xcf: {  	v16 =	vor.u32 v15, v17;
	v19 =	vadd.s32 $0xFFF14800, v21;
	v21 =	vand.u32 $0x7F, v21;
	v20 =	vld.idx.msk [tilespmem:v20+s22+$0x0], vm1  }
0xd0: {  	vm4 =	vlt.u32 v19, $0x4E80;
	v26 =	vshll.u32 v19, $0x1;
	v25 =	vadd.s32 $0xFFF14800, v23;
	v19 =	vld.idx.msk [tilespmem:v27+s22+$0x0], vm0  }
0xd1: {  	v27 =	vand.u32 $0xFFFFFF00, v26;
	v26 =	vand.u32 $0x7F, v23;
	v23 =	vor.u32 v18, v29;
	v18 =	vld.idx.msk [tilespmem:v28+s22+$0x0], vm0  }
0xd2: {  	v29 =	vshll.u32 v25, $0x1;
	v28 =	vand.u32 $0x7F, v30;
	v30 =	vadd.s32 $0xFFF14800, v22;
	v24 =	vld.idx.msk [tilespmem:v24+s22+$0x0], vm2  }
0xd3: {  	s3 =	simm.s32 $0xC0;
	s2 =	simm.s32 $0x0;
	v27 =	vor.u32 v21, v27;
	vm3 =	vlt.u32 v30, $0x4E80;
	v30 =	vshll.u32 v30, $0x1;
	v21 =	vld.idx.msk [tilespmem:v34+s22+$0x0], vm2;
	[tilespmem:v33+s25+$0x0] =	vst.idx.msk vm1, v32  }
.LBB2_8:
0xd4: {  	v32 =	vld [tilespmem:s3+$0xFFFFFFE0];
	s2 =	sadd.s32 $0x8, s2;
	v31 =	vshll.u32 v31, $0x1;
	v33 =	vor.u32 v10, v17;
	vm7 =	vlt.u32 v25, $0x4E80;
	s0 =	sadd.s32 $0x80, s0  }
0xd5: {  	v34 =	vor.u32 v0, v17;
	v29 =	vand.u32 $0xFFFFFF00, v29;
	v25 =	vld [tilespmem:s3+$0xFFFFFFD0];
	p0 =	slt.u32 s2, $0x3F8;
	v31 =	vand.u32 $0xFFFFFF00, v31  }
0xd6: {  	v22 =	vand.u32 $0x7F, v22;
	v30 =	vand.u32 $0xFFFFFF00, v30;
	v26 =	vor.u32 v26, v29;
	v35 =	vld.idx.msk [tilespmem:v23+s22+$0x0], vm5  }
0xd7: {  	v22 =	vor.u32 v22, v30;
	v30 =	vor.u32 $0x80, v27;
	v28 =	vor.u32 v28, v31;
	v29 =	vld [tilespmem:s3+$0x20]  }
0xd8: {  	v31 =	vor.u32 v3, v17;
	v37 =	vor.u32 $0x80, v22;
	v36 =	vor.u32 $0x80, v28;
	v27 =	vld.idx.msk [tilespmem:v27+s22+$0x0], vm4  }
0xd9: {  	v39 =	vor.u32 v4, v17;
	v23 =	vor.u32 $0x80, v23;
	v38 =	vld [tilespmem:s3+$0x10];
	[tilespmem:v33+s25+$0x0] =	vst.idx.msk vm2, v24;
	v24 =	vor.u32 v11, v17  }
0xda: {  	v40 =	vor.u32 v5, v17;
	v41 =	vor.u32 v12, v17;
	v42 =	vor.u32 v13, v17;
	v33 =	vld [tilespmem:s3+$0x30]  }
0xdb: {  	v43 =	vor.u32 v1, v17;
	v44 =	vor.u32 v9, v17;
	v45 =	vld.idx.msk [tilespmem:v26+s22+$0x0], vm7;
	v26 =	vor.u32 $0x80, v26  }
0xdc: {  	v46 =	vor.u32 v7, v17;
	v47 =	vor.u32 v8, v17;
	vm8 =	vmmov vm5;
	v28 =	vld.idx.msk [tilespmem:v28+s22+$0x0], vm6  }
0xdd: {  	v48 =	vld [tilespmem:s3+$0xFFFFFFC0];
	[tilespmem:v31+s25+$0x0] =	vst.idx.msk vm1, v20;
	v20 =	vor.u32 v6, v17;
	v31 =	vor.u32 v14, v17  }
0xde: {  	v49 =	vadd.s32 $0xFFF14800, v32;
	v32 =	vand.u32 $0x7F, v32;
	v17 =	vmov s0;
	[tilespmem:v39+s25+$0x0] =	vst.idx.msk vm0, v19;
	v19 =	vld.idx.msk [tilespmem:v30+s22+$0x0], vm4  }
0xdf: {  	v17 =	vshrl.u32 v17, $0x7;
	v30 =	vadd.s32 $0xFFF14800, v25;
	v39 =	vshll.u32 v49, $0x1;
	v36 =	vld.idx.msk [tilespmem:v36+s22+$0x0], vm6;
	[tilespmem:v41+s25+$0x0] =	vst.idx.msk vm4, v27  }
0xe0: {  	v17 =	vshll.u32 v17, $0x8;
	vm1 =	vlt.u32 v30, $0x4E80;
	v27 =	vshll.u32 v30, $0x1;
	[tilespmem:v40+s25+$0x0] =	vst.idx.msk vm0, v18;
	v18 =	vld.idx.msk [tilespmem:v22+s22+$0x0], vm3  }
0xe1: {  	v22 =	vand.u32 $0x7F, v25;
	v25 =	vand.u32 $0xFFFFFF00, v27;
	vm0 =	vlt.u32 v49, $0x4E80;
	v23 =	vld.idx.msk [tilespmem:v23+s22+$0x0], vm5;
	[tilespmem:v24+s25+$0x0] =	vst.idx.msk vm2, v21  }
0xe2: {  	v24 =	vor.u32 v22, v25;
	v22 =	vand.u32 $0xFFFFFF00, v39;
	v21 =	vadd.s32 $0xFFF14800, v48;
	[tilespmem:v20+s25+$0x0] =	vst.idx.msk vm6, v28;
	v27 =	vld.idx.msk [tilespmem:v37+s22+$0x0], vm3  }
0xe3: {  	v17 =	vbroadcast v17, $0x0;
	v25 =	vand.u32 $0x7F, v38;
	v20 =	vor.u32 $0x80, v24;
	[tilespmem:v34+s25+$0x0] =	vst.idx.msk vm5, v35;
	v26 =	vld.idx.msk [tilespmem:v26+s22+$0x0], vm7  }
0xe4: {  	v28 =	vand.u32 $0x7F, v48;
	v30 =	vor.u32 v32, v22;
	v32 =	vadd.s32 $0xFFF14800, v38;
	[tilespmem:v42+s25+$0x0] =	vst.idx.msk vm4, v19  }
0xe5: {  	v34 =	vor.u32 $0x80, v30;
	v35 =	vor.u32 v15, v17;
	v19 =	vshll.u32 v32, $0x1;
	v22 =	vld [tilespmem:s3+$0x0];
	[tilespmem:v31+s25+$0x0] =	vst.idx.msk vm7, v45  }
0xe6: {  	vm2 =	vlt.u32 v32, $0x4E80;
	v31 =	vshll.u32 v21, $0x1;
	v19 =	vand.u32 $0xFFFFFF00, v19;
	v37 =	vld [tilespmem:s3+$0xFFFFFFF0];
	[tilespmem:v47+s25+$0x0] =	vst.idx.msk vm3, v18  }
0xe7: {  	vm5 =	vlt.u32 v21, $0x4E80;
	v18 =	vadd.s32 $0xFFF14800, v29;
	v21 =	vld.idx.msk [tilespmem:v24+s22+$0x0], vm1;
	v24 =	vor.u32 v25, v19;
	[tilespmem:v46+s25+$0x0] =	vst.idx.msk vm6, v36  }
0xe8: {  	v32 =	vor.u32 v2, v17;
	v25 =	vadd.s32 $0xFFF14800, v33;
	v36 =	vor.u32 $0x80, v24;
	[tilespmem:v43+s25+$0x0] =	vst.idx.msk vm8, v23  }
.Ltmp3:
0xe9: {  	vm4 =	vlt.u32 v18, $0x4E80;
	v18 =	vshll.u32 v18, $0x1;
	v23 =	vand.u32 $0xFFFFFF00, v31;
	v20 =	vld.idx.msk [tilespmem:v20+s22+$0x0], vm1;
	[tilespmem:v16+s25+$0x0] =	vst.idx.msk vm7, v26;
	v16 =	vmovc v35;
	(pc) =	sbr.rel @p0 .LBB2_8-.Ltmp3, $4  }
0xea: {  	v35 =	vand.u32 $0xFFFFFF00, v18;
	v26 =	vand.u32 $0x7F, v33;
	v19 =	vld.idx.msk [tilespmem:v30+s22+$0x0], vm0;
	v30 =	vand.u32 $0x7F, v29;
	[tilespmem:v44+s25+$0x0] =	vst.idx.msk vm3, v27  }
0xeb: {  	v23 =	vor.u32 v28, v23;
	v29 =	vshll.u32 v25, $0x1;
	v18 =	vld.idx.msk [tilespmem:v34+s22+$0x0], vm0;
	v28 =	vand.u32 $0x7F, v37  }
0xec: {  	v33 =	vadd.s32 $0xFFF14800, v22;
	v31 =	vadd.s32 $0xFFF14800, v37;
	v27 =	vor.u32 v30, v35;
	v24 =	vld.idx.msk [tilespmem:v24+s22+$0x0], vm2  }
0xed: {  	s3 =	sadd.s32 $0x80, s3;
	vm3 =	vlt.u32 v33, $0x4E80;
	v30 =	vshll.u32 v33, $0x1;
	vm6 =	vlt.u32 v31, $0x4E80;
	[tilespmem:v32+s25+$0x0] =	vst.idx.msk vm1, v21;
	v21 =	vld.idx.msk [tilespmem:v36+s22+$0x0], vm2  }
0xee: {  	v31 =	vshll.u32 v31, $0x1  }
0xef: {  	v32 =	vor.u32 v10, v17;
	v31 =	vand.u32 $0xFFFFFF00, v31  }
0xf0: {  	vm7 =	vlt.u32 v25, $0x4E80;
	v25 =	vor.u32 v28, v31;
	v28 =	vor.u32 v3, v17  }
0xf1: {  	v29 =	vand.u32 $0xFFFFFF00, v29;
	v33 =	vor.u32 v4, v17;
	v31 =	vor.u32 $0x80, v27  }
0xf2: {  	v35 =	vor.u32 v5, v17;
	v26 =	vor.u32 v26, v29  }
0xf3: {  	v22 =	vand.u32 $0x7F, v22;
	v30 =	vand.u32 $0xFFFFFF00, v30;
	v29 =	vor.u32 v12, v17;
	v27 =	vld.idx.msk [tilespmem:v27+s22+$0x0], vm4  }
0xf4: {  	v36 =	vld.idx.msk [tilespmem:v23+s22+$0x0], vm5;
	v22 =	vor.u32 v22, v30;
	[tilespmem:v32+s25+$0x0] =	vst.idx.msk vm2, v24;
	v24 =	vor.u32 v11, v17  }
0xf5: {  	v34 =	vor.u32 $0x80, v25;
	v25 =	vld.idx.msk [tilespmem:v25+s22+$0x0], vm6;
	[tilespmem:v28+s25+$0x0] =	vst.idx.msk vm1, v20;
	v20 =	vor.u32 v6, v17  }
0xf6: {  	v23 =	vor.u32 $0x80, v23;
	[tilespmem:v33+s25+$0x0] =	vst.idx.msk vm0, v19;
	v28 =	vor.u32 v0, v17;
	v19 =	vld.idx.msk [tilespmem:v31+s22+$0x0], vm4  }
0xf7: {  	v30 =	vor.u32 v13, v17;
	[tilespmem:v35+s25+$0x0] =	vst.idx.msk vm0, v18;
	v31 =	vld.idx.msk [tilespmem:v26+s22+$0x0], vm7;
	v26 =	vor.u32 $0x80, v26  }
0xf8: {  	[tilespmem:v29+s25+$0x0] =	vst.idx.msk vm4, v27;
	v27 =	vor.u32 $0x80, v22;
	v29 =	vor.u32 v14, v17  }
0xf9: {  	v18 =	vor.u32 v8, v17;
	v22 =	vld.idx.msk [tilespmem:v22+s22+$0x0], vm3;
	[tilespmem:v24+s25+$0x0] =	vst.idx.msk vm2, v21  }
0xfa: {  	v60 =	vld.idx.msk [tilespmem:v34+s22+$0x0], vm6;
	v21 =	vor.u32 v7, v17;
	[tilespmem:v20+s25+$0x0] =	vst.idx.msk vm6, v25  }
0xfb: {  	v23 =	vld.idx.msk [tilespmem:v23+s22+$0x0], vm5;
	v20 =	vor.u32 v1, v17;
	[tilespmem:v28+s25+$0x0] =	vst.idx.msk vm5, v36  }
0xfc: {  	v24 =	vld.idx.msk [tilespmem:v26+s22+$0x0], vm7;
	[tilespmem:v30+s25+$0x0] =	vst.idx.msk vm4, v19  }
0xfd: {  	v17 =	vor.u32 v9, v17;
	v19 =	vld.idx.msk [tilespmem:v27+s22+$0x0], vm3;
	[tilespmem:v29+s25+$0x0] =	vst.idx.msk vm7, v31  }
0xfe: {  	[tilespmem:v18+s25+$0x0] =	vst.idx.msk vm3, v22  }
0xff: {  	[tilespmem:v21+s25+$0x0] =	vst.idx.msk vm6, v60  }
0x100: {  	[tilespmem:v20+s25+$0x0] =	vst.idx.msk vm5, v23  }
0x101: {  	[tilespmem:v16+s25+$0x0] =	vst.idx.msk vm7, v24  }
0x102: {  	[tilespmem:v17+s25+$0x0] =	vst.idx.msk vm3, v19  }
0x103: {  	_ =	swait.ge [sflag:s26], $0x7700  }
0x104: {  	[sflag:s26] =	ssyncset.done $0x0  }
0x105: {  	s2 =	simm.s32 $0x40;
	[sflag:s26] =	ssyncadd.s32 $0xFFFF8900  }
0x106: {  	v16 =	vld [tilespmem:s2+$0xFFFFFFE0]  }
0x107: {  	v17 =	vld [tilespmem:s2+$0xFFFFFFD0]  }
0x108: {  	v18 =	vld [tilespmem:s2+$0xFFFFFFC0]  }
0x109: {  	s0 =	simm.s32 $0x0;
	v19 =	vld [tilespmem:s2+$0x10]  }
0x10a: {  	v20 =	vmov s0  }
0x10b: {  	v20 =	vshrl.u32 v20, $0x7;
	v30 =	vld [tilespmem:s2+$0xFFFFFFF0]  }
0x10c: {  	vm8 =	vmmov vm5;
	v20 =	vshll.u32 v20, $0x8  }
0x10d: {  	v21 =	vadd.s32 $0xFFF0F980, v16;
	v16 =	vand.u32 $0x7F, v16;
	v22 =	vadd.s32 $0xFFF0F980, v17  }
0x10e: {  	v17 =	vand.u32 $0x7F, v17;
	v24 =	vadd.s32 $0xFFF0F980, v18;
	v26 =	vand.u32 $0x7F, v19  }
0x10f: {  	v18 =	vand.u32 $0x7F, v18;
	vm1 =	vlt.u32 v22, $0x3B80;
	v22 =	vshll.u32 v22, $0x1  }
0x110: {  	v19 =	vadd.s32 $0xFFF0F980, v19;
	v31 =	vadd.s32 $0xFFF0F980, v30;
	v22 =	vand.u32 $0xFFFFFF00, v22  }
0x111: {  	v23 =	vshll.u32 v21, $0x1;
	vm0 =	vlt.u32 v21, $0x3B80;
	v25 =	vor.u32 v17, v22  }
0x112: {  	v21 =	vld [tilespmem:s2+$0x20];
	v22 =	vand.u32 $0xFFFFFF00, v23;
	v17 =	vbroadcast v20, $0x0;
	v20 =	vor.u32 $0x80, v25  }
0x113: {  	v29 =	vshll.u32 v24, $0x1;
	v23 =	vld [tilespmem:s2+$0x30];
	v27 =	vor.u32 v16, v22;
	v22 =	vshll.u32 v19, $0x1  }
0x114: {  	vm2 =	vlt.u32 v19, $0x3B80;
	v28 =	vor.u32 $0x80, v27;
	v19 =	vand.u32 $0xFFFFFF00, v22  }
0x115: {  	vm5 =	vlt.u32 v24, $0x3B80;
	vm6 =	vlt.u32 v31, $0x3B80;
	v22 =	vld [tilespmem:s2+$0x0];
	v24 =	vor.u32 v26, v19  }
0x116: {  	v29 =	vand.u32 $0xFFFFFF00, v29;
	v62 =	vor.u32 v2, v17;
	v63 =	vor.u32 $0x80, v24;
	v61 =	vld.idx.msk [tilespmem:v25+s23+$0x0], vm1  }
0x117: {  	v16 =	vor.u32 v15, v17;
	v19 =	vadd.s32 $0xFFF0F980, v21;
	v21 =	vand.u32 $0x7F, v21;
	v20 =	vld.idx.msk [tilespmem:v20+s23+$0x0], vm1  }
0x118: {  	vm4 =	vlt.u32 v19, $0x3B80;
	v26 =	vshll.u32 v19, $0x1;
	v25 =	vadd.s32 $0xFFF0F980, v23;
	v19 =	vld.idx.msk [tilespmem:v27+s23+$0x0], vm0  }
0x119: {  	v27 =	vand.u32 $0xFFFFFF00, v26;
	v26 =	vand.u32 $0x7F, v23;
	v23 =	vor.u32 v18, v29;
	v18 =	vld.idx.msk [tilespmem:v28+s23+$0x0], vm0  }
0x11a: {  	v29 =	vshll.u32 v25, $0x1;
	v28 =	vand.u32 $0x7F, v30;
	v30 =	vadd.s32 $0xFFF0F980, v22;
	v24 =	vld.idx.msk [tilespmem:v24+s23+$0x0], vm2  }
0x11b: {  	s3 =	simm.s32 $0xC0;
	s2 =	simm.s32 $0x0;
	v27 =	vor.u32 v21, v27;
	vm3 =	vlt.u32 v30, $0x3B80;
	v30 =	vshll.u32 v30, $0x1;
	v21 =	vld.idx.msk [tilespmem:v63+s23+$0x0], vm2;
	[tilespmem:v62+s25+$0x0] =	vst.idx.msk vm1, v61  }
.LBB2_10:
0x11c: {  	v32 =	vld [tilespmem:s3+$0xFFFFFFE0];
	s2 =	sadd.s32 $0x8, s2;
	v31 =	vshll.u32 v31, $0x1;
	v33 =	vor.u32 v10, v17;
	vm7 =	vlt.u32 v25, $0x3B80;
	s0 =	sadd.s32 $0x80, s0  }
0x11d: {  	v34 =	vor.u32 v0, v17;
	v29 =	vand.u32 $0xFFFFFF00, v29;
	v25 =	vld [tilespmem:s3+$0xFFFFFFD0];
	p0 =	slt.u32 s2, $0x3F8;
	v31 =	vand.u32 $0xFFFFFF00, v31  }
0x11e: {  	v22 =	vand.u32 $0x7F, v22;
	v30 =	vand.u32 $0xFFFFFF00, v30;
	v26 =	vor.u32 v26, v29;
	v35 =	vld.idx.msk [tilespmem:v23+s23+$0x0], vm5  }
0x11f: {  	v22 =	vor.u32 v22, v30;
	v30 =	vor.u32 $0x80, v27;
	v28 =	vor.u32 v28, v31;
	v29 =	vld [tilespmem:s3+$0x20]  }
0x120: {  	v31 =	vor.u32 v3, v17;
	v37 =	vor.u32 $0x80, v22;
	v36 =	vor.u32 $0x80, v28;
	v27 =	vld.idx.msk [tilespmem:v27+s23+$0x0], vm4  }
0x121: {  	v39 =	vor.u32 v4, v17;
	v23 =	vor.u32 $0x80, v23;
	v38 =	vld [tilespmem:s3+$0x10];
	[tilespmem:v33+s25+$0x0] =	vst.idx.msk vm2, v24;
	v24 =	vor.u32 v11, v17  }
0x122: {  	v40 =	vor.u32 v5, v17;
	v41 =	vor.u32 v12, v17;
	v42 =	vor.u32 v13, v17;
	v33 =	vld [tilespmem:s3+$0x30]  }
0x123: {  	v43 =	vor.u32 v1, v17;
	v44 =	vor.u32 v9, v17;
	v45 =	vld.idx.msk [tilespmem:v26+s23+$0x0], vm7;
	v26 =	vor.u32 $0x80, v26  }
0x124: {  	v46 =	vor.u32 v7, v17;
	v47 =	vor.u32 v8, v17;
	vm8 =	vmmov vm5;
	v28 =	vld.idx.msk [tilespmem:v28+s23+$0x0], vm6  }
0x125: {  	v48 =	vld [tilespmem:s3+$0xFFFFFFC0];
	[tilespmem:v31+s25+$0x0] =	vst.idx.msk vm1, v20;
	v20 =	vor.u32 v6, v17;
	v31 =	vor.u32 v14, v17  }
0x126: {  	v49 =	vadd.s32 $0xFFF0F980, v32;
	v32 =	vand.u32 $0x7F, v32;
	v17 =	vmov s0;
	[tilespmem:v39+s25+$0x0] =	vst.idx.msk vm0, v19;
	v19 =	vld.idx.msk [tilespmem:v30+s23+$0x0], vm4  }
0x127: {  	v17 =	vshrl.u32 v17, $0x7;
	v30 =	vadd.s32 $0xFFF0F980, v25;
	v39 =	vshll.u32 v49, $0x1;
	v36 =	vld.idx.msk [tilespmem:v36+s23+$0x0], vm6;
	[tilespmem:v41+s25+$0x0] =	vst.idx.msk vm4, v27  }
0x128: {  	v17 =	vshll.u32 v17, $0x8;
	vm1 =	vlt.u32 v30, $0x3B80;
	v27 =	vshll.u32 v30, $0x1;
	[tilespmem:v40+s25+$0x0] =	vst.idx.msk vm0, v18;
	v18 =	vld.idx.msk [tilespmem:v22+s23+$0x0], vm3  }
0x129: {  	v22 =	vand.u32 $0x7F, v25;
	v25 =	vand.u32 $0xFFFFFF00, v27;
	vm0 =	vlt.u32 v49, $0x3B80;
	v23 =	vld.idx.msk [tilespmem:v23+s23+$0x0], vm5;
	[tilespmem:v24+s25+$0x0] =	vst.idx.msk vm2, v21  }
0x12a: {  	v24 =	vor.u32 v22, v25;
	v22 =	vand.u32 $0xFFFFFF00, v39;
	v21 =	vadd.s32 $0xFFF0F980, v48;
	[tilespmem:v20+s25+$0x0] =	vst.idx.msk vm6, v28;
	v27 =	vld.idx.msk [tilespmem:v37+s23+$0x0], vm3  }
0x12b: {  	v17 =	vbroadcast v17, $0x0;
	v25 =	vand.u32 $0x7F, v38;
	v20 =	vor.u32 $0x80, v24;
	[tilespmem:v34+s25+$0x0] =	vst.idx.msk vm5, v35;
	v26 =	vld.idx.msk [tilespmem:v26+s23+$0x0], vm7  }
0x12c: {  	v28 =	vand.u32 $0x7F, v48;
	v30 =	vor.u32 v32, v22;
	v32 =	vadd.s32 $0xFFF0F980, v38;
	[tilespmem:v42+s25+$0x0] =	vst.idx.msk vm4, v19  }
0x12d: {  	v34 =	vor.u32 $0x80, v30;
	v35 =	vor.u32 v15, v17;
	v19 =	vshll.u32 v32, $0x1;
	v22 =	vld [tilespmem:s3+$0x0];
	[tilespmem:v31+s25+$0x0] =	vst.idx.msk vm7, v45  }
0x12e: {  	vm2 =	vlt.u32 v32, $0x3B80;
	v31 =	vshll.u32 v21, $0x1;
	v19 =	vand.u32 $0xFFFFFF00, v19;
	v37 =	vld [tilespmem:s3+$0xFFFFFFF0];
	[tilespmem:v47+s25+$0x0] =	vst.idx.msk vm3, v18  }
0x12f: {  	vm5 =	vlt.u32 v21, $0x3B80;
	v18 =	vadd.s32 $0xFFF0F980, v29;
	v21 =	vld.idx.msk [tilespmem:v24+s23+$0x0], vm1;
	v24 =	vor.u32 v25, v19;
	[tilespmem:v46+s25+$0x0] =	vst.idx.msk vm6, v36  }
0x130: {  	v32 =	vor.u32 v2, v17;
	v25 =	vadd.s32 $0xFFF0F980, v33;
	v36 =	vor.u32 $0x80, v24;
	[tilespmem:v43+s25+$0x0] =	vst.idx.msk vm8, v23  }
.Ltmp4:
0x131: {  	vm4 =	vlt.u32 v18, $0x3B80;
	v18 =	vshll.u32 v18, $0x1;
	v23 =	vand.u32 $0xFFFFFF00, v31;
	v20 =	vld.idx.msk [tilespmem:v20+s23+$0x0], vm1;
	[tilespmem:v16+s25+$0x0] =	vst.idx.msk vm7, v26;
	v16 =	vmovc v35;
	(pc) =	sbr.rel @p0 .LBB2_10-.Ltmp4, $4  }
0x132: {  	v35 =	vand.u32 $0xFFFFFF00, v18;
	v26 =	vand.u32 $0x7F, v33;
	v19 =	vld.idx.msk [tilespmem:v30+s23+$0x0], vm0;
	v30 =	vand.u32 $0x7F, v29;
	[tilespmem:v44+s25+$0x0] =	vst.idx.msk vm3, v27  }
0x133: {  	v23 =	vor.u32 v28, v23;
	v29 =	vshll.u32 v25, $0x1;
	v18 =	vld.idx.msk [tilespmem:v34+s23+$0x0], vm0;
	v28 =	vand.u32 $0x7F, v37  }
0x134: {  	v33 =	vadd.s32 $0xFFF0F980, v22;
	v31 =	vadd.s32 $0xFFF0F980, v37;
	v27 =	vor.u32 v30, v35;
	v24 =	vld.idx.msk [tilespmem:v24+s23+$0x0], vm2  }
0x135: {  	s3 =	sadd.s32 $0x80, s3;
	vm3 =	vlt.u32 v33, $0x3B80;
	v30 =	vshll.u32 v33, $0x1;
	vm6 =	vlt.u32 v31, $0x3B80;
	[tilespmem:v32+s25+$0x0] =	vst.idx.msk vm1, v21;
	v21 =	vld.idx.msk [tilespmem:v36+s23+$0x0], vm2  }
0x136: {  	v31 =	vshll.u32 v31, $0x1  }
0x137: {  	v32 =	vor.u32 v10, v17;
	v31 =	vand.u32 $0xFFFFFF00, v31  }
0x138: {  	vm7 =	vlt.u32 v25, $0x3B80;
	v25 =	vor.u32 v28, v31;
	v28 =	vor.u32 v3, v17  }
0x139: {  	v29 =	vand.u32 $0xFFFFFF00, v29;
	v33 =	vor.u32 v4, v17;
	v31 =	vor.u32 $0x80, v27  }
0x13a: {  	v35 =	vor.u32 v5, v17;
	v26 =	vor.u32 v26, v29  }
0x13b: {  	v22 =	vand.u32 $0x7F, v22;
	v30 =	vand.u32 $0xFFFFFF00, v30;
	v29 =	vor.u32 v12, v17;
	v27 =	vld.idx.msk [tilespmem:v27+s23+$0x0], vm4  }
0x13c: {  	v36 =	vld.idx.msk [tilespmem:v23+s23+$0x0], vm5;
	v22 =	vor.u32 v22, v30;
	[tilespmem:v32+s25+$0x0] =	vst.idx.msk vm2, v24;
	v24 =	vor.u32 v11, v17  }
0x13d: {  	v34 =	vor.u32 $0x80, v25;
	v25 =	vld.idx.msk [tilespmem:v25+s23+$0x0], vm6;
	[tilespmem:v28+s25+$0x0] =	vst.idx.msk vm1, v20;
	v20 =	vor.u32 v6, v17  }
0x13e: {  	v23 =	vor.u32 $0x80, v23;
	[tilespmem:v33+s25+$0x0] =	vst.idx.msk vm0, v19;
	v28 =	vor.u32 v0, v17;
	v19 =	vld.idx.msk [tilespmem:v31+s23+$0x0], vm4  }
0x13f: {  	v30 =	vor.u32 v13, v17;
	[tilespmem:v35+s25+$0x0] =	vst.idx.msk vm0, v18;
	v31 =	vld.idx.msk [tilespmem:v26+s23+$0x0], vm7;
	v26 =	vor.u32 $0x80, v26  }
0x140: {  	[tilespmem:v29+s25+$0x0] =	vst.idx.msk vm4, v27;
	v27 =	vor.u32 $0x80, v22;
	v29 =	vor.u32 v14, v17  }
0x141: {  	v18 =	vor.u32 v8, v17;
	v22 =	vld.idx.msk [tilespmem:v22+s23+$0x0], vm3;
	[tilespmem:v24+s25+$0x0] =	vst.idx.msk vm2, v21  }
0x142: {  	v59 =	vld.idx.msk [tilespmem:v34+s23+$0x0], vm6;
	v21 =	vor.u32 v7, v17;
	[tilespmem:v20+s25+$0x0] =	vst.idx.msk vm6, v25  }
0x143: {  	v23 =	vld.idx.msk [tilespmem:v23+s23+$0x0], vm5;
	v20 =	vor.u32 v1, v17;
	[tilespmem:v28+s25+$0x0] =	vst.idx.msk vm5, v36  }
0x144: {  	v24 =	vld.idx.msk [tilespmem:v26+s23+$0x0], vm7;
	[tilespmem:v30+s25+$0x0] =	vst.idx.msk vm4, v19  }
0x145: {  	v17 =	vor.u32 v9, v17;
	v19 =	vld.idx.msk [tilespmem:v27+s23+$0x0], vm3;
	[tilespmem:v29+s25+$0x0] =	vst.idx.msk vm7, v31  }
0x146: {  	[tilespmem:v18+s25+$0x0] =	vst.idx.msk vm3, v22  }
0x147: {  	[tilespmem:v21+s25+$0x0] =	vst.idx.msk vm6, v59  }
0x148: {  	[tilespmem:v20+s25+$0x0] =	vst.idx.msk vm5, v23  }
0x149: {  	[tilespmem:v16+s25+$0x0] =	vst.idx.msk vm7, v24  }
0x14a: {  	s0 =	simm.s32 $0x0;
	[tilespmem:v17+s25+$0x0] =	vst.idx.msk vm3, v19  }
0x14b: {  	[tilespmem:s28], [sflag:$0x3] =	stream.linear.gather [hbm4b:s9+s0], $0x100, $0x38;
	[tilespmem:$0x1FC00] =	vst v63  }
0x14c: {  	_ =	swait.ge [sflag:s19], $0x100  }
0x14d: {  	[sflag:s19] =	ssyncset.done $0x0  }
0x14e: {  	s2 =	simm.s32 $0x40;
	[sflag:s19] =	ssyncadd.s32 $0xFFFFFF00  }
0x14f: {  	v16 =	vld [tilespmem:s2+$0xFFFFFFE0]  }
0x150: {  	v17 =	vld [tilespmem:s2+$0xFFFFFFD0]  }
0x151: {  	v18 =	vld [tilespmem:s2+$0x30]  }
0x152: {  	v19 =	vld [tilespmem:s2+$0x20]  }
0x153: {  	v20 =	vld [tilespmem:s2+$0xFFFFFFC0]  }
0x154: {  	s31 =	simm.s32 $0xC0;
	v24 =	vld [tilespmem:s2+$0xFFFFFFF0]  }
0x155: {  	v63 =	vld [tilespmem:s31+$0xFFFFFFE0]  }
0x156: {  	v39 =	vld [tilespmem:s31+$0x30]  }
0x157: {  	vm8 =	vmmov vm5;
	v27 =	vmov s0;
	v42 =	vld [tilespmem:s31+$0xFFFFFFD0]  }
0x158: {  	v27 =	vshrl.u32 v27, $0x7;
	v57 =	vld [tilespmem:s31+$0x10];
	v21 =	vadd.s32 $0xFFF0BE00, v17;
	v22 =	vand.u32 $0x7F, v18  }
0x159: {  	v26 =	vadd.s32 $0xFFF0BE00, v16;
	v16 =	vand.u32 $0x7F, v16;
	v17 =	vand.u32 $0x7F, v17  }
0x15a: {  	v29 =	vand.u32 $0x7F, v19;
	v30 =	vadd.s32 $0xFFF0BE00, v19;
	v19 =	vadd.s32 $0xFFF0BE00, v20  }
0x15b: {  	v31 =	vand.u32 $0x7F, v24;
	v20 =	vand.u32 $0x7F, v20;
	v18 =	vadd.s32 $0xFFF0BE00, v18  }
0x15c: {  	v24 =	vadd.s32 $0xFFF0BE00, v24;
	v54 =	vand.u32 $0x7F, v39;
	v56 =	vadd.s32 $0xFFF0BE00, v42  }
0x15d: {  	v32 =	vand.u32 $0x7F, v63;
	v34 =	vadd.s32 $0xFFF0BE00, v57;
	v35 =	vadd.s32 $0xFFF0BE00, v39  }
0x15e: {  	vm1 =	vlt.u32 v21, $0x40;
	v25 =	vand.u32 $0xFFFFFF80, v21;
	vm4 =	vlt.u32 v19, $0x40  }
0x15f: {  	vm5 =	vlt.u32 v26, $0x40;
	vm6 =	vlt.u32 v18, $0x40;
	v61 =	vand.u32 $0xFFFFFF80, v18  }
0x160: {  	v23 =	vld [tilespmem:s2+$0x10];
	v59 =	vand.u32 $0xFFFFFF80, v24;
	vm2 =	vlt.u32 v24, $0x40;
	vm0 =	vlt.u32 v30, $0x40  }
0x161: {  	s0 =	simm.s32 $0x80;
	v60 =	vld [tilespmem:s2+$0x0];
	vm8 =	vlt.u32 v34, $0x40;
	v17 =	vor.u32 v17, v25;
	v25 =	vand.u32 $0xFFFFFF80, v26  }
0x162: {  	v22 =	vor.u32 v22, v61;
	vm9 =	vmmov vm1;
	v61 =	vmov s0  }
0x163: {  	v17 =	vadd.s32 $0x80, v17;
	v16 =	vor.u32 v16, v25;
	v25 =	vand.u32 $0xFFFFFF80, v19  }
0x164: {  	v33 =	vadd.s32 $0x80, v22;
	v22 =	vshll.u32 v27, $0x8;
	v28 =	vadd.s32 $0x80, v16  }
0x165: {  	v16 =	vand.u32 $0x7F, v23;
	v23 =	vadd.s32 $0xFFF0BE00, v23;
	v20 =	vor.u32 v20, v25  }
0x166: {  	v49 =	vld [tilespmem:s31+$0xFFFFFFC0];
	v27 =	vbroadcast v22, $0x0;
	v22 =	vadd.s32 $0xFFF0BE00, v60;
	vm7 =	vlt.u32 v23, $0x40  }
0x167: {  	v52 =	vld [tilespmem:s31+$0x20];
	v25 =	vand.u32 $0xFFFFFF80, v23;
	v20 =	vadd.s32 $0x80, v20;
	vm3 =	vlt.u32 v22, $0x40  }
0x168: {  	v16 =	vor.u32 v16, v25;
	v25 =	vand.u32 $0xFFFFFF80, v30;
	v36 =	vor.u32 v12, v27;
	v21 =	vld.idx.msk [tilespmem:v21+s28+$0x0], vm1  }
0x169: {  	v38 =	vor.u32 v14, v27;
	v40 =	vor.u32 v9, v27;
	v41 =	vor.u32 v10, v27;
	v19 =	vld.idx.msk [tilespmem:v19+s28+$0x0], vm4  }
0x16a: {  	v62 =	vadd.s32 $0x80, v16;
	v16 =	vand.u32 $0x7F, v60;
	v43 =	vld.idx.msk [tilespmem:v17+s28+$0x0], vm1;
	v17 =	vand.u32 $0xFFFFFF80, v22  }
0x16b: {  	v44 =	vor.u32 v8, v27;
	v47 =	vor.u32 v2, v27;
	v18 =	vld.idx.msk [tilespmem:v18+s28+$0x0], vm6;
	v16 =	vor.u32 v16, v17  }
0x16c: {  	v45 =	vor.u32 v15, v27;
	v46 =	vor.u32 v0, v27;
	v33 =	vld.idx.msk [tilespmem:v33+s28+$0x0], vm6;
	v16 =	vadd.s32 $0x80, v16  }
0x16d: {  	v50 =	vor.u32 v1, v27;
	v51 =	vor.u32 v6, v27;
	vm10 =	vmmov vm7;
	v60 =	vld.idx.msk [tilespmem:v20+s28+$0x0], vm4  }
0x16e: {  	v53 =	vor.u32 v11, v27;
	v58 =	vor.u32 v3, v27;
	vm1 =	vmmov vm5;
	v37 =	vld.idx.msk [tilespmem:v23+s28+$0x0], vm7  }
0x16f: {  	vm5 =	vlt.u32 v56, $0x40;
	v17 =	vor.u32 v13, v27;
	v23 =	vor.u32 v31, v59;
	v48 =	vld.idx.msk [tilespmem:v22+s28+$0x0], vm3  }
0x170: {  	v20 =	vor.u32 v5, v27;
	v22 =	vor.u32 v7, v27;
	v59 =	vld [tilespmem:s31+$0x0];
	v31 =	vadd.s32 $0x80, v23;
	[tilespmem:v47+s25+$0x0] =	vst.idx.msk vm9, v21  }
0x171: {  	v23 =	vor.u32 v29, v25;
	v21 =	vand.u32 $0xFFFFFF80, v56;
	[tilespmem:v46+s25+$0x0] =	vst.idx.msk vm4, v19;
	v19 =	vadd.s32 $0xFFF0BE00, v52;
	v29 =	vld.idx.msk [tilespmem:v16+s28+$0x0], vm3  }
0x172: {  	v25 =	vld [tilespmem:s31+$0xFFFFFFF0];
	[tilespmem:v38+s25+$0x0] =	vst.idx.msk vm6, v18;
	v55 =	vadd.s32 $0x80, v23;
	v23 =	vor.u32 v4, v27;
	v27 =	vand.u32 $0x7F, v42  }
0x173: {  	v42 =	vld.idx.msk [tilespmem:v62+s28+$0x0], vm7;
	v18 =	vor.u32 v27, v21;
	v21 =	vand.u32 $0x7F, v52;
	v16 =	vadd.s32 $0xFFF0BE00, v63;
	[tilespmem:v50+s25+$0x0] =	vst.idx.msk vm4, v60  }
0x174: {  	v38 =	vld.idx.msk [tilespmem:v24+s28+$0x0], vm2;
	v62 =	vadd.s32 $0x80, v18;
	vm4 =	vlt.u32 v35, $0x40;
	v60 =	vand.u32 $0xFFFFFF80, v35;
	[tilespmem:v44+s25+$0x0] =	vst.idx.msk vm3, v48  }
0x175: {  	v24 =	vand.u32 $0xFFFFFF80, v16;
	v44 =	vadd.s32 $0xFFF0BE00, v49;
	v48 =	vand.u32 $0x7F, v57;
	[tilespmem:v41+s25+$0x0] =	vst.idx.msk vm10, v37;
	v41 =	vld.idx.msk [tilespmem:v26+s28+$0x0], vm1  }
0x176: {  	v49 =	vand.u32 $0x7F, v49;
	v37 =	vld.idx.msk [tilespmem:v28+s28+$0x0], vm1;
	v18 =	vor.u32 v32, v24;
	[tilespmem:v40+s25+$0x0] =	vst.idx.msk vm3, v29;
	vm3 =	vlt.u32 v44, $0x40  }
0x177: {  	[tilespmem:v45+s25+$0x0] =	vst.idx.msk vm6, v33;
	vm7 =	vlt.u32 v16, $0x40;
	v63 =	vand.u32 $0xFFFFFF80, v44;
	v18 =	vadd.s32 $0x80, v18;
	v29 =	vld.idx.msk [tilespmem:v30+s28+$0x0], vm0  }
0x178: {  	[tilespmem:v53+s25+$0x0] =	vst.idx.msk vm10, v42;
	v42 =	vand.u32 $0x7F, v59;
	v30 =	vand.u32 $0x7F, v25;
	v40 =	vld.idx.msk [tilespmem:v31+s28+$0x0], vm2;
	v31 =	vshrl.u32 v61, $0x7  }
0x179: {  	v61 =	vor.u32 v54, v60;
	v32 =	vld.idx.msk [tilespmem:v62+s28+$0x0], vm5;
	v62 =	vor.u32 v49, v63;
	v63 =	vand.u32 $0xFFFFFF80, v34  }
0x17a: {  	v24 =	vld.idx.msk [tilespmem:v56+s28+$0x0], vm5;
	[tilespmem:v51+s25+$0x0] =	vst.idx.msk vm2, v38;
	v38 =	vadd.s32 $0xFFF0BE00, v59;
	v33 =	vadd.s32 $0x80, v61;
	v26 =	vshll.u32 v31, $0x8  }
0x17b: {  	[tilespmem:v58+s25+$0x0] =	vst.idx.msk vm9, v43;
	v27 =	vld.idx.msk [tilespmem:v55+s28+$0x0], vm0;
	v39 =	vadd.s32 $0x80, v62;
	v31 =	vor.u32 v48, v63;
	v26 =	vbroadcast v26, $0x0  }
0x17c: {  	s3 =	simm.s32 $0x140;
	s2 =	simm.s32 $0x8;
	vm6 =	vlt.u32 v38, $0x40;
	v28 =	vadd.s32 $0x80, v31;
	[tilespmem:v36+s25+$0x0] =	vst.idx.msk vm0, v29;
	v36 =	vand.u32 $0xFFFFFF80, v19;
	v29 =	vld.idx.msk [tilespmem:v44+s28+$0x0], vm3  }
.LBB2_12:
0x17d: {  	v43 =	vld [tilespmem:s3+$0xFFFFFFE0];
	s2 =	sadd.s32 $0x8, s2;
	v44 =	vadd.s32 $0xFFF0BE00, v25;
	v25 =	vand.u32 $0xFFFFFF80, v38;
	v45 =	vor.u32 v12, v26;
	s0 =	sadd.s32 $0x80, s0;
	[tilespmem:v22+s25+$0x0] =	vst.idx.msk vm2, v40  }
0x17e: {  	v31 =	vmovc v32;
	p0 =	slt.u32 s2, $0x3F8;
	v22 =	vand.u32 $0xFFFFFF80, v44;
	v25 =	vor.u32 v42, v25;
	v42 =	vld.idx.msk [tilespmem:v34+s28+$0x0], vm8;
	v34 =	vor.u32 v14, v26  }
0x17f: {  	v32 =	vld [tilespmem:s3+$0x30];
	v22 =	vor.u32 v30, v22;
	v25 =	vadd.s32 $0x80, v25;
	v30 =	vor.u32 v13, v26;
	[tilespmem:v23+s25+$0x0] =	vst.idx.msk vm1, v41  }
0x180: {  	vm2 =	vlt.u32 v44, $0x40;
	v40 =	vadd.s32 $0x80, v22;
	v35 =	vld.idx.msk [tilespmem:v35+s28+$0x0], vm4;
	[tilespmem:v17+s25+$0x0] =	vst.idx.msk vm0, v27;
	vm0 =	vlt.u32 v19, $0x40;
	v17 =	vmovc v30  }
0x181: {  	v41 =	vor.u32 v10, v26;
	v30 =	vor.u32 v9, v26;
	v39 =	vld.idx.msk [tilespmem:v39+s28+$0x0], vm3;
	[tilespmem:v20+s25+$0x0] =	vst.idx.msk vm1, v37  }
0x182: {  	v46 =	vor.u32 v15, v26;
	vm9 =	vmmov vm5;
	v37 =	vor.u32 v8, v26;
	v27 =	vld [tilespmem:s3+$0xFFFFFFD0]  }
0x183: {  	v47 =	vor.u32 v0, v26;
	v23 =	vor.u32 v2, v26;
	vm1 =	vmmov vm7;
	v38 =	vld.idx.msk [tilespmem:v38+s28+$0x0], vm6  }
0x184: {  	v49 =	vor.u32 v1, v26;
	v50 =	vor.u32 v6, v26;
	vm10 =	vmmov vm8;
	v48 =	vld [tilespmem:s3+$0xFFFFFFC0]  }
0x185: {  	v51 =	vld [tilespmem:s3+$0x20]  }
0x186: {  	v53 =	vor.u32 v11, v26;
	v21 =	vor.u32 v21, v36;
	v22 =	vor.u32 v7, v26;
	v52 =	vld.idx.msk [tilespmem:v25+s28+$0x0], vm6  }
0x187: {  	v54 =	vadd.s32 $0x80, v21;
	v20 =	vor.u32 v5, v26;
	v36 =	vand.u32 $0x7F, v32;
	v33 =	vld.idx.msk [tilespmem:v33+s28+$0x0], vm4  }
0x188: {  	v56 =	vadd.s32 $0xFFF0BE00, v43;
	v55 =	vadd.s32 $0xFFF0BE00, v27;
	v57 =	vld [tilespmem:s3+$0x10];
	[tilespmem:v23+s25+$0x0] =	vst.idx.msk vm5, v24;
	v23 =	vor.u32 v4, v26  }
0x189: {  	vm5 =	vlt.u32 v55, $0x40;
	v24 =	vand.u32 $0x7F, v43;
	v43 =	vor.u32 v3, v26;
	v25 =	vld [tilespmem:s3+$0xFFFFFFF0];
	[tilespmem:v34+s25+$0x0] =	vst.idx.msk vm4, v35  }
0x18a: {  	v27 =	vand.u32 $0x7F, v27;
	v26 =	vmov s0;
	v21 =	vand.u32 $0xFFFFFF80, v55;
	v44 =	vld.idx.msk [tilespmem:v44+s28+$0x0], vm2  }
0x18b: {  	v27 =	vor.u32 v27, v21;
	v34 =	vand.u32 $0xFFFFFF80, v56;
	v21 =	vand.u32 $0x7F, v51;
	[tilespmem:v47+s25+$0x0] =	vst.idx.msk vm3, v29;
	v47 =	vld.idx.msk [tilespmem:v28+s28+$0x0], vm8  }
0x18c: {  	v24 =	vor.u32 v24, v34;
	v28 =	vadd.s32 $0x80, v27;
	v29 =	vadd.s32 $0xFFF0BE00, v51;
	[tilespmem:v37+s25+$0x0] =	vst.idx.msk vm6, v38;
	v27 =	vld.idx.msk [tilespmem:v54+s28+$0x0], vm0  }
0x18d: {  	v51 =	vadd.s32 $0x80, v24;
	v38 =	vadd.s32 $0xFFF0BE00, v48;
	v37 =	vand.u32 $0x7F, v57;
	[tilespmem:v30+s25+$0x0] =	vst.idx.msk vm6, v52;
	v52 =	vld.idx.msk [tilespmem:v19+s28+$0x0], vm0;
	v19 =	vmovc v29  }
0x18e: {  	v29 =	vand.u32 $0xFFFFFF80, v38;
	v30 =	vand.u32 $0x7F, v25;
	v54 =	vld [tilespmem:s3+$0x0];
	[tilespmem:v49+s25+$0x0] =	vst.idx.msk vm3, v39;
	vm3 =	vlt.u32 v38, $0x40  }
0x18f: {  	v35 =	vadd.s32 $0xFFF0BE00, v32;
	v34 =	vadd.s32 $0xFFF0BE00, v57;
	v39 =	vand.u32 $0x7F, v48;
	v24 =	vld.idx.msk [tilespmem:v55+s28+$0x0], vm5;
	[tilespmem:v46+s25+$0x0] =	vst.idx.msk vm4, v33  }
0x190: {  	vm7 =	vlt.u32 v56, $0x40;
	vm4 =	vlt.u32 v35, $0x40;
	v33 =	vand.u32 $0xFFFFFF80, v35;
	v40 =	vld.idx.msk [tilespmem:v40+s28+$0x0], vm2;
	[tilespmem:v41+s25+$0x0] =	vst.idx.msk vm10, v42  }
.Ltmp5:
0x191: {  	v26 =	vshrl.u32 v26, $0x7;
	vm8 =	vlt.u32 v34, $0x40;
	v32 =	vld.idx.msk [tilespmem:v28+s28+$0x0], vm5;
	v28 =	vor.u32 v36, v33;
	[tilespmem:v50+s25+$0x0] =	vst.idx.msk vm2, v44;
	(pc) =	sbr.rel @p0 .LBB2_12-.Ltmp5, $4  }
0x192: {  	v29 =	vor.u32 v39, v29;
	v36 =	vand.u32 $0xFFFFFF80, v34;
	v33 =	vadd.s32 $0x80, v28;
	v41 =	vld.idx.msk [tilespmem:v16+s28+$0x0], vm1;
	v16 =	vmovc v56  }
0x193: {  	v26 =	vshll.u32 v26, $0x8;
	v39 =	vadd.s32 $0x80, v29;
	v28 =	vor.u32 v37, v36;
	v37 =	vld.idx.msk [tilespmem:v18+s28+$0x0], vm1;
	[tilespmem:v45+s25+$0x0] =	vst.idx.msk vm0, v52  }
0x194: {  	v26 =	vbroadcast v26, $0x0;
	v28 =	vadd.s32 $0x80, v28;
	v18 =	vmovc v51;
	v29 =	vld.idx.msk [tilespmem:v38+s28+$0x0], vm3;
	v38 =	vadd.s32 $0xFFF0BE00, v54;
	[tilespmem:v53+s25+$0x0] =	vst.idx.msk vm10, v47  }
0x195: {  	s3 =	sadd.s32 $0x80, s3;
	v36 =	vand.u32 $0xFFFFFF80, v19;
	v42 =	vand.u32 $0x7F, v54;
	vm6 =	vlt.u32 v38, $0x40;
	[tilespmem:v43+s25+$0x0] =	vst.idx.msk vm9, v31  }
0x196: {  	_ =	sdelay $0x4  }
0x197: {  	v31 =	vand.u32 $0xFFFFFF80, v38;
	vm5 =	vmmov vm5;
	[tilespmem:v22+s25+$0x0] =	vst.idx.msk vm2, v40;
	v22 =	vor.u32 v14, v26;
	v35 =	vld.idx.msk [tilespmem:v35+s28+$0x0], vm4  }
0x198: {  	v53 =	vor.u32 v2, v26;
	v31 =	vor.u32 v42, v31  }
0x199: {  	v25 =	vadd.s32 $0xFFF0BE00, v25;
	vm9 =	vlt.u32 v19, $0x40;
	v31 =	vadd.s32 $0x80, v31  }
0x19a: {  	v54 =	vor.u32 v0, v26;
	[tilespmem:v17+s25+$0x0] =	vst.idx.msk vm0, v27;
	v27 =	vld.idx.msk [tilespmem:v38+s28+$0x0], vm6;
	vm2 =	vlt.u32 v25, $0x40  }
0x19b: {  	v17 =	vor.u32 v8, v26;
	v33 =	vld.idx.msk [tilespmem:v33+s28+$0x0], vm4;
	[tilespmem:v23+s25+$0x0] =	vst.idx.msk vm1, v41  }
0x19c: {  	v57 =	vor.u32 v10, v26;
	v55 =	vand.u32 $0xFFFFFF80, v25;
	[tilespmem:v22+s25+$0x0] =	vst.idx.msk vm4, v35;
	v22 =	vld.idx.msk [tilespmem:v34+s28+$0x0], vm8  }
0x19d: {  	v23 =	vld.idx.msk [tilespmem:v39+s28+$0x0], vm3;
	[tilespmem:v53+s25+$0x0] =	vst.idx.msk vm5, v24;
	v24 =	vor.u32 v30, v55;
	v30 =	vor.u32 v15, v26  }
0x19e: {  	v56 =	vor.u32 v9, v26;
	[tilespmem:v20+s25+$0x0] =	vst.idx.msk vm1, v37;
	v20 =	vld.idx.msk [tilespmem:v31+s28+$0x0], vm6  }
0x19f: {  	v21 =	vor.u32 v21, v36;
	[tilespmem:v54+s25+$0x0] =	vst.idx.msk vm3, v29;
	v19 =	vld.idx.msk [tilespmem:v19+s28+$0x0], vm9;
	v31 =	vor.u32 v1, v26  }
0x1a0: {  	v29 =	vor.u32 v6, v26;
	v24 =	vadd.s32 $0x80, v24;
	v25 =	vld.idx.msk [tilespmem:v25+s28+$0x0], vm2;
	[tilespmem:v17+s25+$0x0] =	vst.idx.msk vm6, v27  }
0x1a1: {  	v21 =	vadd.s32 $0x80, v21;
	v17 =	vor.u32 v12, v26;
	v27 =	vld.idx.msk [tilespmem:v28+s28+$0x0], vm8;
	[tilespmem:v57+s25+$0x0] =	vst.idx.msk vm8, v22  }
0x1a2: {  	v16 =	vld.idx.msk [tilespmem:v16+s28+$0x0], vm7;
	v22 =	vor.u32 v4, v26;
	[tilespmem:v30+s25+$0x0] =	vst.idx.msk vm4, v33  }
0x1a3: {  	[tilespmem:v56+s25+$0x0] =	vst.idx.msk vm6, v20;
	v20 =	vor.u32 v11, v26  }
0x1a4: {  	[tilespmem:v31+s25+$0x0] =	vst.idx.msk vm3, v23;
	v23 =	vor.u32 v3, v26  }
0x1a5: {  	v28 =	vor.u32 v7, v26;
	v24 =	vld.idx.msk [tilespmem:v24+s28+$0x0], vm2;
	[tilespmem:v29+s25+$0x0] =	vst.idx.msk vm2, v25  }
0x1a6: {  	v21 =	vld.idx.msk [tilespmem:v21+s28+$0x0], vm9;
	v25 =	vor.u32 v13, v26;
	[tilespmem:v17+s25+$0x0] =	vst.idx.msk vm9, v19  }
0x1a7: {  	v18 =	vld.idx.msk [tilespmem:v18+s28+$0x0], vm7;
	v17 =	vor.u32 v5, v26;
	[tilespmem:v22+s25+$0x0] =	vst.idx.msk vm7, v16  }
0x1a8: {  	[tilespmem:v20+s25+$0x0] =	vst.idx.msk vm8, v27  }
0x1a9: {  	[tilespmem:v23+s25+$0x0] =	vst.idx.msk vm5, v32  }
0x1aa: {  	[tilespmem:v28+s25+$0x0] =	vst.idx.msk vm2, v24  }
0x1ab: {  	[tilespmem:v25+s25+$0x0] =	vst.idx.msk vm9, v21  }
0x1ac: {  	[tilespmem:v17+s25+$0x0] =	vst.idx.msk vm7, v18  }
0x1ad: {  	[hbm4b:s10+s20] =	stream.strided.scatter [tilespmem:s25], [sflag:$0x3], $0x8000, s21, s20, $0x38;
	[tilespmem:$0x1FC00] =	vst v63  }
0x1ae: {  	_ =	swait.ge [sflag:s19], $0x8000  }
0x1af: {  	[sflag:s19] =	ssyncset.done $0x0  }
0x1b0: {  	[sflag:s19] =	ssyncadd.s32 $0xFFFF8000  }
0x1b1: {  	s0 =	simm.s32 $0x0;
	s2 =	rddreg [dreg:$0x4]  }
0x1b2: {  	[tilespmem:s0], [sflag:$0x3] =	stream.linear.gather [hbm4b:s2+s0], $0x4000, $0x38;
	[tilespmem:$0x1FC00] =	vst v63  }
0x1b3: {  	_ =	swait.ge [sflag:s19], $0x4000  }
0x1b4: {  	[sflag:s19] =	ssyncset.done $0x0  }
0x1b5: {  	[sflag:s19] =	ssyncadd.s32 $0xFFFFC000  }
0x1b6: {  	[tilespmem:s22], [sflag:$0x1] =	stream.strided.gather [hbm4b:s11+s20], $0x9D00, s21, s20, $0x38;
	[tilespmem:$0x1FC00] =	vst v63  }
0x1b7: {  	_ = 	snop  }
0x1b8: {  	[tilespmem:s23], [sflag:$0x2] =	stream.strided.gather [hbm4b:s12+s20], $0x9D00, s21, s20, $0x38;
	[tilespmem:$0x1FC00] =	vst v63  }
0x1b9: {  	_ =	swait.ge [sflag:s24], $0x9D00  }
0x1ba: {  	[sflag:s24] =	ssyncset.done $0x0  }
0x1bb: {  	s4 =	simm.s32 $0x40;
	[sflag:s24] =	ssyncadd.s32 $0xFFFF6300  }
0x1bc: {  	v16 =	vld [tilespmem:s4+$0xFFFFFFD0]  }
0x1bd: {  	v17 =	vld [tilespmem:s4+$0xFFFFFFE0]  }
0x1be: {  	v18 =	vld [tilespmem:s4+$0x20]  }
0x1bf: {  	v22 =	vld [tilespmem:s4+$0x0]  }
0x1c0: {  	v25 =	vld [tilespmem:s4+$0x30]  }
0x1c1: {  	s31 =	simm.s32 $0xC0;
	v31 =	vld [tilespmem:s4+$0xFFFFFFF0]  }
0x1c2: {  	v32 =	vld [tilespmem:s31+$0xFFFFFFE0]  }
0x1c3: {  	vm0 =	vmmov vm8;
	vm1 =	vmmov vm7;
	v60 =	vld [tilespmem:s31+$0xFFFFFFD0];
	v19 =	vshll.u32 v16, $0x1  }
0x1c4: {  	v62 =	vld [tilespmem:s31+$0x20];
	v20 =	vand.u32 $0x7F, v17;
	v21 =	vshll.u32 v17, $0x1;
	v23 =	vand.u32 $0x7F, v16  }
0x1c5: {  	v24 =	vshll.u32 v18, $0x1;
	vm2 =	vlt.u32 v16, $0x4E80;
	vm4 =	vlt.u32 v18, $0x4E80  }
0x1c6: {  	v54 =	vld [tilespmem:s31+$0x0];
	vm6 =	vlt.u32 v17, $0x4E80;
	v27 =	vand.u32 $0x7F, v22;
	v28 =	vshll.u32 v22, $0x1  }
0x1c7: {  	v17 =	vand.u32 $0x7F, v25;
	v29 =	vshll.u32 v25, $0x1;
	vm0 =	vlt.u32 v22, $0x4E80  }
0x1c8: {  	vm5 =	vlt.u32 v25, $0x4E80;
	v58 =	vshll.u32 v31, $0x1;
	v47 =	vand.u32 $0x7F, v32  }
0x1c9: {  	v53 =	vshll.u32 v32, $0x1;
	v55 =	vshll.u32 v62, $0x1;
	vm7 =	vlt.u32 v60, $0x4E80  }
0x1ca: {  	v56 =	vand.u32 $0x7F, v62;
	vm8 =	vlt.u32 v62, $0x4E80;
	vm9 =	vlt.u32 v32, $0x4E80  }
0x1cb: {  	v32 =	vshll.u32 v54, $0x1;
	vm11 =	vlt.u32 v54, $0x4E80;
	v19 =	vand.u32 $0xFFFFFF00, v19  }
0x1cc: {  	v21 =	vand.u32 $0xFFFFFF00, v21;
	v22 =	vand.u32 $0xFFFFFF00, v29;
	v16 =	vor.u32 v23, v19  }
0x1cd: {  	vm10 =	vmmov vm4;
	v19 =	vor.u32 v20, v21;
	v20 =	vld [tilespmem:s4+$0x10];
	v23 =	vand.u32 $0x7F, v18  }
0x1ce: {  	v18 =	vand.u32 $0xFFFFFF00, v24;
	v24 =	vmov s0;
	v26 =	vor.u32 $0x80, v19  }
0x1cf: {  	vm1 =	vmmov vm6;
	v24 =	vshrl.u32 v24, $0x7;
	v23 =	vor.u32 v23, v18  }
0x1d0: {  	vm0 =	vmmov vm0;
	v28 =	vand.u32 $0xFFFFFF00, v28;
	v24 =	vshll.u32 v24, $0x8  }
0x1d1: {  	v21 =	vor.u32 $0x80, v16;
	v18 =	vand.u32 $0x7F, v31;
	v25 =	vbroadcast v24, $0x0;
	v29 =	vld.idx.msk [tilespmem:v16+s22+$0x0], vm2  }
0x1d2: {  	vm3 =	vlt.u32 v20, $0x4E80;
	v30 =	vand.u32 $0x7F, v20;
	v20 =	vshll.u32 v20, $0x1;
	v33 =	vld.idx.msk [tilespmem:v19+s22+$0x0], vm6  }
0x1d3: {  	v61 =	vor.u32 v11, v25;
	v16 =	vand.u32 $0xFFFFFF00, v20;
	v20 =	vor.u32 v17, v22;
	v17 =	vld.idx.msk [tilespmem:v26+s22+$0x0], vm6  }
0x1d4: {  	v40 =	vor.u32 v7, v25;
	vm6 =	vlt.u32 v31, $0x4E80;
	v31 =	vld.idx.msk [tilespmem:v23+s22+$0x0], vm4;
	v23 =	vor.u32 $0x80, v23  }
0x1d5: {  	v41 =	vor.u32 v13, v25;
	v22 =	vld [tilespmem:s4+$0xFFFFFFC0];
	v24 =	vor.u32 v30, v16;
	v30 =	vor.u32 $0x80, v20  }
0x1d6: {  	v63 =	vor.u32 v14, v25;
	v48 =	vor.u32 v4, v25;
	v16 =	vld.idx.msk [tilespmem:v21+s22+$0x0], vm2;
	v21 =	vand.u32 $0xFFFFFF00, v58  }
0x1d7: {  	v35 =	vld [tilespmem:s31+$0x30];
	v45 =	vor.u32 v12, v25;
	vm2 =	vmmov vm2;
	v19 =	vor.u32 v18, v21  }
0x1d8: {  	v43 =	vor.u32 v6, v25;
	v50 =	vor.u32 v2, v25;
	v26 =	vor.u32 $0x80, v24;
	v20 =	vld.idx.msk [tilespmem:v20+s22+$0x0], vm5  }
0x1d9: {  	v44 =	vor.u32 v8, v25;
	v49 =	vor.u32 v0, v25;
	v21 =	vor.u32 v27, v28;
	v51 =	vld.idx.msk [tilespmem:v23+s22+$0x0], vm10  }
0x1da: {  	v52 =	vor.u32 v15, v25;
	v58 =	vand.u32 $0xFFFFFF00, v55;
	v27 =	vor.u32 $0x80, v19;
	v36 =	vld.idx.msk [tilespmem:v30+s22+$0x0], vm5  }
0x1db: {  	v28 =	vor.u32 $0x80, v21;
	[tilespmem:v48+s25+$0x0] =	vst.idx.msk vm1, v33;
	v18 =	vshll.u32 v22, $0x1;
	v30 =	vor.u32 v10, v25;
	v24 =	vld.idx.msk [tilespmem:v24+s22+$0x0], vm3  }
0x1dc: {  	v59 =	vand.u32 $0x7F, v22;
	vm4 =	vlt.u32 v22, $0x4E80;
	[tilespmem:v45+s25+$0x0] =	vst.idx.msk vm10, v31;
	v18 =	vand.u32 $0xFFFFFF00, v18;
	v46 =	vld.idx.msk [tilespmem:v19+s22+$0x0], vm6  }
0x1dd: {  	v23 =	vand.u32 $0x7F, v60;
	v34 =	vor.u32 v59, v18;
	v19 =	vshll.u32 v60, $0x1;
	v26 =	vld.idx.msk [tilespmem:v26+s22+$0x0], vm3;
	[tilespmem:v50+s25+$0x0] =	vst.idx.msk vm2, v29  }
0x1de: {  	v31 =	vor.u32 v5, v25;
	v21 =	vld.idx.msk [tilespmem:v21+s22+$0x0], vm0;
	v37 =	vor.u32 $0x80, v34;
	v22 =	vand.u32 $0xFFFFFF00, v19;
	[tilespmem:v63+s25+$0x0] =	vst.idx.msk vm5, v20  }
0x1df: {  	s0 =	simm.s32 $0x80;
	v18 =	vor.u32 v9, v25;
	v20 =	vor.u32 v23, v22;
	v22 =	vand.u32 $0xFFFFFF00, v53;
	v53 =	vld [tilespmem:s31+$0x10];
	[tilespmem:v41+s25+$0x0] =	vst.idx.msk vm10, v51  }
0x1e0: {  	v29 =	vand.u32 $0x7F, v54;
	v19 =	vor.u32 v1, v25;
	v59 =	vld.idx.msk [tilespmem:v27+s22+$0x0], vm6;
	v27 =	vmov s0;
	[tilespmem:v30+s25+$0x0] =	vst.idx.msk vm3, v24  }
0x1e1: {  	v23 =	vor.u32 $0x80, v20;
	v22 =	vor.u32 v47, v22;
	v24 =	vor.u32 v3, v25;
	v30 =	vld.idx.msk [tilespmem:v28+s22+$0x0], vm0  }
0x1e2: {  	v25 =	vshrl.u32 v27, $0x7;
	v28 =	vshll.u32 v35, $0x1;
	[tilespmem:v52+s25+$0x0] =	vst.idx.msk vm5, v36;
	v57 =	vor.u32 $0x80, v22;
	v60 =	vld.idx.msk [tilespmem:v34+s22+$0x0], vm4  }
0x1e3: {  	vm5 =	vlt.u32 v35, $0x4E80;
	[tilespmem:v61+s25+$0x0] =	vst.idx.msk vm3, v26;
	v26 =	vand.u32 $0x7F, v35;
	v61 =	vshll.u32 v25, $0x8;
	v27 =	vld.idx.msk [tilespmem:v37+s22+$0x0], vm4  }
0x1e4: {  	[tilespmem:v43+s25+$0x0] =	vst.idx.msk vm6, v46;
	v28 =	vand.u32 $0xFFFFFF00, v28;
	v35 =	vor.u32 v56, v58;
	v37 =	vld [tilespmem:s31+$0xFFFFFFF0];
	v25 =	vshll.u32 v53, $0x1  }
0x1e5: {  	[tilespmem:v44+s25+$0x0] =	vst.idx.msk vm0, v21;
	v36 =	vor.u32 v26, v28;
	v62 =	vand.u32 $0x7F, v53;
	v20 =	vld.idx.msk [tilespmem:v20+s22+$0x0], vm7;
	v63 =	vand.u32 $0xFFFFFF00, v25  }
0x1e6: {  	v21 =	vbroadcast v61, $0x0;
	[tilespmem:v40+s25+$0x0] =	vst.idx.msk vm6, v59;
	vm6 =	vmmov vm8;
	v25 =	vld [tilespmem:s31+$0xFFFFFFC0];
	v33 =	vor.u32 v62, v63  }
0x1e7: {  	s3 =	simm.s32 $0x140;
	s2 =	simm.s32 $0x8;
	v34 =	vor.u32 $0x80, v36;
	vm3 =	vlt.u32 v53, $0x4E80;
	[tilespmem:v49+s25+$0x0] =	vst.idx.msk vm4, v60;
	v26 =	vld.idx.msk [tilespmem:v57+s22+$0x0], vm9;
	v28 =	vor.u32 $0x80, v33  }
.LBB2_14:
0x1e8: {  	v38 =	vld [tilespmem:s3+$0xFFFFFFE0];
	s2 =	sadd.s32 $0x8, s2;
	s0 =	sadd.s32 $0x80, s0;
	[tilespmem:v31+s25+$0x0] =	vst.idx.msk vm1, v17;
	vm1 =	vmmov vm9  }
0x1e9: {  	p0 =	slt.u32 s2, $0x3F8;
	v23 =	vld.idx.msk [tilespmem:v23+s22+$0x0], vm7;
	v17 =	vand.u32 $0x7F, v37;
	v31 =	vshll.u32 v37, $0x1;
	[tilespmem:v18+s25+$0x0] =	vst.idx.msk vm0, v30;
	vm0 =	vmmov vm11  }
0x1ea: {  	vm10 =	vlt.u32 v37, $0x4E80;
	v39 =	vld.idx.msk [tilespmem:v22+s22+$0x0], vm9;
	v18 =	vand.u32 $0xFFFFFF00, v31;
	v22 =	vand.u32 $0xFFFFFF00, v32;
	[tilespmem:v24+s25+$0x0] =	vst.idx.msk vm2, v16  }
0x1eb: {  	v24 =	vor.u32 v17, v18;
	v22 =	vor.u32 v29, v22;
	v29 =	vld.idx.msk [tilespmem:v36+s22+$0x0], vm5;
	[tilespmem:v19+s25+$0x0] =	vst.idx.msk vm4, v27  }
0x1ec: {  	v16 =	vshll.u32 v25, $0x1;
	v27 =	vor.u32 $0x80, v24;
	v30 =	vor.u32 $0x80, v22;
	v31 =	vld.idx.msk [tilespmem:v35+s22+$0x0], vm8  }
0x1ed: {  	vm2 =	vmmov vm7;
	v18 =	vand.u32 $0x7F, v25;
	v19 =	vand.u32 $0xFFFFFF00, v16;
	v17 =	vmovc v26;
	v34 =	vld.idx.msk [tilespmem:v34+s22+$0x0], vm5  }
0x1ee: {  	v35 =	vor.u32 $0x80, v35;
	v32 =	vor.u32 v18, v19;
	v18 =	vor.u32 v9, v21;
	v26 =	vld [tilespmem:s3+$0xFFFFFFD0]  }
0x1ef: {  	v40 =	vor.u32 v10, v21;
	v41 =	vor.u32 v11, v21;
	v37 =	vor.u32 $0x80, v32;
	v16 =	vmovc v23;
	v36 =	vld [tilespmem:s3+$0x20]  }
0x1f0: {  	v42 =	vor.u32 v7, v21;
	v43 =	vor.u32 v14, v21;
	v23 =	vld.idx.msk [tilespmem:v33+s22+$0x0], vm3;
	v33 =	vor.u32 v13, v21  }
0x1f1: {  	v45 =	vor.u32 v6, v21;
	v46 =	vor.u32 v8, v21;
	v44 =	vld.idx.msk [tilespmem:v24+s22+$0x0], vm10;
	v24 =	vor.u32 v12, v21  }
0x1f2: {  	vm4 =	vlt.u32 v25, $0x4E80;
	v25 =	vor.u32 v4, v21;
	v47 =	vand.u32 $0x7F, v38;
	v48 =	vld.idx.msk [tilespmem:v22+s22+$0x0], vm11  }
0x1f3: {  	v49 =	vor.u32 v0, v21;
	v50 =	vor.u32 v2, v21;
	v19 =	vshll.u32 v26, $0x1;
	v28 =	vld.idx.msk [tilespmem:v28+s22+$0x0], vm3  }
0x1f4: {  	v51 =	vor.u32 v15, v21;
	v22 =	vand.u32 $0xFFFFFF00, v19;
	v19 =	vor.u32 v1, v21;
	v35 =	vld.idx.msk [tilespmem:v35+s22+$0x0], vm6  }
0x1f5: {  	v53 =	vshll.u32 v38, $0x1;
	v52 =	vand.u32 $0x7F, v26;
	v55 =	vshll.u32 v36, $0x1;
	v54 =	vld [tilespmem:s3+$0x0];
	[tilespmem:v43+s25+$0x0] =	vst.idx.msk vm5, v29  }
0x1f6: {  	vm7 =	vlt.u32 v26, $0x4E80;
	v26 =	vor.u32 v52, v22;
	v22 =	vand.u32 $0xFFFFFF00, v53;
	v43 =	vld [tilespmem:s3+$0x30];
	[tilespmem:v40+s25+$0x0] =	vst.idx.msk vm3, v23  }
0x1f7: {  	v23 =	vor.u32 $0x80, v26;
	v22 =	vor.u32 v47, v22;
	v47 =	vand.u32 $0x7F, v36;
	v40 =	vld [tilespmem:s3+$0x10];
	[tilespmem:v24+s25+$0x0] =	vst.idx.msk vm6, v31  }
0x1f8: {  	vm8 =	vlt.u32 v36, $0x4E80;
	v53 =	vand.u32 $0xFFFFFF00, v55;
	v52 =	vor.u32 $0x80, v22;
	[tilespmem:v50+s25+$0x0] =	vst.idx.msk vm2, v20;
	v50 =	vld.idx.msk [tilespmem:v27+s22+$0x0], vm10  }
0x1f9: {  	v24 =	vor.u32 v3, v21;
	v31 =	vor.u32 v5, v21;
	v20 =	vmov s0;
	v55 =	vld.idx.msk [tilespmem:v32+s22+$0x0], vm4;
	[tilespmem:v45+s25+$0x0] =	vst.idx.msk vm10, v44  }
0x1fa: {  	vm9 =	vlt.u32 v38, $0x4E80;
	v20 =	vshrl.u32 v20, $0x7;
	v29 =	vand.u32 $0x7F, v54;
	v30 =	vld.idx.msk [tilespmem:v30+s22+$0x0], vm0;
	[tilespmem:v41+s25+$0x0] =	vst.idx.msk vm3, v28  }
0x1fb: {  	v32 =	vshll.u32 v54, $0x1;
	v21 =	vand.u32 $0x7F, v43;
	v28 =	vshll.u32 v43, $0x1;
	v27 =	vld.idx.msk [tilespmem:v37+s22+$0x0], vm4;
	[tilespmem:v51+s25+$0x0] =	vst.idx.msk vm5, v34  }
.Ltmp6:
0x1fc: {  	v34 =	vshll.u32 v20, $0x8;
	v20 =	vld.idx.msk [tilespmem:v26+s22+$0x0], vm7;
	vm3 =	vlt.u32 v40, $0x4E80;
	v26 =	vand.u32 $0x7F, v40;
	[tilespmem:v33+s25+$0x0] =	vst.idx.msk vm6, v35;
	(pc) =	sbr.rel @p0 .LBB2_14-.Ltmp6, $4  }
0x1fd: {  	vm11 =	vlt.u32 v54, $0x4E80;
	v33 =	vshll.u32 v40, $0x1;
	v28 =	vand.u32 $0xFFFFFF00, v28;
	v37 =	vld [tilespmem:s3+$0xFFFFFFF0];
	[tilespmem:v25+s25+$0x0] =	vst.idx.msk vm1, v39  }
0x1fe: {  	vm5 =	vlt.u32 v43, $0x4E80;
	v33 =	vand.u32 $0xFFFFFF00, v33;
	v36 =	vor.u32 v21, v28;
	[tilespmem:v46+s25+$0x0] =	vst.idx.msk vm0, v48  }
0x1ff: {  	v21 =	vbroadcast v34, $0x0;
	v33 =	vor.u32 v26, v33;
	v34 =	vor.u32 $0x80, v36;
	v25 =	vld [tilespmem:s3+$0xFFFFFFC0];
	[tilespmem:v49+s25+$0x0] =	vst.idx.msk vm4, v55  }
0x200: {  	v35 =	vor.u32 v47, v53;
	vm6 =	vmmov vm8;
	v28 =	vor.u32 $0x80, v33;
	s3 =	sadd.s32 $0x80, s3;
	v26 =	vld.idx.msk [tilespmem:v52+s22+$0x0], vm9;
	[tilespmem:v42+s25+$0x0] =	vst.idx.msk vm10, v50  }
0x201: {  	_ =	sdelay $0x4  }
0x202: {  	[tilespmem:v31+s25+$0x0] =	vst.idx.msk vm1, v17;
	v17 =	vand.u32 $0xFFFFFF00, v32;
	v31 =	vld.idx.msk [tilespmem:v36+s22+$0x0], vm5;
	v55 =	vor.u32 v14, v21  }
0x203: {  	v56 =	vor.u32 v10, v21;
	v33 =	vld.idx.msk [tilespmem:v33+s22+$0x0], vm3;
	v57 =	vor.u32 v12, v21;
	v59 =	vor.u32 v4, v21  }
0x204: {  	v22 =	vld.idx.msk [tilespmem:v22+s22+$0x0], vm9;
	v38 =	vshll.u32 v37, $0x1;
	v39 =	vand.u32 $0x7F, v37;
	vm10 =	vlt.u32 v37, $0x4E80  }
0x205: {  	[tilespmem:v18+s25+$0x0] =	vst.idx.msk vm0, v30;
	v30 =	vld.idx.msk [tilespmem:v35+s22+$0x0], vm8;
	v17 =	vor.u32 v29, v17;
	v29 =	vor.u32 $0x80, v35;
	v54 =	vand.u32 $0xFFFFFF00, v38  }
0x206: {  	[tilespmem:v24+s25+$0x0] =	vst.idx.msk vm2, v16;
	v58 =	vor.u32 v2, v21;
	v37 =	vor.u32 v39, v54;
	v18 =	vshll.u32 v25, $0x1  }
0x207: {  	v34 =	vld.idx.msk [tilespmem:v34+s22+$0x0], vm5;
	[tilespmem:v19+s25+$0x0] =	vst.idx.msk vm4, v27;
	v24 =	vand.u32 $0x7F, v25;
	vm2 =	vlt.u32 v25, $0x4E80;
	v18 =	vand.u32 $0xFFFFFF00, v18  }
0x208: {  	v25 =	vld.idx.msk [tilespmem:v28+s22+$0x0], vm3;
	v18 =	vor.u32 v24, v18;
	v24 =	vor.u32 v11, v21;
	[tilespmem:v55+s25+$0x0] =	vst.idx.msk vm5, v31  }
0x209: {  	v23 =	vld.idx.msk [tilespmem:v23+s22+$0x0], vm7;
	v16 =	vor.u32 $0x80, v37;
	[tilespmem:v59+s25+$0x0] =	vst.idx.msk vm9, v22;
	v22 =	vor.u32 v3, v21  }
0x20a: {  	[tilespmem:v56+s25+$0x0] =	vst.idx.msk vm3, v33;
	v28 =	vld.idx.msk [tilespmem:v29+s22+$0x0], vm6;
	v29 =	vor.u32 v15, v21  }
0x20b: {  	v27 =	vor.u32 v6, v21;
	[tilespmem:v58+s25+$0x0] =	vst.idx.msk vm7, v20;
	v19 =	vld.idx.msk [tilespmem:v37+s22+$0x0], vm10  }
0x20c: {  	vm1 =	vmmov vm11;
	v31 =	vor.u32 v13, v21;
	[tilespmem:v57+s25+$0x0] =	vst.idx.msk vm6, v30;
	v30 =	vor.u32 $0x80, v17  }
0x20d: {  	v60 =	vor.u32 v8, v21;
	v20 =	vor.u32 $0x80, v18;
	v17 =	vld.idx.msk [tilespmem:v17+s22+$0x0], vm11;
	[tilespmem:v24+s25+$0x0] =	vst.idx.msk vm3, v25  }
0x20e: {  	v16 =	vld.idx.msk [tilespmem:v16+s22+$0x0], vm10;
	v24 =	vor.u32 v7, v21;
	[tilespmem:v22+s25+$0x0] =	vst.idx.msk vm7, v23  }
0x20f: {  	v25 =	vor.u32 v5, v21;
	[tilespmem:v29+s25+$0x0] =	vst.idx.msk vm5, v34  }
0x210: {  	v18 =	vld.idx.msk [tilespmem:v18+s22+$0x0], vm2;
	[tilespmem:v27+s25+$0x0] =	vst.idx.msk vm10, v19;
	v19 =	vor.u32 v0, v21  }
0x211: {  	[tilespmem:v31+s25+$0x0] =	vst.idx.msk vm6, v28;
	v28 =	vld.idx.msk [tilespmem:v30+s22+$0x0], vm11;
	v27 =	vor.u32 v9, v21  }
0x212: {  	v20 =	vld.idx.msk [tilespmem:v20+s22+$0x0], vm2;
	[tilespmem:v60+s25+$0x0] =	vst.idx.msk vm1, v17;
	v17 =	vor.u32 v1, v21  }
0x213: {  	[tilespmem:v24+s25+$0x0] =	vst.idx.msk vm10, v16  }
0x214: {  	[tilespmem:v25+s25+$0x0] =	vst.idx.msk vm9, v26  }
0x215: {  	[tilespmem:v19+s25+$0x0] =	vst.idx.msk vm2, v18  }
0x216: {  	[tilespmem:v27+s25+$0x0] =	vst.idx.msk vm1, v28  }
0x217: {  	[tilespmem:v17+s25+$0x0] =	vst.idx.msk vm2, v20  }
0x218: {  	[tilespmem:s22], [sflag:$0x1] =	stream.strided.gather [hbm4b:s13+s20], $0x9D00, s21, s20, $0x38;
	[tilespmem:$0x1FC00] =	vst v63  }
0x219: {  	_ =	swait.ge [sflag:s26], $0x9D00  }
0x21a: {  	[sflag:s26] =	ssyncset.done $0x0  }
0x21b: {  	s2 =	simm.s32 $0x40;
	[sflag:s26] =	ssyncadd.s32 $0xFFFF6300  }
0x21c: {  	v16 =	vld [tilespmem:s2+$0xFFFFFFE0]  }
0x21d: {  	v17 =	vld [tilespmem:s2+$0xFFFFFFD0]  }
0x21e: {  	v18 =	vld [tilespmem:s2+$0xFFFFFFC0]  }
0x21f: {  	s0 =	simm.s32 $0x0;
	v19 =	vld [tilespmem:s2+$0x10]  }
0x220: {  	v20 =	vmov s0  }
0x221: {  	v20 =	vshrl.u32 v20, $0x7;
	v30 =	vld [tilespmem:s2+$0xFFFFFFF0]  }
0x222: {  	vm0 =	vmmov vm7;
	vm4 =	vmmov vm9;
	v20 =	vshll.u32 v20, $0x8  }
0x223: {  	v21 =	vadd.s32 $0xFFFFB180, v16;
	v16 =	vand.u32 $0x7F, v16;
	v22 =	vadd.s32 $0xFFFFB180, v17  }
0x224: {  	v17 =	vand.u32 $0x7F, v17;
	v24 =	vadd.s32 $0xFFFFB180, v18;
	v26 =	vand.u32 $0x7F, v19  }
0x225: {  	v18 =	vand.u32 $0x7F, v18;
	vm1 =	vlt.u32 v22, $0x4E80;
	v22 =	vshll.u32 v22, $0x1  }
0x226: {  	v19 =	vadd.s32 $0xFFFFB180, v19;
	v31 =	vadd.s32 $0xFFFFB180, v30;
	v22 =	vand.u32 $0xFFFFFF00, v22  }
0x227: {  	v23 =	vshll.u32 v21, $0x1;
	vm0 =	vlt.u32 v21, $0x4E80;
	v25 =	vor.u32 v17, v22  }
0x228: {  	v21 =	vld [tilespmem:s2+$0x20];
	v22 =	vand.u32 $0xFFFFFF00, v23;
	v17 =	vbroadcast v20, $0x0;
	v20 =	vor.u32 $0x80, v25  }
0x229: {  	v29 =	vshll.u32 v24, $0x1;
	v23 =	vld [tilespmem:s2+$0x30];
	v27 =	vor.u32 v16, v22;
	v22 =	vshll.u32 v19, $0x1  }
0x22a: {  	vm2 =	vlt.u32 v19, $0x4E80;
	v28 =	vor.u32 $0x80, v27;
	v19 =	vand.u32 $0xFFFFFF00, v22  }
0x22b: {  	vm5 =	vlt.u32 v24, $0x4E80;
	vm6 =	vlt.u32 v31, $0x4E80;
	v22 =	vld [tilespmem:s2+$0x0];
	v24 =	vor.u32 v26, v19  }
0x22c: {  	v29 =	vand.u32 $0xFFFFFF00, v29;
	v62 =	vor.u32 v2, v17;
	v63 =	vor.u32 $0x80, v24;
	v61 =	vld.idx.msk [tilespmem:v25+s23+$0x0], vm1  }
0x22d: {  	v16 =	vor.u32 v15, v17;
	v19 =	vadd.s32 $0xFFFFB180, v21;
	v21 =	vand.u32 $0x7F, v21;
	v20 =	vld.idx.msk [tilespmem:v20+s23+$0x0], vm1  }
0x22e: {  	vm4 =	vlt.u32 v19, $0x4E80;
	v26 =	vshll.u32 v19, $0x1;
	v25 =	vadd.s32 $0xFFFFB180, v23;
	v19 =	vld.idx.msk [tilespmem:v27+s23+$0x0], vm0  }
0x22f: {  	v27 =	vand.u32 $0xFFFFFF00, v26;
	v26 =	vand.u32 $0x7F, v23;
	v23 =	vor.u32 v18, v29;
	v18 =	vld.idx.msk [tilespmem:v28+s23+$0x0], vm0  }
0x230: {  	v29 =	vshll.u32 v25, $0x1;
	v28 =	vand.u32 $0x7F, v30;
	v30 =	vadd.s32 $0xFFFFB180, v22;
	v24 =	vld.idx.msk [tilespmem:v24+s23+$0x0], vm2  }
0x231: {  	s3 =	simm.s32 $0xC0;
	s2 =	simm.s32 $0x0;
	v27 =	vor.u32 v21, v27;
	vm3 =	vlt.u32 v30, $0x4E80;
	v30 =	vshll.u32 v30, $0x1;
	v21 =	vld.idx.msk [tilespmem:v63+s23+$0x0], vm2;
	[tilespmem:v62+s25+$0x0] =	vst.idx.msk vm1, v61  }
.LBB2_16:
0x232: {  	v32 =	vld [tilespmem:s3+$0xFFFFFFE0];
	s2 =	sadd.s32 $0x8, s2;
	v31 =	vshll.u32 v31, $0x1;
	v33 =	vor.u32 v10, v17;
	vm7 =	vlt.u32 v25, $0x4E80;
	s0 =	sadd.s32 $0x80, s0  }
0x233: {  	v34 =	vor.u32 v0, v17;
	v29 =	vand.u32 $0xFFFFFF00, v29;
	v25 =	vld [tilespmem:s3+$0xFFFFFFD0];
	p0 =	slt.u32 s2, $0x3F8;
	v31 =	vand.u32 $0xFFFFFF00, v31  }
0x234: {  	v22 =	vand.u32 $0x7F, v22;
	v30 =	vand.u32 $0xFFFFFF00, v30;
	v26 =	vor.u32 v26, v29;
	v35 =	vld.idx.msk [tilespmem:v23+s23+$0x0], vm5  }
0x235: {  	v22 =	vor.u32 v22, v30;
	v30 =	vor.u32 $0x80, v27;
	v28 =	vor.u32 v28, v31;
	v29 =	vld [tilespmem:s3+$0x20]  }
0x236: {  	v31 =	vor.u32 v3, v17;
	v37 =	vor.u32 $0x80, v22;
	v36 =	vor.u32 $0x80, v28;
	v27 =	vld.idx.msk [tilespmem:v27+s23+$0x0], vm4  }
0x237: {  	v39 =	vor.u32 v4, v17;
	v23 =	vor.u32 $0x80, v23;
	v38 =	vld [tilespmem:s3+$0x10];
	[tilespmem:v33+s25+$0x0] =	vst.idx.msk vm2, v24;
	v24 =	vor.u32 v11, v17  }
0x238: {  	v40 =	vor.u32 v5, v17;
	v41 =	vor.u32 v12, v17;
	v42 =	vor.u32 v13, v17;
	v33 =	vld [tilespmem:s3+$0x30]  }
0x239: {  	v43 =	vor.u32 v1, v17;
	v44 =	vor.u32 v9, v17;
	v45 =	vld.idx.msk [tilespmem:v26+s23+$0x0], vm7;
	v26 =	vor.u32 $0x80, v26  }
0x23a: {  	v46 =	vor.u32 v7, v17;
	v47 =	vor.u32 v8, v17;
	vm8 =	vmmov vm5;
	v28 =	vld.idx.msk [tilespmem:v28+s23+$0x0], vm6  }
0x23b: {  	v48 =	vld [tilespmem:s3+$0xFFFFFFC0];
	[tilespmem:v31+s25+$0x0] =	vst.idx.msk vm1, v20;
	v20 =	vor.u32 v6, v17;
	v31 =	vor.u32 v14, v17  }
0x23c: {  	v49 =	vadd.s32 $0xFFFFB180, v32;
	v32 =	vand.u32 $0x7F, v32;
	v17 =	vmov s0;
	[tilespmem:v39+s25+$0x0] =	vst.idx.msk vm0, v19;
	v19 =	vld.idx.msk [tilespmem:v30+s23+$0x0], vm4  }
0x23d: {  	v17 =	vshrl.u32 v17, $0x7;
	v30 =	vadd.s32 $0xFFFFB180, v25;
	v39 =	vshll.u32 v49, $0x1;
	v36 =	vld.idx.msk [tilespmem:v36+s23+$0x0], vm6;
	[tilespmem:v41+s25+$0x0] =	vst.idx.msk vm4, v27  }
0x23e: {  	v17 =	vshll.u32 v17, $0x8;
	vm1 =	vlt.u32 v30, $0x4E80;
	v27 =	vshll.u32 v30, $0x1;
	[tilespmem:v40+s25+$0x0] =	vst.idx.msk vm0, v18;
	v18 =	vld.idx.msk [tilespmem:v22+s23+$0x0], vm3  }
0x23f: {  	v22 =	vand.u32 $0x7F, v25;
	v25 =	vand.u32 $0xFFFFFF00, v27;
	vm0 =	vlt.u32 v49, $0x4E80;
	v23 =	vld.idx.msk [tilespmem:v23+s23+$0x0], vm5;
	[tilespmem:v24+s25+$0x0] =	vst.idx.msk vm2, v21  }
0x240: {  	v24 =	vor.u32 v22, v25;
	v22 =	vand.u32 $0xFFFFFF00, v39;
	v21 =	vadd.s32 $0xFFFFB180, v48;
	[tilespmem:v20+s25+$0x0] =	vst.idx.msk vm6, v28;
	v27 =	vld.idx.msk [tilespmem:v37+s23+$0x0], vm3  }
0x241: {  	v17 =	vbroadcast v17, $0x0;
	v25 =	vand.u32 $0x7F, v38;
	v20 =	vor.u32 $0x80, v24;
	[tilespmem:v34+s25+$0x0] =	vst.idx.msk vm5, v35;
	v26 =	vld.idx.msk [tilespmem:v26+s23+$0x0], vm7  }
0x242: {  	v28 =	vand.u32 $0x7F, v48;
	v30 =	vor.u32 v32, v22;
	v32 =	vadd.s32 $0xFFFFB180, v38;
	[tilespmem:v42+s25+$0x0] =	vst.idx.msk vm4, v19  }
0x243: {  	v34 =	vor.u32 $0x80, v30;
	v35 =	vor.u32 v15, v17;
	v19 =	vshll.u32 v32, $0x1;
	v22 =	vld [tilespmem:s3+$0x0];
	[tilespmem:v31+s25+$0x0] =	vst.idx.msk vm7, v45  }
0x244: {  	vm2 =	vlt.u32 v32, $0x4E80;
	v31 =	vshll.u32 v21, $0x1;
	v19 =	vand.u32 $0xFFFFFF00, v19;
	v37 =	vld [tilespmem:s3+$0xFFFFFFF0];
	[tilespmem:v47+s25+$0x0] =	vst.idx.msk vm3, v18  }
0x245: {  	vm5 =	vlt.u32 v21, $0x4E80;
	v18 =	vadd.s32 $0xFFFFB180, v29;
	v21 =	vld.idx.msk [tilespmem:v24+s23+$0x0], vm1;
	v24 =	vor.u32 v25, v19;
	[tilespmem:v46+s25+$0x0] =	vst.idx.msk vm6, v36  }
0x246: {  	v32 =	vor.u32 v2, v17;
	v25 =	vadd.s32 $0xFFFFB180, v33;
	v36 =	vor.u32 $0x80, v24;
	[tilespmem:v43+s25+$0x0] =	vst.idx.msk vm8, v23  }
.Ltmp7:
0x247: {  	vm4 =	vlt.u32 v18, $0x4E80;
	v18 =	vshll.u32 v18, $0x1;
	v23 =	vand.u32 $0xFFFFFF00, v31;
	v20 =	vld.idx.msk [tilespmem:v20+s23+$0x0], vm1;
	[tilespmem:v16+s25+$0x0] =	vst.idx.msk vm7, v26;
	v16 =	vmovc v35;
	(pc) =	sbr.rel @p0 .LBB2_16-.Ltmp7, $4  }
0x248: {  	v35 =	vand.u32 $0xFFFFFF00, v18;
	v26 =	vand.u32 $0x7F, v33;
	v19 =	vld.idx.msk [tilespmem:v30+s23+$0x0], vm0;
	v30 =	vand.u32 $0x7F, v29;
	[tilespmem:v44+s25+$0x0] =	vst.idx.msk vm3, v27  }
0x249: {  	v23 =	vor.u32 v28, v23;
	v29 =	vshll.u32 v25, $0x1;
	v18 =	vld.idx.msk [tilespmem:v34+s23+$0x0], vm0;
	v28 =	vand.u32 $0x7F, v37  }
0x24a: {  	v33 =	vadd.s32 $0xFFFFB180, v22;
	v31 =	vadd.s32 $0xFFFFB180, v37;
	v27 =	vor.u32 v30, v35;
	v24 =	vld.idx.msk [tilespmem:v24+s23+$0x0], vm2  }
0x24b: {  	s3 =	sadd.s32 $0x80, s3;
	vm3 =	vlt.u32 v33, $0x4E80;
	v30 =	vshll.u32 v33, $0x1;
	vm6 =	vlt.u32 v31, $0x4E80;
	[tilespmem:v32+s25+$0x0] =	vst.idx.msk vm1, v21;
	v21 =	vld.idx.msk [tilespmem:v36+s23+$0x0], vm2  }
0x24c: {  	v31 =	vshll.u32 v31, $0x1  }
0x24d: {  	v32 =	vor.u32 v10, v17;
	v31 =	vand.u32 $0xFFFFFF00, v31  }
0x24e: {  	vm7 =	vlt.u32 v25, $0x4E80;
	v25 =	vor.u32 v28, v31;
	v28 =	vor.u32 v3, v17  }
0x24f: {  	v29 =	vand.u32 $0xFFFFFF00, v29;
	v33 =	vor.u32 v4, v17;
	v31 =	vor.u32 $0x80, v27  }
0x250: {  	v35 =	vor.u32 v5, v17;
	v26 =	vor.u32 v26, v29  }
0x251: {  	v22 =	vand.u32 $0x7F, v22;
	v30 =	vand.u32 $0xFFFFFF00, v30;
	v29 =	vor.u32 v12, v17;
	v27 =	vld.idx.msk [tilespmem:v27+s23+$0x0], vm4  }
0x252: {  	v36 =	vld.idx.msk [tilespmem:v23+s23+$0x0], vm5;
	v22 =	vor.u32 v22, v30;
	[tilespmem:v32+s25+$0x0] =	vst.idx.msk vm2, v24;
	v24 =	vor.u32 v11, v17  }
0x253: {  	v34 =	vor.u32 $0x80, v25;
	v25 =	vld.idx.msk [tilespmem:v25+s23+$0x0], vm6;
	[tilespmem:v28+s25+$0x0] =	vst.idx.msk vm1, v20;
	v20 =	vor.u32 v6, v17  }
0x254: {  	v23 =	vor.u32 $0x80, v23;
	[tilespmem:v33+s25+$0x0] =	vst.idx.msk vm0, v19;
	v28 =	vor.u32 v0, v17;
	v19 =	vld.idx.msk [tilespmem:v31+s23+$0x0], vm4  }
0x255: {  	v30 =	vor.u32 v13, v17;
	[tilespmem:v35+s25+$0x0] =	vst.idx.msk vm0, v18;
	v31 =	vld.idx.msk [tilespmem:v26+s23+$0x0], vm7;
	v26 =	vor.u32 $0x80, v26  }
0x256: {  	[tilespmem:v29+s25+$0x0] =	vst.idx.msk vm4, v27;
	v27 =	vor.u32 $0x80, v22;
	v29 =	vor.u32 v14, v17  }
0x257: {  	v18 =	vor.u32 v8, v17;
	v22 =	vld.idx.msk [tilespmem:v22+s23+$0x0], vm3;
	[tilespmem:v24+s25+$0x0] =	vst.idx.msk vm2, v21  }
0x258: {  	v60 =	vld.idx.msk [tilespmem:v34+s23+$0x0], vm6;
	v21 =	vor.u32 v7, v17;
	[tilespmem:v20+s25+$0x0] =	vst.idx.msk vm6, v25  }
0x259: {  	v23 =	vld.idx.msk [tilespmem:v23+s23+$0x0], vm5;
	v20 =	vor.u32 v1, v17;
	[tilespmem:v28+s25+$0x0] =	vst.idx.msk vm5, v36  }
0x25a: {  	v24 =	vld.idx.msk [tilespmem:v26+s23+$0x0], vm7;
	[tilespmem:v30+s25+$0x0] =	vst.idx.msk vm4, v19  }
0x25b: {  	v17 =	vor.u32 v9, v17;
	v19 =	vld.idx.msk [tilespmem:v27+s23+$0x0], vm3;
	[tilespmem:v29+s25+$0x0] =	vst.idx.msk vm7, v31  }
0x25c: {  	[tilespmem:v18+s25+$0x0] =	vst.idx.msk vm3, v22  }
0x25d: {  	[tilespmem:v21+s25+$0x0] =	vst.idx.msk vm6, v60  }
0x25e: {  	[tilespmem:v20+s25+$0x0] =	vst.idx.msk vm5, v23  }
0x25f: {  	[tilespmem:v16+s25+$0x0] =	vst.idx.msk vm7, v24  }
0x260: {  	[tilespmem:v17+s25+$0x0] =	vst.idx.msk vm3, v19  }
0x261: {  	[tilespmem:s23], [sflag:$0x2] =	stream.strided.gather [hbm4b:s14+s20], $0x9D00, s21, s20, $0x38;
	[tilespmem:$0x1FC00] =	vst v63  }
0x262: {  	_ =	swait.ge [sflag:s24], $0x9D00  }
0x263: {  	[sflag:s24] =	ssyncset.done $0x0  }
0x264: {  	s2 =	simm.s32 $0x40;
	[sflag:s24] =	ssyncadd.s32 $0xFFFF6300  }
0x265: {  	v16 =	vld [tilespmem:s2+$0xFFFFFFE0]  }
0x266: {  	v17 =	vld [tilespmem:s2+$0xFFFFFFD0]  }
0x267: {  	v18 =	vld [tilespmem:s2+$0xFFFFFFC0]  }
0x268: {  	s0 =	simm.s32 $0x0;
	v19 =	vld [tilespmem:s2+$0x10]  }
0x269: {  	v20 =	vmov s0  }
0x26a: {  	v20 =	vshrl.u32 v20, $0x7;
	v30 =	vld [tilespmem:s2+$0xFFFFFFF0]  }
0x26b: {  	vm8 =	vmmov vm5;
	v20 =	vshll.u32 v20, $0x8  }
0x26c: {  	v21 =	vadd.s32 $0xFFFF6300, v16;
	v16 =	vand.u32 $0x7F, v16;
	v22 =	vadd.s32 $0xFFFF6300, v17  }
0x26d: {  	v17 =	vand.u32 $0x7F, v17;
	v24 =	vadd.s32 $0xFFFF6300, v18;
	v26 =	vand.u32 $0x7F, v19  }
0x26e: {  	v18 =	vand.u32 $0x7F, v18;
	vm1 =	vlt.u32 v22, $0x4E80;
	v22 =	vshll.u32 v22, $0x1  }
0x26f: {  	v19 =	vadd.s32 $0xFFFF6300, v19;
	v31 =	vadd.s32 $0xFFFF6300, v30;
	v22 =	vand.u32 $0xFFFFFF00, v22  }
0x270: {  	v23 =	vshll.u32 v21, $0x1;
	vm0 =	vlt.u32 v21, $0x4E80;
	v25 =	vor.u32 v17, v22  }
0x271: {  	v21 =	vld [tilespmem:s2+$0x20];
	v22 =	vand.u32 $0xFFFFFF00, v23;
	v17 =	vbroadcast v20, $0x0;
	v20 =	vor.u32 $0x80, v25  }
0x272: {  	v29 =	vshll.u32 v24, $0x1;
	v23 =	vld [tilespmem:s2+$0x30];
	v27 =	vor.u32 v16, v22;
	v22 =	vshll.u32 v19, $0x1  }
0x273: {  	vm2 =	vlt.u32 v19, $0x4E80;
	v28 =	vor.u32 $0x80, v27;
	v19 =	vand.u32 $0xFFFFFF00, v22  }
0x274: {  	vm5 =	vlt.u32 v24, $0x4E80;
	vm6 =	vlt.u32 v31, $0x4E80;
	v22 =	vld [tilespmem:s2+$0x0];
	v24 =	vor.u32 v26, v19  }
0x275: {  	v29 =	vand.u32 $0xFFFFFF00, v29;
	v62 =	vor.u32 v2, v17;
	v63 =	vor.u32 $0x80, v24;
	v61 =	vld.idx.msk [tilespmem:v25+s22+$0x0], vm1  }
0x276: {  	v16 =	vor.u32 v15, v17;
	v19 =	vadd.s32 $0xFFFF6300, v21;
	v21 =	vand.u32 $0x7F, v21;
	v20 =	vld.idx.msk [tilespmem:v20+s22+$0x0], vm1  }
0x277: {  	vm4 =	vlt.u32 v19, $0x4E80;
	v26 =	vshll.u32 v19, $0x1;
	v25 =	vadd.s32 $0xFFFF6300, v23;
	v19 =	vld.idx.msk [tilespmem:v27+s22+$0x0], vm0  }
0x278: {  	v27 =	vand.u32 $0xFFFFFF00, v26;
	v26 =	vand.u32 $0x7F, v23;
	v23 =	vor.u32 v18, v29;
	v18 =	vld.idx.msk [tilespmem:v28+s22+$0x0], vm0  }
0x279: {  	v29 =	vshll.u32 v25, $0x1;
	v28 =	vand.u32 $0x7F, v30;
	v30 =	vadd.s32 $0xFFFF6300, v22;
	v24 =	vld.idx.msk [tilespmem:v24+s22+$0x0], vm2  }
0x27a: {  	s3 =	simm.s32 $0xC0;
	s2 =	simm.s32 $0x0;
	v27 =	vor.u32 v21, v27;
	vm3 =	vlt.u32 v30, $0x4E80;
	v30 =	vshll.u32 v30, $0x1;
	v21 =	vld.idx.msk [tilespmem:v63+s22+$0x0], vm2;
	[tilespmem:v62+s25+$0x0] =	vst.idx.msk vm1, v61  }
.LBB2_18:
0x27b: {  	v32 =	vld [tilespmem:s3+$0xFFFFFFE0];
	s2 =	sadd.s32 $0x8, s2;
	v31 =	vshll.u32 v31, $0x1;
	v33 =	vor.u32 v10, v17;
	vm7 =	vlt.u32 v25, $0x4E80;
	s0 =	sadd.s32 $0x80, s0  }
0x27c: {  	v34 =	vor.u32 v0, v17;
	v29 =	vand.u32 $0xFFFFFF00, v29;
	v25 =	vld [tilespmem:s3+$0xFFFFFFD0];
	p0 =	slt.u32 s2, $0x3F8;
	v31 =	vand.u32 $0xFFFFFF00, v31  }
0x27d: {  	v22 =	vand.u32 $0x7F, v22;
	v30 =	vand.u32 $0xFFFFFF00, v30;
	v26 =	vor.u32 v26, v29;
	v35 =	vld.idx.msk [tilespmem:v23+s22+$0x0], vm5  }
0x27e: {  	v22 =	vor.u32 v22, v30;
	v30 =	vor.u32 $0x80, v27;
	v28 =	vor.u32 v28, v31;
	v29 =	vld [tilespmem:s3+$0x20]  }
0x27f: {  	v31 =	vor.u32 v3, v17;
	v37 =	vor.u32 $0x80, v22;
	v36 =	vor.u32 $0x80, v28;
	v27 =	vld.idx.msk [tilespmem:v27+s22+$0x0], vm4  }
0x280: {  	v39 =	vor.u32 v4, v17;
	v23 =	vor.u32 $0x80, v23;
	v38 =	vld [tilespmem:s3+$0x10];
	[tilespmem:v33+s25+$0x0] =	vst.idx.msk vm2, v24;
	v24 =	vor.u32 v11, v17  }
0x281: {  	v40 =	vor.u32 v5, v17;
	v41 =	vor.u32 v12, v17;
	v42 =	vor.u32 v13, v17;
	v33 =	vld [tilespmem:s3+$0x30]  }
0x282: {  	v43 =	vor.u32 v1, v17;
	v44 =	vor.u32 v9, v17;
	v45 =	vld.idx.msk [tilespmem:v26+s22+$0x0], vm7;
	v26 =	vor.u32 $0x80, v26  }
0x283: {  	v46 =	vor.u32 v7, v17;
	v47 =	vor.u32 v8, v17;
	vm8 =	vmmov vm5;
	v28 =	vld.idx.msk [tilespmem:v28+s22+$0x0], vm6  }
0x284: {  	v48 =	vld [tilespmem:s3+$0xFFFFFFC0];
	[tilespmem:v31+s25+$0x0] =	vst.idx.msk vm1, v20;
	v20 =	vor.u32 v6, v17;
	v31 =	vor.u32 v14, v17  }
0x285: {  	v49 =	vadd.s32 $0xFFFF6300, v32;
	v32 =	vand.u32 $0x7F, v32;
	v17 =	vmov s0;
	[tilespmem:v39+s25+$0x0] =	vst.idx.msk vm0, v19;
	v19 =	vld.idx.msk [tilespmem:v30+s22+$0x0], vm4  }
0x286: {  	v17 =	vshrl.u32 v17, $0x7;
	v30 =	vadd.s32 $0xFFFF6300, v25;
	v39 =	vshll.u32 v49, $0x1;
	v36 =	vld.idx.msk [tilespmem:v36+s22+$0x0], vm6;
	[tilespmem:v41+s25+$0x0] =	vst.idx.msk vm4, v27  }
0x287: {  	v17 =	vshll.u32 v17, $0x8;
	vm1 =	vlt.u32 v30, $0x4E80;
	v27 =	vshll.u32 v30, $0x1;
	[tilespmem:v40+s25+$0x0] =	vst.idx.msk vm0, v18;
	v18 =	vld.idx.msk [tilespmem:v22+s22+$0x0], vm3  }
0x288: {  	v22 =	vand.u32 $0x7F, v25;
	v25 =	vand.u32 $0xFFFFFF00, v27;
	vm0 =	vlt.u32 v49, $0x4E80;
	v23 =	vld.idx.msk [tilespmem:v23+s22+$0x0], vm5;
	[tilespmem:v24+s25+$0x0] =	vst.idx.msk vm2, v21  }
0x289: {  	v24 =	vor.u32 v22, v25;
	v22 =	vand.u32 $0xFFFFFF00, v39;
	v21 =	vadd.s32 $0xFFFF6300, v48;
	[tilespmem:v20+s25+$0x0] =	vst.idx.msk vm6, v28;
	v27 =	vld.idx.msk [tilespmem:v37+s22+$0x0], vm3  }
0x28a: {  	v17 =	vbroadcast v17, $0x0;
	v25 =	vand.u32 $0x7F, v38;
	v20 =	vor.u32 $0x80, v24;
	[tilespmem:v34+s25+$0x0] =	vst.idx.msk vm5, v35;
	v26 =	vld.idx.msk [tilespmem:v26+s22+$0x0], vm7  }
0x28b: {  	v28 =	vand.u32 $0x7F, v48;
	v30 =	vor.u32 v32, v22;
	v32 =	vadd.s32 $0xFFFF6300, v38;
	[tilespmem:v42+s25+$0x0] =	vst.idx.msk vm4, v19  }
0x28c: {  	v34 =	vor.u32 $0x80, v30;
	v35 =	vor.u32 v15, v17;
	v19 =	vshll.u32 v32, $0x1;
	v22 =	vld [tilespmem:s3+$0x0];
	[tilespmem:v31+s25+$0x0] =	vst.idx.msk vm7, v45  }
0x28d: {  	vm2 =	vlt.u32 v32, $0x4E80;
	v31 =	vshll.u32 v21, $0x1;
	v19 =	vand.u32 $0xFFFFFF00, v19;
	v37 =	vld [tilespmem:s3+$0xFFFFFFF0];
	[tilespmem:v47+s25+$0x0] =	vst.idx.msk vm3, v18  }
0x28e: {  	vm5 =	vlt.u32 v21, $0x4E80;
	v18 =	vadd.s32 $0xFFFF6300, v29;
	v21 =	vld.idx.msk [tilespmem:v24+s22+$0x0], vm1;
	v24 =	vor.u32 v25, v19;
	[tilespmem:v46+s25+$0x0] =	vst.idx.msk vm6, v36  }
0x28f: {  	v32 =	vor.u32 v2, v17;
	v25 =	vadd.s32 $0xFFFF6300, v33;
	v36 =	vor.u32 $0x80, v24;
	[tilespmem:v43+s25+$0x0] =	vst.idx.msk vm8, v23  }
.Ltmp8:
0x290: {  	vm4 =	vlt.u32 v18, $0x4E80;
	v18 =	vshll.u32 v18, $0x1;
	v23 =	vand.u32 $0xFFFFFF00, v31;
	v20 =	vld.idx.msk [tilespmem:v20+s22+$0x0], vm1;
	[tilespmem:v16+s25+$0x0] =	vst.idx.msk vm7, v26;
	v16 =	vmovc v35;
	(pc) =	sbr.rel @p0 .LBB2_18-.Ltmp8, $4  }
0x291: {  	v35 =	vand.u32 $0xFFFFFF00, v18;
	v26 =	vand.u32 $0x7F, v33;
	v19 =	vld.idx.msk [tilespmem:v30+s22+$0x0], vm0;
	v30 =	vand.u32 $0x7F, v29;
	[tilespmem:v44+s25+$0x0] =	vst.idx.msk vm3, v27  }
0x292: {  	v23 =	vor.u32 v28, v23;
	v29 =	vshll.u32 v25, $0x1;
	v18 =	vld.idx.msk [tilespmem:v34+s22+$0x0], vm0;
	v28 =	vand.u32 $0x7F, v37  }
0x293: {  	v33 =	vadd.s32 $0xFFFF6300, v22;
	v31 =	vadd.s32 $0xFFFF6300, v37;
	v27 =	vor.u32 v30, v35;
	v24 =	vld.idx.msk [tilespmem:v24+s22+$0x0], vm2  }
0x294: {  	s3 =	sadd.s32 $0x80, s3;
	vm3 =	vlt.u32 v33, $0x4E80;
	v30 =	vshll.u32 v33, $0x1;
	vm6 =	vlt.u32 v31, $0x4E80;
	[tilespmem:v32+s25+$0x0] =	vst.idx.msk vm1, v21;
	v21 =	vld.idx.msk [tilespmem:v36+s22+$0x0], vm2  }
0x295: {  	v31 =	vshll.u32 v31, $0x1  }
0x296: {  	v32 =	vor.u32 v10, v17;
	v31 =	vand.u32 $0xFFFFFF00, v31  }
0x297: {  	vm7 =	vlt.u32 v25, $0x4E80;
	v25 =	vor.u32 v28, v31;
	v28 =	vor.u32 v3, v17  }
0x298: {  	v29 =	vand.u32 $0xFFFFFF00, v29;
	v33 =	vor.u32 v4, v17;
	v31 =	vor.u32 $0x80, v27  }
0x299: {  	v35 =	vor.u32 v5, v17;
	v26 =	vor.u32 v26, v29  }
0x29a: {  	v22 =	vand.u32 $0x7F, v22;
	v30 =	vand.u32 $0xFFFFFF00, v30;
	v29 =	vor.u32 v12, v17;
	v27 =	vld.idx.msk [tilespmem:v27+s22+$0x0], vm4  }
0x29b: {  	v36 =	vld.idx.msk [tilespmem:v23+s22+$0x0], vm5;
	v22 =	vor.u32 v22, v30;
	[tilespmem:v32+s25+$0x0] =	vst.idx.msk vm2, v24;
	v24 =	vor.u32 v11, v17  }
0x29c: {  	v34 =	vor.u32 $0x80, v25;
	v25 =	vld.idx.msk [tilespmem:v25+s22+$0x0], vm6;
	[tilespmem:v28+s25+$0x0] =	vst.idx.msk vm1, v20;
	v20 =	vor.u32 v6, v17  }
0x29d: {  	v23 =	vor.u32 $0x80, v23;
	[tilespmem:v33+s25+$0x0] =	vst.idx.msk vm0, v19;
	v28 =	vor.u32 v0, v17;
	v19 =	vld.idx.msk [tilespmem:v31+s22+$0x0], vm4  }
0x29e: {  	v30 =	vor.u32 v13, v17;
	[tilespmem:v35+s25+$0x0] =	vst.idx.msk vm0, v18;
	v31 =	vld.idx.msk [tilespmem:v26+s22+$0x0], vm7;
	v26 =	vor.u32 $0x80, v26  }
0x29f: {  	[tilespmem:v29+s25+$0x0] =	vst.idx.msk vm4, v27;
	v27 =	vor.u32 $0x80, v22;
	v29 =	vor.u32 v14, v17  }
0x2a0: {  	v18 =	vor.u32 v8, v17;
	v22 =	vld.idx.msk [tilespmem:v22+s22+$0x0], vm3;
	[tilespmem:v24+s25+$0x0] =	vst.idx.msk vm2, v21  }
0x2a1: {  	v60 =	vld.idx.msk [tilespmem:v34+s22+$0x0], vm6;
	v21 =	vor.u32 v7, v17;
	[tilespmem:v20+s25+$0x0] =	vst.idx.msk vm6, v25  }
0x2a2: {  	v23 =	vld.idx.msk [tilespmem:v23+s22+$0x0], vm5;
	v20 =	vor.u32 v1, v17;
	[tilespmem:v28+s25+$0x0] =	vst.idx.msk vm5, v36  }
0x2a3: {  	v24 =	vld.idx.msk [tilespmem:v26+s22+$0x0], vm7;
	[tilespmem:v30+s25+$0x0] =	vst.idx.msk vm4, v19  }
0x2a4: {  	v17 =	vor.u32 v9, v17;
	v19 =	vld.idx.msk [tilespmem:v27+s22+$0x0], vm3;
	[tilespmem:v29+s25+$0x0] =	vst.idx.msk vm7, v31  }
0x2a5: {  	[tilespmem:v18+s25+$0x0] =	vst.idx.msk vm3, v22  }
0x2a6: {  	[tilespmem:v21+s25+$0x0] =	vst.idx.msk vm6, v60  }
0x2a7: {  	[tilespmem:v20+s25+$0x0] =	vst.idx.msk vm5, v23  }
0x2a8: {  	[tilespmem:v16+s25+$0x0] =	vst.idx.msk vm7, v24  }
0x2a9: {  	[tilespmem:v17+s25+$0x0] =	vst.idx.msk vm3, v19  }
0x2aa: {  	[tilespmem:s22], [sflag:$0x1] =	stream.strided.gather [hbm4b:s15+s20], $0x9900, s21, s20, $0x38;
	[tilespmem:$0x1FC00] =	vst v63  }
0x2ab: {  	_ =	swait.ge [sflag:s26], $0x9D00  }
0x2ac: {  	[sflag:s26] =	ssyncset.done $0x0  }
0x2ad: {  	s2 =	simm.s32 $0x40;
	[sflag:s26] =	ssyncadd.s32 $0xFFFF6300  }
0x2ae: {  	v16 =	vld [tilespmem:s2+$0xFFFFFFE0]  }
0x2af: {  	v17 =	vld [tilespmem:s2+$0xFFFFFFD0]  }
0x2b0: {  	v18 =	vld [tilespmem:s2+$0xFFFFFFC0]  }
0x2b1: {  	s0 =	simm.s32 $0x0;
	v19 =	vld [tilespmem:s2+$0x10]  }
0x2b2: {  	v20 =	vmov s0  }
0x2b3: {  	v20 =	vshrl.u32 v20, $0x7;
	v30 =	vld [tilespmem:s2+$0xFFFFFFF0]  }
0x2b4: {  	vm8 =	vmmov vm5;
	v20 =	vshll.u32 v20, $0x8  }
0x2b5: {  	v21 =	vadd.s32 $0xFFFF1480, v16;
	v16 =	vand.u32 $0x7F, v16;
	v22 =	vadd.s32 $0xFFFF1480, v17  }
0x2b6: {  	v17 =	vand.u32 $0x7F, v17;
	v24 =	vadd.s32 $0xFFFF1480, v18;
	v26 =	vand.u32 $0x7F, v19  }
0x2b7: {  	v18 =	vand.u32 $0x7F, v18;
	vm1 =	vlt.u32 v22, $0x4E80;
	v22 =	vshll.u32 v22, $0x1  }
0x2b8: {  	v19 =	vadd.s32 $0xFFFF1480, v19;
	v31 =	vadd.s32 $0xFFFF1480, v30;
	v22 =	vand.u32 $0xFFFFFF00, v22  }
0x2b9: {  	v23 =	vshll.u32 v21, $0x1;
	vm0 =	vlt.u32 v21, $0x4E80;
	v25 =	vor.u32 v17, v22  }
0x2ba: {  	v21 =	vld [tilespmem:s2+$0x20];
	v22 =	vand.u32 $0xFFFFFF00, v23;
	v17 =	vbroadcast v20, $0x0;
	v20 =	vor.u32 $0x80, v25  }
0x2bb: {  	v29 =	vshll.u32 v24, $0x1;
	v23 =	vld [tilespmem:s2+$0x30];
	v27 =	vor.u32 v16, v22;
	v22 =	vshll.u32 v19, $0x1  }
0x2bc: {  	vm2 =	vlt.u32 v19, $0x4E80;
	v28 =	vor.u32 $0x80, v27;
	v19 =	vand.u32 $0xFFFFFF00, v22  }
0x2bd: {  	vm5 =	vlt.u32 v24, $0x4E80;
	vm6 =	vlt.u32 v31, $0x4E80;
	v22 =	vld [tilespmem:s2+$0x0];
	v24 =	vor.u32 v26, v19  }
0x2be: {  	v29 =	vand.u32 $0xFFFFFF00, v29;
	v62 =	vor.u32 v2, v17;
	v63 =	vor.u32 $0x80, v24;
	v61 =	vld.idx.msk [tilespmem:v25+s23+$0x0], vm1  }
0x2bf: {  	v16 =	vor.u32 v15, v17;
	v19 =	vadd.s32 $0xFFFF1480, v21;
	v21 =	vand.u32 $0x7F, v21;
	v20 =	vld.idx.msk [tilespmem:v20+s23+$0x0], vm1  }
0x2c0: {  	vm4 =	vlt.u32 v19, $0x4E80;
	v26 =	vshll.u32 v19, $0x1;
	v25 =	vadd.s32 $0xFFFF1480, v23;
	v19 =	vld.idx.msk [tilespmem:v27+s23+$0x0], vm0  }
0x2c1: {  	v27 =	vand.u32 $0xFFFFFF00, v26;
	v26 =	vand.u32 $0x7F, v23;
	v23 =	vor.u32 v18, v29;
	v18 =	vld.idx.msk [tilespmem:v28+s23+$0x0], vm0  }
0x2c2: {  	v29 =	vshll.u32 v25, $0x1;
	v28 =	vand.u32 $0x7F, v30;
	v30 =	vadd.s32 $0xFFFF1480, v22;
	v24 =	vld.idx.msk [tilespmem:v24+s23+$0x0], vm2  }
0x2c3: {  	s3 =	simm.s32 $0xC0;
	s2 =	simm.s32 $0x0;
	v27 =	vor.u32 v21, v27;
	vm3 =	vlt.u32 v30, $0x4E80;
	v30 =	vshll.u32 v30, $0x1;
	v21 =	vld.idx.msk [tilespmem:v63+s23+$0x0], vm2;
	[tilespmem:v62+s25+$0x0] =	vst.idx.msk vm1, v61  }
.LBB2_20:
0x2c4: {  	v32 =	vld [tilespmem:s3+$0xFFFFFFE0];
	s2 =	sadd.s32 $0x8, s2;
	v31 =	vshll.u32 v31, $0x1;
	v33 =	vor.u32 v10, v17;
	vm7 =	vlt.u32 v25, $0x4E80;
	s0 =	sadd.s32 $0x80, s0  }
0x2c5: {  	v34 =	vor.u32 v0, v17;
	v29 =	vand.u32 $0xFFFFFF00, v29;
	v25 =	vld [tilespmem:s3+$0xFFFFFFD0];
	p0 =	slt.u32 s2, $0x3F8;
	v31 =	vand.u32 $0xFFFFFF00, v31  }
0x2c6: {  	v22 =	vand.u32 $0x7F, v22;
	v30 =	vand.u32 $0xFFFFFF00, v30;
	v26 =	vor.u32 v26, v29;
	v35 =	vld.idx.msk [tilespmem:v23+s23+$0x0], vm5  }
0x2c7: {  	v22 =	vor.u32 v22, v30;
	v30 =	vor.u32 $0x80, v27;
	v28 =	vor.u32 v28, v31;
	v29 =	vld [tilespmem:s3+$0x20]  }
0x2c8: {  	v31 =	vor.u32 v3, v17;
	v37 =	vor.u32 $0x80, v22;
	v36 =	vor.u32 $0x80, v28;
	v27 =	vld.idx.msk [tilespmem:v27+s23+$0x0], vm4  }
0x2c9: {  	v39 =	vor.u32 v4, v17;
	v23 =	vor.u32 $0x80, v23;
	v38 =	vld [tilespmem:s3+$0x10];
	[tilespmem:v33+s25+$0x0] =	vst.idx.msk vm2, v24;
	v24 =	vor.u32 v11, v17  }
0x2ca: {  	v40 =	vor.u32 v5, v17;
	v41 =	vor.u32 v12, v17;
	v42 =	vor.u32 v13, v17;
	v33 =	vld [tilespmem:s3+$0x30]  }
0x2cb: {  	v43 =	vor.u32 v1, v17;
	v44 =	vor.u32 v9, v17;
	v45 =	vld.idx.msk [tilespmem:v26+s23+$0x0], vm7;
	v26 =	vor.u32 $0x80, v26  }
0x2cc: {  	v46 =	vor.u32 v7, v17;
	v47 =	vor.u32 v8, v17;
	vm8 =	vmmov vm5;
	v28 =	vld.idx.msk [tilespmem:v28+s23+$0x0], vm6  }
0x2cd: {  	v48 =	vld [tilespmem:s3+$0xFFFFFFC0];
	[tilespmem:v31+s25+$0x0] =	vst.idx.msk vm1, v20;
	v20 =	vor.u32 v6, v17;
	v31 =	vor.u32 v14, v17  }
0x2ce: {  	v49 =	vadd.s32 $0xFFFF1480, v32;
	v32 =	vand.u32 $0x7F, v32;
	v17 =	vmov s0;
	[tilespmem:v39+s25+$0x0] =	vst.idx.msk vm0, v19;
	v19 =	vld.idx.msk [tilespmem:v30+s23+$0x0], vm4  }
0x2cf: {  	v17 =	vshrl.u32 v17, $0x7;
	v30 =	vadd.s32 $0xFFFF1480, v25;
	v39 =	vshll.u32 v49, $0x1;
	v36 =	vld.idx.msk [tilespmem:v36+s23+$0x0], vm6;
	[tilespmem:v41+s25+$0x0] =	vst.idx.msk vm4, v27  }
0x2d0: {  	v17 =	vshll.u32 v17, $0x8;
	vm1 =	vlt.u32 v30, $0x4E80;
	v27 =	vshll.u32 v30, $0x1;
	[tilespmem:v40+s25+$0x0] =	vst.idx.msk vm0, v18;
	v18 =	vld.idx.msk [tilespmem:v22+s23+$0x0], vm3  }
0x2d1: {  	v22 =	vand.u32 $0x7F, v25;
	v25 =	vand.u32 $0xFFFFFF00, v27;
	vm0 =	vlt.u32 v49, $0x4E80;
	v23 =	vld.idx.msk [tilespmem:v23+s23+$0x0], vm5;
	[tilespmem:v24+s25+$0x0] =	vst.idx.msk vm2, v21  }
0x2d2: {  	v24 =	vor.u32 v22, v25;
	v22 =	vand.u32 $0xFFFFFF00, v39;
	v21 =	vadd.s32 $0xFFFF1480, v48;
	[tilespmem:v20+s25+$0x0] =	vst.idx.msk vm6, v28;
	v27 =	vld.idx.msk [tilespmem:v37+s23+$0x0], vm3  }
0x2d3: {  	v17 =	vbroadcast v17, $0x0;
	v25 =	vand.u32 $0x7F, v38;
	v20 =	vor.u32 $0x80, v24;
	[tilespmem:v34+s25+$0x0] =	vst.idx.msk vm5, v35;
	v26 =	vld.idx.msk [tilespmem:v26+s23+$0x0], vm7  }
0x2d4: {  	v28 =	vand.u32 $0x7F, v48;
	v30 =	vor.u32 v32, v22;
	v32 =	vadd.s32 $0xFFFF1480, v38;
	[tilespmem:v42+s25+$0x0] =	vst.idx.msk vm4, v19  }
0x2d5: {  	v34 =	vor.u32 $0x80, v30;
	v35 =	vor.u32 v15, v17;
	v19 =	vshll.u32 v32, $0x1;
	v22 =	vld [tilespmem:s3+$0x0];
	[tilespmem:v31+s25+$0x0] =	vst.idx.msk vm7, v45  }
0x2d6: {  	vm2 =	vlt.u32 v32, $0x4E80;
	v31 =	vshll.u32 v21, $0x1;
	v19 =	vand.u32 $0xFFFFFF00, v19;
	v37 =	vld [tilespmem:s3+$0xFFFFFFF0];
	[tilespmem:v47+s25+$0x0] =	vst.idx.msk vm3, v18  }
0x2d7: {  	vm5 =	vlt.u32 v21, $0x4E80;
	v18 =	vadd.s32 $0xFFFF1480, v29;
	v21 =	vld.idx.msk [tilespmem:v24+s23+$0x0], vm1;
	v24 =	vor.u32 v25, v19;
	[tilespmem:v46+s25+$0x0] =	vst.idx.msk vm6, v36  }
0x2d8: {  	v32 =	vor.u32 v2, v17;
	v25 =	vadd.s32 $0xFFFF1480, v33;
	v36 =	vor.u32 $0x80, v24;
	[tilespmem:v43+s25+$0x0] =	vst.idx.msk vm8, v23  }
.Ltmp9:
0x2d9: {  	vm4 =	vlt.u32 v18, $0x4E80;
	v18 =	vshll.u32 v18, $0x1;
	v23 =	vand.u32 $0xFFFFFF00, v31;
	v20 =	vld.idx.msk [tilespmem:v20+s23+$0x0], vm1;
	[tilespmem:v16+s25+$0x0] =	vst.idx.msk vm7, v26;
	v16 =	vmovc v35;
	(pc) =	sbr.rel @p0 .LBB2_20-.Ltmp9, $4  }
0x2da: {  	v35 =	vand.u32 $0xFFFFFF00, v18;
	v26 =	vand.u32 $0x7F, v33;
	v19 =	vld.idx.msk [tilespmem:v30+s23+$0x0], vm0;
	v30 =	vand.u32 $0x7F, v29;
	[tilespmem:v44+s25+$0x0] =	vst.idx.msk vm3, v27  }
0x2db: {  	v23 =	vor.u32 v28, v23;
	v29 =	vshll.u32 v25, $0x1;
	v18 =	vld.idx.msk [tilespmem:v34+s23+$0x0], vm0;
	v28 =	vand.u32 $0x7F, v37  }
0x2dc: {  	v33 =	vadd.s32 $0xFFFF1480, v22;
	v31 =	vadd.s32 $0xFFFF1480, v37;
	v27 =	vor.u32 v30, v35;
	v24 =	vld.idx.msk [tilespmem:v24+s23+$0x0], vm2  }
0x2dd: {  	s3 =	sadd.s32 $0x80, s3;
	vm3 =	vlt.u32 v33, $0x4E80;
	v30 =	vshll.u32 v33, $0x1;
	vm6 =	vlt.u32 v31, $0x4E80;
	[tilespmem:v32+s25+$0x0] =	vst.idx.msk vm1, v21;
	v21 =	vld.idx.msk [tilespmem:v36+s23+$0x0], vm2  }
0x2de: {  	v31 =	vshll.u32 v31, $0x1  }
0x2df: {  	v32 =	vor.u32 v10, v17;
	v31 =	vand.u32 $0xFFFFFF00, v31  }
0x2e0: {  	vm7 =	vlt.u32 v25, $0x4E80;
	v25 =	vor.u32 v28, v31;
	v28 =	vor.u32 v3, v17  }
0x2e1: {  	v29 =	vand.u32 $0xFFFFFF00, v29;
	v33 =	vor.u32 v4, v17;
	v31 =	vor.u32 $0x80, v27  }
0x2e2: {  	v35 =	vor.u32 v5, v17;
	v26 =	vor.u32 v26, v29  }
0x2e3: {  	v22 =	vand.u32 $0x7F, v22;
	v30 =	vand.u32 $0xFFFFFF00, v30;
	v29 =	vor.u32 v12, v17;
	v27 =	vld.idx.msk [tilespmem:v27+s23+$0x0], vm4  }
0x2e4: {  	v36 =	vld.idx.msk [tilespmem:v23+s23+$0x0], vm5;
	v22 =	vor.u32 v22, v30;
	[tilespmem:v32+s25+$0x0] =	vst.idx.msk vm2, v24;
	v24 =	vor.u32 v11, v17  }
0x2e5: {  	v34 =	vor.u32 $0x80, v25;
	v25 =	vld.idx.msk [tilespmem:v25+s23+$0x0], vm6;
	[tilespmem:v28+s25+$0x0] =	vst.idx.msk vm1, v20;
	v20 =	vor.u32 v6, v17  }
0x2e6: {  	v23 =	vor.u32 $0x80, v23;
	[tilespmem:v33+s25+$0x0] =	vst.idx.msk vm0, v19;
	v28 =	vor.u32 v0, v17;
	v19 =	vld.idx.msk [tilespmem:v31+s23+$0x0], vm4  }
0x2e7: {  	v30 =	vor.u32 v13, v17;
	[tilespmem:v35+s25+$0x0] =	vst.idx.msk vm0, v18;
	v31 =	vld.idx.msk [tilespmem:v26+s23+$0x0], vm7;
	v26 =	vor.u32 $0x80, v26  }
0x2e8: {  	[tilespmem:v29+s25+$0x0] =	vst.idx.msk vm4, v27;
	v27 =	vor.u32 $0x80, v22;
	v29 =	vor.u32 v14, v17  }
0x2e9: {  	v18 =	vor.u32 v8, v17;
	v22 =	vld.idx.msk [tilespmem:v22+s23+$0x0], vm3;
	[tilespmem:v24+s25+$0x0] =	vst.idx.msk vm2, v21  }
0x2ea: {  	v60 =	vld.idx.msk [tilespmem:v34+s23+$0x0], vm6;
	v21 =	vor.u32 v7, v17;
	[tilespmem:v20+s25+$0x0] =	vst.idx.msk vm6, v25  }
0x2eb: {  	v23 =	vld.idx.msk [tilespmem:v23+s23+$0x0], vm5;
	v20 =	vor.u32 v1, v17;
	[tilespmem:v28+s25+$0x0] =	vst.idx.msk vm5, v36  }
0x2ec: {  	v24 =	vld.idx.msk [tilespmem:v26+s23+$0x0], vm7;
	[tilespmem:v30+s25+$0x0] =	vst.idx.msk vm4, v19  }
0x2ed: {  	v17 =	vor.u32 v9, v17;
	v19 =	vld.idx.msk [tilespmem:v27+s23+$0x0], vm3;
	[tilespmem:v29+s25+$0x0] =	vst.idx.msk vm7, v31  }
0x2ee: {  	[tilespmem:v18+s25+$0x0] =	vst.idx.msk vm3, v22  }
0x2ef: {  	[tilespmem:v21+s25+$0x0] =	vst.idx.msk vm6, v60  }
0x2f0: {  	[tilespmem:v20+s25+$0x0] =	vst.idx.msk vm5, v23  }
0x2f1: {  	[tilespmem:v16+s25+$0x0] =	vst.idx.msk vm7, v24  }
0x2f2: {  	[tilespmem:v17+s25+$0x0] =	vst.idx.msk vm3, v19  }
0x2f3: {  	_ =	swait.ge [sflag:s24], $0x9900  }
0x2f4: {  	[sflag:s24] =	ssyncset.done $0x0  }
0x2f5: {  	s2 =	simm.s32 $0x40;
	[sflag:s24] =	ssyncadd.s32 $0xFFFF6700  }
0x2f6: {  	v16 =	vld [tilespmem:s2+$0xFFFFFFE0]  }
0x2f7: {  	v17 =	vld [tilespmem:s2+$0xFFFFFFD0]  }
0x2f8: {  	v18 =	vld [tilespmem:s2+$0xFFFFFFC0]  }
0x2f9: {  	s0 =	simm.s32 $0x0;
	v19 =	vld [tilespmem:s2+$0x10]  }
0x2fa: {  	v20 =	vmov s0  }
0x2fb: {  	v20 =	vshrl.u32 v20, $0x7;
	v30 =	vld [tilespmem:s2+$0xFFFFFFF0]  }
0x2fc: {  	vm8 =	vmmov vm5;
	v20 =	vshll.u32 v20, $0x8  }
0x2fd: {  	v21 =	vadd.s32 $0xFFFEC600, v16;
	v16 =	vand.u32 $0x7F, v16;
	v22 =	vadd.s32 $0xFFFEC600, v17  }
0x2fe: {  	v17 =	vand.u32 $0x7F, v17;
	v24 =	vadd.s32 $0xFFFEC600, v18;
	v26 =	vand.u32 $0x7F, v19  }
0x2ff: {  	v18 =	vand.u32 $0x7F, v18;
	vm1 =	vlt.u32 v22, $0x4C80;
	v22 =	vshll.u32 v22, $0x1  }
0x300: {  	v19 =	vadd.s32 $0xFFFEC600, v19;
	v31 =	vadd.s32 $0xFFFEC600, v30;
	v22 =	vand.u32 $0xFFFFFF00, v22  }
0x301: {  	v23 =	vshll.u32 v21, $0x1;
	vm0 =	vlt.u32 v21, $0x4C80;
	v25 =	vor.u32 v17, v22  }
0x302: {  	v21 =	vld [tilespmem:s2+$0x20];
	v22 =	vand.u32 $0xFFFFFF00, v23;
	v17 =	vbroadcast v20, $0x0;
	v20 =	vor.u32 $0x80, v25  }
0x303: {  	v29 =	vshll.u32 v24, $0x1;
	v23 =	vld [tilespmem:s2+$0x30];
	v27 =	vor.u32 v16, v22;
	v22 =	vshll.u32 v19, $0x1  }
0x304: {  	vm2 =	vlt.u32 v19, $0x4C80;
	v28 =	vor.u32 $0x80, v27;
	v19 =	vand.u32 $0xFFFFFF00, v22  }
0x305: {  	vm5 =	vlt.u32 v24, $0x4C80;
	vm6 =	vlt.u32 v31, $0x4C80;
	v22 =	vld [tilespmem:s2+$0x0];
	v24 =	vor.u32 v26, v19  }
0x306: {  	v29 =	vand.u32 $0xFFFFFF00, v29;
	v62 =	vor.u32 v2, v17;
	v63 =	vor.u32 $0x80, v24;
	v61 =	vld.idx.msk [tilespmem:v25+s22+$0x0], vm1  }
0x307: {  	v16 =	vor.u32 v15, v17;
	v19 =	vadd.s32 $0xFFFEC600, v21;
	v21 =	vand.u32 $0x7F, v21;
	v20 =	vld.idx.msk [tilespmem:v20+s22+$0x0], vm1  }
0x308: {  	vm4 =	vlt.u32 v19, $0x4C80;
	v26 =	vshll.u32 v19, $0x1;
	v25 =	vadd.s32 $0xFFFEC600, v23;
	v19 =	vld.idx.msk [tilespmem:v27+s22+$0x0], vm0  }
0x309: {  	v27 =	vand.u32 $0xFFFFFF00, v26;
	v26 =	vand.u32 $0x7F, v23;
	v23 =	vor.u32 v18, v29;
	v18 =	vld.idx.msk [tilespmem:v28+s22+$0x0], vm0  }
0x30a: {  	v29 =	vshll.u32 v25, $0x1;
	v28 =	vand.u32 $0x7F, v30;
	v30 =	vadd.s32 $0xFFFEC600, v22;
	v24 =	vld.idx.msk [tilespmem:v24+s22+$0x0], vm2  }
0x30b: {  	s3 =	simm.s32 $0xC0;
	s2 =	simm.s32 $0x0;
	v27 =	vor.u32 v21, v27;
	vm3 =	vlt.u32 v30, $0x4C80;
	v30 =	vshll.u32 v30, $0x1;
	v21 =	vld.idx.msk [tilespmem:v63+s22+$0x0], vm2;
	[tilespmem:v62+s25+$0x0] =	vst.idx.msk vm1, v61  }
.LBB2_22:
0x30c: {  	v32 =	vld [tilespmem:s3+$0xFFFFFFE0];
	s2 =	sadd.s32 $0x8, s2;
	v31 =	vshll.u32 v31, $0x1;
	v33 =	vor.u32 v10, v17;
	vm7 =	vlt.u32 v25, $0x4C80;
	s0 =	sadd.s32 $0x80, s0  }
0x30d: {  	v34 =	vor.u32 v0, v17;
	v29 =	vand.u32 $0xFFFFFF00, v29;
	v25 =	vld [tilespmem:s3+$0xFFFFFFD0];
	p0 =	slt.u32 s2, $0x3F8;
	v31 =	vand.u32 $0xFFFFFF00, v31  }
0x30e: {  	v22 =	vand.u32 $0x7F, v22;
	v30 =	vand.u32 $0xFFFFFF00, v30;
	v26 =	vor.u32 v26, v29;
	v35 =	vld.idx.msk [tilespmem:v23+s22+$0x0], vm5  }
0x30f: {  	v22 =	vor.u32 v22, v30;
	v30 =	vor.u32 $0x80, v27;
	v28 =	vor.u32 v28, v31;
	v29 =	vld [tilespmem:s3+$0x20]  }
0x310: {  	v31 =	vor.u32 v3, v17;
	v37 =	vor.u32 $0x80, v22;
	v36 =	vor.u32 $0x80, v28;
	v27 =	vld.idx.msk [tilespmem:v27+s22+$0x0], vm4  }
0x311: {  	v39 =	vor.u32 v4, v17;
	v23 =	vor.u32 $0x80, v23;
	v38 =	vld [tilespmem:s3+$0x10];
	[tilespmem:v33+s25+$0x0] =	vst.idx.msk vm2, v24;
	v24 =	vor.u32 v11, v17  }
0x312: {  	v40 =	vor.u32 v5, v17;
	v41 =	vor.u32 v12, v17;
	v42 =	vor.u32 v13, v17;
	v33 =	vld [tilespmem:s3+$0x30]  }
0x313: {  	v43 =	vor.u32 v1, v17;
	v44 =	vor.u32 v9, v17;
	v45 =	vld.idx.msk [tilespmem:v26+s22+$0x0], vm7;
	v26 =	vor.u32 $0x80, v26  }
0x314: {  	v46 =	vor.u32 v7, v17;
	v47 =	vor.u32 v8, v17;
	vm8 =	vmmov vm5;
	v28 =	vld.idx.msk [tilespmem:v28+s22+$0x0], vm6  }
0x315: {  	v48 =	vld [tilespmem:s3+$0xFFFFFFC0];
	[tilespmem:v31+s25+$0x0] =	vst.idx.msk vm1, v20;
	v20 =	vor.u32 v6, v17;
	v31 =	vor.u32 v14, v17  }
0x316: {  	v49 =	vadd.s32 $0xFFFEC600, v32;
	v32 =	vand.u32 $0x7F, v32;
	v17 =	vmov s0;
	[tilespmem:v39+s25+$0x0] =	vst.idx.msk vm0, v19;
	v19 =	vld.idx.msk [tilespmem:v30+s22+$0x0], vm4  }
0x317: {  	v17 =	vshrl.u32 v17, $0x7;
	v30 =	vadd.s32 $0xFFFEC600, v25;
	v39 =	vshll.u32 v49, $0x1;
	v36 =	vld.idx.msk [tilespmem:v36+s22+$0x0], vm6;
	[tilespmem:v41+s25+$0x0] =	vst.idx.msk vm4, v27  }
0x318: {  	v17 =	vshll.u32 v17, $0x8;
	vm1 =	vlt.u32 v30, $0x4C80;
	v27 =	vshll.u32 v30, $0x1;
	[tilespmem:v40+s25+$0x0] =	vst.idx.msk vm0, v18;
	v18 =	vld.idx.msk [tilespmem:v22+s22+$0x0], vm3  }
0x319: {  	v22 =	vand.u32 $0x7F, v25;
	v25 =	vand.u32 $0xFFFFFF00, v27;
	vm0 =	vlt.u32 v49, $0x4C80;
	v23 =	vld.idx.msk [tilespmem:v23+s22+$0x0], vm5;
	[tilespmem:v24+s25+$0x0] =	vst.idx.msk vm2, v21  }
0x31a: {  	v24 =	vor.u32 v22, v25;
	v22 =	vand.u32 $0xFFFFFF00, v39;
	v21 =	vadd.s32 $0xFFFEC600, v48;
	[tilespmem:v20+s25+$0x0] =	vst.idx.msk vm6, v28;
	v27 =	vld.idx.msk [tilespmem:v37+s22+$0x0], vm3  }
0x31b: {  	v17 =	vbroadcast v17, $0x0;
	v25 =	vand.u32 $0x7F, v38;
	v20 =	vor.u32 $0x80, v24;
	[tilespmem:v34+s25+$0x0] =	vst.idx.msk vm5, v35;
	v26 =	vld.idx.msk [tilespmem:v26+s22+$0x0], vm7  }
0x31c: {  	v28 =	vand.u32 $0x7F, v48;
	v30 =	vor.u32 v32, v22;
	v32 =	vadd.s32 $0xFFFEC600, v38;
	[tilespmem:v42+s25+$0x0] =	vst.idx.msk vm4, v19  }
0x31d: {  	v34 =	vor.u32 $0x80, v30;
	v35 =	vor.u32 v15, v17;
	v19 =	vshll.u32 v32, $0x1;
	v22 =	vld [tilespmem:s3+$0x0];
	[tilespmem:v31+s25+$0x0] =	vst.idx.msk vm7, v45  }
0x31e: {  	vm2 =	vlt.u32 v32, $0x4C80;
	v31 =	vshll.u32 v21, $0x1;
	v19 =	vand.u32 $0xFFFFFF00, v19;
	v37 =	vld [tilespmem:s3+$0xFFFFFFF0];
	[tilespmem:v47+s25+$0x0] =	vst.idx.msk vm3, v18  }
0x31f: {  	vm5 =	vlt.u32 v21, $0x4C80;
	v18 =	vadd.s32 $0xFFFEC600, v29;
	v21 =	vld.idx.msk [tilespmem:v24+s22+$0x0], vm1;
	v24 =	vor.u32 v25, v19;
	[tilespmem:v46+s25+$0x0] =	vst.idx.msk vm6, v36  }
0x320: {  	v32 =	vor.u32 v2, v17;
	v25 =	vadd.s32 $0xFFFEC600, v33;
	v36 =	vor.u32 $0x80, v24;
	[tilespmem:v43+s25+$0x0] =	vst.idx.msk vm8, v23  }
.Ltmp10:
0x321: {  	vm4 =	vlt.u32 v18, $0x4C80;
	v18 =	vshll.u32 v18, $0x1;
	v23 =	vand.u32 $0xFFFFFF00, v31;
	v20 =	vld.idx.msk [tilespmem:v20+s22+$0x0], vm1;
	[tilespmem:v16+s25+$0x0] =	vst.idx.msk vm7, v26;
	v16 =	vmovc v35;
	(pc) =	sbr.rel @p0 .LBB2_22-.Ltmp10, $4  }
0x322: {  	v35 =	vand.u32 $0xFFFFFF00, v18;
	v26 =	vand.u32 $0x7F, v33;
	v19 =	vld.idx.msk [tilespmem:v30+s22+$0x0], vm0;
	v30 =	vand.u32 $0x7F, v29;
	[tilespmem:v44+s25+$0x0] =	vst.idx.msk vm3, v27  }
0x323: {  	v23 =	vor.u32 v28, v23;
	v29 =	vshll.u32 v25, $0x1;
	v18 =	vld.idx.msk [tilespmem:v34+s22+$0x0], vm0;
	v28 =	vand.u32 $0x7F, v37  }
0x324: {  	v33 =	vadd.s32 $0xFFFEC600, v22;
	v31 =	vadd.s32 $0xFFFEC600, v37;
	v27 =	vor.u32 v30, v35;
	v24 =	vld.idx.msk [tilespmem:v24+s22+$0x0], vm2  }
0x325: {  	s3 =	sadd.s32 $0x80, s3;
	vm3 =	vlt.u32 v33, $0x4C80;
	v30 =	vshll.u32 v33, $0x1;
	vm6 =	vlt.u32 v31, $0x4C80;
	[tilespmem:v32+s25+$0x0] =	vst.idx.msk vm1, v21;
	v21 =	vld.idx.msk [tilespmem:v36+s22+$0x0], vm2  }
0x326: {  	v31 =	vshll.u32 v31, $0x1  }
0x327: {  	v32 =	vor.u32 v10, v17;
	v31 =	vand.u32 $0xFFFFFF00, v31  }
0x328: {  	vm7 =	vlt.u32 v25, $0x4C80;
	v25 =	vor.u32 v28, v31;
	v28 =	vor.u32 v3, v17  }
0x329: {  	v29 =	vand.u32 $0xFFFFFF00, v29;
	v33 =	vor.u32 v4, v17;
	v31 =	vor.u32 $0x80, v27  }
0x32a: {  	v35 =	vor.u32 v5, v17;
	v26 =	vor.u32 v26, v29  }
0x32b: {  	v22 =	vand.u32 $0x7F, v22;
	v30 =	vand.u32 $0xFFFFFF00, v30;
	v29 =	vor.u32 v12, v17;
	v27 =	vld.idx.msk [tilespmem:v27+s22+$0x0], vm4  }
0x32c: {  	v36 =	vld.idx.msk [tilespmem:v23+s22+$0x0], vm5;
	v22 =	vor.u32 v22, v30;
	[tilespmem:v32+s25+$0x0] =	vst.idx.msk vm2, v24;
	v24 =	vor.u32 v11, v17  }
0x32d: {  	v34 =	vor.u32 $0x80, v25;
	v25 =	vld.idx.msk [tilespmem:v25+s22+$0x0], vm6;
	[tilespmem:v28+s25+$0x0] =	vst.idx.msk vm1, v20;
	v20 =	vor.u32 v6, v17  }
0x32e: {  	v23 =	vor.u32 $0x80, v23;
	[tilespmem:v33+s25+$0x0] =	vst.idx.msk vm0, v19;
	v28 =	vor.u32 v0, v17;
	v19 =	vld.idx.msk [tilespmem:v31+s22+$0x0], vm4  }
0x32f: {  	v30 =	vor.u32 v13, v17;
	[tilespmem:v35+s25+$0x0] =	vst.idx.msk vm0, v18;
	v31 =	vld.idx.msk [tilespmem:v26+s22+$0x0], vm7;
	v26 =	vor.u32 $0x80, v26  }
0x330: {  	[tilespmem:v29+s25+$0x0] =	vst.idx.msk vm4, v27;
	v27 =	vor.u32 $0x80, v22;
	v29 =	vor.u32 v14, v17  }
0x331: {  	v18 =	vor.u32 v8, v17;
	v22 =	vld.idx.msk [tilespmem:v22+s22+$0x0], vm3;
	[tilespmem:v24+s25+$0x0] =	vst.idx.msk vm2, v21  }
0x332: {  	v59 =	vld.idx.msk [tilespmem:v34+s22+$0x0], vm6;
	v21 =	vor.u32 v7, v17;
	[tilespmem:v20+s25+$0x0] =	vst.idx.msk vm6, v25  }
0x333: {  	v23 =	vld.idx.msk [tilespmem:v23+s22+$0x0], vm5;
	v20 =	vor.u32 v1, v17;
	[tilespmem:v28+s25+$0x0] =	vst.idx.msk vm5, v36  }
0x334: {  	v24 =	vld.idx.msk [tilespmem:v26+s22+$0x0], vm7;
	[tilespmem:v30+s25+$0x0] =	vst.idx.msk vm4, v19  }
0x335: {  	v17 =	vor.u32 v9, v17;
	v19 =	vld.idx.msk [tilespmem:v27+s22+$0x0], vm3;
	[tilespmem:v29+s25+$0x0] =	vst.idx.msk vm7, v31  }
0x336: {  	[tilespmem:v18+s25+$0x0] =	vst.idx.msk vm3, v22  }
0x337: {  	[tilespmem:v21+s25+$0x0] =	vst.idx.msk vm6, v59  }
0x338: {  	[tilespmem:v20+s25+$0x0] =	vst.idx.msk vm5, v23  }
0x339: {  	[tilespmem:v16+s25+$0x0] =	vst.idx.msk vm7, v24  }
0x33a: {  	s0 =	simm.s32 $0x0;
	[tilespmem:v17+s25+$0x0] =	vst.idx.msk vm3, v19  }
0x33b: {  	[tilespmem:s29], [sflag:$0x3] =	stream.linear.gather [hbm4b:s16+s0], $0x100, $0x38;
	[tilespmem:$0x1FC00] =	vst v63  }
0x33c: {  	_ =	swait.ge [sflag:s19], $0x100  }
0x33d: {  	[sflag:s19] =	ssyncset.done $0x0  }
0x33e: {  	s2 =	simm.s32 $0x40;
	[sflag:s19] =	ssyncadd.s32 $0xFFFFFF00  }
0x33f: {  	v16 =	vld [tilespmem:s2+$0xFFFFFFE0]  }
0x340: {  	v17 =	vld [tilespmem:s2+$0xFFFFFFD0]  }
0x341: {  	v18 =	vld [tilespmem:s2+$0x30]  }
0x342: {  	v19 =	vld [tilespmem:s2+$0x20]  }
0x343: {  	v20 =	vld [tilespmem:s2+$0xFFFFFFC0]  }
0x344: {  	s31 =	simm.s32 $0xC0;
	v24 =	vld [tilespmem:s2+$0xFFFFFFF0]  }
0x345: {  	v63 =	vld [tilespmem:s31+$0xFFFFFFE0]  }
0x346: {  	v39 =	vld [tilespmem:s31+$0x30]  }
0x347: {  	vm8 =	vmmov vm5;
	v27 =	vmov s0;
	v42 =	vld [tilespmem:s31+$0xFFFFFFD0]  }
0x348: {  	v27 =	vshrl.u32 v27, $0x7;
	v57 =	vld [tilespmem:s31+$0x10];
	v21 =	vadd.s32 $0xFFFE7980, v17;
	v22 =	vand.u32 $0x7F, v18  }
0x349: {  	v26 =	vadd.s32 $0xFFFE7980, v16;
	v16 =	vand.u32 $0x7F, v16;
	v17 =	vand.u32 $0x7F, v17  }
0x34a: {  	v29 =	vand.u32 $0x7F, v19;
	v30 =	vadd.s32 $0xFFFE7980, v19;
	v19 =	vadd.s32 $0xFFFE7980, v20  }
0x34b: {  	v31 =	vand.u32 $0x7F, v24;
	v20 =	vand.u32 $0x7F, v20;
	v18 =	vadd.s32 $0xFFFE7980, v18  }
0x34c: {  	v24 =	vadd.s32 $0xFFFE7980, v24;
	v54 =	vand.u32 $0x7F, v39;
	v56 =	vadd.s32 $0xFFFE7980, v42  }
0x34d: {  	v32 =	vand.u32 $0x7F, v63;
	v34 =	vadd.s32 $0xFFFE7980, v57;
	v35 =	vadd.s32 $0xFFFE7980, v39  }
0x34e: {  	vm1 =	vlt.u32 v21, $0x20;
	v25 =	vand.u32 $0xFFFFFF80, v21;
	vm4 =	vlt.u32 v19, $0x20  }
0x34f: {  	vm5 =	vlt.u32 v26, $0x20;
	vm6 =	vlt.u32 v18, $0x20;
	v61 =	vand.u32 $0xFFFFFF80, v18  }
0x350: {  	v23 =	vld [tilespmem:s2+$0x10];
	v59 =	vand.u32 $0xFFFFFF80, v24;
	vm2 =	vlt.u32 v24, $0x20;
	vm0 =	vlt.u32 v30, $0x20  }
0x351: {  	s0 =	simm.s32 $0x80;
	v60 =	vld [tilespmem:s2+$0x0];
	vm8 =	vlt.u32 v34, $0x20;
	v17 =	vor.u32 v17, v25;
	v25 =	vand.u32 $0xFFFFFF80, v26  }
0x352: {  	v22 =	vor.u32 v22, v61;
	vm9 =	vmmov vm1;
	v61 =	vmov s0  }
0x353: {  	v17 =	vadd.s32 $0x80, v17;
	v16 =	vor.u32 v16, v25;
	v25 =	vand.u32 $0xFFFFFF80, v19  }
0x354: {  	v33 =	vadd.s32 $0x80, v22;
	v22 =	vshll.u32 v27, $0x8;
	v28 =	vadd.s32 $0x80, v16  }
0x355: {  	v16 =	vand.u32 $0x7F, v23;
	v23 =	vadd.s32 $0xFFFE7980, v23;
	v20 =	vor.u32 v20, v25  }
0x356: {  	v49 =	vld [tilespmem:s31+$0xFFFFFFC0];
	v27 =	vbroadcast v22, $0x0;
	v22 =	vadd.s32 $0xFFFE7980, v60;
	vm7 =	vlt.u32 v23, $0x20  }
0x357: {  	v52 =	vld [tilespmem:s31+$0x20];
	v25 =	vand.u32 $0xFFFFFF80, v23;
	v20 =	vadd.s32 $0x80, v20;
	vm3 =	vlt.u32 v22, $0x20  }
0x358: {  	v16 =	vor.u32 v16, v25;
	v25 =	vand.u32 $0xFFFFFF80, v30;
	v36 =	vor.u32 v12, v27;
	v21 =	vld.idx.msk [tilespmem:v21+s29+$0x0], vm1  }
0x359: {  	v38 =	vor.u32 v14, v27;
	v40 =	vor.u32 v9, v27;
	v41 =	vor.u32 v10, v27;
	v19 =	vld.idx.msk [tilespmem:v19+s29+$0x0], vm4  }
0x35a: {  	v62 =	vadd.s32 $0x80, v16;
	v16 =	vand.u32 $0x7F, v60;
	v43 =	vld.idx.msk [tilespmem:v17+s29+$0x0], vm1;
	v17 =	vand.u32 $0xFFFFFF80, v22  }
0x35b: {  	v44 =	vor.u32 v8, v27;
	v47 =	vor.u32 v2, v27;
	v18 =	vld.idx.msk [tilespmem:v18+s29+$0x0], vm6;
	v16 =	vor.u32 v16, v17  }
0x35c: {  	v45 =	vor.u32 v15, v27;
	v46 =	vor.u32 v0, v27;
	v33 =	vld.idx.msk [tilespmem:v33+s29+$0x0], vm6;
	v16 =	vadd.s32 $0x80, v16  }
0x35d: {  	v50 =	vor.u32 v1, v27;
	v51 =	vor.u32 v6, v27;
	vm10 =	vmmov vm7;
	v60 =	vld.idx.msk [tilespmem:v20+s29+$0x0], vm4  }
0x35e: {  	v53 =	vor.u32 v11, v27;
	v58 =	vor.u32 v3, v27;
	vm1 =	vmmov vm5;
	v37 =	vld.idx.msk [tilespmem:v23+s29+$0x0], vm7  }
0x35f: {  	vm5 =	vlt.u32 v56, $0x20;
	v17 =	vor.u32 v13, v27;
	v23 =	vor.u32 v31, v59;
	v48 =	vld.idx.msk [tilespmem:v22+s29+$0x0], vm3  }
0x360: {  	v20 =	vor.u32 v5, v27;
	v22 =	vor.u32 v7, v27;
	v59 =	vld [tilespmem:s31+$0x0];
	v31 =	vadd.s32 $0x80, v23;
	[tilespmem:v47+s25+$0x0] =	vst.idx.msk vm9, v21  }
0x361: {  	v23 =	vor.u32 v29, v25;
	v21 =	vand.u32 $0xFFFFFF80, v56;
	[tilespmem:v46+s25+$0x0] =	vst.idx.msk vm4, v19;
	v19 =	vadd.s32 $0xFFFE7980, v52;
	v29 =	vld.idx.msk [tilespmem:v16+s29+$0x0], vm3  }
0x362: {  	v25 =	vld [tilespmem:s31+$0xFFFFFFF0];
	[tilespmem:v38+s25+$0x0] =	vst.idx.msk vm6, v18;
	v55 =	vadd.s32 $0x80, v23;
	v23 =	vor.u32 v4, v27;
	v27 =	vand.u32 $0x7F, v42  }
0x363: {  	v42 =	vld.idx.msk [tilespmem:v62+s29+$0x0], vm7;
	v18 =	vor.u32 v27, v21;
	v21 =	vand.u32 $0x7F, v52;
	v16 =	vadd.s32 $0xFFFE7980, v63;
	[tilespmem:v50+s25+$0x0] =	vst.idx.msk vm4, v60  }
0x364: {  	v38 =	vld.idx.msk [tilespmem:v24+s29+$0x0], vm2;
	v62 =	vadd.s32 $0x80, v18;
	vm4 =	vlt.u32 v35, $0x20;
	v60 =	vand.u32 $0xFFFFFF80, v35;
	[tilespmem:v44+s25+$0x0] =	vst.idx.msk vm3, v48  }
0x365: {  	v24 =	vand.u32 $0xFFFFFF80, v16;
	v44 =	vadd.s32 $0xFFFE7980, v49;
	v48 =	vand.u32 $0x7F, v57;
	[tilespmem:v41+s25+$0x0] =	vst.idx.msk vm10, v37;
	v41 =	vld.idx.msk [tilespmem:v26+s29+$0x0], vm1  }
0x366: {  	v49 =	vand.u32 $0x7F, v49;
	v37 =	vld.idx.msk [tilespmem:v28+s29+$0x0], vm1;
	v18 =	vor.u32 v32, v24;
	[tilespmem:v40+s25+$0x0] =	vst.idx.msk vm3, v29;
	vm3 =	vlt.u32 v44, $0x20  }
0x367: {  	[tilespmem:v45+s25+$0x0] =	vst.idx.msk vm6, v33;
	vm7 =	vlt.u32 v16, $0x20;
	v63 =	vand.u32 $0xFFFFFF80, v44;
	v18 =	vadd.s32 $0x80, v18;
	v29 =	vld.idx.msk [tilespmem:v30+s29+$0x0], vm0  }
0x368: {  	[tilespmem:v53+s25+$0x0] =	vst.idx.msk vm10, v42;
	v42 =	vand.u32 $0x7F, v59;
	v30 =	vand.u32 $0x7F, v25;
	v40 =	vld.idx.msk [tilespmem:v31+s29+$0x0], vm2;
	v31 =	vshrl.u32 v61, $0x7  }
0x369: {  	v61 =	vor.u32 v54, v60;
	v32 =	vld.idx.msk [tilespmem:v62+s29+$0x0], vm5;
	v62 =	vor.u32 v49, v63;
	v63 =	vand.u32 $0xFFFFFF80, v34  }
0x36a: {  	v24 =	vld.idx.msk [tilespmem:v56+s29+$0x0], vm5;
	[tilespmem:v51+s25+$0x0] =	vst.idx.msk vm2, v38;
	v38 =	vadd.s32 $0xFFFE7980, v59;
	v33 =	vadd.s32 $0x80, v61;
	v26 =	vshll.u32 v31, $0x8  }
0x36b: {  	[tilespmem:v58+s25+$0x0] =	vst.idx.msk vm9, v43;
	v27 =	vld.idx.msk [tilespmem:v55+s29+$0x0], vm0;
	v39 =	vadd.s32 $0x80, v62;
	v31 =	vor.u32 v48, v63;
	v26 =	vbroadcast v26, $0x0  }
0x36c: {  	s3 =	simm.s32 $0x140;
	s2 =	simm.s32 $0x8;
	vm6 =	vlt.u32 v38, $0x20;
	v28 =	vadd.s32 $0x80, v31;
	[tilespmem:v36+s25+$0x0] =	vst.idx.msk vm0, v29;
	v36 =	vand.u32 $0xFFFFFF80, v19;
	v29 =	vld.idx.msk [tilespmem:v44+s29+$0x0], vm3  }
.LBB2_24:
0x36d: {  	v43 =	vld [tilespmem:s3+$0xFFFFFFE0];
	s2 =	sadd.s32 $0x8, s2;
	v44 =	vadd.s32 $0xFFFE7980, v25;
	v25 =	vand.u32 $0xFFFFFF80, v38;
	v45 =	vor.u32 v12, v26;
	s0 =	sadd.s32 $0x80, s0;
	[tilespmem:v22+s25+$0x0] =	vst.idx.msk vm2, v40  }
0x36e: {  	v31 =	vmovc v32;
	p0 =	slt.u32 s2, $0x3F8;
	v22 =	vand.u32 $0xFFFFFF80, v44;
	v25 =	vor.u32 v42, v25;
	v42 =	vld.idx.msk [tilespmem:v34+s29+$0x0], vm8;
	v34 =	vor.u32 v14, v26  }
0x36f: {  	v32 =	vld [tilespmem:s3+$0x30];
	v22 =	vor.u32 v30, v22;
	v25 =	vadd.s32 $0x80, v25;
	v30 =	vor.u32 v13, v26;
	[tilespmem:v23+s25+$0x0] =	vst.idx.msk vm1, v41  }
0x370: {  	vm2 =	vlt.u32 v44, $0x20;
	v40 =	vadd.s32 $0x80, v22;
	v35 =	vld.idx.msk [tilespmem:v35+s29+$0x0], vm4;
	[tilespmem:v17+s25+$0x0] =	vst.idx.msk vm0, v27;
	vm0 =	vlt.u32 v19, $0x20;
	v17 =	vmovc v30  }
0x371: {  	v41 =	vor.u32 v10, v26;
	v30 =	vor.u32 v9, v26;
	v39 =	vld.idx.msk [tilespmem:v39+s29+$0x0], vm3;
	[tilespmem:v20+s25+$0x0] =	vst.idx.msk vm1, v37  }
0x372: {  	v46 =	vor.u32 v15, v26;
	vm9 =	vmmov vm5;
	v37 =	vor.u32 v8, v26;
	v27 =	vld [tilespmem:s3+$0xFFFFFFD0]  }
0x373: {  	v47 =	vor.u32 v0, v26;
	v23 =	vor.u32 v2, v26;
	vm1 =	vmmov vm7;
	v38 =	vld.idx.msk [tilespmem:v38+s29+$0x0], vm6  }
0x374: {  	v49 =	vor.u32 v1, v26;
	v50 =	vor.u32 v6, v26;
	vm10 =	vmmov vm8;
	v48 =	vld [tilespmem:s3+$0xFFFFFFC0]  }
0x375: {  	v51 =	vld [tilespmem:s3+$0x20]  }
0x376: {  	v53 =	vor.u32 v11, v26;
	v21 =	vor.u32 v21, v36;
	v22 =	vor.u32 v7, v26;
	v52 =	vld.idx.msk [tilespmem:v25+s29+$0x0], vm6  }
0x377: {  	v54 =	vadd.s32 $0x80, v21;
	v20 =	vor.u32 v5, v26;
	v36 =	vand.u32 $0x7F, v32;
	v33 =	vld.idx.msk [tilespmem:v33+s29+$0x0], vm4  }
0x378: {  	v56 =	vadd.s32 $0xFFFE7980, v43;
	v55 =	vadd.s32 $0xFFFE7980, v27;
	v57 =	vld [tilespmem:s3+$0x10];
	[tilespmem:v23+s25+$0x0] =	vst.idx.msk vm5, v24;
	v23 =	vor.u32 v4, v26  }
0x379: {  	vm5 =	vlt.u32 v55, $0x20;
	v24 =	vand.u32 $0x7F, v43;
	v43 =	vor.u32 v3, v26;
	v25 =	vld [tilespmem:s3+$0xFFFFFFF0];
	[tilespmem:v34+s25+$0x0] =	vst.idx.msk vm4, v35  }
0x37a: {  	v27 =	vand.u32 $0x7F, v27;
	v26 =	vmov s0;
	v21 =	vand.u32 $0xFFFFFF80, v55;
	v44 =	vld.idx.msk [tilespmem:v44+s29+$0x0], vm2  }
0x37b: {  	v27 =	vor.u32 v27, v21;
	v34 =	vand.u32 $0xFFFFFF80, v56;
	v21 =	vand.u32 $0x7F, v51;
	[tilespmem:v47+s25+$0x0] =	vst.idx.msk vm3, v29;
	v47 =	vld.idx.msk [tilespmem:v28+s29+$0x0], vm8  }
0x37c: {  	v24 =	vor.u32 v24, v34;
	v28 =	vadd.s32 $0x80, v27;
	v29 =	vadd.s32 $0xFFFE7980, v51;
	[tilespmem:v37+s25+$0x0] =	vst.idx.msk vm6, v38;
	v27 =	vld.idx.msk [tilespmem:v54+s29+$0x0], vm0  }
0x37d: {  	v51 =	vadd.s32 $0x80, v24;
	v38 =	vadd.s32 $0xFFFE7980, v48;
	v37 =	vand.u32 $0x7F, v57;
	[tilespmem:v30+s25+$0x0] =	vst.idx.msk vm6, v52;
	v52 =	vld.idx.msk [tilespmem:v19+s29+$0x0], vm0;
	v19 =	vmovc v29  }
0x37e: {  	v29 =	vand.u32 $0xFFFFFF80, v38;
	v30 =	vand.u32 $0x7F, v25;
	v54 =	vld [tilespmem:s3+$0x0];
	[tilespmem:v49+s25+$0x0] =	vst.idx.msk vm3, v39;
	vm3 =	vlt.u32 v38, $0x20  }
0x37f: {  	v35 =	vadd.s32 $0xFFFE7980, v32;
	v34 =	vadd.s32 $0xFFFE7980, v57;
	v39 =	vand.u32 $0x7F, v48;
	v24 =	vld.idx.msk [tilespmem:v55+s29+$0x0], vm5;
	[tilespmem:v46+s25+$0x0] =	vst.idx.msk vm4, v33  }
0x380: {  	vm7 =	vlt.u32 v56, $0x20;
	vm4 =	vlt.u32 v35, $0x20;
	v33 =	vand.u32 $0xFFFFFF80, v35;
	v40 =	vld.idx.msk [tilespmem:v40+s29+$0x0], vm2;
	[tilespmem:v41+s25+$0x0] =	vst.idx.msk vm10, v42  }
.Ltmp11:
0x381: {  	v26 =	vshrl.u32 v26, $0x7;
	vm8 =	vlt.u32 v34, $0x20;
	v32 =	vld.idx.msk [tilespmem:v28+s29+$0x0], vm5;
	v28 =	vor.u32 v36, v33;
	[tilespmem:v50+s25+$0x0] =	vst.idx.msk vm2, v44;
	(pc) =	sbr.rel @p0 .LBB2_24-.Ltmp11, $4  }
0x382: {  	v29 =	vor.u32 v39, v29;
	v36 =	vand.u32 $0xFFFFFF80, v34;
	v33 =	vadd.s32 $0x80, v28;
	v41 =	vld.idx.msk [tilespmem:v16+s29+$0x0], vm1;
	v16 =	vmovc v56  }
0x383: {  	v26 =	vshll.u32 v26, $0x8;
	v39 =	vadd.s32 $0x80, v29;
	v28 =	vor.u32 v37, v36;
	v37 =	vld.idx.msk [tilespmem:v18+s29+$0x0], vm1;
	[tilespmem:v45+s25+$0x0] =	vst.idx.msk vm0, v52  }
0x384: {  	v26 =	vbroadcast v26, $0x0;
	v28 =	vadd.s32 $0x80, v28;
	v18 =	vmovc v51;
	v29 =	vld.idx.msk [tilespmem:v38+s29+$0x0], vm3;
	v38 =	vadd.s32 $0xFFFE7980, v54;
	[tilespmem:v53+s25+$0x0] =	vst.idx.msk vm10, v47  }
0x385: {  	s3 =	sadd.s32 $0x80, s3;
	v36 =	vand.u32 $0xFFFFFF80, v19;
	v42 =	vand.u32 $0x7F, v54;
	vm6 =	vlt.u32 v38, $0x20;
	[tilespmem:v43+s25+$0x0] =	vst.idx.msk vm9, v31  }
0x386: {  	_ =	sdelay $0x4  }
0x387: {  	v45 =	vor.u32 v14, v26;
	v35 =	vld.idx.msk [tilespmem:v35+s29+$0x0], vm4  }
0x388: {  	v31 =	vand.u32 $0xFFFFFF80, v38;
	[tilespmem:v22+s25+$0x0] =	vst.idx.msk vm2, v40;
	v46 =	vld.idx.msk [tilespmem:v39+s29+$0x0], vm3;
	v47 =	vor.u32 v0, v26  }
0x389: {  	v63 =	vor.u32 v2, v26;
	[tilespmem:v17+s25+$0x0] =	vst.idx.msk vm0, v27;
	v55 =	vld.idx.msk [tilespmem:v34+s29+$0x0], vm8;
	v56 =	vor.u32 v10, v26  }
0x38a: {  	vm5 =	vmmov vm5;
	vm9 =	vlt.u32 v19, $0x20;
	v62 =	vor.u32 v4, v26;
	v16 =	vld.idx.msk [tilespmem:v16+s29+$0x0], vm7;
	[tilespmem:v23+s25+$0x0] =	vst.idx.msk vm1, v41  }
0x38b: {  	v17 =	vor.u32 v8, v26;
	v48 =	vld.idx.msk [tilespmem:v38+s29+$0x0], vm6;
	v31 =	vor.u32 v42, v31;
	[tilespmem:v20+s25+$0x0] =	vst.idx.msk vm1, v37  }
0x38c: {  	v25 =	vadd.s32 $0xFFFE7980, v25;
	v52 =	vor.u32 v1, v26;
	v33 =	vld.idx.msk [tilespmem:v33+s29+$0x0], vm4;
	v31 =	vadd.s32 $0x80, v31;
	[tilespmem:v45+s25+$0x0] =	vst.idx.msk vm4, v35  }
0x38d: {  	v21 =	vor.u32 v21, v36;
	v54 =	vor.u32 v15, v26;
	vm13 =	vlt.u32 v25, $0x20;
	[tilespmem:v47+s25+$0x0] =	vst.idx.msk vm3, v29  }
0x38e: {  	v58 =	vor.u32 v11, v26;
	v59 =	vld.idx.msk [tilespmem:v28+s29+$0x0], vm8;
	v49 =	vand.u32 $0xFFFFFF80, v25;
	[tilespmem:v56+s25+$0x0] =	vst.idx.msk vm8, v55  }
0x38f: {  	v18 =	vld.idx.msk [tilespmem:v18+s29+$0x0], vm7;
	v21 =	vadd.s32 $0x80, v21;
	v53 =	vor.u32 v30, v49;
	[tilespmem:v62+s25+$0x0] =	vst.idx.msk vm7, v16  }
0x390: {  	v60 =	vor.u32 v3, v26;
	[tilespmem:v63+s25+$0x0] =	vst.idx.msk vm5, v24;
	v24 =	vadd.s32 $0x80, v53;
	v19 =	vld.idx.msk [tilespmem:v19+s29+$0x0], vm9  }
0x391: {  	v51 =	vld.idx.msk [tilespmem:v31+s29+$0x0], vm6;
	[tilespmem:v17+s25+$0x0] =	vst.idx.msk vm6, v48;
	v17 =	vor.u32 v12, v26  }
0x392: {  	v50 =	vor.u32 v9, v26;
	[tilespmem:v52+s25+$0x0] =	vst.idx.msk vm3, v46  }
0x393: {  	v57 =	vor.u32 v6, v26;
	[tilespmem:v54+s25+$0x0] =	vst.idx.msk vm4, v33;
	v25 =	vld.idx.msk [tilespmem:v25+s29+$0x0], vm13  }
0x394: {  	v21 =	vld.idx.msk [tilespmem:v21+s29+$0x0], vm9;
	v63 =	vor.u32 v13, v26;
	[tilespmem:v58+s25+$0x0] =	vst.idx.msk vm8, v59  }
0x395: {  	v61 =	vor.u32 v7, v26;
	[tilespmem:v60+s25+$0x0] =	vst.idx.msk vm5, v32;
	v24 =	vld.idx.msk [tilespmem:v24+s29+$0x0], vm13  }
0x396: {  	[tilespmem:v17+s25+$0x0] =	vst.idx.msk vm9, v19;
	v17 =	vor.u32 v5, v26  }
0x397: {  	[tilespmem:v50+s25+$0x0] =	vst.idx.msk vm6, v51  }
0x398: {  	[tilespmem:v57+s25+$0x0] =	vst.idx.msk vm13, v25  }
0x399: {  	s30 =	sadd.s32 $0x1, s30;
	[tilespmem:v63+s25+$0x0] =	vst.idx.msk vm9, v21  }
0x39a: {  	p0 =	sne.s32 s30, s18;
	[tilespmem:v61+s25+$0x0] =	vst.idx.msk vm13, v24  }
.Ltmp12:
0x39b: {  	[tilespmem:v17+s25+$0x0] =	vst.idx.msk vm7, v18;
	(pc) =	sbr.rel @p0 .LBB2_1-.Ltmp12, $4  }
0x39c: {  	[hbm4b:s17+s20] =	stream.strided.scatter [tilespmem:s25], [sflag:$0x3], $0x8000, s21, s20, $0x38;
	[tilespmem:$0x1FC00] =	vst v63  }
0x39d: {  	_ =	swait.ge [sflag:s19], $0x8000  }
0x39e: {  	[sflag:s19] =	ssyncset.done $0x0  }
0x39f: {  	vm14 =	vmmov vm8;
	vm15 =	vmmov vm7;
	[sflag:s19] =	ssyncadd.s32 $0xFFFF8000  }
0x3a0: {  	_ =	sfence.sel $0x180000  }
0x3a1: {  	[bflag:$0x0] =	sbarrier.arrive $0xFFFF  }
0x3a2: {  	_ =	strace $0x9000004A  }
0x3a3: {  	s0 =	stileid.u32;
	[bflag:$0x2] =	sbarrier.arrive $0xFFFF  }
0x3a4: {  	p0 =	sne.s32 s0, $0x0;
	s0 =	rddreg [dreg:$0x5]  }
0x3a5: {  	s0 =	sadd.s32 @!p0 $0x100000, s0  }
0x3a6: {  	[sflag:s0] =	ssyncadd.tile.s32 @!p0 $0x1;
	_ =	shalt  }
.Lfunc_end2:
_tile_overlayer_lowered:
.L_overlay_start_2:
0x3a7: {  	(tag) =	ssettag $0x2  }
0x3a8: {  	s0 =	rddreg [dreg:$0x0];
	s2 =	stileid.u32  }
0x3a9: {  	s1 =	rddreg [dreg:$0x1];
	p0 =	sne.s32 s2, $0x0  }
0x3aa: {  	s3 =	rddreg [dreg:$0x2];
	[bflag:$0x3] =	sbarrier.arrive $0xFFFF;
	s2 =	simm.s32 @!p0 $0x1C03  }
0x3ab: {  	[timem:s3], [sflag:s2] =	dma.local @!p0 [hbm:s0], s1  }
0x3ac: {  	s0 =	simm.s32 @!p0 $0x3  }
0x3ad: {  	_ =	swait.ge @!p0 [sflag:s0], s1  }
0x3ae: {  	s1 =	ssub.s32 @!p0 $0x0, s1;
	[sflag:s0] =	ssyncset.done @!p0 $0x0  }
0x3af: {  	[sflag:s0] =	ssyncadd.s32 @!p0 s1  }
0x3b0: {  	[bflag:$0x3] =	sbarrier.arrive $0xFFFF  }
0x3b1: {  	_ =	shalt  }

// kernel: kernel.8.cloned.1.call-start
scs
__scs_entry_jumppad:
0x0: {  	(pc) =	sbr.rel $0x88, $3  }
0x1: {  	(tag) =	ssettag $0x0;
	lr =	simm.s32 $0x1  }
0x2: {  	[smem:$0x3F92] =	sst lr;
	_ =	strace $0xD0000000  }
0x3: {  	_ = 	snop  }
0x4: {  	_ = 	snop  }
0x5: {  	_ = 	snop  }
0x6: {  	_ = 	snop  }
0x7: {  	_ = 	snop  }
__scs_overlays_trampoline_lowered:
0x8: {  	[smem:$0x3FA1] =	sst s0  }
0x9: {  	[smem:$0x3FA2] =	sst s1  }
0xa: {  	[smem:$0x3FA3] =	sst s2  }
0xb: {  	[smem:$0x3FA4] =	sst s3  }
0xc: {  	[smem:$0x3FA5] =	sst s4  }
0xd: {  	[smem:$0x3FA6] =	sst s5  }
0xe: {  	[smem:$0x3FA7] =	sst s6  }
0xf: {  	[smem:$0x3FA8] =	sst s7  }
0x10: {  	[smem:$0x3FA9] =	sst s8  }
0x11: {  	[smem:$0x3FAA] =	sst s9;
	s0 =	simm.s32 @!p0 $0x0  }
0x12: {  	s1 =	sld [smem:$0x3F90];
	s0 =	simm.s32 @p0 $0x1  }
0x13: {  	[smem:$0x3FAB] =	sst s0;
	s0 =	simm.s32 @!p1 $0x0  }
0x14: {  	s2 =	sld [smem:$0x3F8F];
	s0 =	simm.s32 @p1 $0x1  }
0x15: {  	[smem:$0x3FAC] =	sst s0;
	s0 =	simm.s32 @!p2 $0x0  }
0x16: {  	s3 =	sld [smem:$0x3FDB];
	s0 =	simm.s32 @p2 $0x1  }
0x17: {  	s4 =	simm.s32 $0x1BF5;
	[smem:$0x3FAE] =	sst s0  }
0x18: {  	s0 =	sld [smem:$0x3F91];
	_ =	swait.ge [sflag:s4], $0x0  }
0x19: {  	s7 =	sld [smem:$0x3F92]  }
0x1a: {  	s8 =	sadd.s32 $0xFFFFE003, lr  }
0x1b: {  	s9 =	sadd.s32 $0xFFFFFEF7, lr;
	s5 =	simm.s32 $0xFFFFFFFF;
	p2 =	slt.u32 s8, $0xFFFFF086  }
0x1c: {  	p1 =	slt.u32 s9, $0xF7A;
	s5 =	simm.s32 @!p2 $0x0  }
0x1d: {  	s5 =	simm.s32 @p1 $0x1;
	p0 =	seq.s32 s7, s2  }
0x1e: {  	s7 =	smul.u32 @!p0 $0xF7A, s2;
	p2 =	seq.s32 @!p0 s5, $0x0  }
0x1f: {  	s9 =	smul.u32 $0xF7A, s1;
	s8 =	simm.s32 @!p0 $0x1BF5;
	p2 =	por !p2, p0  }
0x20: {  	[sflag:s8] =	ssyncset.s32 @!p0 $0xFFFFF086;
	s6 =	sadd.s32 @!p0 s3, s7;
	s7 =	simm.s32 @!p0 $0x108  }
0x21: {  	s3 =	sadd.s32 s3, s9;
	s6 =	sadd.s32 @!p0 $0x88, s6;
	s7 =	simm.s32 @p2 $0x1082  }
0x22: {  	[simem:s7], [sflag:s8] =	dma.local @!p0 [hbm:s6], $0xF7A  }
0x23: {  	s9 =	sor.u32 $0xD0000000, s2;
	s6 =	simm.s32 $0x108;
	_ =	swait.ge @!p0 [sflag:s8], $0x0  }
0x24: {  	s3 =	sadd.s32 $0x88, s3;
	s6 =	simm.s32 @!p1 $0x1082;
	[sflag:s4] =	ssyncset.s32 $0xFFFFF086  }
0x25: {  	[simem:s6], [sflag:s4] =	dma.local [hbm:s3], $0xF7A  }
0x26: {  	[smem:$0x3F92] =	sst s1;
	(tag) =	ssettag s2;
	_ =	strace s9  }
0x27: {  	s1 =	sld [smem:$0x3FA2]  }
0x28: {  	s2 =	sld [smem:$0x3FA3]  }
0x29: {  	s4 =	sld [smem:$0x3FA5]  }
0x2a: {  	p0 =	seq.s32 s5, $0x0;
	s5 =	sld [smem:$0x3FA6]  }
0x2b: {  	s6 =	sld [smem:$0x3FA7]  }
0x2c: {  	s7 =	sld [smem:$0x3FA8]  }
0x2d: {  	s3 =	simm.s32 $0x108;
	s8 =	sld [smem:$0x3FA9]  }
0x2e: {  	s3 =	simm.s32 @!p0 $0x1082;
	s9 =	sld [smem:$0x3FAA]  }
0x2f: {  	lr =	sadd.s32 s0, s3;
	s0 =	sld [smem:$0x3FA1]  }
0x30: {  	s3 =	sld [smem:$0x3FA4]  }
0x31: {  	[smem:$0x3FAD] =	sst s10  }
0x32: {  	s10 =	sld [smem:$0x3FAB];
	_ =	sdelay $0x3  }
0x33: {  	p0 =	seq.s32 s10, $0x1;
	s10 =	sld [smem:$0x3FAD];
	_ =	sdelay $0x3  }
0x34: {  	[smem:$0x3FAD] =	sst s10  }
0x35: {  	s10 =	sld [smem:$0x3FAC];
	_ =	sdelay $0x3  }
0x36: {  	p1 =	seq.s32 s10, $0x1;
	s10 =	sld [smem:$0x3FAD];
	_ =	sdelay $0x3  }
0x37: {  	[smem:$0x3FAD] =	sst s10  }
0x38: {  	s10 =	sld [smem:$0x3FAE]  }
0x39: {  	_ = 	snop;
	(pc) =	sbr.ind lr, $3  }
0x3a: {  	_ = 	snop  }
0x3b: {  	_ = 	snop  }
0x3c: {  	p2 =	seq.s32 s10, $0x1;
	s10 =	sld [smem:$0x3FAD]  }
0x3d: {  	_ =	shalt  }
0x3e: {  	_ =	shalt  }
0x3f: {  	_ =	shalt  }
0x40: {  	_ =	shalt  }
0x41: {  	_ =	shalt  }
0x42: {  	_ =	shalt  }
0x43: {  	_ =	shalt  }
0x44: {  	_ =	shalt  }
0x45: {  	_ =	shalt  }
0x46: {  	_ =	shalt  }
0x47: {  	_ =	shalt  }
0x48: {  	_ =	shalt  }
0x49: {  	_ =	shalt  }
0x4a: {  	_ =	shalt  }
0x4b: {  	_ =	shalt  }
0x4c: {  	_ =	shalt  }
0x4d: {  	_ =	shalt  }
0x4e: {  	_ =	shalt  }
0x4f: {  	_ =	shalt  }
0x50: {  	_ =	shalt  }
0x51: {  	_ =	shalt  }
0x52: {  	_ =	shalt  }
0x53: {  	_ =	shalt  }
0x54: {  	_ =	shalt  }
0x55: {  	_ =	shalt  }
0x56: {  	_ =	shalt  }
0x57: {  	_ =	shalt  }
0x58: {  	_ =	shalt  }
0x59: {  	_ =	shalt  }
0x5a: {  	_ =	shalt  }
0x5b: {  	_ =	shalt  }
0x5c: {  	_ =	shalt  }
0x5d: {  	_ =	shalt  }
0x5e: {  	_ =	shalt  }
0x5f: {  	_ =	shalt  }
0x60: {  	_ =	shalt  }
0x61: {  	_ =	shalt  }
0x62: {  	_ =	shalt  }
0x63: {  	_ =	shalt  }
0x64: {  	_ =	shalt  }
0x65: {  	_ =	shalt  }
0x66: {  	_ =	shalt  }
0x67: {  	_ =	shalt  }
0x68: {  	_ =	shalt  }
0x69: {  	_ =	shalt  }
0x6a: {  	_ =	shalt  }
0x6b: {  	_ =	shalt  }
0x6c: {  	_ =	shalt  }
0x6d: {  	_ =	shalt  }
0x6e: {  	_ =	shalt  }
0x6f: {  	_ =	shalt  }
0x70: {  	_ =	shalt  }
0x71: {  	_ =	shalt  }
0x72: {  	_ =	shalt  }
0x73: {  	_ =	shalt  }
0x74: {  	_ =	shalt  }
0x75: {  	_ =	shalt  }
0x76: {  	_ =	shalt  }
0x77: {  	_ =	shalt  }
0x78: {  	_ =	shalt  }
0x79: {  	_ =	shalt  }
0x7a: {  	_ =	shalt  }
0x7b: {  	_ =	shalt  }
0x7c: {  	_ =	shalt  }
0x7d: {  	_ =	shalt  }
0x7e: {  	_ =	shalt  }
0x7f: {  	_ =	shalt  }
0x80: {  	_ =	shalt  }
0x81: {  	_ =	shalt  }
0x82: {  	_ =	shalt  }
0x83: {  	_ =	shalt  }
0x84: {  	_ =	shalt  }
0x85: {  	_ =	shalt  }
0x86: {  	_ =	shalt  }
0x87: {  	_ =	shalt  }
.Lfunc_end0:
.L_simem_size_0:
called_computation.1_lowered:
.L_overlay_start_0:
0x88: {  	s2 =	sld [smem:$0x3FD9]  }
0x89: {  	s3 =	sld [smem:$0x3FFE];
	_ =	sdelay $0x1  }
0x8a: {  	s1 =	srdreg.scid  }
0x8b: {  	s0 =	sand.u32 $0x1, s1  }
0x8c: {  	s17 =	sshll.u32 s0, $0xA;
	s2 =	sadd.s32 s3, s2  }
0x8d: {  	s2 =	sadd.s32 s2, s17  }
0x8e: {  	[smem:$0x3FB9] =	sst s2  }
0x8f: {  	_ = 	snop  }
0x90: {  	s2 =	sld [smem:$0x3FC9]  }
0x91: {  	s18 =	sld [smem:$0x3FC8]  }
0x92: {  	s4 =	sld [smem:$0x3FD0];
	(tm) =	ssettm $0x1  }
0x93: {  	s5 =	sld [smem:$0x3FFB];
	_ =	sdelay $0x3  }
0x94: {  	_ =	strace s5  }
0x95: {  	s5 =	sld [smem:$0x3FFC];
	_ =	sdelay $0x3  }
0x96: {  	_ =	strace s5  }
0x97: {  	s5 =	sld [smem:$0x3FFD];
	_ =	sdelay $0x3  }
0x98: {  	_ =	strace s5  }
0x99: {  	_ =	strace $0x8FFFFFFF  }
0x9a: {  	s19 =	sld [smem:$0x3FDB];
	_ =	sdelay $0x1  }
0x9b: {  	s6 =	simm.s32 $_scs_section_size  }
0x9c: {  	s7 =	simm.s32 $_size__tile_overlayer_lowered;
	s8 =	simm.s32 $_tile_overlayer_lowered  }
0x9d: {  	s22 =	simm.s32 $0x1BFF;
	s21 =	sshll.u32 s8, $0x1;
	s5 =	sadd.s32 s6, s19  }
0x9e: {  	s9 =	simm.s32 $0x0;
	s20 =	sshll.u32 s7, $0x1;
	s7 =	sadd.s32 s21, s5  }
0x9f: {  	[timem:s9], [sflag:s22] =	dma.local [hbm:s7], s20  }
0xa0: {  	_ =	swait.ge [sflag:s22], s20  }
0xa1: {  	s6 =	ssub.s32 $0x0, s20;
	[sflag:s22] =	ssyncset.done $0x0  }
0xa2: {  	[sflag:s22] =	ssyncadd.s32 s6;
	_ =	sdelay $0x1  }
0xa3: {  	s23 =	simm.s32 $0x1B8B  }
0xa4: {  	_ =	swait.ge [sflag:s23], $0x1  }
0xa5: {  	[sflag:s23] =	ssyncset.done $0x0  }
0xa6: {  	s25 =	simm.s32 $0x1B8E;
	s24 =	sld [smem:$0x3FFE];
	[sflag:s23] =	ssyncadd.s32 $0xFFFFFFFF  }
0xa7: {  	s26 =	simm.s32 $execute0_lowered;
	[smem:$0x3FD2] =	sst s25  }
0xa8: {  	s7 =	sshll.u32 s26, $0x1;
	_ =	strace $0x80000046;
	[dreg:$0x1] =	wrdreg $0xFFFFFFFF  }
0xa9: {  	s28 =	simm.s32 $_size_execute0_lowered;
	s5 =	sadd.s32 s5, s7;
	[dreg:$0x0] =	wrdreg $0x0  }
0xaa: {  	s7 =	sshll.u32 s28, $0x1;
	[dreg:$0x2] =	wrdreg s5  }
0xab: {  	[dreg:$0x3] =	wrdreg s7  }
0xac: {  	[dreg:$0x4] =	wrdreg $0xC0  }
0xad: {  	_ =	task [dreg:s9], $0x5FFFF  }
0xae: {  	[dreg:$0x1] =	wrdreg $0xFFFFFFFF  }
0xaf: {  	[dreg:$0x0] =	wrdreg $0x60  }
0xb0: {  	[dreg:$0x2] =	wrdreg s24  }
0xb1: {  	[dreg:$0x3] =	wrdreg s2  }
0xb2: {  	[dreg:$0x4] =	wrdreg s18  }
0xb3: {  	[dreg:$0x5] =	wrdreg s4  }
0xb4: {  	[dreg:$0x6] =	wrdreg $0xA  }
0xb5: {  	_ =	task.clear_ibuf [dreg:s9], $0x7FFFF;
	_ =	strace $0x90000046  }
0xb6: {  	s29 =	simm.s32 $0xA;
	_ =	strace $0x80000048  }
0xb7: {  	_ =	swait.ge [sflag:s29], $0x1  }
0xb8: {  	[sflag:s29] =	ssyncadd.s32 $0xFFFFFFFF  }
0xb9: {  	_ =	strace $0x90000048  }
0xba: {  	_ =	sfence  }
0xbb: {  	s30 =	sld [smem:$0x0];
	_ =	sdelay $0x2  }
0xbc: {  	s31 =	sshll.u32 s1, $0xD;
	s1 =	sshrl.u32 s1, $0x2  }
0xbd: {  	s3 =	sand.u32 $0x4000, s31;
	s1 =	sadd.s32 s1, s30  }
0xbe: {  	s0 =	sor.u32 s3, s0;
	s1 =	sshll.u32 s1, $0x11  }
0xbf: {  	s0 =	sor.u32 s1, s0  }
0xc0: {  	s0 =	sadd.s32 $0x8F2B, s0  }
0xc1: {  	[sflag:s0] =	ssyncadd.remote.s32 $0x1  }
0xc2: {  	_ =	sfence.sel $0xFFFF  }
0xc3: {  	[dreg:$0x0] =	wrdreg $0xFFFFFFFF;
	(pc) =	sbr.abs _section_cstart, $3  }
0xc4: {  	[dreg:$0x1] =	wrdreg $0xFFFFFFFF  }
0xc5: {  	_ =	task.clear_ibuf [dreg:s9], $0x2FFFF;
	_ =	strace $0x9FFFFFFF  }
0xc6: {  	(tm) =	ssettm $0x7FFFFFFF  }
0xc7: {  	_ =	shalt  }
tec
execute0_lowered:
.L_overlay_start_1:
0x0: {  	(tag) =	ssettag $0x1  }
0x1: {  	s18 =	rddreg [dreg:$0x0];
	s1 =	srdreg.scid  }
0x2: {  	s14 =	rddreg [dreg:$0x1];
	s0 =	stileid.u32;
	s1 =	sand.u32 $0x1, s1  }
0x3: {  	s16 =	rddreg [dreg:$0x2];
	s3 =	sshll.u32 s0, $0x7;
	s4 =	sshll.u32 s1, $0x6  }
0x4: {  	s30 =	rddreg [dreg:$0x3];
	s2 =	simm.s32 $0x0;
	s31 =	sor.u32 s4, s3  }
0x5: {  	[smem:$0x7FF] =	sst s2;
	s3 =	sadd.s32 s14, s31  }
0x6: {  	_ =	strace $0x80000047;
	[dreg:$0x5] =	wrdreg s3  }
0x7: {  	s3 =	simm.s32 $0x2;
	s25 =	rddreg [dreg:$0x5]  }
0x8: {  	[tilespmem:s2], [sflag:$0x2] =	stream.linear.gather [hbm4b:s25+s2], $0x80, $0x38;
	[tilespmem:$0x800] =	vst v63  }
0x9: {  	_ =	swait.ge [sflag:s3], $0x80  }
0xa: {  	[sflag:s3] =	ssyncset.done $0x0  }
0xb: {  	s5 =	simm.s32 $0x200;
	s4 =	sadd.s32 s16, s31;
	[sflag:s3] =	ssyncadd.s32 $0xFFFFFF80  }
0xc: {  	[tilespmem:s5], [sflag:$0x2] =	stream.linear.gather [hbm4b:s4+s2], $0x80, $0x38;
	[tilespmem:$0x800] =	vst v63  }
0xd: {  	_ =	swait.ge [sflag:s3], $0x80  }
0xe: {  	s8 =	sor.u32 $0x10, s31;
	[sflag:s3] =	ssyncset.done $0x0  }
0xf: {  	s7 =	simm.s32 $0x80;
	s6 =	sadd.s32 s14, s8;
	[sflag:s3] =	ssyncadd.s32 $0xFFFFFF80  }
0x10: {  	[tilespmem:s7], [sflag:$0x2] =	stream.linear.gather [hbm4b:s6+s2], $0x80, $0x38;
	[tilespmem:$0x800] =	vst v63  }
0x11: {  	_ =	swait.ge [sflag:s3], $0x80  }
0x12: {  	[sflag:s3] =	ssyncset.done $0x0  }
0x13: {  	s9 =	simm.s32 $0x280;
	s8 =	sadd.s32 s16, s8;
	[sflag:s3] =	ssyncadd.s32 $0xFFFFFF80  }
0x14: {  	[tilespmem:s9], [sflag:$0x2] =	stream.linear.gather [hbm4b:s8+s2], $0x80, $0x38;
	[tilespmem:$0x800] =	vst v63  }
0x15: {  	_ =	swait.ge [sflag:s3], $0x80  }
0x16: {  	s12 =	sor.u32 $0x20, s31;
	[sflag:s3] =	ssyncset.done $0x0  }
0x17: {  	s11 =	simm.s32 $0x100;
	s10 =	sadd.s32 s14, s12;
	[sflag:s3] =	ssyncadd.s32 $0xFFFFFF80  }
0x18: {  	[tilespmem:s11], [sflag:$0x2] =	stream.linear.gather [hbm4b:s10+s2], $0x80, $0x38;
	[tilespmem:$0x800] =	vst v63  }
0x19: {  	_ =	swait.ge [sflag:s3], $0x80  }
0x1a: {  	[sflag:s3] =	ssyncset.done $0x0  }
0x1b: {  	s13 =	simm.s32 $0x300;
	s12 =	sadd.s32 s16, s12;
	[sflag:s3] =	ssyncadd.s32 $0xFFFFFF80  }
0x1c: {  	[tilespmem:s13], [sflag:$0x2] =	stream.linear.gather [hbm4b:s12+s2], $0x80, $0x38;
	[tilespmem:$0x800] =	vst v63  }
0x1d: {  	_ =	swait.ge [sflag:s3], $0x80  }
0x1e: {  	s15 =	simm.s32 $0x180;
	s17 =	sor.u32 $0x30, s31;
	[sflag:s3] =	ssyncset.done $0x0  }
0x1f: {  	s14 =	sadd.s32 s14, s17;
	[dreg:$0x6] =	wrdreg s31;
	[sflag:s3] =	ssyncadd.s32 $0xFFFFFF80  }
0x20: {  	[tilespmem:s15], [sflag:$0x2] =	stream.linear.gather [hbm4b:s14+s2], $0x80, $0x38;
	[tilespmem:$0x800] =	vst v63  }
0x21: {  	_ =	swait.ge [sflag:s3], $0x80  }
0x22: {  	[sflag:s3] =	ssyncset.done $0x0  }
0x23: {  	s16 =	sadd.s32 s16, s17;
	s17 =	simm.s32 $0x380;
	[sflag:s3] =	ssyncadd.s32 $0xFFFFFF80  }
0x24: {  	[tilespmem:s17], [sflag:$0x2] =	stream.linear.gather [hbm4b:s16+s2], $0x80, $0x38;
	[tilespmem:$0x800] =	vst v63  }
0x25: {  	_ =	swait.ge [sflag:s3], $0x80  }
0x26: {  	s19 =	simm.s32 $0x400;
	[sflag:s3] =	ssyncset.done $0x0  }
0x27: {  	s26 =	smov.u32 s18;
	s18 =	sadd.s32 $0x1E00, s18;
	[sflag:s3] =	ssyncadd.s32 $0xFFFFFF80  }
0x28: {  	[tilespmem:s19], [sflag:$0x1] =	stream.indirect.gather [hbm4b:s18+s7], $0x1, s2, s7, $0xb8;
	[tilespmem:$0x800] =	vst v63  }
0x29: {  	s21 =	simm.s32 $0x600;
	s20 =	sadd.s32 $0x20800, s26  }
0x2a: {  	[tilespmem:s21], [sflag:$0x1] =	stream.indirect.gather [hbm4b:s20+s7], $0x1, s5, s7, $0xb8;
	[tilespmem:$0x800] =	vst v63  }
0x2b: {  	s22 =	simm.s32 $0x480  }
0x2c: {  	[tilespmem:s22], [sflag:$0x1] =	stream.indirect.gather [hbm4b:s18+s7], $0x1, s7, s7, $0xb8;
	[tilespmem:$0x800] =	vst v63  }
0x2d: {  	s23 =	simm.s32 $0x680  }
0x2e: {  	[tilespmem:s23], [sflag:$0x1] =	stream.indirect.gather [hbm4b:s20+s7], $0x1, s9, s7, $0xb8;
	[tilespmem:$0x800] =	vst v63  }
0x2f: {  	s24 =	simm.s32 $0x500  }
0x30: {  	[tilespmem:s24], [sflag:$0x1] =	stream.indirect.gather [hbm4b:s18+s7], $0x1, s11, s7, $0xb8;
	[tilespmem:$0x800] =	vst v63  }
0x31: {  	s25 =	simm.s32 $0x700  }
0x32: {  	[tilespmem:s25], [sflag:$0x1] =	stream.indirect.gather [hbm4b:s20+s7], $0x1, s13, s7, $0xb8;
	[tilespmem:$0x800] =	vst v63  }
0x33: {  	s26 =	simm.s32 $0x580  }
0x34: {  	[tilespmem:s26], [sflag:$0x1] =	stream.indirect.gather [hbm4b:s18+s7], $0x1, s15, s7, $0xb8;
	[tilespmem:$0x800] =	vst v63  }
0x35: {  	s28 =	simm.s32 $0x780;
	s29 =	simm.s32 $0x1  }
0x36: {  	[tilespmem:s28], [sflag:$0x1] =	stream.indirect.gather [hbm4b:s20+s7], $0x1, s17, s7, $0xb8;
	[tilespmem:$0x800] =	vst v63  }
0x37: {  	_ =	swait.ge [sflag:s29], $0x80  }
0x38: {  	[sflag:s29] =	ssyncset.done $0x0  }
0x39: {  	[sflag:s29] =	ssyncadd.s32 $0xFFFFFF80  }
0x3a: {  	_ =	swait.ge [sflag:s29], $0x80  }
0x3b: {  	[sflag:s29] =	ssyncset.done $0x0  }
0x3c: {  	[sflag:s29] =	ssyncadd.s32 $0xFFFFFF80  }
0x3d: {  	_ =	swait.ge [sflag:s29], $0x80  }
0x3e: {  	[sflag:s29] =	ssyncset.done $0x0  }
0x3f: {  	[sflag:s29] =	ssyncadd.s32 $0xFFFFFF80  }
0x40: {  	_ =	swait.ge [sflag:s29], $0x80  }
0x41: {  	[sflag:s29] =	ssyncset.done $0x0  }
0x42: {  	[sflag:s29] =	ssyncadd.s32 $0xFFFFFF80  }
0x43: {  	_ =	swait.ge [sflag:s29], $0x80  }
0x44: {  	[sflag:s29] =	ssyncset.done $0x0  }
0x45: {  	[sflag:s29] =	ssyncadd.s32 $0xFFFFFF80  }
0x46: {  	_ =	swait.ge [sflag:s29], $0x80  }
0x47: {  	[sflag:s29] =	ssyncset.done $0x0  }
0x48: {  	[sflag:s29] =	ssyncadd.s32 $0xFFFFFF80  }
0x49: {  	_ =	swait.ge [sflag:s29], $0x80  }
0x4a: {  	[sflag:s29] =	ssyncset.done $0x0  }
0x4b: {  	[sflag:s29] =	ssyncadd.s32 $0xFFFFFF80  }
0x4c: {  	_ =	swait.ge [sflag:s29], $0x80  }
0x4d: {  	s1 =	ssub.s32 $0x2, s1;
	[sflag:s29] =	ssyncset.done $0x0  }
0x4e: {  	s0 =	sshrl.u32 s1, $0x1;
	s30 =	sadd.s32 s30, s31;
	[sflag:s29] =	ssyncadd.s32 $0xFFFFFF80  }
0x4f: {  	[hbm4b:s30+s2] =	stream.linear.scatter [tilespmem:s19], [sflag:$0x2], $0x200, $0x38;
	[tilespmem:$0x800] =	vst v63  }
0x50: {  	_ =	swait.ge [sflag:s3], $0x200;
	[dreg:$0x7] =	wrdreg s0  }
0x51: {  	s31 =	rddreg [dreg:$0x0]  }
0x52: {  	s0 =	rddreg [dreg:$0x6]  }
0x53: {  	s31 =	sadd.s32 s0, s31;
	s0 =	rddreg [dreg:$0x7]  }
0x54: {  	s0 =	ssub.s32 s1, s0  }
0x55: {  	s0 =	smax.u32 s0, $0x1  }
0x56: {  	p0 =	sne.s32 s0, $0x1  }
.Ltmp0:
0x57: {  	_ = 	snop;
	(pc) =	sbr.rel @!p0 .LBB2_2-.Ltmp0, $4  }
0x58: {  	[sflag:s3] =	ssyncset.done $0x0  }
0x59: {  	[sflag:s3] =	ssyncadd.s32 $0xFFFFFE00;
	s31 =	sadd.s32 $0x23A00, s31  }
0x5a: {  	[hbm4b:s31+s2] =	stream.linear.scatter [tilespmem:s21], [sflag:$0x2], $0x200, $0x38;
	[tilespmem:$0x800] =	vst v63  }
0x5b: {  	s0 =	sadd.s32 $0xFFFFFFFF, s0;
	_ =	swait.ge [sflag:s3], $0x200  }
.LBB2_1:
0x5c: {  	[sflag:s3] =	ssyncset.done $0x0  }
0x5d: {  	s1 =	rddreg [dreg:$0x5];
	[sflag:s3] =	ssyncadd.s32 $0xFFFFFE00  }
0x5e: {  	[tilespmem:s2], [sflag:$0x2] =	stream.linear.gather [hbm4b:s1+s2], $0x80, $0x38;
	[tilespmem:$0x800] =	vst v63  }
0x5f: {  	_ =	swait.ge [sflag:s3], $0x80  }
0x60: {  	[sflag:s3] =	ssyncset.done $0x0  }
0x61: {  	[sflag:s3] =	ssyncadd.s32 $0xFFFFFF80  }
0x62: {  	[tilespmem:s5], [sflag:$0x2] =	stream.linear.gather [hbm4b:s4+s2], $0x80, $0x38;
	[tilespmem:$0x800] =	vst v63  }
0x63: {  	_ =	swait.ge [sflag:s3], $0x80  }
0x64: {  	[sflag:s3] =	ssyncset.done $0x0  }
0x65: {  	[sflag:s3] =	ssyncadd.s32 $0xFFFFFF80  }
0x66: {  	[tilespmem:s7], [sflag:$0x2] =	stream.linear.gather [hbm4b:s6+s2], $0x80, $0x38;
	[tilespmem:$0x800] =	vst v63  }
0x67: {  	_ =	swait.ge [sflag:s3], $0x80  }
0x68: {  	[sflag:s3] =	ssyncset.done $0x0  }
0x69: {  	[sflag:s3] =	ssyncadd.s32 $0xFFFFFF80  }
0x6a: {  	[tilespmem:s9], [sflag:$0x2] =	stream.linear.gather [hbm4b:s8+s2], $0x80, $0x38;
	[tilespmem:$0x800] =	vst v63  }
0x6b: {  	_ =	swait.ge [sflag:s3], $0x80  }
0x6c: {  	[sflag:s3] =	ssyncset.done $0x0  }
0x6d: {  	[sflag:s3] =	ssyncadd.s32 $0xFFFFFF80  }
0x6e: {  	[tilespmem:s11], [sflag:$0x2] =	stream.linear.gather [hbm4b:s10+s2], $0x80, $0x38;
	[tilespmem:$0x800] =	vst v63  }
0x6f: {  	_ =	swait.ge [sflag:s3], $0x80  }
0x70: {  	[sflag:s3] =	ssyncset.done $0x0  }
0x71: {  	[sflag:s3] =	ssyncadd.s32 $0xFFFFFF80  }
0x72: {  	[tilespmem:s13], [sflag:$0x2] =	stream.linear.gather [hbm4b:s12+s2], $0x80, $0x38;
	[tilespmem:$0x800] =	vst v63  }
0x73: {  	_ =	swait.ge [sflag:s3], $0x80  }
0x74: {  	[sflag:s3] =	ssyncset.done $0x0  }
0x75: {  	[sflag:s3] =	ssyncadd.s32 $0xFFFFFF80  }
0x76: {  	[tilespmem:s15], [sflag:$0x2] =	stream.linear.gather [hbm4b:s14+s2], $0x80, $0x38;
	[tilespmem:$0x800] =	vst v63  }
0x77: {  	_ =	swait.ge [sflag:s3], $0x80  }
0x78: {  	[sflag:s3] =	ssyncset.done $0x0  }
0x79: {  	[sflag:s3] =	ssyncadd.s32 $0xFFFFFF80  }
0x7a: {  	[tilespmem:s17], [sflag:$0x2] =	stream.linear.gather [hbm4b:s16+s2], $0x80, $0x38;
	[tilespmem:$0x800] =	vst v63  }
0x7b: {  	_ =	swait.ge [sflag:s3], $0x80  }
0x7c: {  	[sflag:s3] =	ssyncset.done $0x0  }
0x7d: {  	[sflag:s3] =	ssyncadd.s32 $0xFFFFFF80  }
0x7e: {  	[tilespmem:s19], [sflag:$0x1] =	stream.indirect.gather [hbm4b:s18+s7], $0x1, s2, s7, $0xb8;
	[tilespmem:$0x800] =	vst v63  }
0x7f: {  	_ = 	snop  }
0x80: {  	[tilespmem:s21], [sflag:$0x1] =	stream.indirect.gather [hbm4b:s20+s7], $0x1, s5, s7, $0xb8;
	[tilespmem:$0x800] =	vst v63  }
0x81: {  	_ = 	snop  }
0x82: {  	[tilespmem:s22], [sflag:$0x1] =	stream.indirect.gather [hbm4b:s18+s7], $0x1, s7, s7, $0xb8;
	[tilespmem:$0x800] =	vst v63  }
0x83: {  	_ = 	snop  }
0x84: {  	[tilespmem:s23], [sflag:$0x1] =	stream.indirect.gather [hbm4b:s20+s7], $0x1, s9, s7, $0xb8;
	[tilespmem:$0x800] =	vst v63  }
0x85: {  	_ = 	snop  }
0x86: {  	[tilespmem:s24], [sflag:$0x1] =	stream.indirect.gather [hbm4b:s18+s7], $0x1, s11, s7, $0xb8;
	[tilespmem:$0x800] =	vst v63  }
0x87: {  	_ = 	snop  }
0x88: {  	[tilespmem:s25], [sflag:$0x1] =	stream.indirect.gather [hbm4b:s20+s7], $0x1, s13, s7, $0xb8;
	[tilespmem:$0x800] =	vst v63  }
0x89: {  	_ = 	snop  }
0x8a: {  	[tilespmem:s26], [sflag:$0x1] =	stream.indirect.gather [hbm4b:s18+s7], $0x1, s15, s7, $0xb8;
	[tilespmem:$0x800] =	vst v63  }
0x8b: {  	_ = 	snop  }
0x8c: {  	[tilespmem:s28], [sflag:$0x1] =	stream.indirect.gather [hbm4b:s20+s7], $0x1, s17, s7, $0xb8;
	[tilespmem:$0x800] =	vst v63  }
0x8d: {  	_ =	swait.ge [sflag:s29], $0x80  }
0x8e: {  	[sflag:s29] =	ssyncset.done $0x0  }
0x8f: {  	[sflag:s29] =	ssyncadd.s32 $0xFFFFFF80  }
0x90: {  	_ =	swait.ge [sflag:s29], $0x80  }
0x91: {  	[sflag:s29] =	ssyncset.done $0x0  }
0x92: {  	[sflag:s29] =	ssyncadd.s32 $0xFFFFFF80  }
0x93: {  	_ =	swait.ge [sflag:s29], $0x80  }
0x94: {  	[sflag:s29] =	ssyncset.done $0x0  }
0x95: {  	[sflag:s29] =	ssyncadd.s32 $0xFFFFFF80  }
0x96: {  	_ =	swait.ge [sflag:s29], $0x80  }
0x97: {  	[sflag:s29] =	ssyncset.done $0x0  }
0x98: {  	[sflag:s29] =	ssyncadd.s32 $0xFFFFFF80  }
0x99: {  	_ =	swait.ge [sflag:s29], $0x80  }
0x9a: {  	[sflag:s29] =	ssyncset.done $0x0  }
0x9b: {  	[sflag:s29] =	ssyncadd.s32 $0xFFFFFF80  }
0x9c: {  	_ =	swait.ge [sflag:s29], $0x80  }
0x9d: {  	[sflag:s29] =	ssyncset.done $0x0  }
0x9e: {  	[sflag:s29] =	ssyncadd.s32 $0xFFFFFF80  }
0x9f: {  	_ =	swait.ge [sflag:s29], $0x80  }
0xa0: {  	[sflag:s29] =	ssyncset.done $0x0  }
0xa1: {  	[sflag:s29] =	ssyncadd.s32 $0xFFFFFF80  }
0xa2: {  	_ =	swait.ge [sflag:s29], $0x80  }
0xa3: {  	[sflag:s29] =	ssyncset.done $0x0  }
0xa4: {  	p0 =	sne.s32 s0, $0x1;
	[sflag:s29] =	ssyncadd.s32 $0xFFFFFF80  }
0xa5: {  	[hbm4b:s30+s2] =	stream.linear.scatter [tilespmem:s19], [sflag:$0x2], $0x200, $0x38;
	[tilespmem:$0x800] =	vst v63  }
.Ltmp1:
0xa6: {  	_ =	swait.ge [sflag:s3], $0x200;
	(pc) =	sbr.rel @p0 .LBB2_1-.Ltmp1, $4  }
0xa7: {  	[sflag:s3] =	ssyncset.done $0x0  }
0xa8: {  	[sflag:s3] =	ssyncadd.s32 $0xFFFFFE00  }
0xa9: {  	[hbm4b:s31+s2] =	stream.linear.scatter [tilespmem:s21], [sflag:$0x2], $0x200, $0x38;
	[tilespmem:$0x800] =	vst v63  }
0xaa: {  	s0 =	sadd.s32 $0xFFFFFFFF, s0;
	_ =	swait.ge [sflag:s3], $0x200  }
.LBB2_2:
0xab: {  	[sflag:s3] =	ssyncset.done $0x0  }
0xac: {  	[sflag:s3] =	ssyncadd.s32 $0xFFFFFE00  }
0xad: {  	_ =	sfence.sel $0x180000  }
0xae: {  	[bflag:$0x0] =	sbarrier.arrive $0xFFFF  }
0xaf: {  	_ =	strace $0x90000047  }
0xb0: {  	s0 =	stileid.u32;
	[bflag:$0x2] =	sbarrier.arrive $0xFFFF  }
0xb1: {  	p0 =	sne.s32 s0, $0x0;
	s0 =	rddreg [dreg:$0x4]  }
0xb2: {  	s0 =	sadd.s32 @!p0 $0x100000, s0  }
0xb3: {  	[sflag:s0] =	ssyncadd.tile.s32 @!p0 $0x1;
	_ =	shalt  }
.Lfunc_end2:
_tile_overlayer_lowered:
.L_overlay_start_2:
0xb4: {  	(tag) =	ssettag $0x2  }
0xb5: {  	s0 =	rddreg [dreg:$0x0];
	s2 =	stileid.u32  }
0xb6: {  	s1 =	rddreg [dreg:$0x1];
	p0 =	sne.s32 s2, $0x0  }
0xb7: {  	s3 =	rddreg [dreg:$0x2];
	[bflag:$0x3] =	sbarrier.arrive $0xFFFF;
	s2 =	simm.s32 @!p0 $0x1C02  }
0xb8: {  	[timem:s3], [sflag:s2] =	dma.local @!p0 [hbm:s0], s1  }
0xb9: {  	s0 =	simm.s32 @!p0 $0x2  }
0xba: {  	_ =	swait.ge @!p0 [sflag:s0], s1  }
0xbb: {  	s1 =	ssub.s32 @!p0 $0x0, s1;
	[sflag:s0] =	ssyncset.done @!p0 $0x0  }
0xbc: {  	[sflag:s0] =	ssyncadd.s32 @!p0 s1  }
0xbd: {  	[bflag:$0x3] =	sbarrier.arrive $0xFFFF  }
0xbe: {  	_ =	shalt  }

</sc_bundles>
